<compile_context>
chip_gen: v7x
topology: tpu7x:2x2x1
jax: 0.10.2.dev20260603
libtpu: 0.0.44.dev20260713+nightly
codegen_flags: <defaults>
</compile_context>

<pallas_src>
import functools

import jax
import jax.numpy as jnp
from jax import lax
from jax.experimental import pallas as pl
from jax.experimental.pallas import tpu as pltpu
from jax.experimental.pallas import tpu_sc as plsc

NC, NS = 2, 16
NW = NC * NS
B, L, D = 4096, 50, 64
N_ROWS = B * L
ROWS_PER_W = N_ROWS // NW
CHUNK = 128
N_CHUNKS = ROWS_PER_W // CHUNK
N_PAS, T_RANGE = 8, 2048
N_COMBO = N_PAS * T_RANGE
EPS = 1e-5


def _combo_body(pas_ref, mjd_ref, out_ref):
    mjd = mjd_ref[...]
    for p in range(N_PAS):
        out_ref[p * T_RANGE:(p + 1) * T_RANGE, :] = mjd + pas_ref[p:p + 1, :]


def _build_combo(passend_table, mjd_table):
    return pl.pallas_call(
        _combo_body,
        out_shape=jax.ShapeDtypeStruct((N_COMBO, D), jnp.float32),
    )(passend_table, mjd_table)


def _rsqrt2(x):
    i = plsc.bitcast(x, jnp.int32)
    i = jnp.int32(0x5F3759DF) - (i >> 1)
    y = plsc.bitcast(i, jnp.float32)
    for _ in range(2):
        y = y * (1.5 - 0.5 * x * y * y)
    return y


_BCAST_DNUMS = lax.GatherDimensionNumbers(
    offset_dims=(), collapsed_slice_dims=(0,), start_index_map=(0,))


def _lane_bcast(vec, lane):
    idx = jnp.full((16, 1), lane, jnp.int32)
    return lax.gather(vec, idx, _BCAST_DNUMS, (1,),
                      mode=lax.GatherScatterMode.PROMISE_IN_BOUNDS)


def _sc_body(x_hbm, cidx_hbm, tok_hbm, combo_hbm, gamma_hbm, beta_hbm,
             out_hbm, xidx_all, cidx_all,
             trows0, trows1, crows0, crows1, e0, e1,
             gamma_v, beta_v,
             sem_t0, sem_t1, sem_c0, sem_c1, sem_o0, sem_o1):
    wid = lax.axis_index("s") * NC + lax.axis_index("c")
    base = wid * ROWS_PER_W

    trows = (trows0, trows1)
    crows = (crows0, crows1)
    ebuf = (e0, e1)
    sem_t = (sem_t0, sem_t1)
    sem_c = (sem_c0, sem_c1)
    sem_o = (sem_o0, sem_o1)

    pltpu.sync_copy(gamma_hbm, gamma_v)
    pltpu.sync_copy(beta_hbm, beta_v)
    gammas = [gamma_v[pl.ds(k * 16, 16)] for k in range(D // 16)]
    betas = [beta_v[pl.ds(k * 16, 16)] for k in range(D // 16)]

    pltpu.sync_copy(x_hbm.at[pl.ds(wid * N_CHUNKS, N_CHUNKS)], xidx_all)
    pltpu.sync_copy(cidx_hbm.at[pl.ds(wid * N_CHUNKS, N_CHUNKS)], cidx_all)

    def gathers(b, ci):
        return (
            pltpu.make_async_copy(tok_hbm.at[xidx_all.at[ci]], trows[b],
                                  sem_t[b]),
            pltpu.make_async_copy(combo_hbm.at[cidx_all.at[ci]], crows[b],
                                  sem_c[b]),
        )

    def out_copy(b, ci):
        row0 = base + ci * CHUNK
        return pltpu.make_async_copy(ebuf[b], out_hbm.at[pl.ds(row0, CHUNK)],
                                     sem_o[b])

    def compute(t_ref, c_ref, e_ref):
        def group_body(g, gcarry):
            for r in range(16):
                row = g * 16 + r
                v = [t_ref[row, pl.ds(k * 16, 16)]
                     + c_ref[row, pl.ds(k * 16, 16)]
                     for k in range(D // 16)]
                svec = (v[0] + v[1]) + (v[2] + v[3])
                qvec = ((v[0] * v[0] + v[1] * v[1])
                        + (v[2] * v[2] + v[3] * v[3]))
                stot = _lane_bcast(plsc.cumsum(svec), 15)
                qtot = _lane_bcast(plsc.cumsum(qvec), 15)
                mean = stot * (1.0 / D)
                var = qtot * (1.0 / D) - mean * mean
                rstd = _rsqrt2(var + EPS)
                for k in range(D // 16):
                    e_ref[row, pl.ds(k * 16, 16)] = (
                        (v[k] - mean) * (rstd * gammas[k]) + betas[k])
            return gcarry

        lax.fori_loop(0, CHUNK // 16, group_body, 0)

    for b in range(2):
        for cp in gathers(b, b):
            cp.start()

    def pair_body(j, carry):
        for b in range(2):
            ci = 2 * j + b
            for cp in gathers(b, ci):
                cp.wait()

            @pl.when(ci >= 2)
            def _():
                out_copy(b, ci - 2).wait()

            compute(trows[b], crows[b], ebuf[b])

            @pl.when(ci < N_CHUNKS - 2)
            def _():
                for cp in gathers(b, ci + 2):
                    cp.start()

            out_copy(b, ci).start()
        return carry

    lax.fori_loop(0, N_CHUNKS // 2, pair_body, 0)

    for b in range(2):
        out_copy(b, N_CHUNKS - 2 + b).wait()


_sc_kernel = functools.partial(
    pl.kernel,
    out_type=jax.ShapeDtypeStruct((N_ROWS, D), jnp.float32),
    mesh=plsc.VectorSubcoreMesh(
        core_axis_name="c", subcore_axis_name="s",
        num_cores=NC, num_subcores=NS),
    scratch_types=[
        pltpu.VMEM((N_CHUNKS, CHUNK), jnp.int32),
        pltpu.VMEM((N_CHUNKS, CHUNK), jnp.int32),
        pltpu.VMEM((CHUNK, D), jnp.float32),
        pltpu.VMEM((CHUNK, D), jnp.float32),
        pltpu.VMEM((CHUNK, D), jnp.float32),
        pltpu.VMEM((CHUNK, D), jnp.float32),
        pltpu.VMEM((CHUNK, D), jnp.float32),
        pltpu.VMEM((CHUNK, D), jnp.float32),
        pltpu.VMEM((D,), jnp.float32),
        pltpu.VMEM((D,), jnp.float32),
        pltpu.SemaphoreType.DMA,
        pltpu.SemaphoreType.DMA,
        pltpu.SemaphoreType.DMA,
        pltpu.SemaphoreType.DMA,
        pltpu.SemaphoreType.DMA,
        pltpu.SemaphoreType.DMA,
    ],
    compiler_params=pltpu.CompilerParams(
        needs_layout_passes=False, use_tc_tiling_on_sc=False),
)(_sc_body)


def kernel(x, mjd, passend, tok_table, passend_table, mjd_table,
           ln_gamma, ln_beta):
    combo = _build_combo(passend_table, mjd_table)
    x2 = x.reshape(N_ROWS // CHUNK, CHUNK).astype(jnp.int32)
    cidx2 = (passend.reshape(N_ROWS // CHUNK, CHUNK).astype(jnp.int32)
             * T_RANGE
             + mjd.reshape(N_ROWS // CHUNK, CHUNK).astype(jnp.int32))
    out = _sc_kernel(x2, cidx2, tok_table, combo, ln_gamma, ln_beta)
    return out.reshape(B, L, D)

# --- scband reference (transcript-rebuilt; emitter-appended) ---
"""Pipeline reference for scband-embedding-40200893890974 (READ-ONLY COPY).

The authoritative reference and input builder live on the scoring server;
editing this copy changes nothing except your own understanding.
"""

import jax, jax.numpy as jnp
import numpy as np

VOCAB = 1000000
D_MODEL = 64
N_PASSEND = 8
TIME_RANGE = 2048
B = 4096
L = 50


def _layer_norm(x, gamma, beta, eps=1e-5):
    mu = jnp.mean(x, axis=-1, keepdims=True)
    var = jnp.mean((x - mu) ** 2, axis=-1, keepdims=True)
    return (x - mu) / jnp.sqrt(var + eps) * gamma + beta


def setup_inputs(seed: int = 0) -> dict:
    key = jax.random.key(seed)
    ks = jax.random.split(key, 6)
    x = jax.random.randint(ks[0], (B, L), 0, VOCAB, dtype=jnp.int64 if jax.config.jax_enable_x64 else jnp.int32)
    mjd = jax.random.randint(ks[1], (B, L), 0, TIME_RANGE, dtype=jnp.int64 if jax.config.jax_enable_x64 else jnp.int32)
    passend = jax.random.randint(ks[2], (B, L), 0, N_PASSEND, dtype=jnp.int64 if jax.config.jax_enable_x64 else jnp.int32)
    tok_table = jax.random.normal(ks[3], (VOCAB, D_MODEL), dtype=jnp.float32) * 0.02
    passend_table = jax.random.normal(ks[4], (N_PASSEND, D_MODEL), dtype=jnp.float32) * 0.02
    mjd_table = jax.random.normal(ks[5], (TIME_RANGE, D_MODEL), dtype=jnp.float32) * 0.02
    ln_gamma = jnp.ones((D_MODEL,), dtype=jnp.float32)
    ln_beta = jnp.zeros((D_MODEL,), dtype=jnp.float32)
    return {
        "x": x,
        "mjd": mjd,
        "passend": passend,
        "tok_table": tok_table,
        "passend_table": passend_table,
        "mjd_table": mjd_table,
        "ln_gamma": ln_gamma,
        "ln_beta": ln_beta,
    }


def reference(x, mjd, passend, tok_table, passend_table, mjd_table, ln_gamma, ln_beta):
    tok = jnp.take(tok_table, x, axis=0)
    pas = jnp.take(passend_table, passend, axis=0)
    tim = jnp.take(mjd_table, mjd, axis=0)
    embedding = tok + pas + tim
    return _layer_norm(embedding, ln_gamma, ln_beta)

if __name__ == "__main__":
    import jax
    _d = setup_inputs()
    print(jax.jit(kernel)(*tuple(_d.values())))

</pallas_src>

<mosaic_0001>
#map = affine_map<(d0, d1) -> (0, 0)>
#map1 = affine_map<(d0, d1) -> (0)>
module attributes {stable_mosaic.version = 14 : i64} {
  func.func @_sc_body(%arg0: i32, %arg1: i32, %arg2: memref<1600x128xi32, #tpu.memory_space<hbm>>, %arg3: memref<1600x128xi32, #tpu.memory_space<hbm>>, %arg4: memref<1000000x64xf32, #tpu.memory_space<hbm>>, %arg5: memref<16384x64xf32, #tpu.memory_space<hbm>>, %arg6: memref<64xf32, #tpu.memory_space<hbm>>, %arg7: memref<64xf32, #tpu.memory_space<hbm>>, %arg8: memref<204800x64xf32, #tpu.memory_space<hbm>>, %arg9: memref<50x128xi32, #tpu.memory_space<vmem>>, %arg10: memref<50x128xi32, #tpu.memory_space<vmem>>, %arg11: memref<128x64xf32, #tpu.memory_space<vmem>>, %arg12: memref<128x64xf32, #tpu.memory_space<vmem>>, %arg13: memref<128x64xf32, #tpu.memory_space<vmem>>, %arg14: memref<128x64xf32, #tpu.memory_space<vmem>>, %arg15: memref<128x64xf32, #tpu.memory_space<vmem>>, %arg16: memref<128x64xf32, #tpu.memory_space<vmem>>, %arg17: memref<64xf32, #tpu.memory_space<vmem>>, %arg18: memref<64xf32, #tpu.memory_space<vmem>>, %arg19: memref<!tpu.dma_semaphore, #tpu.memory_space<semaphore_mem>>, %arg20: memref<!tpu.dma_semaphore, #tpu.memory_space<semaphore_mem>>, %arg21: memref<!tpu.dma_semaphore, #tpu.memory_space<semaphore_mem>>, %arg22: memref<!tpu.dma_semaphore, #tpu.memory_space<semaphore_mem>>, %arg23: memref<!tpu.dma_semaphore, #tpu.memory_space<semaphore_mem>>, %arg24: memref<!tpu.dma_semaphore, #tpu.memory_space<semaphore_mem>>) attributes {dimension_semantics = [#tpu.dimension_semantics<core_parallel>, #tpu.dimension_semantics<subcore_parallel>], iteration_bounds = array<i64: 2, 16>, scalar_prefetch = 0 : i64, scratch_operands = 16 : i64, tpu.core_type = #tpu.core_type<sc_vector_subcore>, window_params = [{transform_indices = #map}, {transform_indices = #map}, {transform_indices = #map}, {transform_indices = #map}, {transform_indices = #map1}, {transform_indices = #map1}, {transform_indices = #map}]} {
    %mul3A = arith.constant 2 : i32
    %mul3A_0 = arith.muli %arg1, %mul3A : i32
    %add3A = arith.addi %mul3A_0, %arg0 : i32
    %mul3A_1 = arith.constant 6400 : i32
    %mul3A_2 = arith.muli %add3A, %mul3A_1 : i32
    "tpu.region"() ({
      %run_scoped3A = tpu.sem_alloc : memref<!tpu.dma_semaphore, #tpu.memory_space<semaphore_mem>>
      tpu.enqueue_dma source(%arg6 : memref<64xf32, #tpu.memory_space<hbm>>) target(%arg17 : memref<64xf32, #tpu.memory_space<vmem>>) target_semaphore(%run_scoped3A : memref<!tpu.dma_semaphore, #tpu.memory_space<semaphore_mem>>)
      tpu.wait_dma2 semaphore(%run_scoped3A : memref<!tpu.dma_semaphore, #tpu.memory_space<semaphore_mem>>) src(%arg6 : memref<64xf32, #tpu.memory_space<hbm>>) dst(%arg17 : memref<64xf32, #tpu.memory_space<vmem>>)
      tpu.yield
    }) : () -> ()
    "tpu.region"() ({
      %run_scoped3A = tpu.sem_alloc : memref<!tpu.dma_semaphore, #tpu.memory_space<semaphore_mem>>
      tpu.enqueue_dma source(%arg7 : memref<64xf32, #tpu.memory_space<hbm>>) target(%arg18 : memref<64xf32, #tpu.memory_space<vmem>>) target_semaphore(%run_scoped3A : memref<!tpu.dma_semaphore, #tpu.memory_space<semaphore_mem>>)
      tpu.wait_dma2 semaphore(%run_scoped3A : memref<!tpu.dma_semaphore, #tpu.memory_space<semaphore_mem>>) src(%arg7 : memref<64xf32, #tpu.memory_space<hbm>>) dst(%arg18 : memref<64xf32, #tpu.memory_space<vmem>>)
      tpu.yield
    }) : () -> ()
    %get3A = arith.constant 0 : index
    %get3A_3 = tpu.vector_load %arg17[%get3A] {strides = array<i32>} : memref<64xf32, #tpu.memory_space<vmem>>, vector<16xf32>,
    %get3A_4 = arith.constant 16 : index
    %get3A_5 = tpu.vector_load %arg17[%get3A_4] {strides = array<i32>} : memref<64xf32, #tpu.memory_space<vmem>>, vector<16xf32>,
    %get3A_6 = arith.constant 32 : index
    %get3A_7 = tpu.vector_load %arg17[%get3A_6] {strides = array<i32>} : memref<64xf32, #tpu.memory_space<vmem>>, vector<16xf32>,
    %get3A_8 = arith.constant 48 : index
    %get3A_9 = tpu.vector_load %arg17[%get3A_8] {strides = array<i32>} : memref<64xf32, #tpu.memory_space<vmem>>, vector<16xf32>,
    %get3A_10 = arith.constant 0 : index
    %get3A_11 = tpu.vector_load %arg18[%get3A_10] {strides = array<i32>} : memref<64xf32, #tpu.memory_space<vmem>>, vector<16xf32>,
    %get3A_12 = arith.constant 16 : index
    %get3A_13 = tpu.vector_load %arg18[%get3A_12] {strides = array<i32>} : memref<64xf32, #tpu.memory_space<vmem>>, vector<16xf32>,
    %get3A_14 = arith.constant 32 : index
    %get3A_15 = tpu.vector_load %arg18[%get3A_14] {strides = array<i32>} : memref<64xf32, #tpu.memory_space<vmem>>, vector<16xf32>,
    %get3A_16 = arith.constant 48 : index
    %get3A_17 = tpu.vector_load %arg18[%get3A_16] {strides = array<i32>} : memref<64xf32, #tpu.memory_space<vmem>>, vector<16xf32>,
    %mul3A_18 = arith.constant 50 : i32
    %mul3A_19 = arith.muli %add3A, %mul3A_18 : i32
    "tpu.region"() ({
      %run_scoped3A = tpu.sem_alloc : memref<!tpu.dma_semaphore, #tpu.memory_space<semaphore_mem>>
      %dma_start3A_65 = arith.constant 0 : i32
      %dma_start3A_66 = tpu.memref_slice %arg2[%mul3A_19, %dma_start3A_65] : memref<1600x128xi32, #tpu.memory_space<hbm>> -> memref<50x128xi32, #tpu.memory_space<hbm>>
      %dma_start3A_67 = arith.constant 0 : i32
      %dma_start3A_68 = tpu.memref_slice %arg2[%mul3A_19, %dma_start3A_67] : memref<1600x128xi32, #tpu.memory_space<hbm>> -> memref<50x128xi32, #tpu.memory_space<hbm>>
      tpu.enqueue_dma source(%dma_start3A_68 : memref<50x128xi32, #tpu.memory_space<hbm>>) target(%arg9 : memref<50x128xi32, #tpu.memory_space<vmem>>) target_semaphore(%run_scoped3A : memref<!tpu.dma_semaphore, #tpu.memory_space<semaphore_mem>>)
      %dma_wait3A_69 = arith.constant 0 : i32
      %dma_wait3A_70 = tpu.memref_slice %arg2[%mul3A_19, %dma_wait3A_69] : memref<1600x128xi32, #tpu.memory_space<hbm>> -> memref<50x128xi32, #tpu.memory_space<hbm>>
      %dma_wait3A_71 = arith.constant 0 : i32
      %dma_wait3A_72 = tpu.memref_slice %arg2[%mul3A_19, %dma_wait3A_71] : memref<1600x128xi32, #tpu.memory_space<hbm>> -> memref<50x128xi32, #tpu.memory_space<hbm>>
      tpu.wait_dma2 semaphore(%run_scoped3A : memref<!tpu.dma_semaphore, #tpu.memory_space<semaphore_mem>>) src(%dma_wait3A_72 : memref<50x128xi32, #tpu.memory_space<hbm>>) dst(%arg9 : memref<50x128xi32, #tpu.memory_space<vmem>>)
      tpu.yield
    }) : () -> ()
    %mul3A_20 = arith.constant 50 : i32
    %mul3A_21 = arith.muli %add3A, %mul3A_20 : i32
    "tpu.region"() ({
      %run_scoped3A = tpu.sem_alloc : memref<!tpu.dma_semaphore, #tpu.memory_space<semaphore_mem>>
      %dma_start3A_65 = arith.constant 0 : i32
      %dma_start3A_66 = tpu.memref_slice %arg3[%mul3A_21, %dma_start3A_65] : memref<1600x128xi32, #tpu.memory_space<hbm>> -> memref<50x128xi32, #tpu.memory_space<hbm>>
      %dma_start3A_67 = arith.constant 0 : i32
      %dma_start3A_68 = tpu.memref_slice %arg3[%mul3A_21, %dma_start3A_67] : memref<1600x128xi32, #tpu.memory_space<hbm>> -> memref<50x128xi32, #tpu.memory_space<hbm>>
      tpu.enqueue_dma source(%dma_start3A_68 : memref<50x128xi32, #tpu.memory_space<hbm>>) target(%arg10 : memref<50x128xi32, #tpu.memory_space<vmem>>) target_semaphore(%run_scoped3A : memref<!tpu.dma_semaphore, #tpu.memory_space<semaphore_mem>>)
      %dma_wait3A_69 = arith.constant 0 : i32
      %dma_wait3A_70 = tpu.memref_slice %arg3[%mul3A_21, %dma_wait3A_69] : memref<1600x128xi32, #tpu.memory_space<hbm>> -> memref<50x128xi32, #tpu.memory_space<hbm>>
      %dma_wait3A_71 = arith.constant 0 : i32
      %dma_wait3A_72 = tpu.memref_slice %arg3[%mul3A_21, %dma_wait3A_71] : memref<1600x128xi32, #tpu.memory_space<hbm>> -> memref<50x128xi32, #tpu.memory_space<hbm>>
      tpu.wait_dma2 semaphore(%run_scoped3A : memref<!tpu.dma_semaphore, #tpu.memory_space<semaphore_mem>>) src(%dma_wait3A_72 : memref<50x128xi32, #tpu.memory_space<hbm>>) dst(%arg10 : memref<50x128xi32, #tpu.memory_space<vmem>>)
      tpu.yield
    }) : () -> ()
    %dma_start3A = arith.constant 0 : i32
    %dma_start3A_22 = arith.constant 0 : i32
    %dma_start3A_23 = tpu.memref_slice %arg9[%dma_start3A, %dma_start3A_22] : memref<50x128xi32, #tpu.memory_space<vmem>> -> memref<1x128xi32, #tpu.memory_space<vmem>>
    %dma_start3A_24 = tpu.memref_squeeze %dma_start3A_23 : memref<1x128xi32, #tpu.memory_space<vmem>> -> memref<128xi32, #tpu.memory_space<vmem>>
    %dma_start3A_25 = arith.constant 0 : i32
    %dma_start3A_26 = arith.constant 0 : i32
    %dma_start3A_27 = tpu.memref_slice %arg4[%dma_start3A_25, %dma_start3A_26] : memref<1000000x64xf32, #tpu.memory_space<hbm>> -> memref<1000000x64xf32, #tpu.memory_space<hbm>>
    tpu.enqueue_indirect_dma source(%dma_start3A_27 : memref<1000000x64xf32, #tpu.memory_space<hbm>>) target(%arg11 : memref<128x64xf32, #tpu.memory_space<vmem>>) offsets(%dma_start3A_24 : memref<128xi32, #tpu.memory_space<vmem>>) semaphore(%arg19 : memref<!tpu.dma_semaphore, #tpu.memory_space<semaphore_mem>>)
    %dma_start3A_28 = arith.constant 0 : i32
    %dma_start3A_29 = arith.constant 0 : i32
    %dma_start3A_30 = tpu.memref_slice %arg10[%dma_start3A_28, %dma_start3A_29] : memref<50x128xi32, #tpu.memory_space<vmem>> -> memref<1x128xi32, #tpu.memory_space<vmem>>
    %dma_start3A_31 = tpu.memref_squeeze %dma_start3A_30 : memref<1x128xi32, #tpu.memory_space<vmem>> -> memref<128xi32, #tpu.memory_space<vmem>>
    %dma_start3A_32 = arith.constant 0 : i32
    %dma_start3A_33 = arith.constant 0 : i32
    %dma_start3A_34 = tpu.memref_slice %arg5[%dma_start3A_32, %dma_start3A_33] : memref<16384x64xf32, #tpu.memory_space<hbm>> -> memref<16384x64xf32, #tpu.memory_space<hbm>>
    tpu.enqueue_indirect_dma source(%dma_start3A_34 : memref<16384x64xf32, #tpu.memory_space<hbm>>) target(%arg13 : memref<128x64xf32, #tpu.memory_space<vmem>>) offsets(%dma_start3A_31 : memref<128xi32, #tpu.memory_space<vmem>>) semaphore(%arg21 : memref<!tpu.dma_semaphore, #tpu.memory_space<semaphore_mem>>)
    %dma_start3A_35 = arith.constant 1 : i32
    %dma_start3A_36 = arith.constant 0 : i32
    %dma_start3A_37 = tpu.memref_slice %arg9[%dma_start3A_35, %dma_start3A_36] : memref<50x128xi32, #tpu.memory_space<vmem>> -> memref<1x128xi32, #tpu.memory_space<vmem>>
    %dma_start3A_38 = tpu.memref_squeeze %dma_start3A_37 : memref<1x128xi32, #tpu.memory_space<vmem>> -> memref<128xi32, #tpu.memory_space<vmem>>
    %dma_start3A_39 = arith.constant 0 : i32
    %dma_start3A_40 = arith.constant 0 : i32
    %dma_start3A_41 = tpu.memref_slice %arg4[%dma_start3A_39, %dma_start3A_40] : memref<1000000x64xf32, #tpu.memory_space<hbm>> -> memref<1000000x64xf32, #tpu.memory_space<hbm>>
    tpu.enqueue_indirect_dma source(%dma_start3A_41 : memref<1000000x64xf32, #tpu.memory_space<hbm>>) target(%arg12 : memref<128x64xf32, #tpu.memory_space<vmem>>) offsets(%dma_start3A_38 : memref<128xi32, #tpu.memory_space<vmem>>) semaphore(%arg20 : memref<!tpu.dma_semaphore, #tpu.memory_space<semaphore_mem>>)
    %dma_start3A_42 = arith.constant 1 : i32
    %dma_start3A_43 = arith.constant 0 : i32
    %dma_start3A_44 = tpu.memref_slice %arg10[%dma_start3A_42, %dma_start3A_43] : memref<50x128xi32, #tpu.memory_space<vmem>> -> memref<1x128xi32, #tpu.memory_space<vmem>>
    %dma_start3A_45 = tpu.memref_squeeze %dma_start3A_44 : memref<1x128xi32, #tpu.memory_space<vmem>> -> memref<128xi32, #tpu.memory_space<vmem>>
    %dma_start3A_46 = arith.constant 0 : i32
    %dma_start3A_47 = arith.constant 0 : i32
    %dma_start3A_48 = tpu.memref_slice %arg5[%dma_start3A_46, %dma_start3A_47] : memref<16384x64xf32, #tpu.memory_space<hbm>> -> memref<16384x64xf32, #tpu.memory_space<hbm>>
    tpu.enqueue_indirect_dma source(%dma_start3A_48 : memref<16384x64xf32, #tpu.memory_space<hbm>>) target(%arg14 : memref<128x64xf32, #tpu.memory_space<vmem>>) offsets(%dma_start3A_45 : memref<128xi32, #tpu.memory_space<vmem>>) semaphore(%arg22 : memref<!tpu.dma_semaphore, #tpu.memory_space<semaphore_mem>>)
    %scan3A = arith.constant 0 : i32
    %scan3A_49 = arith.constant 0 : i32
    %scan3A_50 = arith.constant 25 : i32
    %scan3A_51 = arith.addi %scan3A_49, %scan3A_50 : i32
    %scan3A_52 = arith.constant 1 : i32
    scf.for %scan3A_65 = %scan3A_49 to %scan3A_51 step %scan3A_52  : i32 {
      %mul3A_66 = arith.constant 2 : i32
      %mul3A_67 = arith.muli %mul3A_66, %scan3A_65 : i32
      %add3A_68 = arith.constant 0 : i32
      %add3A_69 = arith.addi %mul3A_67, %add3A_68 : i32
      %dma_wait3A_70 = arith.constant 0 : i32
      %dma_wait3A_71 = tpu.memref_slice %arg9[%add3A_69, %dma_wait3A_70] : memref<50x128xi32, #tpu.memory_space<vmem>> -> memref<1x128xi32, #tpu.memory_space<vmem>>
      %dma_wait3A_72 = tpu.memref_squeeze %dma_wait3A_71 : memref<1x128xi32, #tpu.memory_space<vmem>> -> memref<128xi32, #tpu.memory_space<vmem>>
      %dma_wait3A_73 = arith.constant 0 : i32
      %dma_wait3A_74 = arith.constant 0 : i32
      %dma_wait3A_75 = tpu.memref_slice %arg4[%dma_wait3A_73, %dma_wait3A_74] : memref<1000000x64xf32, #tpu.memory_space<hbm>> -> memref<1000000x64xf32, #tpu.memory_space<hbm>>
      tpu.wait_indirect_dma semaphore(%arg19 : memref<!tpu.dma_semaphore, #tpu.memory_space<semaphore_mem>>) src(%dma_wait3A_75 : memref<1000000x64xf32, #tpu.memory_space<hbm>>) dst(%arg11 : memref<128x64xf32, #tpu.memory_space<vmem>>)
      %dma_wait3A_76 = arith.constant 0 : i32
      %dma_wait3A_77 = tpu.memref_slice %arg10[%add3A_69, %dma_wait3A_76] : memref<50x128xi32, #tpu.memory_space<vmem>> -> memref<1x128xi32, #tpu.memory_space<vmem>>
      %dma_wait3A_78 = tpu.memref_squeeze %dma_wait3A_77 : memref<1x128xi32, #tpu.memory_space<vmem>> -> memref<128xi32, #tpu.memory_space<vmem>>
      %dma_wait3A_79 = arith.constant 0 : i32
      %dma_wait3A_80 = arith.constant 0 : i32
      %dma_wait3A_81 = tpu.memref_slice %arg5[%dma_wait3A_79, %dma_wait3A_80] : memref<16384x64xf32, #tpu.memory_space<hbm>> -> memref<16384x64xf32, #tpu.memory_space<hbm>>
      tpu.wait_indirect_dma semaphore(%arg21 : memref<!tpu.dma_semaphore, #tpu.memory_space<semaphore_mem>>) src(%dma_wait3A_81 : memref<16384x64xf32, #tpu.memory_space<hbm>>) dst(%arg13 : memref<128x64xf32, #tpu.memory_space<vmem>>)
      %ge3A = arith.constant 2 : i32
      %ge3A_82 = arith.cmpi sge, %add3A_69, %ge3A : i32
      %convert_element_type3A = arith.extui %ge3A_82 : i1 to i32
      %cond3A = arith.constant 0 : i32
      %cond3A_83 = arith.cmpi ne, %convert_element_type3A, %cond3A : i32
      scf.if %cond3A_83 {
        %sub3A = arith.constant 2 : i32
        %sub3A_140 = arith.subi %add3A_69, %sub3A : i32
        %mul3A_141 = arith.constant 128 : i32
        %mul3A_142 = arith.muli %sub3A_140, %mul3A_141 : i32
        %add3A_143 = arith.addi %mul3A_2, %mul3A_142 : i32
        %dma_wait3A_144 = arith.constant 0 : i32
        %dma_wait3A_145 = tpu.memref_slice %arg8[%add3A_143, %dma_wait3A_144] : memref<204800x64xf32, #tpu.memory_space<hbm>> -> memref<128x64xf32, #tpu.memory_space<hbm>>
        %dma_wait3A_146 = arith.constant 0 : i32
        %dma_wait3A_147 = tpu.memref_slice %arg8[%add3A_143, %dma_wait3A_146] : memref<204800x64xf32, #tpu.memory_space<hbm>> -> memref<128x64xf32, #tpu.memory_space<hbm>>
        tpu.wait_dma2 semaphore(%arg23 : memref<!tpu.dma_semaphore, #tpu.memory_space<semaphore_mem>>) src(%arg15 : memref<128x64xf32, #tpu.memory_space<vmem>>) dst(%dma_wait3A_147 : memref<128x64xf32, #tpu.memory_space<hbm>>)
      } else {
      }
      %scan3A_84 = arith.constant 0 : i32
      %scan3A_85 = arith.constant 0 : i32
      %scan3A_86 = arith.constant 8 : i32
      %scan3A_87 = arith.addi %scan3A_85, %scan3A_86 : i32
      %scan3A_88 = arith.constant 1 : i32
      scf.for %scan3A_140 = %scan3A_85 to %scan3A_87 step %scan3A_88  : i32 {
        %mul3A_141 = arith.constant 16 : i32
        %mul3A_142 = arith.muli %scan3A_140, %mul3A_141 : i32
        %add3A_143 = arith.constant 0 : i32
        %add3A_144 = arith.addi %mul3A_142, %add3A_143 : i32
        %get3A_145 = arith.index_cast %add3A_144 : i32 to index
        %get3A_146 = arith.constant 0 : index
        %get3A_147 = tpu.vector_load %arg11[%get3A_145, %get3A_146] {strides = array<i32>} : memref<128x64xf32, #tpu.memory_space<vmem>>, vector<16xf32>,
        %get3A_148 = arith.index_cast %add3A_144 : i32 to index
        %get3A_149 = arith.constant 0 : index
        %get3A_150 = tpu.vector_load %arg13[%get3A_148, %get3A_149] {strides = array<i32>} : memref<128x64xf32, #tpu.memory_space<vmem>>, vector<16xf32>,
        %add3A_151 = arith.addf %get3A_147, %get3A_150 : vector<16xf32>
        %get3A_152 = arith.index_cast %add3A_144 : i32 to index
        %get3A_153 = arith.constant 16 : index
        %get3A_154 = tpu.vector_load %arg11[%get3A_152, %get3A_153] {strides = array<i32>} : memref<128x64xf32, #tpu.memory_space<vmem>>, vector<16xf32>,
        %get3A_155 = arith.index_cast %add3A_144 : i32 to index
        %get3A_156 = arith.constant 16 : index
        %get3A_157 = tpu.vector_load %arg13[%get3A_155, %get3A_156] {strides = array<i32>} : memref<128x64xf32, #tpu.memory_space<vmem>>, vector<16xf32>,
        %add3A_158 = arith.addf %get3A_154, %get3A_157 : vector<16xf32>
        %get3A_159 = arith.index_cast %add3A_144 : i32 to index
        %get3A_160 = arith.constant 32 : index
        %get3A_161 = tpu.vector_load %arg11[%get3A_159, %get3A_160] {strides = array<i32>} : memref<128x64xf32, #tpu.memory_space<vmem>>, vector<16xf32>,
        %get3A_162 = arith.index_cast %add3A_144 : i32 to index
        %get3A_163 = arith.constant 32 : index
        %get3A_164 = tpu.vector_load %arg13[%get3A_162, %get3A_163] {strides = array<i32>} : memref<128x64xf32, #tpu.memory_space<vmem>>, vector<16xf32>,
        %add3A_165 = arith.addf %get3A_161, %get3A_164 : vector<16xf32>
        %get3A_166 = arith.index_cast %add3A_144 : i32 to index
        %get3A_167 = arith.constant 48 : index
        %get3A_168 = tpu.vector_load %arg11[%get3A_166, %get3A_167] {strides = array<i32>} : memref<128x64xf32, #tpu.memory_space<vmem>>, vector<16xf32>,
        %get3A_169 = arith.index_cast %add3A_144 : i32 to index
        %get3A_170 = arith.constant 48 : index
        %get3A_171 = tpu.vector_load %arg13[%get3A_169, %get3A_170] {strides = array<i32>} : memref<128x64xf32, #tpu.memory_space<vmem>>, vector<16xf32>,
        %add3A_172 = arith.addf %get3A_168, %get3A_171 : vector<16xf32>
        %add3A_173 = arith.addf %add3A_151, %add3A_158 : vector<16xf32>
        %add3A_174 = arith.addf %add3A_165, %add3A_172 : vector<16xf32>
        %add3A_175 = arith.addf %add3A_173, %add3A_174 : vector<16xf32>
        %mul3A_176 = arith.mulf %add3A_151, %add3A_151 : vector<16xf32>
        %mul3A_177 = arith.mulf %add3A_158, %add3A_158 : vector<16xf32>
        %add3A_178 = arith.addf %mul3A_176, %mul3A_177 : vector<16xf32>
        %mul3A_179 = arith.mulf %add3A_165, %add3A_165 : vector<16xf32>
        %mul3A_180 = arith.mulf %add3A_172, %add3A_172 : vector<16xf32>
        %add3A_181 = arith.addf %mul3A_179, %mul3A_180 : vector<16xf32>
        %add3A_182 = arith.addf %add3A_178, %add3A_181 : vector<16xf32>
        %broadcast_in_dim3A = arith.constant true
        %broadcast_in_dim3A_183 = vector.broadcast %broadcast_in_dim3A : i1 to vector<16xi1>
        %masked_cumsum3A = tpu.scan <sum>, %add3A_175 masked %broadcast_in_dim3A_183 : vector<16xf32>, vector<16xi1> -> vector<16xf32>
        %broadcast_in_dim3A_184 = arith.constant 15 : i32
        %broadcast_in_dim3A_185 = vector.broadcast %broadcast_in_dim3A_184 : i32 to vector<16x1xi32>
        %gather3A = vector.shape_cast %broadcast_in_dim3A_185 : vector<16x1xi32> to vector<16xi32>
        %gather3A_186 = tpu.dynamic_gather %masked_cumsum3A[%gather3A] in [0] : vector<16xf32>, vector<16xi32> -> vector<16xf32>
        %broadcast_in_dim3A_187 = arith.constant true
        %broadcast_in_dim3A_188 = vector.broadcast %broadcast_in_dim3A_187 : i1 to vector<16xi1>
        %masked_cumsum3A_189 = tpu.scan <sum>, %add3A_182 masked %broadcast_in_dim3A_188 : vector<16xf32>, vector<16xi1> -> vector<16xf32>
        %broadcast_in_dim3A_190 = arith.constant 15 : i32
        %broadcast_in_dim3A_191 = vector.broadcast %broadcast_in_dim3A_190 : i32 to vector<16x1xi32>
        %gather3A_192 = vector.shape_cast %broadcast_in_dim3A_191 : vector<16x1xi32> to vector<16xi32>
        %gather3A_193 = tpu.dynamic_gather %masked_cumsum3A_189[%gather3A_192] in [0] : vector<16xf32>, vector<16xi32> -> vector<16xf32>
        %mul3A_194 = arith.constant 1.562500e-02 : f32
        %mul3A_195 = vector.broadcast %mul3A_194 : f32 to vector<16xf32>
        %mul3A_196 = arith.mulf %gather3A_186, %mul3A_195 : vector<16xf32>
        %mul3A_197 = arith.constant 1.562500e-02 : f32
        %mul3A_198 = vector.broadcast %mul3A_197 : f32 to vector<16xf32>
        %mul3A_199 = arith.mulf %gather3A_193, %mul3A_198 : vector<16xf32>
        %mul3A_200 = arith.mulf %mul3A_196, %mul3A_196 : vector<16xf32>
        %sub3A = arith.subf %mul3A_199, %mul3A_200 : vector<16xf32>
        %add3A_201 = arith.constant 9.99999974E-6 : f32
        %add3A_202 = vector.broadcast %add3A_201 : f32 to vector<16xf32>
        %add3A_203 = arith.addf %sub3A, %add3A_202 : vector<16xf32>
        %bitcast3A = vector.bitcast %add3A_203 : vector<16xf32> to vector<16xi32>
        %shift_right_arithmetic3A = arith.constant 1 : i32
        %shift_right_arithmetic3A_204 = vector.broadcast %shift_right_arithmetic3A : i32 to vector<16xi32>
        %shift_right_arithmetic3A_205 = arith.shrsi %bitcast3A, %shift_right_arithmetic3A_204 : vector<16xi32>
        %sub3A_206 = arith.constant 1597463007 : i32
        %sub3A_207 = vector.broadcast %sub3A_206 : i32 to vector<16xi32>
        %sub3A_208 = arith.subi %sub3A_207, %shift_right_arithmetic3A_205 : vector<16xi32>
        %bitcast3A_209 = vector.bitcast %sub3A_208 : vector<16xi32> to vector<16xf32>
        %mul3A_210 = arith.constant 5.000000e-01 : f32
        %mul3A_211 = vector.broadcast %mul3A_210 : f32 to vector<16xf32>
        %mul3A_212 = arith.mulf %mul3A_211, %add3A_203 : vector<16xf32>
        %mul3A_213 = arith.mulf %mul3A_212, %bitcast3A_209 : vector<16xf32>
        %mul3A_214 = arith.mulf %mul3A_213, %bitcast3A_209 : vector<16xf32>
        %sub3A_215 = arith.constant 1.500000e+00 : f32
        %sub3A_216 = vector.broadcast %sub3A_215 : f32 to vector<16xf32>
        %sub3A_217 = arith.subf %sub3A_216, %mul3A_214 : vector<16xf32>
        %mul3A_218 = arith.mulf %bitcast3A_209, %sub3A_217 : vector<16xf32>
        %mul3A_219 = arith.constant 5.000000e-01 : f32
        %mul3A_220 = vector.broadcast %mul3A_219 : f32 to vector<16xf32>
        %mul3A_221 = arith.mulf %mul3A_220, %add3A_203 : vector<16xf32>
        %mul3A_222 = arith.mulf %mul3A_221, %mul3A_218 : vector<16xf32>
        %mul3A_223 = arith.mulf %mul3A_222, %mul3A_218 : vector<16xf32>
        %sub3A_224 = arith.constant 1.500000e+00 : f32
        %sub3A_225 = vector.broadcast %sub3A_224 : f32 to vector<16xf32>
        %sub3A_226 = arith.subf %sub3A_225, %mul3A_223 : vector<16xf32>
        %mul3A_227 = arith.mulf %mul3A_218, %sub3A_226 : vector<16xf32>
        %sub3A_228 = arith.subf %add3A_151, %mul3A_196 : vector<16xf32>
        %mul3A_229 = arith.mulf %mul3A_227, %get3A_3 : vector<16xf32>
        %mul3A_230 = arith.mulf %sub3A_228, %mul3A_229 : vector<16xf32>
        %add3A_231 = arith.addf %mul3A_230, %get3A_11 : vector<16xf32>
        %swap3A = arith.index_cast %add3A_144 : i32 to index
        %swap3A_232 = arith.constant 0 : index
        %swap3A_233 = tpu.vector_load %arg15[%swap3A, %swap3A_232] {strides = array<i32>} : memref<128x64xf32, #tpu.memory_space<vmem>>, vector<16xf32>,
        tpu.vector_store %arg15[%swap3A, %swap3A_232], %add3A_231 {strides = array<i32>} : memref<128x64xf32, #tpu.memory_space<vmem>>, vector<16xf32>,
        %sub3A_234 = arith.subf %add3A_158, %mul3A_196 : vector<16xf32>
        %mul3A_235 = arith.mulf %mul3A_227, %get3A_5 : vector<16xf32>
        %mul3A_236 = arith.mulf %sub3A_234, %mul3A_235 : vector<16xf32>
        %add3A_237 = arith.addf %mul3A_236, %get3A_13 : vector<16xf32>
        %swap3A_238 = arith.index_cast %add3A_144 : i32 to index
        %swap3A_239 = arith.constant 16 : index
        %swap3A_240 = tpu.vector_load %arg15[%swap3A_238, %swap3A_239] {strides = array<i32>} : memref<128x64xf32, #tpu.memory_space<vmem>>, vector<16xf32>,
        tpu.vector_store %arg15[%swap3A_238, %swap3A_239], %add3A_237 {strides = array<i32>} : memref<128x64xf32, #tpu.memory_space<vmem>>, vector<16xf32>,
        %sub3A_241 = arith.subf %add3A_165, %mul3A_196 : vector<16xf32>
        %mul3A_242 = arith.mulf %mul3A_227, %get3A_7 : vector<16xf32>
        %mul3A_243 = arith.mulf %sub3A_241, %mul3A_242 : vector<16xf32>
        %add3A_244 = arith.addf %mul3A_243, %get3A_15 : vector<16xf32>
        %swap3A_245 = arith.index_cast %add3A_144 : i32 to index
        %swap3A_246 = arith.constant 32 : index
        %swap3A_247 = tpu.vector_load %arg15[%swap3A_245, %swap3A_246] {strides = array<i32>} : memref<128x64xf32, #tpu.memory_space<vmem>>, vector<16xf32>,
        tpu.vector_store %arg15[%swap3A_245, %swap3A_246], %add3A_244 {strides = array<i32>} : memref<128x64xf32, #tpu.memory_space<vmem>>, vector<16xf32>,
        %sub3A_248 = arith.subf %add3A_172, %mul3A_196 : vector<16xf32>
        %mul3A_249 = arith.mulf %mul3A_227, %get3A_9 : vector<16xf32>
        %mul3A_250 = arith.mulf %sub3A_248, %mul3A_249 : vector<16xf32>
        %add3A_251 = arith.addf %mul3A_250, %get3A_17 : vector<16xf32>
        %swap3A_252 = arith.index_cast %add3A_144 : i32 to index
        %swap3A_253 = arith.constant 48 : index
        %swap3A_254 = tpu.vector_load %arg15[%swap3A_252, %swap3A_253] {strides = array<i32>} : memref<128x64xf32, #tpu.memory_space<vmem>>, vector<16xf32>,
        tpu.vector_store %arg15[%swap3A_252, %swap3A_253], %add3A_251 {strides = array<i32>} : memref<128x64xf32, #tpu.memory_space<vmem>>, vector<16xf32>,
        %mul3A_255 = arith.constant 16 : i32
        %mul3A_256 = arith.muli %scan3A_140, %mul3A_255 : i32
        %add3A_257 = arith.constant 1 : i32
        %add3A_258 = arith.addi %mul3A_256, %add3A_257 : i32
        %get3A_259 = arith.index_cast %add3A_258 : i32 to index
        %get3A_260 = arith.constant 0 : index
        %get3A_261 = tpu.vector_load %arg11[%get3A_259, %get3A_260] {strides = array<i32>} : memref<128x64xf32, #tpu.memory_space<vmem>>, vector<16xf32>,
        %get3A_262 = arith.index_cast %add3A_258 : i32 to index
        %get3A_263 = arith.constant 0 : index
        %get3A_264 = tpu.vector_load %arg13[%get3A_262, %get3A_263] {strides = array<i32>} : memref<128x64xf32, #tpu.memory_space<vmem>>, vector<16xf32>,
        %add3A_265 = arith.addf %get3A_261, %get3A_264 : vector<16xf32>
        %get3A_266 = arith.index_cast %add3A_258 : i32 to index
        %get3A_267 = arith.constant 16 : index
        %get3A_268 = tpu.vector_load %arg11[%get3A_266, %get3A_267] {strides = array<i32>} : memref<128x64xf32, #tpu.memory_space<vmem>>, vector<16xf32>,
        %get3A_269 = arith.index_cast %add3A_258 : i32 to index
        %get3A_270 = arith.constant 16 : index
        %get3A_271 = tpu.vector_load %arg13[%get3A_269, %get3A_270] {strides = array<i32>} : memref<128x64xf32, #tpu.memory_space<vmem>>, vector<16xf32>,
        %add3A_272 = arith.addf %get3A_268, %get3A_271 : vector<16xf32>
        %get3A_273 = arith.index_cast %add3A_258 : i32 to index
        %get3A_274 = arith.constant 32 : index
        %get3A_275 = tpu.vector_load %arg11[%get3A_273, %get3A_274] {strides = array<i32>} : memref<128x64xf32, #tpu.memory_space<vmem>>, vector<16xf32>,
        %get3A_276 = arith.index_cast %add3A_258 : i32 to index
        %get3A_277 = arith.constant 32 : index
        %get3A_278 = tpu.vector_load %arg13[%get3A_276, %get3A_277] {strides = array<i32>} : memref<128x64xf32, #tpu.memory_space<vmem>>, vector<16xf32>,
        %add3A_279 = arith.addf %get3A_275, %get3A_278 : vector<16xf32>
        %get3A_280 = arith.index_cast %add3A_258 : i32 to index
        %get3A_281 = arith.constant 48 : index
        %get3A_282 = tpu.vector_load %arg11[%get3A_280, %get3A_281] {strides = array<i32>} : memref<128x64xf32, #tpu.memory_space<vmem>>, vector<16xf32>,
        %get3A_283 = arith.index_cast %add3A_258 : i32 to index
        %get3A_284 = arith.constant 48 : index
        %get3A_285 = tpu.vector_load %arg13[%get3A_283, %get3A_284] {strides = array<i32>} : memref<128x64xf32, #tpu.memory_space<vmem>>, vector<16xf32>,
        %add3A_286 = arith.addf %get3A_282, %get3A_285 : vector<16xf32>
        %add3A_287 = arith.addf %add3A_265, %add3A_272 : vector<16xf32>
        %add3A_288 = arith.addf %add3A_279, %add3A_286 : vector<16xf32>
        %add3A_289 = arith.addf %add3A_287, %add3A_288 : vector<16xf32>
        %mul3A_290 = arith.mulf %add3A_265, %add3A_265 : vector<16xf32>
        %mul3A_291 = arith.mulf %add3A_272, %add3A_272 : vector<16xf32>
        %add3A_292 = arith.addf %mul3A_290, %mul3A_291 : vector<16xf32>
        %mul3A_293 = arith.mulf %add3A_279, %add3A_279 : vector<16xf32>
        %mul3A_294 = arith.mulf %add3A_286, %add3A_286 : vector<16xf32>
        %add3A_295 = arith.addf %mul3A_293, %mul3A_294 : vector<16xf32>
        %add3A_296 = arith.addf %add3A_292, %add3A_295 : vector<16xf32>
        %broadcast_in_dim3A_297 = arith.constant true
        %broadcast_in_dim3A_298 = vector.broadcast %broadcast_in_dim3A_297 : i1 to vector<16xi1>
        %masked_cumsum3A_299 = tpu.scan <sum>, %add3A_289 masked %broadcast_in_dim3A_298 : vector<16xf32>, vector<16xi1> -> vector<16xf32>
        %broadcast_in_dim3A_300 = arith.constant 15 : i32
        %broadcast_in_dim3A_301 = vector.broadcast %broadcast_in_dim3A_300 : i32 to vector<16x1xi32>
        %gather3A_302 = vector.shape_cast %broadcast_in_dim3A_301 : vector<16x1xi32> to vector<16xi32>
        %gather3A_303 = tpu.dynamic_gather %masked_cumsum3A_299[%gather3A_302] in [0] : vector<16xf32>, vector<16xi32> -> vector<16xf32>
        %broadcast_in_dim3A_304 = arith.constant true
        %broadcast_in_dim3A_305 = vector.broadcast %broadcast_in_dim3A_304 : i1 to vector<16xi1>
        %masked_cumsum3A_306 = tpu.scan <sum>, %add3A_296 masked %broadcast_in_dim3A_305 : vector<16xf32>, vector<16xi1> -> vector<16xf32>
        %broadcast_in_dim3A_307 = arith.constant 15 : i32
        %broadcast_in_dim3A_308 = vector.broadcast %broadcast_in_dim3A_307 : i32 to vector<16x1xi32>
        %gather3A_309 = vector.shape_cast %broadcast_in_dim3A_308 : vector<16x1xi32> to vector<16xi32>
        %gather3A_310 = tpu.dynamic_gather %masked_cumsum3A_306[%gather3A_309] in [0] : vector<16xf32>, vector<16xi32> -> vector<16xf32>
        %mul3A_311 = arith.constant 1.562500e-02 : f32
        %mul3A_312 = vector.broadcast %mul3A_311 : f32 to vector<16xf32>
        %mul3A_313 = arith.mulf %gather3A_303, %mul3A_312 : vector<16xf32>
        %mul3A_314 = arith.constant 1.562500e-02 : f32
        %mul3A_315 = vector.broadcast %mul3A_314 : f32 to vector<16xf32>
        %mul3A_316 = arith.mulf %gather3A_310, %mul3A_315 : vector<16xf32>
        %mul3A_317 = arith.mulf %mul3A_313, %mul3A_313 : vector<16xf32>
        %sub3A_318 = arith.subf %mul3A_316, %mul3A_317 : vector<16xf32>
        %add3A_319 = arith.constant 9.99999974E-6 : f32
        %add3A_320 = vector.broadcast %add3A_319 : f32 to vector<16xf32>
        %add3A_321 = arith.addf %sub3A_318, %add3A_320 : vector<16xf32>
        %bitcast3A_322 = vector.bitcast %add3A_321 : vector<16xf32> to vector<16xi32>
        %shift_right_arithmetic3A_323 = arith.constant 1 : i32
        %shift_right_arithmetic3A_324 = vector.broadcast %shift_right_arithmetic3A_323 : i32 to vector<16xi32>
        %shift_right_arithmetic3A_325 = arith.shrsi %bitcast3A_322, %shift_right_arithmetic3A_324 : vector<16xi32>
        %sub3A_326 = arith.constant 1597463007 : i32
        %sub3A_327 = vector.broadcast %sub3A_326 : i32 to vector<16xi32>
        %sub3A_328 = arith.subi %sub3A_327, %shift_right_arithmetic3A_325 : vector<16xi32>
        %bitcast3A_329 = vector.bitcast %sub3A_328 : vector<16xi32> to vector<16xf32>
        %mul3A_330 = arith.constant 5.000000e-01 : f32
        %mul3A_331 = vector.broadcast %mul3A_330 : f32 to vector<16xf32>
        %mul3A_332 = arith.mulf %mul3A_331, %add3A_321 : vector<16xf32>
        %mul3A_333 = arith.mulf %mul3A_332, %bitcast3A_329 : vector<16xf32>
        %mul3A_334 = arith.mulf %mul3A_333, %bitcast3A_329 : vector<16xf32>
        %sub3A_335 = arith.constant 1.500000e+00 : f32
        %sub3A_336 = vector.broadcast %sub3A_335 : f32 to vector<16xf32>
        %sub3A_337 = arith.subf %sub3A_336, %mul3A_334 : vector<16xf32>
        %mul3A_338 = arith.mulf %bitcast3A_329, %sub3A_337 : vector<16xf32>
        %mul3A_339 = arith.constant 5.000000e-01 : f32
        %mul3A_340 = vector.broadcast %mul3A_339 : f32 to vector<16xf32>
        %mul3A_341 = arith.mulf %mul3A_340, %add3A_321 : vector<16xf32>
        %mul3A_342 = arith.mulf %mul3A_341, %mul3A_338 : vector<16xf32>
        %mul3A_343 = arith.mulf %mul3A_342, %mul3A_338 : vector<16xf32>
        %sub3A_344 = arith.constant 1.500000e+00 : f32
        %sub3A_345 = vector.broadcast %sub3A_344 : f32 to vector<16xf32>
        %sub3A_346 = arith.subf %sub3A_345, %mul3A_343 : vector<16xf32>
        %mul3A_347 = arith.mulf %mul3A_338, %sub3A_346 : vector<16xf32>
        %sub3A_348 = arith.subf %add3A_265, %mul3A_313 : vector<16xf32>
        %mul3A_349 = arith.mulf %mul3A_347, %get3A_3 : vector<16xf32>
        %mul3A_350 = arith.mulf %sub3A_348, %mul3A_349 : vector<16xf32>
        %add3A_351 = arith.addf %mul3A_350, %get3A_11 : vector<16xf32>
        %swap3A_352 = arith.index_cast %add3A_258 : i32 to index
        %swap3A_353 = arith.constant 0 : index
        %swap3A_354 = tpu.vector_load %arg15[%swap3A_352, %swap3A_353] {strides = array<i32>} : memref<128x64xf32, #tpu.memory_space<vmem>>, vector<16xf32>,
        tpu.vector_store %arg15[%swap3A_352, %swap3A_353], %add3A_351 {strides = array<i32>} : memref<128x64xf32, #tpu.memory_space<vmem>>, vector<16xf32>,
        %sub3A_355 = arith.subf %add3A_272, %mul3A_313 : vector<16xf32>
        %mul3A_356 = arith.mulf %mul3A_347, %get3A_5 : vector<16xf32>
        %mul3A_357 = arith.mulf %sub3A_355, %mul3A_356 : vector<16xf32>
        %add3A_358 = arith.addf %mul3A_357, %get3A_13 : vector<16xf32>
        %swap3A_359 = arith.index_cast %add3A_258 : i32 to index
        %swap3A_360 = arith.constant 16 : index
        %swap3A_361 = tpu.vector_load %arg15[%swap3A_359, %swap3A_360] {strides = array<i32>} : memref<128x64xf32, #tpu.memory_space<vmem>>, vector<16xf32>,
        tpu.vector_store %arg15[%swap3A_359, %swap3A_360], %add3A_358 {strides = array<i32>} : memref<128x64xf32, #tpu.memory_space<vmem>>, vector<16xf32>,
        %sub3A_362 = arith.subf %add3A_279, %mul3A_313 : vector<16xf32>
        %mul3A_363 = arith.mulf %mul3A_347, %get3A_7 : vector<16xf32>
        %mul3A_364 = arith.mulf %sub3A_362, %mul3A_363 : vector<16xf32>
        %add3A_365 = arith.addf %mul3A_364, %get3A_15 : vector<16xf32>
        %swap3A_366 = arith.index_cast %add3A_258 : i32 to index
        %swap3A_367 = arith.constant 32 : index
        %swap3A_368 = tpu.vector_load %arg15[%swap3A_366, %swap3A_367] {strides = array<i32>} : memref<128x64xf32, #tpu.memory_space<vmem>>, vector<16xf32>,
        tpu.vector_store %arg15[%swap3A_366, %swap3A_367], %add3A_365 {strides = array<i32>} : memref<128x64xf32, #tpu.memory_space<vmem>>, vector<16xf32>,
        %sub3A_369 = arith.subf %add3A_286, %mul3A_313 : vector<16xf32>
        %mul3A_370 = arith.mulf %mul3A_347, %get3A_9 : vector<16xf32>
        %mul3A_371 = arith.mulf %sub3A_369, %mul3A_370 : vector<16xf32>
        %add3A_372 = arith.addf %mul3A_371, %get3A_17 : vector<16xf32>
        %swap3A_373 = arith.index_cast %add3A_258 : i32 to index
        %swap3A_374 = arith.constant 48 : index
        %swap3A_375 = tpu.vector_load %arg15[%swap3A_373, %swap3A_374] {strides = array<i32>} : memref<128x64xf32, #tpu.memory_space<vmem>>, vector<16xf32>,
        tpu.vector_store %arg15[%swap3A_373, %swap3A_374], %add3A_372 {strides = array<i32>} : memref<128x64xf32, #tpu.memory_space<vmem>>, vector<16xf32>,
        %mul3A_376 = arith.constant 16 : i32
        %mul3A_377 = arith.muli %scan3A_140, %mul3A_376 : i32
        %add3A_378 = arith.constant 2 : i32
        %add3A_379 = arith.addi %mul3A_377, %add3A_378 : i32
        %get3A_380 = arith.index_cast %add3A_379 : i32 to index
        %get3A_381 = arith.constant 0 : index
        %get3A_382 = tpu.vector_load %arg11[%get3A_380, %get3A_381] {strides = array<i32>} : memref<128x64xf32, #tpu.memory_space<vmem>>, vector<16xf32>,
        %get3A_383 = arith.index_cast %add3A_379 : i32 to index
        %get3A_384 = arith.constant 0 : index
        %get3A_385 = tpu.vector_load %arg13[%get3A_383, %get3A_384] {strides = array<i32>} : memref<128x64xf32, #tpu.memory_space<vmem>>, vector<16xf32>,
        %add3A_386 = arith.addf %get3A_382, %get3A_385 : vector<16xf32>
        %get3A_387 = arith.index_cast %add3A_379 : i32 to index
        %get3A_388 = arith.constant 16 : index
        %get3A_389 = tpu.vector_load %arg11[%get3A_387, %get3A_388] {strides = array<i32>} : memref<128x64xf32, #tpu.memory_space<vmem>>, vector<16xf32>,
        %get3A_390 = arith.index_cast %add3A_379 : i32 to index
        %get3A_391 = arith.constant 16 : index
        %get3A_392 = tpu.vector_load %arg13[%get3A_390, %get3A_391] {strides = array<i32>} : memref<128x64xf32, #tpu.memory_space<vmem>>, vector<16xf32>,
        %add3A_393 = arith.addf %get3A_389, %get3A_392 : vector<16xf32>
        %get3A_394 = arith.index_cast %add3A_379 : i32 to index
        %get3A_395 = arith.constant 32 : index
        %get3A_396 = tpu.vector_load %arg11[%get3A_394, %get3A_395] {strides = array<i32>} : memref<128x64xf32, #tpu.memory_space<vmem>>, vector<16xf32>,
        %get3A_397 = arith.index_cast %add3A_379 : i32 to index
        %get3A_398 = arith.constant 32 : index
        %get3A_399 = tpu.vector_load %arg13[%get3A_397, %get3A_398] {strides = array<i32>} : memref<128x64xf32, #tpu.memory_space<vmem>>, vector<16xf32>,
        %add3A_400 = arith.addf %get3A_396, %get3A_399 : vector<16xf32>
        %get3A_401 = arith.index_cast %add3A_379 : i32 to index
        %get3A_402 = arith.constant 48 : index
        %get3A_403 = tpu.vector_load %arg11[%get3A_401, %get3A_402] {strides = array<i32>} : memref<128x64xf32, #tpu.memory_space<vmem>>, vector<16xf32>,
        %get3A_404 = arith.index_cast %add3A_379 : i32 to index
        %get3A_405 = arith.constant 48 : index
        %get3A_406 = tpu.vector_load %arg13[%get3A_404, %get3A_405] {strides = array<i32>} : memref<128x64xf32, #tpu.memory_space<vmem>>, vector<16xf32>,
        %add3A_407 = arith.addf %get3A_403, %get3A_406 : vector<16xf32>
        %add3A_408 = arith.addf %add3A_386, %add3A_393 : vector<16xf32>
        %add3A_409 = arith.addf %add3A_400, %add3A_407 : vector<16xf32>
        %add3A_410 = arith.addf %add3A_408, %add3A_409 : vector<16xf32>
        %mul3A_411 = arith.mulf %add3A_386, %add3A_386 : vector<16xf32>
        %mul3A_412 = arith.mulf %add3A_393, %add3A_393 : vector<16xf32>
        %add3A_413 = arith.addf %mul3A_411, %mul3A_412 : vector<16xf32>
        %mul3A_414 = arith.mulf %add3A_400, %add3A_400 : vector<16xf32>
        %mul3A_415 = arith.mulf %add3A_407, %add3A_407 : vector<16xf32>
        %add3A_416 = arith.addf %mul3A_414, %mul3A_415 : vector<16xf32>
        %add3A_417 = arith.addf %add3A_413, %add3A_416 : vector<16xf32>
        %broadcast_in_dim3A_418 = arith.constant true
        %broadcast_in_dim3A_419 = vector.broadcast %broadcast_in_dim3A_418 : i1 to vector<16xi1>
        %masked_cumsum3A_420 = tpu.scan <sum>, %add3A_410 masked %broadcast_in_dim3A_419 : vector<16xf32>, vector<16xi1> -> vector<16xf32>
        %broadcast_in_dim3A_421 = arith.constant 15 : i32
        %broadcast_in_dim3A_422 = vector.broadcast %broadcast_in_dim3A_421 : i32 to vector<16x1xi32>
        %gather3A_423 = vector.shape_cast %broadcast_in_dim3A_422 : vector<16x1xi32> to vector<16xi32>
        %gather3A_424 = tpu.dynamic_gather %masked_cumsum3A_420[%gather3A_423] in [0] : vector<16xf32>, vector<16xi32> -> vector<16xf32>
        %broadcast_in_dim3A_425 = arith.constant true
        %broadcast_in_dim3A_426 = vector.broadcast %broadcast_in_dim3A_425 : i1 to vector<16xi1>
        %masked_cumsum3A_427 = tpu.scan <sum>, %add3A_417 masked %broadcast_in_dim3A_426 : vector<16xf32>, vector<16xi1> -> vector<16xf32>
        %broadcast_in_dim3A_428 = arith.constant 15 : i32
        %broadcast_in_dim3A_429 = vector.broadcast %broadcast_in_dim3A_428 : i32 to vector<16x1xi32>
        %gather3A_430 = vector.shape_cast %broadcast_in_dim3A_429 : vector<16x1xi32> to vector<16xi32>
        %gather3A_431 = tpu.dynamic_gather %masked_cumsum3A_427[%gather3A_430] in [0] : vector<16xf32>, vector<16xi32> -> vector<16xf32>
        %mul3A_432 = arith.constant 1.562500e-02 : f32
        %mul3A_433 = vector.broadcast %mul3A_432 : f32 to vector<16xf32>
        %mul3A_434 = arith.mulf %gather3A_424, %mul3A_433 : vector<16xf32>
        %mul3A_435 = arith.constant 1.562500e-02 : f32
        %mul3A_436 = vector.broadcast %mul3A_435 : f32 to vector<16xf32>
        %mul3A_437 = arith.mulf %gather3A_431, %mul3A_436 : vector<16xf32>
        %mul3A_438 = arith.mulf %mul3A_434, %mul3A_434 : vector<16xf32>
        %sub3A_439 = arith.subf %mul3A_437, %mul3A_438 : vector<16xf32>
        %add3A_440 = arith.constant 9.99999974E-6 : f32
        %add3A_441 = vector.broadcast %add3A_440 : f32 to vector<16xf32>
        %add3A_442 = arith.addf %sub3A_439, %add3A_441 : vector<16xf32>
        %bitcast3A_443 = vector.bitcast %add3A_442 : vector<16xf32> to vector<16xi32>
        %shift_right_arithmetic3A_444 = arith.constant 1 : i32
        %shift_right_arithmetic3A_445 = vector.broadcast %shift_right_arithmetic3A_444 : i32 to vector<16xi32>
        %shift_right_arithmetic3A_446 = arith.shrsi %bitcast3A_443, %shift_right_arithmetic3A_445 : vector<16xi32>
        %sub3A_447 = arith.constant 1597463007 : i32
        %sub3A_448 = vector.broadcast %sub3A_447 : i32 to vector<16xi32>
        %sub3A_449 = arith.subi %sub3A_448, %shift_right_arithmetic3A_446 : vector<16xi32>
        %bitcast3A_450 = vector.bitcast %sub3A_449 : vector<16xi32> to vector<16xf32>
        %mul3A_451 = arith.constant 5.000000e-01 : f32
        %mul3A_452 = vector.broadcast %mul3A_451 : f32 to vector<16xf32>
        %mul3A_453 = arith.mulf %mul3A_452, %add3A_442 : vector<16xf32>
        %mul3A_454 = arith.mulf %mul3A_453, %bitcast3A_450 : vector<16xf32>
        %mul3A_455 = arith.mulf %mul3A_454, %bitcast3A_450 : vector<16xf32>
        %sub3A_456 = arith.constant 1.500000e+00 : f32
        %sub3A_457 = vector.broadcast %sub3A_456 : f32 to vector<16xf32>
        %sub3A_458 = arith.subf %sub3A_457, %mul3A_455 : vector<16xf32>
        %mul3A_459 = arith.mulf %bitcast3A_450, %sub3A_458 : vector<16xf32>
        %mul3A_460 = arith.constant 5.000000e-01 : f32
        %mul3A_461 = vector.broadcast %mul3A_460 : f32 to vector<16xf32>
        %mul3A_462 = arith.mulf %mul3A_461, %add3A_442 : vector<16xf32>
        %mul3A_463 = arith.mulf %mul3A_462, %mul3A_459 : vector<16xf32>
        %mul3A_464 = arith.mulf %mul3A_463, %mul3A_459 : vector<16xf32>
        %sub3A_465 = arith.constant 1.500000e+00 : f32
        %sub3A_466 = vector.broadcast %sub3A_465 : f32 to vector<16xf32>
        %sub3A_467 = arith.subf %sub3A_466, %mul3A_464 : vector<16xf32>
        %mul3A_468 = arith.mulf %mul3A_459, %sub3A_467 : vector<16xf32>
        %sub3A_469 = arith.subf %add3A_386, %mul3A_434 : vector<16xf32>
        %mul3A_470 = arith.mulf %mul3A_468, %get3A_3 : vector<16xf32>
        %mul3A_471 = arith.mulf %sub3A_469, %mul3A_470 : vector<16xf32>
        %add3A_472 = arith.addf %mul3A_471, %get3A_11 : vector<16xf32>
        %swap3A_473 = arith.index_cast %add3A_379 : i32 to index
        %swap3A_474 = arith.constant 0 : index
        %swap3A_475 = tpu.vector_load %arg15[%swap3A_473, %swap3A_474] {strides = array<i32>} : memref<128x64xf32, #tpu.memory_space<vmem>>, vector<16xf32>,
        tpu.vector_store %arg15[%swap3A_473, %swap3A_474], %add3A_472 {strides = array<i32>} : memref<128x64xf32, #tpu.memory_space<vmem>>, vector<16xf32>,
        %sub3A_476 = arith.subf %add3A_393, %mul3A_434 : vector<16xf32>
        %mul3A_477 = arith.mulf %mul3A_468, %get3A_5 : vector<16xf32>
        %mul3A_478 = arith.mulf %sub3A_476, %mul3A_477 : vector<16xf32>
        %add3A_479 = arith.addf %mul3A_478, %get3A_13 : vector<16xf32>
        %swap3A_480 = arith.index_cast %add3A_379 : i32 to index
        %swap3A_481 = arith.constant 16 : index
        %swap3A_482 = tpu.vector_load %arg15[%swap3A_480, %swap3A_481] {strides = array<i32>} : memref<128x64xf32, #tpu.memory_space<vmem>>, vector<16xf32>,
        tpu.vector_store %arg15[%swap3A_480, %swap3A_481], %add3A_479 {strides = array<i32>} : memref<128x64xf32, #tpu.memory_space<vmem>>, vector<16xf32>,
        %sub3A_483 = arith.subf %add3A_400, %mul3A_434 : vector<16xf32>
        %mul3A_484 = arith.mulf %mul3A_468, %get3A_7 : vector<16xf32>
        %mul3A_485 = arith.mulf %sub3A_483, %mul3A_484 : vector<16xf32>
        %add3A_486 = arith.addf %mul3A_485, %get3A_15 : vector<16xf32>
        %swap3A_487 = arith.index_cast %add3A_379 : i32 to index
        %swap3A_488 = arith.constant 32 : index
        %swap3A_489 = tpu.vector_load %arg15[%swap3A_487, %swap3A_488] {strides = array<i32>} : memref<128x64xf32, #tpu.memory_space<vmem>>, vector<16xf32>,
        tpu.vector_store %arg15[%swap3A_487, %swap3A_488], %add3A_486 {strides = array<i32>} : memref<128x64xf32, #tpu.memory_space<vmem>>, vector<16xf32>,
        %sub3A_490 = arith.subf %add3A_407, %mul3A_434 : vector<16xf32>
        %mul3A_491 = arith.mulf %mul3A_468, %get3A_9 : vector<16xf32>
        %mul3A_492 = arith.mulf %sub3A_490, %mul3A_491 : vector<16xf32>
        %add3A_493 = arith.addf %mul3A_492, %get3A_17 : vector<16xf32>
        %swap3A_494 = arith.index_cast %add3A_379 : i32 to index
        %swap3A_495 = arith.constant 48 : index
        %swap3A_496 = tpu.vector_load %arg15[%swap3A_494, %swap3A_495] {strides = array<i32>} : memref<128x64xf32, #tpu.memory_space<vmem>>, vector<16xf32>,
        tpu.vector_store %arg15[%swap3A_494, %swap3A_495], %add3A_493 {strides = array<i32>} : memref<128x64xf32, #tpu.memory_space<vmem>>, vector<16xf32>,
        %mul3A_497 = arith.constant 16 : i32
        %mul3A_498 = arith.muli %scan3A_140, %mul3A_497 : i32
        %add3A_499 = arith.constant 3 : i32
        %add3A_500 = arith.addi %mul3A_498, %add3A_499 : i32
        %get3A_501 = arith.index_cast %add3A_500 : i32 to index
        %get3A_502 = arith.constant 0 : index
        %get3A_503 = tpu.vector_load %arg11[%get3A_501, %get3A_502] {strides = array<i32>} : memref<128x64xf32, #tpu.memory_space<vmem>>, vector<16xf32>,
        %get3A_504 = arith.index_cast %add3A_500 : i32 to index
        %get3A_505 = arith.constant 0 : index
        %get3A_506 = tpu.vector_load %arg13[%get3A_504, %get3A_505] {strides = array<i32>} : memref<128x64xf32, #tpu.memory_space<vmem>>, vector<16xf32>,
        %add3A_507 = arith.addf %get3A_503, %get3A_506 : vector<16xf32>
        %get3A_508 = arith.index_cast %add3A_500 : i32 to index
        %get3A_509 = arith.constant 16 : index
        %get3A_510 = tpu.vector_load %arg11[%get3A_508, %get3A_509] {strides = array<i32>} : memref<128x64xf32, #tpu.memory_space<vmem>>, vector<16xf32>,
        %get3A_511 = arith.index_cast %add3A_500 : i32 to index
        %get3A_512 = arith.constant 16 : index
        %get3A_513 = tpu.vector_load %arg13[%get3A_511, %get3A_512] {strides = array<i32>} : memref<128x64xf32, #tpu.memory_space<vmem>>, vector<16xf32>,
        %add3A_514 = arith.addf %get3A_510, %get3A_513 : vector<16xf32>
        %get3A_515 = arith.index_cast %add3A_500 : i32 to index
        %get3A_516 = arith.constant 32 : index
        %get3A_517 = tpu.vector_load %arg11[%get3A_515, %get3A_516] {strides = array<i32>} : memref<128x64xf32, #tpu.memory_space<vmem>>, vector<16xf32>,
        %get3A_518 = arith.index_cast %add3A_500 : i32 to index
        %get3A_519 = arith.constant 32 : index
        %get3A_520 = tpu.vector_load %arg13[%get3A_518, %get3A_519] {strides = array<i32>} : memref<128x64xf32, #tpu.memory_space<vmem>>, vector<16xf32>,
        %add3A_521 = arith.addf %get3A_517, %get3A_520 : vector<16xf32>
        %get3A_522 = arith.index_cast %add3A_500 : i32 to index
        %get3A_523 = arith.constant 48 : index
        %get3A_524 = tpu.vector_load %arg11[%get3A_522, %get3A_523] {strides = array<i32>} : memref<128x64xf32, #tpu.memory_space<vmem>>, vector<16xf32>,
        %get3A_525 = arith.index_cast %add3A_500 : i32 to index
        %get3A_526 = arith.constant 48 : index
        %get3A_527 = tpu.vector_load %arg13[%get3A_525, %get3A_526] {strides = array<i32>} : memref<128x64xf32, #tpu.memory_space<vmem>>, vector<16xf32>,
        %add3A_528 = arith.addf %get3A_524, %get3A_527 : vector<16xf32>
        %add3A_529 = arith.addf %add3A_507, %add3A_514 : vector<16xf32>
        %add3A_530 = arith.addf %add3A_521, %add3A_528 : vector<16xf32>
        %add3A_531 = arith.addf %add3A_529, %add3A_530 : vector<16xf32>
        %mul3A_532 = arith.mulf %add3A_507, %add3A_507 : vector<16xf32>
        %mul3A_533 = arith.mulf %add3A_514, %add3A_514 : vector<16xf32>
        %add3A_534 = arith.addf %mul3A_532, %mul3A_533 : vector<16xf32>
        %mul3A_535 = arith.mulf %add3A_521, %add3A_521 : vector<16xf32>
        %mul3A_536 = arith.mulf %add3A_528, %add3A_528 : vector<16xf32>
        %add3A_537 = arith.addf %mul3A_535, %mul3A_536 : vector<16xf32>
        %add3A_538 = arith.addf %add3A_534, %add3A_537 : vector<16xf32>
        %broadcast_in_dim3A_539 = arith.constant true
        %broadcast_in_dim3A_540 = vector.broadcast %broadcast_in_dim3A_539 : i1 to vector<16xi1>
        %masked_cumsum3A_541 = tpu.scan <sum>, %add3A_531 masked %broadcast_in_dim3A_540 : vector<16xf32>, vector<16xi1> -> vector<16xf32>
        %broadcast_in_dim3A_542 = arith.constant 15 : i32
        %broadcast_in_dim3A_543 = vector.broadcast %broadcast_in_dim3A_542 : i32 to vector<16x1xi32>
        %gather3A_544 = vector.shape_cast %broadcast_in_dim3A_543 : vector<16x1xi32> to vector<16xi32>
        %gather3A_545 = tpu.dynamic_gather %masked_cumsum3A_541[%gather3A_544] in [0] : vector<16xf32>, vector<16xi32> -> vector<16xf32>
        %broadcast_in_dim3A_546 = arith.constant true
        %broadcast_in_dim3A_547 = vector.broadcast %broadcast_in_dim3A_546 : i1 to vector<16xi1>
        %masked_cumsum3A_548 = tpu.scan <sum>, %add3A_538 masked %broadcast_in_dim3A_547 : vector<16xf32>, vector<16xi1> -> vector<16xf32>
        %broadcast_in_dim3A_549 = arith.constant 15 : i32
        %broadcast_in_dim3A_550 = vector.broadcast %broadcast_in_dim3A_549 : i32 to vector<16x1xi32>
        %gather3A_551 = vector.shape_cast %broadcast_in_dim3A_550 : vector<16x1xi32> to vector<16xi32>
        %gather3A_552 = tpu.dynamic_gather %masked_cumsum3A_548[%gather3A_551] in [0] : vector<16xf32>, vector<16xi32> -> vector<16xf32>
        %mul3A_553 = arith.constant 1.562500e-02 : f32
        %mul3A_554 = vector.broadcast %mul3A_553 : f32 to vector<16xf32>
        %mul3A_555 = arith.mulf %gather3A_545, %mul3A_554 : vector<16xf32>
        %mul3A_556 = arith.constant 1.562500e-02 : f32
        %mul3A_557 = vector.broadcast %mul3A_556 : f32 to vector<16xf32>
        %mul3A_558 = arith.mulf %gather3A_552, %mul3A_557 : vector<16xf32>
        %mul3A_559 = arith.mulf %mul3A_555, %mul3A_555 : vector<16xf32>
        %sub3A_560 = arith.subf %mul3A_558, %mul3A_559 : vector<16xf32>
        %add3A_561 = arith.constant 9.99999974E-6 : f32
        %add3A_562 = vector.broadcast %add3A_561 : f32 to vector<16xf32>
        %add3A_563 = arith.addf %sub3A_560, %add3A_562 : vector<16xf32>
        %bitcast3A_564 = vector.bitcast %add3A_563 : vector<16xf32> to vector<16xi32>
        %shift_right_arithmetic3A_565 = arith.constant 1 : i32
        %shift_right_arithmetic3A_566 = vector.broadcast %shift_right_arithmetic3A_565 : i32 to vector<16xi32>
        %shift_right_arithmetic3A_567 = arith.shrsi %bitcast3A_564, %shift_right_arithmetic3A_566 : vector<16xi32>
        %sub3A_568 = arith.constant 1597463007 : i32
        %sub3A_569 = vector.broadcast %sub3A_568 : i32 to vector<16xi32>
        %sub3A_570 = arith.subi %sub3A_569, %shift_right_arithmetic3A_567 : vector<16xi32>
        %bitcast3A_571 = vector.bitcast %sub3A_570 : vector<16xi32> to vector<16xf32>
        %mul3A_572 = arith.constant 5.000000e-01 : f32
        %mul3A_573 = vector.broadcast %mul3A_572 : f32 to vector<16xf32>
        %mul3A_574 = arith.mulf %mul3A_573, %add3A_563 : vector<16xf32>
        %mul3A_575 = arith.mulf %mul3A_574, %bitcast3A_571 : vector<16xf32>
        %mul3A_576 = arith.mulf %mul3A_575, %bitcast3A_571 : vector<16xf32>
        %sub3A_577 = arith.constant 1.500000e+00 : f32
        %sub3A_578 = vector.broadcast %sub3A_577 : f32 to vector<16xf32>
        %sub3A_579 = arith.subf %sub3A_578, %mul3A_576 : vector<16xf32>
        %mul3A_580 = arith.mulf %bitcast3A_571, %sub3A_579 : vector<16xf32>
        %mul3A_581 = arith.constant 5.000000e-01 : f32
        %mul3A_582 = vector.broadcast %mul3A_581 : f32 to vector<16xf32>
        %mul3A_583 = arith.mulf %mul3A_582, %add3A_563 : vector<16xf32>
        %mul3A_584 = arith.mulf %mul3A_583, %mul3A_580 : vector<16xf32>
        %mul3A_585 = arith.mulf %mul3A_584, %mul3A_580 : vector<16xf32>
        %sub3A_586 = arith.constant 1.500000e+00 : f32
        %sub3A_587 = vector.broadcast %sub3A_586 : f32 to vector<16xf32>
        %sub3A_588 = arith.subf %sub3A_587, %mul3A_585 : vector<16xf32>
        %mul3A_589 = arith.mulf %mul3A_580, %sub3A_588 : vector<16xf32>
        %sub3A_590 = arith.subf %add3A_507, %mul3A_555 : vector<16xf32>
        %mul3A_591 = arith.mulf %mul3A_589, %get3A_3 : vector<16xf32>
        %mul3A_592 = arith.mulf %sub3A_590, %mul3A_591 : vector<16xf32>
        %add3A_593 = arith.addf %mul3A_592, %get3A_11 : vector<16xf32>
        %swap3A_594 = arith.index_cast %add3A_500 : i32 to index
        %swap3A_595 = arith.constant 0 : index
        %swap3A_596 = tpu.vector_load %arg15[%swap3A_594, %swap3A_595] {strides = array<i32>} : memref<128x64xf32, #tpu.memory_space<vmem>>, vector<16xf32>,
        tpu.vector_store %arg15[%swap3A_594, %swap3A_595], %add3A_593 {strides = array<i32>} : memref<128x64xf32, #tpu.memory_space<vmem>>, vector<16xf32>,
        %sub3A_597 = arith.subf %add3A_514, %mul3A_555 : vector<16xf32>
        %mul3A_598 = arith.mulf %mul3A_589, %get3A_5 : vector<16xf32>
        %mul3A_599 = arith.mulf %sub3A_597, %mul3A_598 : vector<16xf32>
        %add3A_600 = arith.addf %mul3A_599, %get3A_13 : vector<16xf32>
        %swap3A_601 = arith.index_cast %add3A_500 : i32 to index
        %swap3A_602 = arith.constant 16 : index
        %swap3A_603 = tpu.vector_load %arg15[%swap3A_601, %swap3A_602] {strides = array<i32>} : memref<128x64xf32, #tpu.memory_space<vmem>>, vector<16xf32>,
        tpu.vector_store %arg15[%swap3A_601, %swap3A_602], %add3A_600 {strides = array<i32>} : memref<128x64xf32, #tpu.memory_space<vmem>>, vector<16xf32>,
        %sub3A_604 = arith.subf %add3A_521, %mul3A_555 : vector<16xf32>
        %mul3A_605 = arith.mulf %mul3A_589, %get3A_7 : vector<16xf32>
        %mul3A_606 = arith.mulf %sub3A_604, %mul3A_605 : vector<16xf32>
        %add3A_607 = arith.addf %mul3A_606, %get3A_15 : vector<16xf32>
        %swap3A_608 = arith.index_cast %add3A_500 : i32 to index
        %swap3A_609 = arith.constant 32 : index
        %swap3A_610 = tpu.vector_load %arg15[%swap3A_608, %swap3A_609] {strides = array<i32>} : memref<128x64xf32, #tpu.memory_space<vmem>>, vector<16xf32>,
        tpu.vector_store %arg15[%swap3A_608, %swap3A_609], %add3A_607 {strides = array<i32>} : memref<128x64xf32, #tpu.memory_space<vmem>>, vector<16xf32>,
        %sub3A_611 = arith.subf %add3A_528, %mul3A_555 : vector<16xf32>
        %mul3A_612 = arith.mulf %mul3A_589, %get3A_9 : vector<16xf32>
        %mul3A_613 = arith.mulf %sub3A_611, %mul3A_612 : vector<16xf32>
        %add3A_614 = arith.addf %mul3A_613, %get3A_17 : vector<16xf32>
        %swap3A_615 = arith.index_cast %add3A_500 : i32 to index
        %swap3A_616 = arith.constant 48 : index
        %swap3A_617 = tpu.vector_load %arg15[%swap3A_615, %swap3A_616] {strides = array<i32>} : memref<128x64xf32, #tpu.memory_space<vmem>>, vector<16xf32>,
        tpu.vector_store %arg15[%swap3A_615, %swap3A_616], %add3A_614 {strides = array<i32>} : memref<128x64xf32, #tpu.memory_space<vmem>>, vector<16xf32>,
        %mul3A_618 = arith.constant 16 : i32
        %mul3A_619 = arith.muli %scan3A_140, %mul3A_618 : i32
        %add3A_620 = arith.constant 4 : i32
        %add3A_621 = arith.addi %mul3A_619, %add3A_620 : i32
        %get3A_622 = arith.index_cast %add3A_621 : i32 to index
        %get3A_623 = arith.constant 0 : index
        %get3A_624 = tpu.vector_load %arg11[%get3A_622, %get3A_623] {strides = array<i32>} : memref<128x64xf32, #tpu.memory_space<vmem>>, vector<16xf32>,
        %get3A_625 = arith.index_cast %add3A_621 : i32 to index
        %get3A_626 = arith.constant 0 : index
        %get3A_627 = tpu.vector_load %arg13[%get3A_625, %get3A_626] {strides = array<i32>} : memref<128x64xf32, #tpu.memory_space<vmem>>, vector<16xf32>,
        %add3A_628 = arith.addf %get3A_624, %get3A_627 : vector<16xf32>
        %get3A_629 = arith.index_cast %add3A_621 : i32 to index
        %get3A_630 = arith.constant 16 : index
        %get3A_631 = tpu.vector_load %arg11[%get3A_629, %get3A_630] {strides = array<i32>} : memref<128x64xf32, #tpu.memory_space<vmem>>, vector<16xf32>,
        %get3A_632 = arith.index_cast %add3A_621 : i32 to index
        %get3A_633 = arith.constant 16 : index
        %get3A_634 = tpu.vector_load %arg13[%get3A_632, %get3A_633] {strides = array<i32>} : memref<128x64xf32, #tpu.memory_space<vmem>>, vector<16xf32>,
        %add3A_635 = arith.addf %get3A_631, %get3A_634 : vector<16xf32>
        %get3A_636 = arith.index_cast %add3A_621 : i32 to index
        %get3A_637 = arith.constant 32 : index
        %get3A_638 = tpu.vector_load %arg11[%get3A_636, %get3A_637] {strides = array<i32>} : memref<128x64xf32, #tpu.memory_space<vmem>>, vector<16xf32>,
        %get3A_639 = arith.index_cast %add3A_621 : i32 to index
        %get3A_640 = arith.constant 32 : index
        %get3A_641 = tpu.vector_load %arg13[%get3A_639, %get3A_640] {strides = array<i32>} : memref<128x64xf32, #tpu.memory_space<vmem>>, vector<16xf32>,
        %add3A_642 = arith.addf %get3A_638, %get3A_641 : vector<16xf32>
        %get3A_643 = arith.index_cast %add3A_621 : i32 to index
        %get3A_644 = arith.constant 48 : index
        %get3A_645 = tpu.vector_load %arg11[%get3A_643, %get3A_644] {strides = array<i32>} : memref<128x64xf32, #tpu.memory_space<vmem>>, vector<16xf32>,
        %get3A_646 = arith.index_cast %add3A_621 : i32 to index
        %get3A_647 = arith.constant 48 : index
        %get3A_648 = tpu.vector_load %arg13[%get3A_646, %get3A_647] {strides = array<i32>} : memref<128x64xf32, #tpu.memory_space<vmem>>, vector<16xf32>,
        %add3A_649 = arith.addf %get3A_645, %get3A_648 : vector<16xf32>
        %add3A_650 = arith.addf %add3A_628, %add3A_635 : vector<16xf32>
        %add3A_651 = arith.addf %add3A_642, %add3A_649 : vector<16xf32>
        %add3A_652 = arith.addf %add3A_650, %add3A_651 : vector<16xf32>
        %mul3A_653 = arith.mulf %add3A_628, %add3A_628 : vector<16xf32>
        %mul3A_654 = arith.mulf %add3A_635, %add3A_635 : vector<16xf32>
        %add3A_655 = arith.addf %mul3A_653, %mul3A_654 : vector<16xf32>
        %mul3A_656 = arith.mulf %add3A_642, %add3A_642 : vector<16xf32>
        %mul3A_657 = arith.mulf %add3A_649, %add3A_649 : vector<16xf32>
        %add3A_658 = arith.addf %mul3A_656, %mul3A_657 : vector<16xf32>
        %add3A_659 = arith.addf %add3A_655, %add3A_658 : vector<16xf32>
        %broadcast_in_dim3A_660 = arith.constant true
        %broadcast_in_dim3A_661 = vector.broadcast %broadcast_in_dim3A_660 : i1 to vector<16xi1>
        %masked_cumsum3A_662 = tpu.scan <sum>, %add3A_652 masked %broadcast_in_dim3A_661 : vector<16xf32>, vector<16xi1> -> vector<16xf32>
        %broadcast_in_dim3A_663 = arith.constant 15 : i32
        %broadcast_in_dim3A_664 = vector.broadcast %broadcast_in_dim3A_663 : i32 to vector<16x1xi32>
        %gather3A_665 = vector.shape_cast %broadcast_in_dim3A_664 : vector<16x1xi32> to vector<16xi32>
        %gather3A_666 = tpu.dynamic_gather %masked_cumsum3A_662[%gather3A_665] in [0] : vector<16xf32>, vector<16xi32> -> vector<16xf32>
        %broadcast_in_dim3A_667 = arith.constant true
        %broadcast_in_dim3A_668 = vector.broadcast %broadcast_in_dim3A_667 : i1 to vector<16xi1>
        %masked_cumsum3A_669 = tpu.scan <sum>, %add3A_659 masked %broadcast_in_dim3A_668 : vector<16xf32>, vector<16xi1> -> vector<16xf32>
        %broadcast_in_dim3A_670 = arith.constant 15 : i32
        %broadcast_in_dim3A_671 = vector.broadcast %broadcast_in_dim3A_670 : i32 to vector<16x1xi32>
        %gather3A_672 = vector.shape_cast %broadcast_in_dim3A_671 : vector<16x1xi32> to vector<16xi32>
        %gather3A_673 = tpu.dynamic_gather %masked_cumsum3A_669[%gather3A_672] in [0] : vector<16xf32>, vector<16xi32> -> vector<16xf32>
        %mul3A_674 = arith.constant 1.562500e-02 : f32
        %mul3A_675 = vector.broadcast %mul3A_674 : f32 to vector<16xf32>
        %mul3A_676 = arith.mulf %gather3A_666, %mul3A_675 : vector<16xf32>
        %mul3A_677 = arith.constant 1.562500e-02 : f32
        %mul3A_678 = vector.broadcast %mul3A_677 : f32 to vector<16xf32>
        %mul3A_679 = arith.mulf %gather3A_673, %mul3A_678 : vector<16xf32>
        %mul3A_680 = arith.mulf %mul3A_676, %mul3A_676 : vector<16xf32>
        %sub3A_681 = arith.subf %mul3A_679, %mul3A_680 : vector<16xf32>
        %add3A_682 = arith.constant 9.99999974E-6 : f32
        %add3A_683 = vector.broadcast %add3A_682 : f32 to vector<16xf32>
        %add3A_684 = arith.addf %sub3A_681, %add3A_683 : vector<16xf32>
        %bitcast3A_685 = vector.bitcast %add3A_684 : vector<16xf32> to vector<16xi32>
        %shift_right_arithmetic3A_686 = arith.constant 1 : i32
        %shift_right_arithmetic3A_687 = vector.broadcast %shift_right_arithmetic3A_686 : i32 to vector<16xi32>
        %shift_right_arithmetic3A_688 = arith.shrsi %bitcast3A_685, %shift_right_arithmetic3A_687 : vector<16xi32>
        %sub3A_689 = arith.constant 1597463007 : i32
        %sub3A_690 = vector.broadcast %sub3A_689 : i32 to vector<16xi32>
        %sub3A_691 = arith.subi %sub3A_690, %shift_right_arithmetic3A_688 : vector<16xi32>
        %bitcast3A_692 = vector.bitcast %sub3A_691 : vector<16xi32> to vector<16xf32>
        %mul3A_693 = arith.constant 5.000000e-01 : f32
        %mul3A_694 = vector.broadcast %mul3A_693 : f32 to vector<16xf32>
        %mul3A_695 = arith.mulf %mul3A_694, %add3A_684 : vector<16xf32>
        %mul3A_696 = arith.mulf %mul3A_695, %bitcast3A_692 : vector<16xf32>
        %mul3A_697 = arith.mulf %mul3A_696, %bitcast3A_692 : vector<16xf32>
        %sub3A_698 = arith.constant 1.500000e+00 : f32
        %sub3A_699 = vector.broadcast %sub3A_698 : f32 to vector<16xf32>
        %sub3A_700 = arith.subf %sub3A_699, %mul3A_697 : vector<16xf32>
        %mul3A_701 = arith.mulf %bitcast3A_692, %sub3A_700 : vector<16xf32>
        %mul3A_702 = arith.constant 5.000000e-01 : f32
        %mul3A_703 = vector.broadcast %mul3A_702 : f32 to vector<16xf32>
        %mul3A_704 = arith.mulf %mul3A_703, %add3A_684 : vector<16xf32>
        %mul3A_705 = arith.mulf %mul3A_704, %mul3A_701 : vector<16xf32>
        %mul3A_706 = arith.mulf %mul3A_705, %mul3A_701 : vector<16xf32>
        %sub3A_707 = arith.constant 1.500000e+00 : f32
        %sub3A_708 = vector.broadcast %sub3A_707 : f32 to vector<16xf32>
        %sub3A_709 = arith.subf %sub3A_708, %mul3A_706 : vector<16xf32>
        %mul3A_710 = arith.mulf %mul3A_701, %sub3A_709 : vector<16xf32>
        %sub3A_711 = arith.subf %add3A_628, %mul3A_676 : vector<16xf32>
        %mul3A_712 = arith.mulf %mul3A_710, %get3A_3 : vector<16xf32>
        %mul3A_713 = arith.mulf %sub3A_711, %mul3A_712 : vector<16xf32>
        %add3A_714 = arith.addf %mul3A_713, %get3A_11 : vector<16xf32>
        %swap3A_715 = arith.index_cast %add3A_621 : i32 to index
        %swap3A_716 = arith.constant 0 : index
        %swap3A_717 = tpu.vector_load %arg15[%swap3A_715, %swap3A_716] {strides = array<i32>} : memref<128x64xf32, #tpu.memory_space<vmem>>, vector<16xf32>,
        tpu.vector_store %arg15[%swap3A_715, %swap3A_716], %add3A_714 {strides = array<i32>} : memref<128x64xf32, #tpu.memory_space<vmem>>, vector<16xf32>,
        %sub3A_718 = arith.subf %add3A_635, %mul3A_676 : vector<16xf32>
        %mul3A_719 = arith.mulf %mul3A_710, %get3A_5 : vector<16xf32>
        %mul3A_720 = arith.mulf %sub3A_718, %mul3A_719 : vector<16xf32>
        %add3A_721 = arith.addf %mul3A_720, %get3A_13 : vector<16xf32>
        %swap3A_722 = arith.index_cast %add3A_621 : i32 to index
        %swap3A_723 = arith.constant 16 : index
        %swap3A_724 = tpu.vector_load %arg15[%swap3A_722, %swap3A_723] {strides = array<i32>} : memref<128x64xf32, #tpu.memory_space<vmem>>, vector<16xf32>,
        tpu.vector_store %arg15[%swap3A_722, %swap3A_723], %add3A_721 {strides = array<i32>} : memref<128x64xf32, #tpu.memory_space<vmem>>, vector<16xf32>,
        %sub3A_725 = arith.subf %add3A_642, %mul3A_676 : vector<16xf32>
        %mul3A_726 = arith.mulf %mul3A_710, %get3A_7 : vector<16xf32>
        %mul3A_727 = arith.mulf %sub3A_725, %mul3A_726 : vector<16xf32>
        %add3A_728 = arith.addf %mul3A_727, %get3A_15 : vector<16xf32>
        %swap3A_729 = arith.index_cast %add3A_621 : i32 to index
        %swap3A_730 = arith.constant 32 : index
        %swap3A_731 = tpu.vector_load %arg15[%swap3A_729, %swap3A_730] {strides = array<i32>} : memref<128x64xf32, #tpu.memory_space<vmem>>, vector<16xf32>,
        tpu.vector_store %arg15[%swap3A_729, %swap3A_730], %add3A_728 {strides = array<i32>} : memref<128x64xf32, #tpu.memory_space<vmem>>, vector<16xf32>,
        %sub3A_732 = arith.subf %add3A_649, %mul3A_676 : vector<16xf32>
        %mul3A_733 = arith.mulf %mul3A_710, %get3A_9 : vector<16xf32>
        %mul3A_734 = arith.mulf %sub3A_732, %mul3A_733 : vector<16xf32>
        %add3A_735 = arith.addf %mul3A_734, %get3A_17 : vector<16xf32>
        %swap3A_736 = arith.index_cast %add3A_621 : i32 to index
        %swap3A_737 = arith.constant 48 : index
        %swap3A_738 = tpu.vector_load %arg15[%swap3A_736, %swap3A_737] {strides = array<i32>} : memref<128x64xf32, #tpu.memory_space<vmem>>, vector<16xf32>,
        tpu.vector_store %arg15[%swap3A_736, %swap3A_737], %add3A_735 {strides = array<i32>} : memref<128x64xf32, #tpu.memory_space<vmem>>, vector<16xf32>,
        %mul3A_739 = arith.constant 16 : i32
        %mul3A_740 = arith.muli %scan3A_140, %mul3A_739 : i32
        %add3A_741 = arith.constant 5 : i32
        %add3A_742 = arith.addi %mul3A_740, %add3A_741 : i32
        %get3A_743 = arith.index_cast %add3A_742 : i32 to index
        %get3A_744 = arith.constant 0 : index
        %get3A_745 = tpu.vector_load %arg11[%get3A_743, %get3A_744] {strides = array<i32>} : memref<128x64xf32, #tpu.memory_space<vmem>>, vector<16xf32>,
        %get3A_746 = arith.index_cast %add3A_742 : i32 to index
        %get3A_747 = arith.constant 0 : index
        %get3A_748 = tpu.vector_load %arg13[%get3A_746, %get3A_747] {strides = array<i32>} : memref<128x64xf32, #tpu.memory_space<vmem>>, vector<16xf32>,
        %add3A_749 = arith.addf %get3A_745, %get3A_748 : vector<16xf32>
        %get3A_750 = arith.index_cast %add3A_742 : i32 to index
        %get3A_751 = arith.constant 16 : index
        %get3A_752 = tpu.vector_load %arg11[%get3A_750, %get3A_751] {strides = array<i32>} : memref<128x64xf32, #tpu.memory_space<vmem>>, vector<16xf32>,
        %get3A_753 = arith.index_cast %add3A_742 : i32 to index
        %get3A_754 = arith.constant 16 : index
        %get3A_755 = tpu.vector_load %arg13[%get3A_753, %get3A_754] {strides = array<i32>} : memref<128x64xf32, #tpu.memory_space<vmem>>, vector<16xf32>,
        %add3A_756 = arith.addf %get3A_752, %get3A_755 : vector<16xf32>
        %get3A_757 = arith.index_cast %add3A_742 : i32 to index
        %get3A_758 = arith.constant 32 : index
        %get3A_759 = tpu.vector_load %arg11[%get3A_757, %get3A_758] {strides = array<i32>} : memref<128x64xf32, #tpu.memory_space<vmem>>, vector<16xf32>,
        %get3A_760 = arith.index_cast %add3A_742 : i32 to index
        %get3A_761 = arith.constant 32 : index
        %get3A_762 = tpu.vector_load %arg13[%get3A_760, %get3A_761] {strides = array<i32>} : memref<128x64xf32, #tpu.memory_space<vmem>>, vector<16xf32>,
        %add3A_763 = arith.addf %get3A_759, %get3A_762 : vector<16xf32>
        %get3A_764 = arith.index_cast %add3A_742 : i32 to index
        %get3A_765 = arith.constant 48 : index
        %get3A_766 = tpu.vector_load %arg11[%get3A_764, %get3A_765] {strides = array<i32>} : memref<128x64xf32, #tpu.memory_space<vmem>>, vector<16xf32>,
        %get3A_767 = arith.index_cast %add3A_742 : i32 to index
        %get3A_768 = arith.constant 48 : index
        %get3A_769 = tpu.vector_load %arg13[%get3A_767, %get3A_768] {strides = array<i32>} : memref<128x64xf32, #tpu.memory_space<vmem>>, vector<16xf32>,
        %add3A_770 = arith.addf %get3A_766, %get3A_769 : vector<16xf32>
        %add3A_771 = arith.addf %add3A_749, %add3A_756 : vector<16xf32>
        %add3A_772 = arith.addf %add3A_763, %add3A_770 : vector<16xf32>
        %add3A_773 = arith.addf %add3A_771, %add3A_772 : vector<16xf32>
        %mul3A_774 = arith.mulf %add3A_749, %add3A_749 : vector<16xf32>
        %mul3A_775 = arith.mulf %add3A_756, %add3A_756 : vector<16xf32>
        %add3A_776 = arith.addf %mul3A_774, %mul3A_775 : vector<16xf32>
        %mul3A_777 = arith.mulf %add3A_763, %add3A_763 : vector<16xf32>
        %mul3A_778 = arith.mulf %add3A_770, %add3A_770 : vector<16xf32>
        %add3A_779 = arith.addf %mul3A_777, %mul3A_778 : vector<16xf32>
        %add3A_780 = arith.addf %add3A_776, %add3A_779 : vector<16xf32>
        %broadcast_in_dim3A_781 = arith.constant true
        %broadcast_in_dim3A_782 = vector.broadcast %broadcast_in_dim3A_781 : i1 to vector<16xi1>
        %masked_cumsum3A_783 = tpu.scan <sum>, %add3A_773 masked %broadcast_in_dim3A_782 : vector<16xf32>, vector<16xi1> -> vector<16xf32>
        %broadcast_in_dim3A_784 = arith.constant 15 : i32
        %broadcast_in_dim3A_785 = vector.broadcast %broadcast_in_dim3A_784 : i32 to vector<16x1xi32>
        %gather3A_786 = vector.shape_cast %broadcast_in_dim3A_785 : vector<16x1xi32> to vector<16xi32>
        %gather3A_787 = tpu.dynamic_gather %masked_cumsum3A_783[%gather3A_786] in [0] : vector<16xf32>, vector<16xi32> -> vector<16xf32>
        %broadcast_in_dim3A_788 = arith.constant true
        %broadcast_in_dim3A_789 = vector.broadcast %broadcast_in_dim3A_788 : i1 to vector<16xi1>
        %masked_cumsum3A_790 = tpu.scan <sum>, %add3A_780 masked %broadcast_in_dim3A_789 : vector<16xf32>, vector<16xi1> -> vector<16xf32>
        %broadcast_in_dim3A_791 = arith.constant 15 : i32
        %broadcast_in_dim3A_792 = vector.broadcast %broadcast_in_dim3A_791 : i32 to vector<16x1xi32>
        %gather3A_793 = vector.shape_cast %broadcast_in_dim3A_792 : vector<16x1xi32> to vector<16xi32>
        %gather3A_794 = tpu.dynamic_gather %masked_cumsum3A_790[%gather3A_793] in [0] : vector<16xf32>, vector<16xi32> -> vector<16xf32>
        %mul3A_795 = arith.constant 1.562500e-02 : f32
        %mul3A_796 = vector.broadcast %mul3A_795 : f32 to vector<16xf32>
        %mul3A_797 = arith.mulf %gather3A_787, %mul3A_796 : vector<16xf32>
        %mul3A_798 = arith.constant 1.562500e-02 : f32
        %mul3A_799 = vector.broadcast %mul3A_798 : f32 to vector<16xf32>
        %mul3A_800 = arith.mulf %gather3A_794, %mul3A_799 : vector<16xf32>
        %mul3A_801 = arith.mulf %mul3A_797, %mul3A_797 : vector<16xf32>
        %sub3A_802 = arith.subf %mul3A_800, %mul3A_801 : vector<16xf32>
        %add3A_803 = arith.constant 9.99999974E-6 : f32
        %add3A_804 = vector.broadcast %add3A_803 : f32 to vector<16xf32>
        %add3A_805 = arith.addf %sub3A_802, %add3A_804 : vector<16xf32>
        %bitcast3A_806 = vector.bitcast %add3A_805 : vector<16xf32> to vector<16xi32>
        %shift_right_arithmetic3A_807 = arith.constant 1 : i32
        %shift_right_arithmetic3A_808 = vector.broadcast %shift_right_arithmetic3A_807 : i32 to vector<16xi32>
        %shift_right_arithmetic3A_809 = arith.shrsi %bitcast3A_806, %shift_right_arithmetic3A_808 : vector<16xi32>
        %sub3A_810 = arith.constant 1597463007 : i32
        %sub3A_811 = vector.broadcast %sub3A_810 : i32 to vector<16xi32>
        %sub3A_812 = arith.subi %sub3A_811, %shift_right_arithmetic3A_809 : vector<16xi32>
        %bitcast3A_813 = vector.bitcast %sub3A_812 : vector<16xi32> to vector<16xf32>
        %mul3A_814 = arith.constant 5.000000e-01 : f32
        %mul3A_815 = vector.broadcast %mul3A_814 : f32 to vector<16xf32>
        %mul3A_816 = arith.mulf %mul3A_815, %add3A_805 : vector<16xf32>
        %mul3A_817 = arith.mulf %mul3A_816, %bitcast3A_813 : vector<16xf32>
        %mul3A_818 = arith.mulf %mul3A_817, %bitcast3A_813 : vector<16xf32>
        %sub3A_819 = arith.constant 1.500000e+00 : f32
        %sub3A_820 = vector.broadcast %sub3A_819 : f32 to vector<16xf32>
        %sub3A_821 = arith.subf %sub3A_820, %mul3A_818 : vector<16xf32>
        %mul3A_822 = arith.mulf %bitcast3A_813, %sub3A_821 : vector<16xf32>
        %mul3A_823 = arith.constant 5.000000e-01 : f32
        %mul3A_824 = vector.broadcast %mul3A_823 : f32 to vector<16xf32>
        %mul3A_825 = arith.mulf %mul3A_824, %add3A_805 : vector<16xf32>
        %mul3A_826 = arith.mulf %mul3A_825, %mul3A_822 : vector<16xf32>
        %mul3A_827 = arith.mulf %mul3A_826, %mul3A_822 : vector<16xf32>
        %sub3A_828 = arith.constant 1.500000e+00 : f32
        %sub3A_829 = vector.broadcast %sub3A_828 : f32 to vector<16xf32>
        %sub3A_830 = arith.subf %sub3A_829, %mul3A_827 : vector<16xf32>
        %mul3A_831 = arith.mulf %mul3A_822, %sub3A_830 : vector<16xf32>
        %sub3A_832 = arith.subf %add3A_749, %mul3A_797 : vector<16xf32>
        %mul3A_833 = arith.mulf %mul3A_831, %get3A_3 : vector<16xf32>
        %mul3A_834 = arith.mulf %sub3A_832, %mul3A_833 : vector<16xf32>
        %add3A_835 = arith.addf %mul3A_834, %get3A_11 : vector<16xf32>
        %swap3A_836 = arith.index_cast %add3A_742 : i32 to index
        %swap3A_837 = arith.constant 0 : index
        %swap3A_838 = tpu.vector_load %arg15[%swap3A_836, %swap3A_837] {strides = array<i32>} : memref<128x64xf32, #tpu.memory_space<vmem>>, vector<16xf32>,
        tpu.vector_store %arg15[%swap3A_836, %swap3A_837], %add3A_835 {strides = array<i32>} : memref<128x64xf32, #tpu.memory_space<vmem>>, vector<16xf32>,
        %sub3A_839 = arith.subf %add3A_756, %mul3A_797 : vector<16xf32>
        %mul3A_840 = arith.mulf %mul3A_831, %get3A_5 : vector<16xf32>
        %mul3A_841 = arith.mulf %sub3A_839, %mul3A_840 : vector<16xf32>
        %add3A_842 = arith.addf %mul3A_841, %get3A_13 : vector<16xf32>
        %swap3A_843 = arith.index_cast %add3A_742 : i32 to index
        %swap3A_844 = arith.constant 16 : index
        %swap3A_845 = tpu.vector_load %arg15[%swap3A_843, %swap3A_844] {strides = array<i32>} : memref<128x64xf32, #tpu.memory_space<vmem>>, vector<16xf32>,
        tpu.vector_store %arg15[%swap3A_843, %swap3A_844], %add3A_842 {strides = array<i32>} : memref<128x64xf32, #tpu.memory_space<vmem>>, vector<16xf32>,
        %sub3A_846 = arith.subf %add3A_763, %mul3A_797 : vector<16xf32>
        %mul3A_847 = arith.mulf %mul3A_831, %get3A_7 : vector<16xf32>
        %mul3A_848 = arith.mulf %sub3A_846, %mul3A_847 : vector<16xf32>
        %add3A_849 = arith.addf %mul3A_848, %get3A_15 : vector<16xf32>
        %swap3A_850 = arith.index_cast %add3A_742 : i32 to index
        %swap3A_851 = arith.constant 32 : index
        %swap3A_852 = tpu.vector_load %arg15[%swap3A_850, %swap3A_851] {strides = array<i32>} : memref<128x64xf32, #tpu.memory_space<vmem>>, vector<16xf32>,
        tpu.vector_store %arg15[%swap3A_850, %swap3A_851], %add3A_849 {strides = array<i32>} : memref<128x64xf32, #tpu.memory_space<vmem>>, vector<16xf32>,
        %sub3A_853 = arith.subf %add3A_770, %mul3A_797 : vector<16xf32>
        %mul3A_854 = arith.mulf %mul3A_831, %get3A_9 : vector<16xf32>
        %mul3A_855 = arith.mulf %sub3A_853, %mul3A_854 : vector<16xf32>
        %add3A_856 = arith.addf %mul3A_855, %get3A_17 : vector<16xf32>
        %swap3A_857 = arith.index_cast %add3A_742 : i32 to index
        %swap3A_858 = arith.constant 48 : index
        %swap3A_859 = tpu.vector_load %arg15[%swap3A_857, %swap3A_858] {strides = array<i32>} : memref<128x64xf32, #tpu.memory_space<vmem>>, vector<16xf32>,
        tpu.vector_store %arg15[%swap3A_857, %swap3A_858], %add3A_856 {strides = array<i32>} : memref<128x64xf32, #tpu.memory_space<vmem>>, vector<16xf32>,
        %mul3A_860 = arith.constant 16 : i32
        %mul3A_861 = arith.muli %scan3A_140, %mul3A_860 : i32
        %add3A_862 = arith.constant 6 : i32
        %add3A_863 = arith.addi %mul3A_861, %add3A_862 : i32
        %get3A_864 = arith.index_cast %add3A_863 : i32 to index
        %get3A_865 = arith.constant 0 : index
        %get3A_866 = tpu.vector_load %arg11[%get3A_864, %get3A_865] {strides = array<i32>} : memref<128x64xf32, #tpu.memory_space<vmem>>, vector<16xf32>,
        %get3A_867 = arith.index_cast %add3A_863 : i32 to index
        %get3A_868 = arith.constant 0 : index
        %get3A_869 = tpu.vector_load %arg13[%get3A_867, %get3A_868] {strides = array<i32>} : memref<128x64xf32, #tpu.memory_space<vmem>>, vector<16xf32>,
        %add3A_870 = arith.addf %get3A_866, %get3A_869 : vector<16xf32>
        %get3A_871 = arith.index_cast %add3A_863 : i32 to index
        %get3A_872 = arith.constant 16 : index
        %get3A_873 = tpu.vector_load %arg11[%get3A_871, %get3A_872] {strides = array<i32>} : memref<128x64xf32, #tpu.memory_space<vmem>>, vector<16xf32>,
        %get3A_874 = arith.index_cast %add3A_863 : i32 to index
        %get3A_875 = arith.constant 16 : index
        %get3A_876 = tpu.vector_load %arg13[%get3A_874, %get3A_875] {strides = array<i32>} : memref<128x64xf32, #tpu.memory_space<vmem>>, vector<16xf32>,
        %add3A_877 = arith.addf %get3A_873, %get3A_876 : vector<16xf32>
        %get3A_878 = arith.index_cast %add3A_863 : i32 to index
        %get3A_879 = arith.constant 32 : index
        %get3A_880 = tpu.vector_load %arg11[%get3A_878, %get3A_879] {strides = array<i32>} : memref<128x64xf32, #tpu.memory_space<vmem>>, vector<16xf32>,
        %get3A_881 = arith.index_cast %add3A_863 : i32 to index
        %get3A_882 = arith.constant 32 : index
        %get3A_883 = tpu.vector_load %arg13[%get3A_881, %get3A_882] {strides = array<i32>} : memref<128x64xf32, #tpu.memory_space<vmem>>, vector<16xf32>,
        %add3A_884 = arith.addf %get3A_880, %get3A_883 : vector<16xf32>
        %get3A_885 = arith.index_cast %add3A_863 : i32 to index
        %get3A_886 = arith.constant 48 : index
        %get3A_887 = tpu.vector_load %arg11[%get3A_885, %get3A_886] {strides = array<i32>} : memref<128x64xf32, #tpu.memory_space<vmem>>, vector<16xf32>,
        %get3A_888 = arith.index_cast %add3A_863 : i32 to index
        %get3A_889 = arith.constant 48 : index
        %get3A_890 = tpu.vector_load %arg13[%get3A_888, %get3A_889] {strides = array<i32>} : memref<128x64xf32, #tpu.memory_space<vmem>>, vector<16xf32>,
        %add3A_891 = arith.addf %get3A_887, %get3A_890 : vector<16xf32>
        %add3A_892 = arith.addf %add3A_870, %add3A_877 : vector<16xf32>
        %add3A_893 = arith.addf %add3A_884, %add3A_891 : vector<16xf32>
        %add3A_894 = arith.addf %add3A_892, %add3A_893 : vector<16xf32>
        %mul3A_895 = arith.mulf %add3A_870, %add3A_870 : vector<16xf32>
        %mul3A_896 = arith.mulf %add3A_877, %add3A_877 : vector<16xf32>
        %add3A_897 = arith.addf %mul3A_895, %mul3A_896 : vector<16xf32>
        %mul3A_898 = arith.mulf %add3A_884, %add3A_884 : vector<16xf32>
        %mul3A_899 = arith.mulf %add3A_891, %add3A_891 : vector<16xf32>
        %add3A_900 = arith.addf %mul3A_898, %mul3A_899 : vector<16xf32>
        %add3A_901 = arith.addf %add3A_897, %add3A_900 : vector<16xf32>
        %broadcast_in_dim3A_902 = arith.constant true
        %broadcast_in_dim3A_903 = vector.broadcast %broadcast_in_dim3A_902 : i1 to vector<16xi1>
        %masked_cumsum3A_904 = tpu.scan <sum>, %add3A_894 masked %broadcast_in_dim3A_903 : vector<16xf32>, vector<16xi1> -> vector<16xf32>
        %broadcast_in_dim3A_905 = arith.constant 15 : i32
        %broadcast_in_dim3A_906 = vector.broadcast %broadcast_in_dim3A_905 : i32 to vector<16x1xi32>
        %gather3A_907 = vector.shape_cast %broadcast_in_dim3A_906 : vector<16x1xi32> to vector<16xi32>
        %gather3A_908 = tpu.dynamic_gather %masked_cumsum3A_904[%gather3A_907] in [0] : vector<16xf32>, vector<16xi32> -> vector<16xf32>
        %broadcast_in_dim3A_909 = arith.constant true
        %broadcast_in_dim3A_910 = vector.broadcast %broadcast_in_dim3A_909 : i1 to vector<16xi1>
        %masked_cumsum3A_911 = tpu.scan <sum>, %add3A_901 masked %broadcast_in_dim3A_910 : vector<16xf32>, vector<16xi1> -> vector<16xf32>
        %broadcast_in_dim3A_912 = arith.constant 15 : i32
        %broadcast_in_dim3A_913 = vector.broadcast %broadcast_in_dim3A_912 : i32 to vector<16x1xi32>
        %gather3A_914 = vector.shape_cast %broadcast_in_dim3A_913 : vector<16x1xi32> to vector<16xi32>
        %gather3A_915 = tpu.dynamic_gather %masked_cumsum3A_911[%gather3A_914] in [0] : vector<16xf32>, vector<16xi32> -> vector<16xf32>
        %mul3A_916 = arith.constant 1.562500e-02 : f32
        %mul3A_917 = vector.broadcast %mul3A_916 : f32 to vector<16xf32>
        %mul3A_918 = arith.mulf %gather3A_908, %mul3A_917 : vector<16xf32>
        %mul3A_919 = arith.constant 1.562500e-02 : f32
        %mul3A_920 = vector.broadcast %mul3A_919 : f32 to vector<16xf32>
        %mul3A_921 = arith.mulf %gather3A_915, %mul3A_920 : vector<16xf32>
        %mul3A_922 = arith.mulf %mul3A_918, %mul3A_918 : vector<16xf32>
        %sub3A_923 = arith.subf %mul3A_921, %mul3A_922 : vector<16xf32>
        %add3A_924 = arith.constant 9.99999974E-6 : f32
        %add3A_925 = vector.broadcast %add3A_924 : f32 to vector<16xf32>
        %add3A_926 = arith.addf %sub3A_923, %add3A_925 : vector<16xf32>
        %bitcast3A_927 = vector.bitcast %add3A_926 : vector<16xf32> to vector<16xi32>
        %shift_right_arithmetic3A_928 = arith.constant 1 : i32
        %shift_right_arithmetic3A_929 = vector.broadcast %shift_right_arithmetic3A_928 : i32 to vector<16xi32>
        %shift_right_arithmetic3A_930 = arith.shrsi %bitcast3A_927, %shift_right_arithmetic3A_929 : vector<16xi32>
        %sub3A_931 = arith.constant 1597463007 : i32
        %sub3A_932 = vector.broadcast %sub3A_931 : i32 to vector<16xi32>
        %sub3A_933 = arith.subi %sub3A_932, %shift_right_arithmetic3A_930 : vector<16xi32>
        %bitcast3A_934 = vector.bitcast %sub3A_933 : vector<16xi32> to vector<16xf32>
        %mul3A_935 = arith.constant 5.000000e-01 : f32
        %mul3A_936 = vector.broadcast %mul3A_935 : f32 to vector<16xf32>
        %mul3A_937 = arith.mulf %mul3A_936, %add3A_926 : vector<16xf32>
        %mul3A_938 = arith.mulf %mul3A_937, %bitcast3A_934 : vector<16xf32>
        %mul3A_939 = arith.mulf %mul3A_938, %bitcast3A_934 : vector<16xf32>
        %sub3A_940 = arith.constant 1.500000e+00 : f32
        %sub3A_941 = vector.broadcast %sub3A_940 : f32 to vector<16xf32>
        %sub3A_942 = arith.subf %sub3A_941, %mul3A_939 : vector<16xf32>
        %mul3A_943 = arith.mulf %bitcast3A_934, %sub3A_942 : vector<16xf32>
        %mul3A_944 = arith.constant 5.000000e-01 : f32
        %mul3A_945 = vector.broadcast %mul3A_944 : f32 to vector<16xf32>
        %mul3A_946 = arith.mulf %mul3A_945, %add3A_926 : vector<16xf32>
        %mul3A_947 = arith.mulf %mul3A_946, %mul3A_943 : vector<16xf32>
        %mul3A_948 = arith.mulf %mul3A_947, %mul3A_943 : vector<16xf32>
        %sub3A_949 = arith.constant 1.500000e+00 : f32
        %sub3A_950 = vector.broadcast %sub3A_949 : f32 to vector<16xf32>
        %sub3A_951 = arith.subf %sub3A_950, %mul3A_948 : vector<16xf32>
        %mul3A_952 = arith.mulf %mul3A_943, %sub3A_951 : vector<16xf32>
        %sub3A_953 = arith.subf %add3A_870, %mul3A_918 : vector<16xf32>
        %mul3A_954 = arith.mulf %mul3A_952, %get3A_3 : vector<16xf32>
        %mul3A_955 = arith.mulf %sub3A_953, %mul3A_954 : vector<16xf32>
        %add3A_956 = arith.addf %mul3A_955, %get3A_11 : vector<16xf32>
        %swap3A_957 = arith.index_cast %add3A_863 : i32 to index
        %swap3A_958 = arith.constant 0 : index
        %swap3A_959 = tpu.vector_load %arg15[%swap3A_957, %swap3A_958] {strides = array<i32>} : memref<128x64xf32, #tpu.memory_space<vmem>>, vector<16xf32>,
        tpu.vector_store %arg15[%swap3A_957, %swap3A_958], %add3A_956 {strides = array<i32>} : memref<128x64xf32, #tpu.memory_space<vmem>>, vector<16xf32>,
        %sub3A_960 = arith.subf %add3A_877, %mul3A_918 : vector<16xf32>
        %mul3A_961 = arith.mulf %mul3A_952, %get3A_5 : vector<16xf32>
        %mul3A_962 = arith.mulf %sub3A_960, %mul3A_961 : vector<16xf32>
        %add3A_963 = arith.addf %mul3A_962, %get3A_13 : vector<16xf32>
        %swap3A_964 = arith.index_cast %add3A_863 : i32 to index
        %swap3A_965 = arith.constant 16 : index
        %swap3A_966 = tpu.vector_load %arg15[%swap3A_964, %swap3A_965] {strides = array<i32>} : memref<128x64xf32, #tpu.memory_space<vmem>>, vector<16xf32>,
        tpu.vector_store %arg15[%swap3A_964, %swap3A_965], %add3A_963 {strides = array<i32>} : memref<128x64xf32, #tpu.memory_space<vmem>>, vector<16xf32>,
        %sub3A_967 = arith.subf %add3A_884, %mul3A_918 : vector<16xf32>
        %mul3A_968 = arith.mulf %mul3A_952, %get3A_7 : vector<16xf32>
        %mul3A_969 = arith.mulf %sub3A_967, %mul3A_968 : vector<16xf32>
        %add3A_970 = arith.addf %mul3A_969, %get3A_15 : vector<16xf32>
        %swap3A_971 = arith.index_cast %add3A_863 : i32 to index
        %swap3A_972 = arith.constant 32 : index
        %swap3A_973 = tpu.vector_load %arg15[%swap3A_971, %swap3A_972] {strides = array<i32>} : memref<128x64xf32, #tpu.memory_space<vmem>>, vector<16xf32>,
        tpu.vector_store %arg15[%swap3A_971, %swap3A_972], %add3A_970 {strides = array<i32>} : memref<128x64xf32, #tpu.memory_space<vmem>>, vector<16xf32>,
        %sub3A_974 = arith.subf %add3A_891, %mul3A_918 : vector<16xf32>
        %mul3A_975 = arith.mulf %mul3A_952, %get3A_9 : vector<16xf32>
        %mul3A_976 = arith.mulf %sub3A_974, %mul3A_975 : vector<16xf32>
        %add3A_977 = arith.addf %mul3A_976, %get3A_17 : vector<16xf32>
        %swap3A_978 = arith.index_cast %add3A_863 : i32 to index
        %swap3A_979 = arith.constant 48 : index
        %swap3A_980 = tpu.vector_load %arg15[%swap3A_978, %swap3A_979] {strides = array<i32>} : memref<128x64xf32, #tpu.memory_space<vmem>>, vector<16xf32>,
        tpu.vector_store %arg15[%swap3A_978, %swap3A_979], %add3A_977 {strides = array<i32>} : memref<128x64xf32, #tpu.memory_space<vmem>>, vector<16xf32>,
        %mul3A_981 = arith.constant 16 : i32
        %mul3A_982 = arith.muli %scan3A_140, %mul3A_981 : i32
        %add3A_983 = arith.constant 7 : i32
        %add3A_984 = arith.addi %mul3A_982, %add3A_983 : i32
        %get3A_985 = arith.index_cast %add3A_984 : i32 to index
        %get3A_986 = arith.constant 0 : index
        %get3A_987 = tpu.vector_load %arg11[%get3A_985, %get3A_986] {strides = array<i32>} : memref<128x64xf32, #tpu.memory_space<vmem>>, vector<16xf32>,
        %get3A_988 = arith.index_cast %add3A_984 : i32 to index
        %get3A_989 = arith.constant 0 : index
        %get3A_990 = tpu.vector_load %arg13[%get3A_988, %get3A_989] {strides = array<i32>} : memref<128x64xf32, #tpu.memory_space<vmem>>, vector<16xf32>,
        %add3A_991 = arith.addf %get3A_987, %get3A_990 : vector<16xf32>
        %get3A_992 = arith.index_cast %add3A_984 : i32 to index
        %get3A_993 = arith.constant 16 : index
        %get3A_994 = tpu.vector_load %arg11[%get3A_992, %get3A_993] {strides = array<i32>} : memref<128x64xf32, #tpu.memory_space<vmem>>, vector<16xf32>,
        %get3A_995 = arith.index_cast %add3A_984 : i32 to index
        %get3A_996 = arith.constant 16 : index
        %get3A_997 = tpu.vector_load %arg13[%get3A_995, %get3A_996] {strides = array<i32>} : memref<128x64xf32, #tpu.memory_space<vmem>>, vector<16xf32>,
        %add3A_998 = arith.addf %get3A_994, %get3A_997 : vector<16xf32>
        %get3A_999 = arith.index_cast %add3A_984 : i32 to index
        %get3A_1000 = arith.constant 32 : index
        %get3A_1001 = tpu.vector_load %arg11[%get3A_999, %get3A_1000] {strides = array<i32>} : memref<128x64xf32, #tpu.memory_space<vmem>>, vector<16xf32>,
        %get3A_1002 = arith.index_cast %add3A_984 : i32 to index
        %get3A_1003 = arith.constant 32 : index
        %get3A_1004 = tpu.vector_load %arg13[%get3A_1002, %get3A_1003] {strides = array<i32>} : memref<128x64xf32, #tpu.memory_space<vmem>>, vector<16xf32>,
        %add3A_1005 = arith.addf %get3A_1001, %get3A_1004 : vector<16xf32>
        %get3A_1006 = arith.index_cast %add3A_984 : i32 to index
        %get3A_1007 = arith.constant 48 : index
        %get3A_1008 = tpu.vector_load %arg11[%get3A_1006, %get3A_1007] {strides = array<i32>} : memref<128x64xf32, #tpu.memory_space<vmem>>, vector<16xf32>,
        %get3A_1009 = arith.index_cast %add3A_984 : i32 to index
        %get3A_1010 = arith.constant 48 : index
        %get3A_1011 = tpu.vector_load %arg13[%get3A_1009, %get3A_1010] {strides = array<i32>} : memref<128x64xf32, #tpu.memory_space<vmem>>, vector<16xf32>,
        %add3A_1012 = arith.addf %get3A_1008, %get3A_1011 : vector<16xf32>
        %add3A_1013 = arith.addf %add3A_991, %add3A_998 : vector<16xf32>
        %add3A_1014 = arith.addf %add3A_1005, %add3A_1012 : vector<16xf32>
        %add3A_1015 = arith.addf %add3A_1013, %add3A_1014 : vector<16xf32>
        %mul3A_1016 = arith.mulf %add3A_991, %add3A_991 : vector<16xf32>
        %mul3A_1017 = arith.mulf %add3A_998, %add3A_998 : vector<16xf32>
        %add3A_1018 = arith.addf %mul3A_1016, %mul3A_1017 : vector<16xf32>
        %mul3A_1019 = arith.mulf %add3A_1005, %add3A_1005 : vector<16xf32>
        %mul3A_1020 = arith.mulf %add3A_1012, %add3A_1012 : vector<16xf32>
        %add3A_1021 = arith.addf %mul3A_1019, %mul3A_1020 : vector<16xf32>
        %add3A_1022 = arith.addf %add3A_1018, %add3A_1021 : vector<16xf32>
        %broadcast_in_dim3A_1023 = arith.constant true
        %broadcast_in_dim3A_1024 = vector.broadcast %broadcast_in_dim3A_1023 : i1 to vector<16xi1>
        %masked_cumsum3A_1025 = tpu.scan <sum>, %add3A_1015 masked %broadcast_in_dim3A_1024 : vector<16xf32>, vector<16xi1> -> vector<16xf32>
        %broadcast_in_dim3A_1026 = arith.constant 15 : i32
        %broadcast_in_dim3A_1027 = vector.broadcast %broadcast_in_dim3A_1026 : i32 to vector<16x1xi32>
        %gather3A_1028 = vector.shape_cast %broadcast_in_dim3A_1027 : vector<16x1xi32> to vector<16xi32>
        %gather3A_1029 = tpu.dynamic_gather %masked_cumsum3A_1025[%gather3A_1028] in [0] : vector<16xf32>, vector<16xi32> -> vector<16xf32>
        %broadcast_in_dim3A_1030 = arith.constant true
        %broadcast_in_dim3A_1031 = vector.broadcast %broadcast_in_dim3A_1030 : i1 to vector<16xi1>
        %masked_cumsum3A_1032 = tpu.scan <sum>, %add3A_1022 masked %broadcast_in_dim3A_1031 : vector<16xf32>, vector<16xi1> -> vector<16xf32>
        %broadcast_in_dim3A_1033 = arith.constant 15 : i32
        %broadcast_in_dim3A_1034 = vector.broadcast %broadcast_in_dim3A_1033 : i32 to vector<16x1xi32>
        %gather3A_1035 = vector.shape_cast %broadcast_in_dim3A_1034 : vector<16x1xi32> to vector<16xi32>
        %gather3A_1036 = tpu.dynamic_gather %masked_cumsum3A_1032[%gather3A_1035] in [0] : vector<16xf32>, vector<16xi32> -> vector<16xf32>
        %mul3A_1037 = arith.constant 1.562500e-02 : f32
        %mul3A_1038 = vector.broadcast %mul3A_1037 : f32 to vector<16xf32>
        %mul3A_1039 = arith.mulf %gather3A_1029, %mul3A_1038 : vector<16xf32>
        %mul3A_1040 = arith.constant 1.562500e-02 : f32
        %mul3A_1041 = vector.broadcast %mul3A_1040 : f32 to vector<16xf32>
        %mul3A_1042 = arith.mulf %gather3A_1036, %mul3A_1041 : vector<16xf32>
        %mul3A_1043 = arith.mulf %mul3A_1039, %mul3A_1039 : vector<16xf32>
        %sub3A_1044 = arith.subf %mul3A_1042, %mul3A_1043 : vector<16xf32>
        %add3A_1045 = arith.constant 9.99999974E-6 : f32
        %add3A_1046 = vector.broadcast %add3A_1045 : f32 to vector<16xf32>
        %add3A_1047 = arith.addf %sub3A_1044, %add3A_1046 : vector<16xf32>
        %bitcast3A_1048 = vector.bitcast %add3A_1047 : vector<16xf32> to vector<16xi32>
        %shift_right_arithmetic3A_1049 = arith.constant 1 : i32
        %shift_right_arithmetic3A_1050 = vector.broadcast %shift_right_arithmetic3A_1049 : i32 to vector<16xi32>
        %shift_right_arithmetic3A_1051 = arith.shrsi %bitcast3A_1048, %shift_right_arithmetic3A_1050 : vector<16xi32>
        %sub3A_1052 = arith.constant 1597463007 : i32
        %sub3A_1053 = vector.broadcast %sub3A_1052 : i32 to vector<16xi32>
        %sub3A_1054 = arith.subi %sub3A_1053, %shift_right_arithmetic3A_1051 : vector<16xi32>
        %bitcast3A_1055 = vector.bitcast %sub3A_1054 : vector<16xi32> to vector<16xf32>
        %mul3A_1056 = arith.constant 5.000000e-01 : f32
        %mul3A_1057 = vector.broadcast %mul3A_1056 : f32 to vector<16xf32>
        %mul3A_1058 = arith.mulf %mul3A_1057, %add3A_1047 : vector<16xf32>
        %mul3A_1059 = arith.mulf %mul3A_1058, %bitcast3A_1055 : vector<16xf32>
        %mul3A_1060 = arith.mulf %mul3A_1059, %bitcast3A_1055 : vector<16xf32>
        %sub3A_1061 = arith.constant 1.500000e+00 : f32
        %sub3A_1062 = vector.broadcast %sub3A_1061 : f32 to vector<16xf32>
        %sub3A_1063 = arith.subf %sub3A_1062, %mul3A_1060 : vector<16xf32>
        %mul3A_1064 = arith.mulf %bitcast3A_1055, %sub3A_1063 : vector<16xf32>
        %mul3A_1065 = arith.constant 5.000000e-01 : f32
        %mul3A_1066 = vector.broadcast %mul3A_1065 : f32 to vector<16xf32>
        %mul3A_1067 = arith.mulf %mul3A_1066, %add3A_1047 : vector<16xf32>
        %mul3A_1068 = arith.mulf %mul3A_1067, %mul3A_1064 : vector<16xf32>
        %mul3A_1069 = arith.mulf %mul3A_1068, %mul3A_1064 : vector<16xf32>
        %sub3A_1070 = arith.constant 1.500000e+00 : f32
        %sub3A_1071 = vector.broadcast %sub3A_1070 : f32 to vector<16xf32>
        %sub3A_1072 = arith.subf %sub3A_1071, %mul3A_1069 : vector<16xf32>
        %mul3A_1073 = arith.mulf %mul3A_1064, %sub3A_1072 : vector<16xf32>
        %sub3A_1074 = arith.subf %add3A_991, %mul3A_1039 : vector<16xf32>
        %mul3A_1075 = arith.mulf %mul3A_1073, %get3A_3 : vector<16xf32>
        %mul3A_1076 = arith.mulf %sub3A_1074, %mul3A_1075 : vector<16xf32>
        %add3A_1077 = arith.addf %mul3A_1076, %get3A_11 : vector<16xf32>
        %swap3A_1078 = arith.index_cast %add3A_984 : i32 to index
        %swap3A_1079 = arith.constant 0 : index
        %swap3A_1080 = tpu.vector_load %arg15[%swap3A_1078, %swap3A_1079] {strides = array<i32>} : memref<128x64xf32, #tpu.memory_space<vmem>>, vector<16xf32>,
        tpu.vector_store %arg15[%swap3A_1078, %swap3A_1079], %add3A_1077 {strides = array<i32>} : memref<128x64xf32, #tpu.memory_space<vmem>>, vector<16xf32>,
        %sub3A_1081 = arith.subf %add3A_998, %mul3A_1039 : vector<16xf32>
        %mul3A_1082 = arith.mulf %mul3A_1073, %get3A_5 : vector<16xf32>
        %mul3A_1083 = arith.mulf %sub3A_1081, %mul3A_1082 : vector<16xf32>
        %add3A_1084 = arith.addf %mul3A_1083, %get3A_13 : vector<16xf32>
        %swap3A_1085 = arith.index_cast %add3A_984 : i32 to index
        %swap3A_1086 = arith.constant 16 : index
        %swap3A_1087 = tpu.vector_load %arg15[%swap3A_1085, %swap3A_1086] {strides = array<i32>} : memref<128x64xf32, #tpu.memory_space<vmem>>, vector<16xf32>,
        tpu.vector_store %arg15[%swap3A_1085, %swap3A_1086], %add3A_1084 {strides = array<i32>} : memref<128x64xf32, #tpu.memory_space<vmem>>, vector<16xf32>,
        %sub3A_1088 = arith.subf %add3A_1005, %mul3A_1039 : vector<16xf32>
        %mul3A_1089 = arith.mulf %mul3A_1073, %get3A_7 : vector<16xf32>
        %mul3A_1090 = arith.mulf %sub3A_1088, %mul3A_1089 : vector<16xf32>
        %add3A_1091 = arith.addf %mul3A_1090, %get3A_15 : vector<16xf32>
        %swap3A_1092 = arith.index_cast %add3A_984 : i32 to index
        %swap3A_1093 = arith.constant 32 : index
        %swap3A_1094 = tpu.vector_load %arg15[%swap3A_1092, %swap3A_1093] {strides = array<i32>} : memref<128x64xf32, #tpu.memory_space<vmem>>, vector<16xf32>,
        tpu.vector_store %arg15[%swap3A_1092, %swap3A_1093], %add3A_1091 {strides = array<i32>} : memref<128x64xf32, #tpu.memory_space<vmem>>, vector<16xf32>,
        %sub3A_1095 = arith.subf %add3A_1012, %mul3A_1039 : vector<16xf32>
        %mul3A_1096 = arith.mulf %mul3A_1073, %get3A_9 : vector<16xf32>
        %mul3A_1097 = arith.mulf %sub3A_1095, %mul3A_1096 : vector<16xf32>
        %add3A_1098 = arith.addf %mul3A_1097, %get3A_17 : vector<16xf32>
        %swap3A_1099 = arith.index_cast %add3A_984 : i32 to index
        %swap3A_1100 = arith.constant 48 : index
        %swap3A_1101 = tpu.vector_load %arg15[%swap3A_1099, %swap3A_1100] {strides = array<i32>} : memref<128x64xf32, #tpu.memory_space<vmem>>, vector<16xf32>,
        tpu.vector_store %arg15[%swap3A_1099, %swap3A_1100], %add3A_1098 {strides = array<i32>} : memref<128x64xf32, #tpu.memory_space<vmem>>, vector<16xf32>,
        %mul3A_1102 = arith.constant 16 : i32
        %mul3A_1103 = arith.muli %scan3A_140, %mul3A_1102 : i32
        %add3A_1104 = arith.constant 8 : i32
        %add3A_1105 = arith.addi %mul3A_1103, %add3A_1104 : i32
        %get3A_1106 = arith.index_cast %add3A_1105 : i32 to index
        %get3A_1107 = arith.constant 0 : index
        %get3A_1108 = tpu.vector_load %arg11[%get3A_1106, %get3A_1107] {strides = array<i32>} : memref<128x64xf32, #tpu.memory_space<vmem>>, vector<16xf32>,
        %get3A_1109 = arith.index_cast %add3A_1105 : i32 to index
        %get3A_1110 = arith.constant 0 : index
        %get3A_1111 = tpu.vector_load %arg13[%get3A_1109, %get3A_1110] {strides = array<i32>} : memref<128x64xf32, #tpu.memory_space<vmem>>, vector<16xf32>,
        %add3A_1112 = arith.addf %get3A_1108, %get3A_1111 : vector<16xf32>
        %get3A_1113 = arith.index_cast %add3A_1105 : i32 to index
        %get3A_1114 = arith.constant 16 : index
        %get3A_1115 = tpu.vector_load %arg11[%get3A_1113, %get3A_1114] {strides = array<i32>} : memref<128x64xf32, #tpu.memory_space<vmem>>, vector<16xf32>,
        %get3A_1116 = arith.index_cast %add3A_1105 : i32 to index
        %get3A_1117 = arith.constant 16 : index
        %get3A_1118 = tpu.vector_load %arg13[%get3A_1116, %get3A_1117] {strides = array<i32>} : memref<128x64xf32, #tpu.memory_space<vmem>>, vector<16xf32>,
        %add3A_1119 = arith.addf %get3A_1115, %get3A_1118 : vector<16xf32>
        %get3A_1120 = arith.index_cast %add3A_1105 : i32 to index
        %get3A_1121 = arith.constant 32 : index
        %get3A_1122 = tpu.vector_load %arg11[%get3A_1120, %get3A_1121] {strides = array<i32>} : memref<128x64xf32, #tpu.memory_space<vmem>>, vector<16xf32>,
        %get3A_1123 = arith.index_cast %add3A_1105 : i32 to index
        %get3A_1124 = arith.constant 32 : index
        %get3A_1125 = tpu.vector_load %arg13[%get3A_1123, %get3A_1124] {strides = array<i32>} : memref<128x64xf32, #tpu.memory_space<vmem>>, vector<16xf32>,
        %add3A_1126 = arith.addf %get3A_1122, %get3A_1125 : vector<16xf32>
        %get3A_1127 = arith.index_cast %add3A_1105 : i32 to index
        %get3A_1128 = arith.constant 48 : index
        %get3A_1129 = tpu.vector_load %arg11[%get3A_1127, %get3A_1128] {strides = array<i32>} : memref<128x64xf32, #tpu.memory_space<vmem>>, vector<16xf32>,
        %get3A_1130 = arith.index_cast %add3A_1105 : i32 to index
        %get3A_1131 = arith.constant 48 : index
        %get3A_1132 = tpu.vector_load %arg13[%get3A_1130, %get3A_1131] {strides = array<i32>} : memref<128x64xf32, #tpu.memory_space<vmem>>, vector<16xf32>,
        %add3A_1133 = arith.addf %get3A_1129, %get3A_1132 : vector<16xf32>
        %add3A_1134 = arith.addf %add3A_1112, %add3A_1119 : vector<16xf32>
        %add3A_1135 = arith.addf %add3A_1126, %add3A_1133 : vector<16xf32>
        %add3A_1136 = arith.addf %add3A_1134, %add3A_1135 : vector<16xf32>
        %mul3A_1137 = arith.mulf %add3A_1112, %add3A_1112 : vector<16xf32>
        %mul3A_1138 = arith.mulf %add3A_1119, %add3A_1119 : vector<16xf32>
        %add3A_1139 = arith.addf %mul3A_1137, %mul3A_1138 : vector<16xf32>
        %mul3A_1140 = arith.mulf %add3A_1126, %add3A_1126 : vector<16xf32>
        %mul3A_1141 = arith.mulf %add3A_1133, %add3A_1133 : vector<16xf32>
        %add3A_1142 = arith.addf %mul3A_1140, %mul3A_1141 : vector<16xf32>
        %add3A_1143 = arith.addf %add3A_1139, %add3A_1142 : vector<16xf32>
        %broadcast_in_dim3A_1144 = arith.constant true
        %broadcast_in_dim3A_1145 = vector.broadcast %broadcast_in_dim3A_1144 : i1 to vector<16xi1>
        %masked_cumsum3A_1146 = tpu.scan <sum>, %add3A_1136 masked %broadcast_in_dim3A_1145 : vector<16xf32>, vector<16xi1> -> vector<16xf32>
        %broadcast_in_dim3A_1147 = arith.constant 15 : i32
        %broadcast_in_dim3A_1148 = vector.broadcast %broadcast_in_dim3A_1147 : i32 to vector<16x1xi32>
        %gather3A_1149 = vector.shape_cast %broadcast_in_dim3A_1148 : vector<16x1xi32> to vector<16xi32>
        %gather3A_1150 = tpu.dynamic_gather %masked_cumsum3A_1146[%gather3A_1149] in [0] : vector<16xf32>, vector<16xi32> -> vector<16xf32>
        %broadcast_in_dim3A_1151 = arith.constant true
        %broadcast_in_dim3A_1152 = vector.broadcast %broadcast_in_dim3A_1151 : i1 to vector<16xi1>
        %masked_cumsum3A_1153 = tpu.scan <sum>, %add3A_1143 masked %broadcast_in_dim3A_1152 : vector<16xf32>, vector<16xi1> -> vector<16xf32>
        %broadcast_in_dim3A_1154 = arith.constant 15 : i32
        %broadcast_in_dim3A_1155 = vector.broadcast %broadcast_in_dim3A_1154 : i32 to vector<16x1xi32>
        %gather3A_1156 = vector.shape_cast %broadcast_in_dim3A_1155 : vector<16x1xi32> to vector<16xi32>
        %gather3A_1157 = tpu.dynamic_gather %masked_cumsum3A_1153[%gather3A_1156] in [0] : vector<16xf32>, vector<16xi32> -> vector<16xf32>
        %mul3A_1158 = arith.constant 1.562500e-02 : f32
        %mul3A_1159 = vector.broadcast %mul3A_1158 : f32 to vector<16xf32>
        %mul3A_1160 = arith.mulf %gather3A_1150, %mul3A_1159 : vector<16xf32>
        %mul3A_1161 = arith.constant 1.562500e-02 : f32
        %mul3A_1162 = vector.broadcast %mul3A_1161 : f32 to vector<16xf32>
        %mul3A_1163 = arith.mulf %gather3A_1157, %mul3A_1162 : vector<16xf32>
        %mul3A_1164 = arith.mulf %mul3A_1160, %mul3A_1160 : vector<16xf32>
        %sub3A_1165 = arith.subf %mul3A_1163, %mul3A_1164 : vector<16xf32>
        %add3A_1166 = arith.constant 9.99999974E-6 : f32
        %add3A_1167 = vector.broadcast %add3A_1166 : f32 to vector<16xf32>
        %add3A_1168 = arith.addf %sub3A_1165, %add3A_1167 : vector<16xf32>
        %bitcast3A_1169 = vector.bitcast %add3A_1168 : vector<16xf32> to vector<16xi32>
        %shift_right_arithmetic3A_1170 = arith.constant 1 : i32
        %shift_right_arithmetic3A_1171 = vector.broadcast %shift_right_arithmetic3A_1170 : i32 to vector<16xi32>
        %shift_right_arithmetic3A_1172 = arith.shrsi %bitcast3A_1169, %shift_right_arithmetic3A_1171 : vector<16xi32>
        %sub3A_1173 = arith.constant 1597463007 : i32
        %sub3A_1174 = vector.broadcast %sub3A_1173 : i32 to vector<16xi32>
        %sub3A_1175 = arith.subi %sub3A_1174, %shift_right_arithmetic3A_1172 : vector<16xi32>
        %bitcast3A_1176 = vector.bitcast %sub3A_1175 : vector<16xi32> to vector<16xf32>
        %mul3A_1177 = arith.constant 5.000000e-01 : f32
        %mul3A_1178 = vector.broadcast %mul3A_1177 : f32 to vector<16xf32>
        %mul3A_1179 = arith.mulf %mul3A_1178, %add3A_1168 : vector<16xf32>
        %mul3A_1180 = arith.mulf %mul3A_1179, %bitcast3A_1176 : vector<16xf32>
        %mul3A_1181 = arith.mulf %mul3A_1180, %bitcast3A_1176 : vector<16xf32>
        %sub3A_1182 = arith.constant 1.500000e+00 : f32
        %sub3A_1183 = vector.broadcast %sub3A_1182 : f32 to vector<16xf32>
        %sub3A_1184 = arith.subf %sub3A_1183, %mul3A_1181 : vector<16xf32>
        %mul3A_1185 = arith.mulf %bitcast3A_1176, %sub3A_1184 : vector<16xf32>
        %mul3A_1186 = arith.constant 5.000000e-01 : f32
        %mul3A_1187 = vector.broadcast %mul3A_1186 : f32 to vector<16xf32>
        %mul3A_1188 = arith.mulf %mul3A_1187, %add3A_1168 : vector<16xf32>
        %mul3A_1189 = arith.mulf %mul3A_1188, %mul3A_1185 : vector<16xf32>
        %mul3A_1190 = arith.mulf %mul3A_1189, %mul3A_1185 : vector<16xf32>
        %sub3A_1191 = arith.constant 1.500000e+00 : f32
        %sub3A_1192 = vector.broadcast %sub3A_1191 : f32 to vector<16xf32>
        %sub3A_1193 = arith.subf %sub3A_1192, %mul3A_1190 : vector<16xf32>
        %mul3A_1194 = arith.mulf %mul3A_1185, %sub3A_1193 : vector<16xf32>
        %sub3A_1195 = arith.subf %add3A_1112, %mul3A_1160 : vector<16xf32>
        %mul3A_1196 = arith.mulf %mul3A_1194, %get3A_3 : vector<16xf32>
        %mul3A_1197 = arith.mulf %sub3A_1195, %mul3A_1196 : vector<16xf32>
        %add3A_1198 = arith.addf %mul3A_1197, %get3A_11 : vector<16xf32>
        %swap3A_1199 = arith.index_cast %add3A_1105 : i32 to index
        %swap3A_1200 = arith.constant 0 : index
        %swap3A_1201 = tpu.vector_load %arg15[%swap3A_1199, %swap3A_1200] {strides = array<i32>} : memref<128x64xf32, #tpu.memory_space<vmem>>, vector<16xf32>,
        tpu.vector_store %arg15[%swap3A_1199, %swap3A_1200], %add3A_1198 {strides = array<i32>} : memref<128x64xf32, #tpu.memory_space<vmem>>, vector<16xf32>,
        %sub3A_1202 = arith.subf %add3A_1119, %mul3A_1160 : vector<16xf32>
        %mul3A_1203 = arith.mulf %mul3A_1194, %get3A_5 : vector<16xf32>
        %mul3A_1204 = arith.mulf %sub3A_1202, %mul3A_1203 : vector<16xf32>
        %add3A_1205 = arith.addf %mul3A_1204, %get3A_13 : vector<16xf32>
        %swap3A_1206 = arith.index_cast %add3A_1105 : i32 to index
        %swap3A_1207 = arith.constant 16 : index
        %swap3A_1208 = tpu.vector_load %arg15[%swap3A_1206, %swap3A_1207] {strides = array<i32>} : memref<128x64xf32, #tpu.memory_space<vmem>>, vector<16xf32>,
        tpu.vector_store %arg15[%swap3A_1206, %swap3A_1207], %add3A_1205 {strides = array<i32>} : memref<128x64xf32, #tpu.memory_space<vmem>>, vector<16xf32>,
        %sub3A_1209 = arith.subf %add3A_1126, %mul3A_1160 : vector<16xf32>
        %mul3A_1210 = arith.mulf %mul3A_1194, %get3A_7 : vector<16xf32>
        %mul3A_1211 = arith.mulf %sub3A_1209, %mul3A_1210 : vector<16xf32>
        %add3A_1212 = arith.addf %mul3A_1211, %get3A_15 : vector<16xf32>
        %swap3A_1213 = arith.index_cast %add3A_1105 : i32 to index
        %swap3A_1214 = arith.constant 32 : index
        %swap3A_1215 = tpu.vector_load %arg15[%swap3A_1213, %swap3A_1214] {strides = array<i32>} : memref<128x64xf32, #tpu.memory_space<vmem>>, vector<16xf32>,
        tpu.vector_store %arg15[%swap3A_1213, %swap3A_1214], %add3A_1212 {strides = array<i32>} : memref<128x64xf32, #tpu.memory_space<vmem>>, vector<16xf32>,
        %sub3A_1216 = arith.subf %add3A_1133, %mul3A_1160 : vector<16xf32>
        %mul3A_1217 = arith.mulf %mul3A_1194, %get3A_9 : vector<16xf32>
        %mul3A_1218 = arith.mulf %sub3A_1216, %mul3A_1217 : vector<16xf32>
        %add3A_1219 = arith.addf %mul3A_1218, %get3A_17 : vector<16xf32>
        %swap3A_1220 = arith.index_cast %add3A_1105 : i32 to index
        %swap3A_1221 = arith.constant 48 : index
        %swap3A_1222 = tpu.vector_load %arg15[%swap3A_1220, %swap3A_1221] {strides = array<i32>} : memref<128x64xf32, #tpu.memory_space<vmem>>, vector<16xf32>,
        tpu.vector_store %arg15[%swap3A_1220, %swap3A_1221], %add3A_1219 {strides = array<i32>} : memref<128x64xf32, #tpu.memory_space<vmem>>, vector<16xf32>,
        %mul3A_1223 = arith.constant 16 : i32
        %mul3A_1224 = arith.muli %scan3A_140, %mul3A_1223 : i32
        %add3A_1225 = arith.constant 9 : i32
        %add3A_1226 = arith.addi %mul3A_1224, %add3A_1225 : i32
        %get3A_1227 = arith.index_cast %add3A_1226 : i32 to index
        %get3A_1228 = arith.constant 0 : index
        %get3A_1229 = tpu.vector_load %arg11[%get3A_1227, %get3A_1228] {strides = array<i32>} : memref<128x64xf32, #tpu.memory_space<vmem>>, vector<16xf32>,
        %get3A_1230 = arith.index_cast %add3A_1226 : i32 to index
        %get3A_1231 = arith.constant 0 : index
        %get3A_1232 = tpu.vector_load %arg13[%get3A_1230, %get3A_1231] {strides = array<i32>} : memref<128x64xf32, #tpu.memory_space<vmem>>, vector<16xf32>,
        %add3A_1233 = arith.addf %get3A_1229, %get3A_1232 : vector<16xf32>
        %get3A_1234 = arith.index_cast %add3A_1226 : i32 to index
        %get3A_1235 = arith.constant 16 : index
        %get3A_1236 = tpu.vector_load %arg11[%get3A_1234, %get3A_1235] {strides = array<i32>} : memref<128x64xf32, #tpu.memory_space<vmem>>, vector<16xf32>,
        %get3A_1237 = arith.index_cast %add3A_1226 : i32 to index
        %get3A_1238 = arith.constant 16 : index
        %get3A_1239 = tpu.vector_load %arg13[%get3A_1237, %get3A_1238] {strides = array<i32>} : memref<128x64xf32, #tpu.memory_space<vmem>>, vector<16xf32>,
        %add3A_1240 = arith.addf %get3A_1236, %get3A_1239 : vector<16xf32>
        %get3A_1241 = arith.index_cast %add3A_1226 : i32 to index
        %get3A_1242 = arith.constant 32 : index
        %get3A_1243 = tpu.vector_load %arg11[%get3A_1241, %get3A_1242] {strides = array<i32>} : memref<128x64xf32, #tpu.memory_space<vmem>>, vector<16xf32>,
        %get3A_1244 = arith.index_cast %add3A_1226 : i32 to index
        %get3A_1245 = arith.constant 32 : index
        %get3A_1246 = tpu.vector_load %arg13[%get3A_1244, %get3A_1245] {strides = array<i32>} : memref<128x64xf32, #tpu.memory_space<vmem>>, vector<16xf32>,
        %add3A_1247 = arith.addf %get3A_1243, %get3A_1246 : vector<16xf32>
        %get3A_1248 = arith.index_cast %add3A_1226 : i32 to index
        %get3A_1249 = arith.constant 48 : index
        %get3A_1250 = tpu.vector_load %arg11[%get3A_1248, %get3A_1249] {strides = array<i32>} : memref<128x64xf32, #tpu.memory_space<vmem>>, vector<16xf32>,
        %get3A_1251 = arith.index_cast %add3A_1226 : i32 to index
        %get3A_1252 = arith.constant 48 : index
        %get3A_1253 = tpu.vector_load %arg13[%get3A_1251, %get3A_1252] {strides = array<i32>} : memref<128x64xf32, #tpu.memory_space<vmem>>, vector<16xf32>,
        %add3A_1254 = arith.addf %get3A_1250, %get3A_1253 : vector<16xf32>
        %add3A_1255 = arith.addf %add3A_1233, %add3A_1240 : vector<16xf32>
        %add3A_1256 = arith.addf %add3A_1247, %add3A_1254 : vector<16xf32>
        %add3A_1257 = arith.addf %add3A_1255, %add3A_1256 : vector<16xf32>
        %mul3A_1258 = arith.mulf %add3A_1233, %add3A_1233 : vector<16xf32>
        %mul3A_1259 = arith.mulf %add3A_1240, %add3A_1240 : vector<16xf32>
        %add3A_1260 = arith.addf %mul3A_1258, %mul3A_1259 : vector<16xf32>
        %mul3A_1261 = arith.mulf %add3A_1247, %add3A_1247 : vector<16xf32>
        %mul3A_1262 = arith.mulf %add3A_1254, %add3A_1254 : vector<16xf32>
        %add3A_1263 = arith.addf %mul3A_1261, %mul3A_1262 : vector<16xf32>
        %add3A_1264 = arith.addf %add3A_1260, %add3A_1263 : vector<16xf32>
        %broadcast_in_dim3A_1265 = arith.constant true
        %broadcast_in_dim3A_1266 = vector.broadcast %broadcast_in_dim3A_1265 : i1 to vector<16xi1>
        %masked_cumsum3A_1267 = tpu.scan <sum>, %add3A_1257 masked %broadcast_in_dim3A_1266 : vector<16xf32>, vector<16xi1> -> vector<16xf32>
        %broadcast_in_dim3A_1268 = arith.constant 15 : i32
        %broadcast_in_dim3A_1269 = vector.broadcast %broadcast_in_dim3A_1268 : i32 to vector<16x1xi32>
        %gather3A_1270 = vector.shape_cast %broadcast_in_dim3A_1269 : vector<16x1xi32> to vector<16xi32>
        %gather3A_1271 = tpu.dynamic_gather %masked_cumsum3A_1267[%gather3A_1270] in [0] : vector<16xf32>, vector<16xi32> -> vector<16xf32>
        %broadcast_in_dim3A_1272 = arith.constant true
        %broadcast_in_dim3A_1273 = vector.broadcast %broadcast_in_dim3A_1272 : i1 to vector<16xi1>
        %masked_cumsum3A_1274 = tpu.scan <sum>, %add3A_1264 masked %broadcast_in_dim3A_1273 : vector<16xf32>, vector<16xi1> -> vector<16xf32>
        %broadcast_in_dim3A_1275 = arith.constant 15 : i32
        %broadcast_in_dim3A_1276 = vector.broadcast %broadcast_in_dim3A_1275 : i32 to vector<16x1xi32>
        %gather3A_1277 = vector.shape_cast %broadcast_in_dim3A_1276 : vector<16x1xi32> to vector<16xi32>
        %gather3A_1278 = tpu.dynamic_gather %masked_cumsum3A_1274[%gather3A_1277] in [0] : vector<16xf32>, vector<16xi32> -> vector<16xf32>
        %mul3A_1279 = arith.constant 1.562500e-02 : f32
        %mul3A_1280 = vector.broadcast %mul3A_1279 : f32 to vector<16xf32>
        %mul3A_1281 = arith.mulf %gather3A_1271, %mul3A_1280 : vector<16xf32>
        %mul3A_1282 = arith.constant 1.562500e-02 : f32
        %mul3A_1283 = vector.broadcast %mul3A_1282 : f32 to vector<16xf32>
        %mul3A_1284 = arith.mulf %gather3A_1278, %mul3A_1283 : vector<16xf32>
        %mul3A_1285 = arith.mulf %mul3A_1281, %mul3A_1281 : vector<16xf32>
        %sub3A_1286 = arith.subf %mul3A_1284, %mul3A_1285 : vector<16xf32>
        %add3A_1287 = arith.constant 9.99999974E-6 : f32
        %add3A_1288 = vector.broadcast %add3A_1287 : f32 to vector<16xf32>
        %add3A_1289 = arith.addf %sub3A_1286, %add3A_1288 : vector<16xf32>
        %bitcast3A_1290 = vector.bitcast %add3A_1289 : vector<16xf32> to vector<16xi32>
        %shift_right_arithmetic3A_1291 = arith.constant 1 : i32
        %shift_right_arithmetic3A_1292 = vector.broadcast %shift_right_arithmetic3A_1291 : i32 to vector<16xi32>
        %shift_right_arithmetic3A_1293 = arith.shrsi %bitcast3A_1290, %shift_right_arithmetic3A_1292 : vector<16xi32>
        %sub3A_1294 = arith.constant 1597463007 : i32
        %sub3A_1295 = vector.broadcast %sub3A_1294 : i32 to vector<16xi32>
        %sub3A_1296 = arith.subi %sub3A_1295, %shift_right_arithmetic3A_1293 : vector<16xi32>
        %bitcast3A_1297 = vector.bitcast %sub3A_1296 : vector<16xi32> to vector<16xf32>
        %mul3A_1298 = arith.constant 5.000000e-01 : f32
        %mul3A_1299 = vector.broadcast %mul3A_1298 : f32 to vector<16xf32>
        %mul3A_1300 = arith.mulf %mul3A_1299, %add3A_1289 : vector<16xf32>
        %mul3A_1301 = arith.mulf %mul3A_1300, %bitcast3A_1297 : vector<16xf32>
        %mul3A_1302 = arith.mulf %mul3A_1301, %bitcast3A_1297 : vector<16xf32>
        %sub3A_1303 = arith.constant 1.500000e+00 : f32
        %sub3A_1304 = vector.broadcast %sub3A_1303 : f32 to vector<16xf32>
        %sub3A_1305 = arith.subf %sub3A_1304, %mul3A_1302 : vector<16xf32>
        %mul3A_1306 = arith.mulf %bitcast3A_1297, %sub3A_1305 : vector<16xf32>
        %mul3A_1307 = arith.constant 5.000000e-01 : f32
        %mul3A_1308 = vector.broadcast %mul3A_1307 : f32 to vector<16xf32>
        %mul3A_1309 = arith.mulf %mul3A_1308, %add3A_1289 : vector<16xf32>
        %mul3A_1310 = arith.mulf %mul3A_1309, %mul3A_1306 : vector<16xf32>
        %mul3A_1311 = arith.mulf %mul3A_1310, %mul3A_1306 : vector<16xf32>
        %sub3A_1312 = arith.constant 1.500000e+00 : f32
        %sub3A_1313 = vector.broadcast %sub3A_1312 : f32 to vector<16xf32>
        %sub3A_1314 = arith.subf %sub3A_1313, %mul3A_1311 : vector<16xf32>
        %mul3A_1315 = arith.mulf %mul3A_1306, %sub3A_1314 : vector<16xf32>
        %sub3A_1316 = arith.subf %add3A_1233, %mul3A_1281 : vector<16xf32>
        %mul3A_1317 = arith.mulf %mul3A_1315, %get3A_3 : vector<16xf32>
        %mul3A_1318 = arith.mulf %sub3A_1316, %mul3A_1317 : vector<16xf32>
        %add3A_1319 = arith.addf %mul3A_1318, %get3A_11 : vector<16xf32>
        %swap3A_1320 = arith.index_cast %add3A_1226 : i32 to index
        %swap3A_1321 = arith.constant 0 : index
        %swap3A_1322 = tpu.vector_load %arg15[%swap3A_1320, %swap3A_1321] {strides = array<i32>} : memref<128x64xf32, #tpu.memory_space<vmem>>, vector<16xf32>,
        tpu.vector_store %arg15[%swap3A_1320, %swap3A_1321], %add3A_1319 {strides = array<i32>} : memref<128x64xf32, #tpu.memory_space<vmem>>, vector<16xf32>,
        %sub3A_1323 = arith.subf %add3A_1240, %mul3A_1281 : vector<16xf32>
        %mul3A_1324 = arith.mulf %mul3A_1315, %get3A_5 : vector<16xf32>
        %mul3A_1325 = arith.mulf %sub3A_1323, %mul3A_1324 : vector<16xf32>
        %add3A_1326 = arith.addf %mul3A_1325, %get3A_13 : vector<16xf32>
        %swap3A_1327 = arith.index_cast %add3A_1226 : i32 to index
        %swap3A_1328 = arith.constant 16 : index
        %swap3A_1329 = tpu.vector_load %arg15[%swap3A_1327, %swap3A_1328] {strides = array<i32>} : memref<128x64xf32, #tpu.memory_space<vmem>>, vector<16xf32>,
        tpu.vector_store %arg15[%swap3A_1327, %swap3A_1328], %add3A_1326 {strides = array<i32>} : memref<128x64xf32, #tpu.memory_space<vmem>>, vector<16xf32>,
        %sub3A_1330 = arith.subf %add3A_1247, %mul3A_1281 : vector<16xf32>
        %mul3A_1331 = arith.mulf %mul3A_1315, %get3A_7 : vector<16xf32>
        %mul3A_1332 = arith.mulf %sub3A_1330, %mul3A_1331 : vector<16xf32>
        %add3A_1333 = arith.addf %mul3A_1332, %get3A_15 : vector<16xf32>
        %swap3A_1334 = arith.index_cast %add3A_1226 : i32 to index
        %swap3A_1335 = arith.constant 32 : index
        %swap3A_1336 = tpu.vector_load %arg15[%swap3A_1334, %swap3A_1335] {strides = array<i32>} : memref<128x64xf32, #tpu.memory_space<vmem>>, vector<16xf32>,
        tpu.vector_store %arg15[%swap3A_1334, %swap3A_1335], %add3A_1333 {strides = array<i32>} : memref<128x64xf32, #tpu.memory_space<vmem>>, vector<16xf32>,
        %sub3A_1337 = arith.subf %add3A_1254, %mul3A_1281 : vector<16xf32>
        %mul3A_1338 = arith.mulf %mul3A_1315, %get3A_9 : vector<16xf32>
        %mul3A_1339 = arith.mulf %sub3A_1337, %mul3A_1338 : vector<16xf32>
        %add3A_1340 = arith.addf %mul3A_1339, %get3A_17 : vector<16xf32>
        %swap3A_1341 = arith.index_cast %add3A_1226 : i32 to index
        %swap3A_1342 = arith.constant 48 : index
        %swap3A_1343 = tpu.vector_load %arg15[%swap3A_1341, %swap3A_1342] {strides = array<i32>} : memref<128x64xf32, #tpu.memory_space<vmem>>, vector<16xf32>,
        tpu.vector_store %arg15[%swap3A_1341, %swap3A_1342], %add3A_1340 {strides = array<i32>} : memref<128x64xf32, #tpu.memory_space<vmem>>, vector<16xf32>,
        %mul3A_1344 = arith.constant 16 : i32
        %mul3A_1345 = arith.muli %scan3A_140, %mul3A_1344 : i32
        %add3A_1346 = arith.constant 10 : i32
        %add3A_1347 = arith.addi %mul3A_1345, %add3A_1346 : i32
        %get3A_1348 = arith.index_cast %add3A_1347 : i32 to index
        %get3A_1349 = arith.constant 0 : index
        %get3A_1350 = tpu.vector_load %arg11[%get3A_1348, %get3A_1349] {strides = array<i32>} : memref<128x64xf32, #tpu.memory_space<vmem>>, vector<16xf32>,
        %get3A_1351 = arith.index_cast %add3A_1347 : i32 to index
        %get3A_1352 = arith.constant 0 : index
        %get3A_1353 = tpu.vector_load %arg13[%get3A_1351, %get3A_1352] {strides = array<i32>} : memref<128x64xf32, #tpu.memory_space<vmem>>, vector<16xf32>,
        %add3A_1354 = arith.addf %get3A_1350, %get3A_1353 : vector<16xf32>
        %get3A_1355 = arith.index_cast %add3A_1347 : i32 to index
        %get3A_1356 = arith.constant 16 : index
        %get3A_1357 = tpu.vector_load %arg11[%get3A_1355, %get3A_1356] {strides = array<i32>} : memref<128x64xf32, #tpu.memory_space<vmem>>, vector<16xf32>,
        %get3A_1358 = arith.index_cast %add3A_1347 : i32 to index
        %get3A_1359 = arith.constant 16 : index
        %get3A_1360 = tpu.vector_load %arg13[%get3A_1358, %get3A_1359] {strides = array<i32>} : memref<128x64xf32, #tpu.memory_space<vmem>>, vector<16xf32>,
        %add3A_1361 = arith.addf %get3A_1357, %get3A_1360 : vector<16xf32>
        %get3A_1362 = arith.index_cast %add3A_1347 : i32 to index
        %get3A_1363 = arith.constant 32 : index
        %get3A_1364 = tpu.vector_load %arg11[%get3A_1362, %get3A_1363] {strides = array<i32>} : memref<128x64xf32, #tpu.memory_space<vmem>>, vector<16xf32>,
        %get3A_1365 = arith.index_cast %add3A_1347 : i32 to index
        %get3A_1366 = arith.constant 32 : index
        %get3A_1367 = tpu.vector_load %arg13[%get3A_1365, %get3A_1366] {strides = array<i32>} : memref<128x64xf32, #tpu.memory_space<vmem>>, vector<16xf32>,
        %add3A_1368 = arith.addf %get3A_1364, %get3A_1367 : vector<16xf32>
        %get3A_1369 = arith.index_cast %add3A_1347 : i32 to index
        %get3A_1370 = arith.constant 48 : index
        %get3A_1371 = tpu.vector_load %arg11[%get3A_1369, %get3A_1370] {strides = array<i32>} : memref<128x64xf32, #tpu.memory_space<vmem>>, vector<16xf32>,
        %get3A_1372 = arith.index_cast %add3A_1347 : i32 to index
        %get3A_1373 = arith.constant 48 : index
        %get3A_1374 = tpu.vector_load %arg13[%get3A_1372, %get3A_1373] {strides = array<i32>} : memref<128x64xf32, #tpu.memory_space<vmem>>, vector<16xf32>,
        %add3A_1375 = arith.addf %get3A_1371, %get3A_1374 : vector<16xf32>
        %add3A_1376 = arith.addf %add3A_1354, %add3A_1361 : vector<16xf32>
        %add3A_1377 = arith.addf %add3A_1368, %add3A_1375 : vector<16xf32>
        %add3A_1378 = arith.addf %add3A_1376, %add3A_1377 : vector<16xf32>
        %mul3A_1379 = arith.mulf %add3A_1354, %add3A_1354 : vector<16xf32>
        %mul3A_1380 = arith.mulf %add3A_1361, %add3A_1361 : vector<16xf32>
        %add3A_1381 = arith.addf %mul3A_1379, %mul3A_1380 : vector<16xf32>
        %mul3A_1382 = arith.mulf %add3A_1368, %add3A_1368 : vector<16xf32>
        %mul3A_1383 = arith.mulf %add3A_1375, %add3A_1375 : vector<16xf32>
        %add3A_1384 = arith.addf %mul3A_1382, %mul3A_1383 : vector<16xf32>
        %add3A_1385 = arith.addf %add3A_1381, %add3A_1384 : vector<16xf32>
        %broadcast_in_dim3A_1386 = arith.constant true
        %broadcast_in_dim3A_1387 = vector.broadcast %broadcast_in_dim3A_1386 : i1 to vector<16xi1>
        %masked_cumsum3A_1388 = tpu.scan <sum>, %add3A_1378 masked %broadcast_in_dim3A_1387 : vector<16xf32>, vector<16xi1> -> vector<16xf32>
        %broadcast_in_dim3A_1389 = arith.constant 15 : i32
        %broadcast_in_dim3A_1390 = vector.broadcast %broadcast_in_dim3A_1389 : i32 to vector<16x1xi32>
        %gather3A_1391 = vector.shape_cast %broadcast_in_dim3A_1390 : vector<16x1xi32> to vector<16xi32>
        %gather3A_1392 = tpu.dynamic_gather %masked_cumsum3A_1388[%gather3A_1391] in [0] : vector<16xf32>, vector<16xi32> -> vector<16xf32>
        %broadcast_in_dim3A_1393 = arith.constant true
        %broadcast_in_dim3A_1394 = vector.broadcast %broadcast_in_dim3A_1393 : i1 to vector<16xi1>
        %masked_cumsum3A_1395 = tpu.scan <sum>, %add3A_1385 masked %broadcast_in_dim3A_1394 : vector<16xf32>, vector<16xi1> -> vector<16xf32>
        %broadcast_in_dim3A_1396 = arith.constant 15 : i32
        %broadcast_in_dim3A_1397 = vector.broadcast %broadcast_in_dim3A_1396 : i32 to vector<16x1xi32>
        %gather3A_1398 = vector.shape_cast %broadcast_in_dim3A_1397 : vector<16x1xi32> to vector<16xi32>
        %gather3A_1399 = tpu.dynamic_gather %masked_cumsum3A_1395[%gather3A_1398] in [0] : vector<16xf32>, vector<16xi32> -> vector<16xf32>
        %mul3A_1400 = arith.constant 1.562500e-02 : f32
        %mul3A_1401 = vector.broadcast %mul3A_1400 : f32 to vector<16xf32>
        %mul3A_1402 = arith.mulf %gather3A_1392, %mul3A_1401 : vector<16xf32>
        %mul3A_1403 = arith.constant 1.562500e-02 : f32
        %mul3A_1404 = vector.broadcast %mul3A_1403 : f32 to vector<16xf32>
        %mul3A_1405 = arith.mulf %gather3A_1399, %mul3A_1404 : vector<16xf32>
        %mul3A_1406 = arith.mulf %mul3A_1402, %mul3A_1402 : vector<16xf32>
        %sub3A_1407 = arith.subf %mul3A_1405, %mul3A_1406 : vector<16xf32>
        %add3A_1408 = arith.constant 9.99999974E-6 : f32
        %add3A_1409 = vector.broadcast %add3A_1408 : f32 to vector<16xf32>
        %add3A_1410 = arith.addf %sub3A_1407, %add3A_1409 : vector<16xf32>
        %bitcast3A_1411 = vector.bitcast %add3A_1410 : vector<16xf32> to vector<16xi32>
        %shift_right_arithmetic3A_1412 = arith.constant 1 : i32
        %shift_right_arithmetic3A_1413 = vector.broadcast %shift_right_arithmetic3A_1412 : i32 to vector<16xi32>
        %shift_right_arithmetic3A_1414 = arith.shrsi %bitcast3A_1411, %shift_right_arithmetic3A_1413 : vector<16xi32>
        %sub3A_1415 = arith.constant 1597463007 : i32
        %sub3A_1416 = vector.broadcast %sub3A_1415 : i32 to vector<16xi32>
        %sub3A_1417 = arith.subi %sub3A_1416, %shift_right_arithmetic3A_1414 : vector<16xi32>
        %bitcast3A_1418 = vector.bitcast %sub3A_1417 : vector<16xi32> to vector<16xf32>
        %mul3A_1419 = arith.constant 5.000000e-01 : f32
        %mul3A_1420 = vector.broadcast %mul3A_1419 : f32 to vector<16xf32>
        %mul3A_1421 = arith.mulf %mul3A_1420, %add3A_1410 : vector<16xf32>
        %mul3A_1422 = arith.mulf %mul3A_1421, %bitcast3A_1418 : vector<16xf32>
        %mul3A_1423 = arith.mulf %mul3A_1422, %bitcast3A_1418 : vector<16xf32>
        %sub3A_1424 = arith.constant 1.500000e+00 : f32
        %sub3A_1425 = vector.broadcast %sub3A_1424 : f32 to vector<16xf32>
        %sub3A_1426 = arith.subf %sub3A_1425, %mul3A_1423 : vector<16xf32>
        %mul3A_1427 = arith.mulf %bitcast3A_1418, %sub3A_1426 : vector<16xf32>
        %mul3A_1428 = arith.constant 5.000000e-01 : f32
        %mul3A_1429 = vector.broadcast %mul3A_1428 : f32 to vector<16xf32>
        %mul3A_1430 = arith.mulf %mul3A_1429, %add3A_1410 : vector<16xf32>
        %mul3A_1431 = arith.mulf %mul3A_1430, %mul3A_1427 : vector<16xf32>
        %mul3A_1432 = arith.mulf %mul3A_1431, %mul3A_1427 : vector<16xf32>
        %sub3A_1433 = arith.constant 1.500000e+00 : f32
        %sub3A_1434 = vector.broadcast %sub3A_1433 : f32 to vector<16xf32>
        %sub3A_1435 = arith.subf %sub3A_1434, %mul3A_1432 : vector<16xf32>
        %mul3A_1436 = arith.mulf %mul3A_1427, %sub3A_1435 : vector<16xf32>
        %sub3A_1437 = arith.subf %add3A_1354, %mul3A_1402 : vector<16xf32>
        %mul3A_1438 = arith.mulf %mul3A_1436, %get3A_3 : vector<16xf32>
        %mul3A_1439 = arith.mulf %sub3A_1437, %mul3A_1438 : vector<16xf32>
        %add3A_1440 = arith.addf %mul3A_1439, %get3A_11 : vector<16xf32>
        %swap3A_1441 = arith.index_cast %add3A_1347 : i32 to index
        %swap3A_1442 = arith.constant 0 : index
        %swap3A_1443 = tpu.vector_load %arg15[%swap3A_1441, %swap3A_1442] {strides = array<i32>} : memref<128x64xf32, #tpu.memory_space<vmem>>, vector<16xf32>,
        tpu.vector_store %arg15[%swap3A_1441, %swap3A_1442], %add3A_1440 {strides = array<i32>} : memref<128x64xf32, #tpu.memory_space<vmem>>, vector<16xf32>,
        %sub3A_1444 = arith.subf %add3A_1361, %mul3A_1402 : vector<16xf32>
        %mul3A_1445 = arith.mulf %mul3A_1436, %get3A_5 : vector<16xf32>
        %mul3A_1446 = arith.mulf %sub3A_1444, %mul3A_1445 : vector<16xf32>
        %add3A_1447 = arith.addf %mul3A_1446, %get3A_13 : vector<16xf32>
        %swap3A_1448 = arith.index_cast %add3A_1347 : i32 to index
        %swap3A_1449 = arith.constant 16 : index
        %swap3A_1450 = tpu.vector_load %arg15[%swap3A_1448, %swap3A_1449] {strides = array<i32>} : memref<128x64xf32, #tpu.memory_space<vmem>>, vector<16xf32>,
        tpu.vector_store %arg15[%swap3A_1448, %swap3A_1449], %add3A_1447 {strides = array<i32>} : memref<128x64xf32, #tpu.memory_space<vmem>>, vector<16xf32>,
        %sub3A_1451 = arith.subf %add3A_1368, %mul3A_1402 : vector<16xf32>
        %mul3A_1452 = arith.mulf %mul3A_1436, %get3A_7 : vector<16xf32>
        %mul3A_1453 = arith.mulf %sub3A_1451, %mul3A_1452 : vector<16xf32>
        %add3A_1454 = arith.addf %mul3A_1453, %get3A_15 : vector<16xf32>
        %swap3A_1455 = arith.index_cast %add3A_1347 : i32 to index
        %swap3A_1456 = arith.constant 32 : index
        %swap3A_1457 = tpu.vector_load %arg15[%swap3A_1455, %swap3A_1456] {strides = array<i32>} : memref<128x64xf32, #tpu.memory_space<vmem>>, vector<16xf32>,
        tpu.vector_store %arg15[%swap3A_1455, %swap3A_1456], %add3A_1454 {strides = array<i32>} : memref<128x64xf32, #tpu.memory_space<vmem>>, vector<16xf32>,
        %sub3A_1458 = arith.subf %add3A_1375, %mul3A_1402 : vector<16xf32>
        %mul3A_1459 = arith.mulf %mul3A_1436, %get3A_9 : vector<16xf32>
        %mul3A_1460 = arith.mulf %sub3A_1458, %mul3A_1459 : vector<16xf32>
        %add3A_1461 = arith.addf %mul3A_1460, %get3A_17 : vector<16xf32>
        %swap3A_1462 = arith.index_cast %add3A_1347 : i32 to index
        %swap3A_1463 = arith.constant 48 : index
        %swap3A_1464 = tpu.vector_load %arg15[%swap3A_1462, %swap3A_1463] {strides = array<i32>} : memref<128x64xf32, #tpu.memory_space<vmem>>, vector<16xf32>,
        tpu.vector_store %arg15[%swap3A_1462, %swap3A_1463], %add3A_1461 {strides = array<i32>} : memref<128x64xf32, #tpu.memory_space<vmem>>, vector<16xf32>,
        %mul3A_1465 = arith.constant 16 : i32
        %mul3A_1466 = arith.muli %scan3A_140, %mul3A_1465 : i32
        %add3A_1467 = arith.constant 11 : i32
        %add3A_1468 = arith.addi %mul3A_1466, %add3A_1467 : i32
        %get3A_1469 = arith.index_cast %add3A_1468 : i32 to index
        %get3A_1470 = arith.constant 0 : index
        %get3A_1471 = tpu.vector_load %arg11[%get3A_1469, %get3A_1470] {strides = array<i32>} : memref<128x64xf32, #tpu.memory_space<vmem>>, vector<16xf32>,
        %get3A_1472 = arith.index_cast %add3A_1468 : i32 to index
        %get3A_1473 = arith.constant 0 : index
        %get3A_1474 = tpu.vector_load %arg13[%get3A_1472, %get3A_1473] {strides = array<i32>} : memref<128x64xf32, #tpu.memory_space<vmem>>, vector<16xf32>,
        %add3A_1475 = arith.addf %get3A_1471, %get3A_1474 : vector<16xf32>
        %get3A_1476 = arith.index_cast %add3A_1468 : i32 to index
        %get3A_1477 = arith.constant 16 : index
        %get3A_1478 = tpu.vector_load %arg11[%get3A_1476, %get3A_1477] {strides = array<i32>} : memref<128x64xf32, #tpu.memory_space<vmem>>, vector<16xf32>,
        %get3A_1479 = arith.index_cast %add3A_1468 : i32 to index
        %get3A_1480 = arith.constant 16 : index
        %get3A_1481 = tpu.vector_load %arg13[%get3A_1479, %get3A_1480] {strides = array<i32>} : memref<128x64xf32, #tpu.memory_space<vmem>>, vector<16xf32>,
        %add3A_1482 = arith.addf %get3A_1478, %get3A_1481 : vector<16xf32>
        %get3A_1483 = arith.index_cast %add3A_1468 : i32 to index
        %get3A_1484 = arith.constant 32 : index
        %get3A_1485 = tpu.vector_load %arg11[%get3A_1483, %get3A_1484] {strides = array<i32>} : memref<128x64xf32, #tpu.memory_space<vmem>>, vector<16xf32>,
        %get3A_1486 = arith.index_cast %add3A_1468 : i32 to index
        %get3A_1487 = arith.constant 32 : index
        %get3A_1488 = tpu.vector_load %arg13[%get3A_1486, %get3A_1487] {strides = array<i32>} : memref<128x64xf32, #tpu.memory_space<vmem>>, vector<16xf32>,
        %add3A_1489 = arith.addf %get3A_1485, %get3A_1488 : vector<16xf32>
        %get3A_1490 = arith.index_cast %add3A_1468 : i32 to index
        %get3A_1491 = arith.constant 48 : index
        %get3A_1492 = tpu.vector_load %arg11[%get3A_1490, %get3A_1491] {strides = array<i32>} : memref<128x64xf32, #tpu.memory_space<vmem>>, vector<16xf32>,
        %get3A_1493 = arith.index_cast %add3A_1468 : i32 to index
        %get3A_1494 = arith.constant 48 : index
        %get3A_1495 = tpu.vector_load %arg13[%get3A_1493, %get3A_1494] {strides = array<i32>} : memref<128x64xf32, #tpu.memory_space<vmem>>, vector<16xf32>,
        %add3A_1496 = arith.addf %get3A_1492, %get3A_1495 : vector<16xf32>
        %add3A_1497 = arith.addf %add3A_1475, %add3A_1482 : vector<16xf32>
        %add3A_1498 = arith.addf %add3A_1489, %add3A_1496 : vector<16xf32>
        %add3A_1499 = arith.addf %add3A_1497, %add3A_1498 : vector<16xf32>
        %mul3A_1500 = arith.mulf %add3A_1475, %add3A_1475 : vector<16xf32>
        %mul3A_1501 = arith.mulf %add3A_1482, %add3A_1482 : vector<16xf32>
        %add3A_1502 = arith.addf %mul3A_1500, %mul3A_1501 : vector<16xf32>
        %mul3A_1503 = arith.mulf %add3A_1489, %add3A_1489 : vector<16xf32>
        %mul3A_1504 = arith.mulf %add3A_1496, %add3A_1496 : vector<16xf32>
        %add3A_1505 = arith.addf %mul3A_1503, %mul3A_1504 : vector<16xf32>
        %add3A_1506 = arith.addf %add3A_1502, %add3A_1505 : vector<16xf32>
        %broadcast_in_dim3A_1507 = arith.constant true
        %broadcast_in_dim3A_1508 = vector.broadcast %broadcast_in_dim3A_1507 : i1 to vector<16xi1>
        %masked_cumsum3A_1509 = tpu.scan <sum>, %add3A_1499 masked %broadcast_in_dim3A_1508 : vector<16xf32>, vector<16xi1> -> vector<16xf32>
        %broadcast_in_dim3A_1510 = arith.constant 15 : i32
        %broadcast_in_dim3A_1511 = vector.broadcast %broadcast_in_dim3A_1510 : i32 to vector<16x1xi32>
        %gather3A_1512 = vector.shape_cast %broadcast_in_dim3A_1511 : vector<16x1xi32> to vector<16xi32>
        %gather3A_1513 = tpu.dynamic_gather %masked_cumsum3A_1509[%gather3A_1512] in [0] : vector<16xf32>, vector<16xi32> -> vector<16xf32>
        %broadcast_in_dim3A_1514 = arith.constant true
        %broadcast_in_dim3A_1515 = vector.broadcast %broadcast_in_dim3A_1514 : i1 to vector<16xi1>
        %masked_cumsum3A_1516 = tpu.scan <sum>, %add3A_1506 masked %broadcast_in_dim3A_1515 : vector<16xf32>, vector<16xi1> -> vector<16xf32>
        %broadcast_in_dim3A_1517 = arith.constant 15 : i32
        %broadcast_in_dim3A_1518 = vector.broadcast %broadcast_in_dim3A_1517 : i32 to vector<16x1xi32>
        %gather3A_1519 = vector.shape_cast %broadcast_in_dim3A_1518 : vector<16x1xi32> to vector<16xi32>
        %gather3A_1520 = tpu.dynamic_gather %masked_cumsum3A_1516[%gather3A_1519] in [0] : vector<16xf32>, vector<16xi32> -> vector<16xf32>
        %mul3A_1521 = arith.constant 1.562500e-02 : f32
        %mul3A_1522 = vector.broadcast %mul3A_1521 : f32 to vector<16xf32>
        %mul3A_1523 = arith.mulf %gather3A_1513, %mul3A_1522 : vector<16xf32>
        %mul3A_1524 = arith.constant 1.562500e-02 : f32
        %mul3A_1525 = vector.broadcast %mul3A_1524 : f32 to vector<16xf32>
        %mul3A_1526 = arith.mulf %gather3A_1520, %mul3A_1525 : vector<16xf32>
        %mul3A_1527 = arith.mulf %mul3A_1523, %mul3A_1523 : vector<16xf32>
        %sub3A_1528 = arith.subf %mul3A_1526, %mul3A_1527 : vector<16xf32>
        %add3A_1529 = arith.constant 9.99999974E-6 : f32
        %add3A_1530 = vector.broadcast %add3A_1529 : f32 to vector<16xf32>
        %add3A_1531 = arith.addf %sub3A_1528, %add3A_1530 : vector<16xf32>
        %bitcast3A_1532 = vector.bitcast %add3A_1531 : vector<16xf32> to vector<16xi32>
        %shift_right_arithmetic3A_1533 = arith.constant 1 : i32
        %shift_right_arithmetic3A_1534 = vector.broadcast %shift_right_arithmetic3A_1533 : i32 to vector<16xi32>
        %shift_right_arithmetic3A_1535 = arith.shrsi %bitcast3A_1532, %shift_right_arithmetic3A_1534 : vector<16xi32>
        %sub3A_1536 = arith.constant 1597463007 : i32
        %sub3A_1537 = vector.broadcast %sub3A_1536 : i32 to vector<16xi32>
        %sub3A_1538 = arith.subi %sub3A_1537, %shift_right_arithmetic3A_1535 : vector<16xi32>
        %bitcast3A_1539 = vector.bitcast %sub3A_1538 : vector<16xi32> to vector<16xf32>
        %mul3A_1540 = arith.constant 5.000000e-01 : f32
        %mul3A_1541 = vector.broadcast %mul3A_1540 : f32 to vector<16xf32>
        %mul3A_1542 = arith.mulf %mul3A_1541, %add3A_1531 : vector<16xf32>
        %mul3A_1543 = arith.mulf %mul3A_1542, %bitcast3A_1539 : vector<16xf32>
        %mul3A_1544 = arith.mulf %mul3A_1543, %bitcast3A_1539 : vector<16xf32>
        %sub3A_1545 = arith.constant 1.500000e+00 : f32
        %sub3A_1546 = vector.broadcast %sub3A_1545 : f32 to vector<16xf32>
        %sub3A_1547 = arith.subf %sub3A_1546, %mul3A_1544 : vector<16xf32>
        %mul3A_1548 = arith.mulf %bitcast3A_1539, %sub3A_1547 : vector<16xf32>
        %mul3A_1549 = arith.constant 5.000000e-01 : f32
        %mul3A_1550 = vector.broadcast %mul3A_1549 : f32 to vector<16xf32>
        %mul3A_1551 = arith.mulf %mul3A_1550, %add3A_1531 : vector<16xf32>
        %mul3A_1552 = arith.mulf %mul3A_1551, %mul3A_1548 : vector<16xf32>
        %mul3A_1553 = arith.mulf %mul3A_1552, %mul3A_1548 : vector<16xf32>
        %sub3A_1554 = arith.constant 1.500000e+00 : f32
        %sub3A_1555 = vector.broadcast %sub3A_1554 : f32 to vector<16xf32>
        %sub3A_1556 = arith.subf %sub3A_1555, %mul3A_1553 : vector<16xf32>
        %mul3A_1557 = arith.mulf %mul3A_1548, %sub3A_1556 : vector<16xf32>
        %sub3A_1558 = arith.subf %add3A_1475, %mul3A_1523 : vector<16xf32>
        %mul3A_1559 = arith.mulf %mul3A_1557, %get3A_3 : vector<16xf32>
        %mul3A_1560 = arith.mulf %sub3A_1558, %mul3A_1559 : vector<16xf32>
        %add3A_1561 = arith.addf %mul3A_1560, %get3A_11 : vector<16xf32>
        %swap3A_1562 = arith.index_cast %add3A_1468 : i32 to index
        %swap3A_1563 = arith.constant 0 : index
        %swap3A_1564 = tpu.vector_load %arg15[%swap3A_1562, %swap3A_1563] {strides = array<i32>} : memref<128x64xf32, #tpu.memory_space<vmem>>, vector<16xf32>,
        tpu.vector_store %arg15[%swap3A_1562, %swap3A_1563], %add3A_1561 {strides = array<i32>} : memref<128x64xf32, #tpu.memory_space<vmem>>, vector<16xf32>,
        %sub3A_1565 = arith.subf %add3A_1482, %mul3A_1523 : vector<16xf32>
        %mul3A_1566 = arith.mulf %mul3A_1557, %get3A_5 : vector<16xf32>
        %mul3A_1567 = arith.mulf %sub3A_1565, %mul3A_1566 : vector<16xf32>
        %add3A_1568 = arith.addf %mul3A_1567, %get3A_13 : vector<16xf32>
        %swap3A_1569 = arith.index_cast %add3A_1468 : i32 to index
        %swap3A_1570 = arith.constant 16 : index
        %swap3A_1571 = tpu.vector_load %arg15[%swap3A_1569, %swap3A_1570] {strides = array<i32>} : memref<128x64xf32, #tpu.memory_space<vmem>>, vector<16xf32>,
        tpu.vector_store %arg15[%swap3A_1569, %swap3A_1570], %add3A_1568 {strides = array<i32>} : memref<128x64xf32, #tpu.memory_space<vmem>>, vector<16xf32>,
        %sub3A_1572 = arith.subf %add3A_1489, %mul3A_1523 : vector<16xf32>
        %mul3A_1573 = arith.mulf %mul3A_1557, %get3A_7 : vector<16xf32>
        %mul3A_1574 = arith.mulf %sub3A_1572, %mul3A_1573 : vector<16xf32>
        %add3A_1575 = arith.addf %mul3A_1574, %get3A_15 : vector<16xf32>
        %swap3A_1576 = arith.index_cast %add3A_1468 : i32 to index
        %swap3A_1577 = arith.constant 32 : index
        %swap3A_1578 = tpu.vector_load %arg15[%swap3A_1576, %swap3A_1577] {strides = array<i32>} : memref<128x64xf32, #tpu.memory_space<vmem>>, vector<16xf32>,
        tpu.vector_store %arg15[%swap3A_1576, %swap3A_1577], %add3A_1575 {strides = array<i32>} : memref<128x64xf32, #tpu.memory_space<vmem>>, vector<16xf32>,
        %sub3A_1579 = arith.subf %add3A_1496, %mul3A_1523 : vector<16xf32>
        %mul3A_1580 = arith.mulf %mul3A_1557, %get3A_9 : vector<16xf32>
        %mul3A_1581 = arith.mulf %sub3A_1579, %mul3A_1580 : vector<16xf32>
        %add3A_1582 = arith.addf %mul3A_1581, %get3A_17 : vector<16xf32>
        %swap3A_1583 = arith.index_cast %add3A_1468 : i32 to index
        %swap3A_1584 = arith.constant 48 : index
        %swap3A_1585 = tpu.vector_load %arg15[%swap3A_1583, %swap3A_1584] {strides = array<i32>} : memref<128x64xf32, #tpu.memory_space<vmem>>, vector<16xf32>,
        tpu.vector_store %arg15[%swap3A_1583, %swap3A_1584], %add3A_1582 {strides = array<i32>} : memref<128x64xf32, #tpu.memory_space<vmem>>, vector<16xf32>,
        %mul3A_1586 = arith.constant 16 : i32
        %mul3A_1587 = arith.muli %scan3A_140, %mul3A_1586 : i32
        %add3A_1588 = arith.constant 12 : i32
        %add3A_1589 = arith.addi %mul3A_1587, %add3A_1588 : i32
        %get3A_1590 = arith.index_cast %add3A_1589 : i32 to index
        %get3A_1591 = arith.constant 0 : index
        %get3A_1592 = tpu.vector_load %arg11[%get3A_1590, %get3A_1591] {strides = array<i32>} : memref<128x64xf32, #tpu.memory_space<vmem>>, vector<16xf32>,
        %get3A_1593 = arith.index_cast %add3A_1589 : i32 to index
        %get3A_1594 = arith.constant 0 : index
        %get3A_1595 = tpu.vector_load %arg13[%get3A_1593, %get3A_1594] {strides = array<i32>} : memref<128x64xf32, #tpu.memory_space<vmem>>, vector<16xf32>,
        %add3A_1596 = arith.addf %get3A_1592, %get3A_1595 : vector<16xf32>
        %get3A_1597 = arith.index_cast %add3A_1589 : i32 to index
        %get3A_1598 = arith.constant 16 : index
        %get3A_1599 = tpu.vector_load %arg11[%get3A_1597, %get3A_1598] {strides = array<i32>} : memref<128x64xf32, #tpu.memory_space<vmem>>, vector<16xf32>,
        %get3A_1600 = arith.index_cast %add3A_1589 : i32 to index
        %get3A_1601 = arith.constant 16 : index
        %get3A_1602 = tpu.vector_load %arg13[%get3A_1600, %get3A_1601] {strides = array<i32>} : memref<128x64xf32, #tpu.memory_space<vmem>>, vector<16xf32>,
        %add3A_1603 = arith.addf %get3A_1599, %get3A_1602 : vector<16xf32>
        %get3A_1604 = arith.index_cast %add3A_1589 : i32 to index
        %get3A_1605 = arith.constant 32 : index
        %get3A_1606 = tpu.vector_load %arg11[%get3A_1604, %get3A_1605] {strides = array<i32>} : memref<128x64xf32, #tpu.memory_space<vmem>>, vector<16xf32>,
        %get3A_1607 = arith.index_cast %add3A_1589 : i32 to index
        %get3A_1608 = arith.constant 32 : index
        %get3A_1609 = tpu.vector_load %arg13[%get3A_1607, %get3A_1608] {strides = array<i32>} : memref<128x64xf32, #tpu.memory_space<vmem>>, vector<16xf32>,
        %add3A_1610 = arith.addf %get3A_1606, %get3A_1609 : vector<16xf32>
        %get3A_1611 = arith.index_cast %add3A_1589 : i32 to index
        %get3A_1612 = arith.constant 48 : index
        %get3A_1613 = tpu.vector_load %arg11[%get3A_1611, %get3A_1612] {strides = array<i32>} : memref<128x64xf32, #tpu.memory_space<vmem>>, vector<16xf32>,
        %get3A_1614 = arith.index_cast %add3A_1589 : i32 to index
        %get3A_1615 = arith.constant 48 : index
        %get3A_1616 = tpu.vector_load %arg13[%get3A_1614, %get3A_1615] {strides = array<i32>} : memref<128x64xf32, #tpu.memory_space<vmem>>, vector<16xf32>,
        %add3A_1617 = arith.addf %get3A_1613, %get3A_1616 : vector<16xf32>
        %add3A_1618 = arith.addf %add3A_1596, %add3A_1603 : vector<16xf32>
        %add3A_1619 = arith.addf %add3A_1610, %add3A_1617 : vector<16xf32>
        %add3A_1620 = arith.addf %add3A_1618, %add3A_1619 : vector<16xf32>
        %mul3A_1621 = arith.mulf %add3A_1596, %add3A_1596 : vector<16xf32>
        %mul3A_1622 = arith.mulf %add3A_1603, %add3A_1603 : vector<16xf32>
        %add3A_1623 = arith.addf %mul3A_1621, %mul3A_1622 : vector<16xf32>
        %mul3A_1624 = arith.mulf %add3A_1610, %add3A_1610 : vector<16xf32>
        %mul3A_1625 = arith.mulf %add3A_1617, %add3A_1617 : vector<16xf32>
        %add3A_1626 = arith.addf %mul3A_1624, %mul3A_1625 : vector<16xf32>
        %add3A_1627 = arith.addf %add3A_1623, %add3A_1626 : vector<16xf32>
        %broadcast_in_dim3A_1628 = arith.constant true
        %broadcast_in_dim3A_1629 = vector.broadcast %broadcast_in_dim3A_1628 : i1 to vector<16xi1>
        %masked_cumsum3A_1630 = tpu.scan <sum>, %add3A_1620 masked %broadcast_in_dim3A_1629 : vector<16xf32>, vector<16xi1> -> vector<16xf32>
        %broadcast_in_dim3A_1631 = arith.constant 15 : i32
        %broadcast_in_dim3A_1632 = vector.broadcast %broadcast_in_dim3A_1631 : i32 to vector<16x1xi32>
        %gather3A_1633 = vector.shape_cast %broadcast_in_dim3A_1632 : vector<16x1xi32> to vector<16xi32>
        %gather3A_1634 = tpu.dynamic_gather %masked_cumsum3A_1630[%gather3A_1633] in [0] : vector<16xf32>, vector<16xi32> -> vector<16xf32>
        %broadcast_in_dim3A_1635 = arith.constant true
        %broadcast_in_dim3A_1636 = vector.broadcast %broadcast_in_dim3A_1635 : i1 to vector<16xi1>
        %masked_cumsum3A_1637 = tpu.scan <sum>, %add3A_1627 masked %broadcast_in_dim3A_1636 : vector<16xf32>, vector<16xi1> -> vector<16xf32>
        %broadcast_in_dim3A_1638 = arith.constant 15 : i32
        %broadcast_in_dim3A_1639 = vector.broadcast %broadcast_in_dim3A_1638 : i32 to vector<16x1xi32>
        %gather3A_1640 = vector.shape_cast %broadcast_in_dim3A_1639 : vector<16x1xi32> to vector<16xi32>
        %gather3A_1641 = tpu.dynamic_gather %masked_cumsum3A_1637[%gather3A_1640] in [0] : vector<16xf32>, vector<16xi32> -> vector<16xf32>
        %mul3A_1642 = arith.constant 1.562500e-02 : f32
        %mul3A_1643 = vector.broadcast %mul3A_1642 : f32 to vector<16xf32>
        %mul3A_1644 = arith.mulf %gather3A_1634, %mul3A_1643 : vector<16xf32>
        %mul3A_1645 = arith.constant 1.562500e-02 : f32
        %mul3A_1646 = vector.broadcast %mul3A_1645 : f32 to vector<16xf32>
        %mul3A_1647 = arith.mulf %gather3A_1641, %mul3A_1646 : vector<16xf32>
        %mul3A_1648 = arith.mulf %mul3A_1644, %mul3A_1644 : vector<16xf32>
        %sub3A_1649 = arith.subf %mul3A_1647, %mul3A_1648 : vector<16xf32>
        %add3A_1650 = arith.constant 9.99999974E-6 : f32
        %add3A_1651 = vector.broadcast %add3A_1650 : f32 to vector<16xf32>
        %add3A_1652 = arith.addf %sub3A_1649, %add3A_1651 : vector<16xf32>
        %bitcast3A_1653 = vector.bitcast %add3A_1652 : vector<16xf32> to vector<16xi32>
        %shift_right_arithmetic3A_1654 = arith.constant 1 : i32
        %shift_right_arithmetic3A_1655 = vector.broadcast %shift_right_arithmetic3A_1654 : i32 to vector<16xi32>
        %shift_right_arithmetic3A_1656 = arith.shrsi %bitcast3A_1653, %shift_right_arithmetic3A_1655 : vector<16xi32>
        %sub3A_1657 = arith.constant 1597463007 : i32
        %sub3A_1658 = vector.broadcast %sub3A_1657 : i32 to vector<16xi32>
        %sub3A_1659 = arith.subi %sub3A_1658, %shift_right_arithmetic3A_1656 : vector<16xi32>
        %bitcast3A_1660 = vector.bitcast %sub3A_1659 : vector<16xi32> to vector<16xf32>
        %mul3A_1661 = arith.constant 5.000000e-01 : f32
        %mul3A_1662 = vector.broadcast %mul3A_1661 : f32 to vector<16xf32>
        %mul3A_1663 = arith.mulf %mul3A_1662, %add3A_1652 : vector<16xf32>
        %mul3A_1664 = arith.mulf %mul3A_1663, %bitcast3A_1660 : vector<16xf32>
        %mul3A_1665 = arith.mulf %mul3A_1664, %bitcast3A_1660 : vector<16xf32>
        %sub3A_1666 = arith.constant 1.500000e+00 : f32
        %sub3A_1667 = vector.broadcast %sub3A_1666 : f32 to vector<16xf32>
        %sub3A_1668 = arith.subf %sub3A_1667, %mul3A_1665 : vector<16xf32>
        %mul3A_1669 = arith.mulf %bitcast3A_1660, %sub3A_1668 : vector<16xf32>
        %mul3A_1670 = arith.constant 5.000000e-01 : f32
        %mul3A_1671 = vector.broadcast %mul3A_1670 : f32 to vector<16xf32>
        %mul3A_1672 = arith.mulf %mul3A_1671, %add3A_1652 : vector<16xf32>
        %mul3A_1673 = arith.mulf %mul3A_1672, %mul3A_1669 : vector<16xf32>
        %mul3A_1674 = arith.mulf %mul3A_1673, %mul3A_1669 : vector<16xf32>
        %sub3A_1675 = arith.constant 1.500000e+00 : f32
        %sub3A_1676 = vector.broadcast %sub3A_1675 : f32 to vector<16xf32>
        %sub3A_1677 = arith.subf %sub3A_1676, %mul3A_1674 : vector<16xf32>
        %mul3A_1678 = arith.mulf %mul3A_1669, %sub3A_1677 : vector<16xf32>
        %sub3A_1679 = arith.subf %add3A_1596, %mul3A_1644 : vector<16xf32>
        %mul3A_1680 = arith.mulf %mul3A_1678, %get3A_3 : vector<16xf32>
        %mul3A_1681 = arith.mulf %sub3A_1679, %mul3A_1680 : vector<16xf32>
        %add3A_1682 = arith.addf %mul3A_1681, %get3A_11 : vector<16xf32>
        %swap3A_1683 = arith.index_cast %add3A_1589 : i32 to index
        %swap3A_1684 = arith.constant 0 : index
        %swap3A_1685 = tpu.vector_load %arg15[%swap3A_1683, %swap3A_1684] {strides = array<i32>} : memref<128x64xf32, #tpu.memory_space<vmem>>, vector<16xf32>,
        tpu.vector_store %arg15[%swap3A_1683, %swap3A_1684], %add3A_1682 {strides = array<i32>} : memref<128x64xf32, #tpu.memory_space<vmem>>, vector<16xf32>,
        %sub3A_1686 = arith.subf %add3A_1603, %mul3A_1644 : vector<16xf32>
        %mul3A_1687 = arith.mulf %mul3A_1678, %get3A_5 : vector<16xf32>
        %mul3A_1688 = arith.mulf %sub3A_1686, %mul3A_1687 : vector<16xf32>
        %add3A_1689 = arith.addf %mul3A_1688, %get3A_13 : vector<16xf32>
        %swap3A_1690 = arith.index_cast %add3A_1589 : i32 to index
        %swap3A_1691 = arith.constant 16 : index
        %swap3A_1692 = tpu.vector_load %arg15[%swap3A_1690, %swap3A_1691] {strides = array<i32>} : memref<128x64xf32, #tpu.memory_space<vmem>>, vector<16xf32>,
        tpu.vector_store %arg15[%swap3A_1690, %swap3A_1691], %add3A_1689 {strides = array<i32>} : memref<128x64xf32, #tpu.memory_space<vmem>>, vector<16xf32>,
        %sub3A_1693 = arith.subf %add3A_1610, %mul3A_1644 : vector<16xf32>
        %mul3A_1694 = arith.mulf %mul3A_1678, %get3A_7 : vector<16xf32>
        %mul3A_1695 = arith.mulf %sub3A_1693, %mul3A_1694 : vector<16xf32>
        %add3A_1696 = arith.addf %mul3A_1695, %get3A_15 : vector<16xf32>
        %swap3A_1697 = arith.index_cast %add3A_1589 : i32 to index
        %swap3A_1698 = arith.constant 32 : index
        %swap3A_1699 = tpu.vector_load %arg15[%swap3A_1697, %swap3A_1698] {strides = array<i32>} : memref<128x64xf32, #tpu.memory_space<vmem>>, vector<16xf32>,
        tpu.vector_store %arg15[%swap3A_1697, %swap3A_1698], %add3A_1696 {strides = array<i32>} : memref<128x64xf32, #tpu.memory_space<vmem>>, vector<16xf32>,
        %sub3A_1700 = arith.subf %add3A_1617, %mul3A_1644 : vector<16xf32>
        %mul3A_1701 = arith.mulf %mul3A_1678, %get3A_9 : vector<16xf32>
        %mul3A_1702 = arith.mulf %sub3A_1700, %mul3A_1701 : vector<16xf32>
        %add3A_1703 = arith.addf %mul3A_1702, %get3A_17 : vector<16xf32>
        %swap3A_1704 = arith.index_cast %add3A_1589 : i32 to index
        %swap3A_1705 = arith.constant 48 : index
        %swap3A_1706 = tpu.vector_load %arg15[%swap3A_1704, %swap3A_1705] {strides = array<i32>} : memref<128x64xf32, #tpu.memory_space<vmem>>, vector<16xf32>,
        tpu.vector_store %arg15[%swap3A_1704, %swap3A_1705], %add3A_1703 {strides = array<i32>} : memref<128x64xf32, #tpu.memory_space<vmem>>, vector<16xf32>,
        %mul3A_1707 = arith.constant 16 : i32
        %mul3A_1708 = arith.muli %scan3A_140, %mul3A_1707 : i32
        %add3A_1709 = arith.constant 13 : i32
        %add3A_1710 = arith.addi %mul3A_1708, %add3A_1709 : i32
        %get3A_1711 = arith.index_cast %add3A_1710 : i32 to index
        %get3A_1712 = arith.constant 0 : index
        %get3A_1713 = tpu.vector_load %arg11[%get3A_1711, %get3A_1712] {strides = array<i32>} : memref<128x64xf32, #tpu.memory_space<vmem>>, vector<16xf32>,
        %get3A_1714 = arith.index_cast %add3A_1710 : i32 to index
        %get3A_1715 = arith.constant 0 : index
        %get3A_1716 = tpu.vector_load %arg13[%get3A_1714, %get3A_1715] {strides = array<i32>} : memref<128x64xf32, #tpu.memory_space<vmem>>, vector<16xf32>,
        %add3A_1717 = arith.addf %get3A_1713, %get3A_1716 : vector<16xf32>
        %get3A_1718 = arith.index_cast %add3A_1710 : i32 to index
        %get3A_1719 = arith.constant 16 : index
        %get3A_1720 = tpu.vector_load %arg11[%get3A_1718, %get3A_1719] {strides = array<i32>} : memref<128x64xf32, #tpu.memory_space<vmem>>, vector<16xf32>,
        %get3A_1721 = arith.index_cast %add3A_1710 : i32 to index
        %get3A_1722 = arith.constant 16 : index
        %get3A_1723 = tpu.vector_load %arg13[%get3A_1721, %get3A_1722] {strides = array<i32>} : memref<128x64xf32, #tpu.memory_space<vmem>>, vector<16xf32>,
        %add3A_1724 = arith.addf %get3A_1720, %get3A_1723 : vector<16xf32>
        %get3A_1725 = arith.index_cast %add3A_1710 : i32 to index
        %get3A_1726 = arith.constant 32 : index
        %get3A_1727 = tpu.vector_load %arg11[%get3A_1725, %get3A_1726] {strides = array<i32>} : memref<128x64xf32, #tpu.memory_space<vmem>>, vector<16xf32>,
        %get3A_1728 = arith.index_cast %add3A_1710 : i32 to index
        %get3A_1729 = arith.constant 32 : index
        %get3A_1730 = tpu.vector_load %arg13[%get3A_1728, %get3A_1729] {strides = array<i32>} : memref<128x64xf32, #tpu.memory_space<vmem>>, vector<16xf32>,
        %add3A_1731 = arith.addf %get3A_1727, %get3A_1730 : vector<16xf32>
        %get3A_1732 = arith.index_cast %add3A_1710 : i32 to index
        %get3A_1733 = arith.constant 48 : index
        %get3A_1734 = tpu.vector_load %arg11[%get3A_1732, %get3A_1733] {strides = array<i32>} : memref<128x64xf32, #tpu.memory_space<vmem>>, vector<16xf32>,
        %get3A_1735 = arith.index_cast %add3A_1710 : i32 to index
        %get3A_1736 = arith.constant 48 : index
        %get3A_1737 = tpu.vector_load %arg13[%get3A_1735, %get3A_1736] {strides = array<i32>} : memref<128x64xf32, #tpu.memory_space<vmem>>, vector<16xf32>,
        %add3A_1738 = arith.addf %get3A_1734, %get3A_1737 : vector<16xf32>
        %add3A_1739 = arith.addf %add3A_1717, %add3A_1724 : vector<16xf32>
        %add3A_1740 = arith.addf %add3A_1731, %add3A_1738 : vector<16xf32>
        %add3A_1741 = arith.addf %add3A_1739, %add3A_1740 : vector<16xf32>
        %mul3A_1742 = arith.mulf %add3A_1717, %add3A_1717 : vector<16xf32>
        %mul3A_1743 = arith.mulf %add3A_1724, %add3A_1724 : vector<16xf32>
        %add3A_1744 = arith.addf %mul3A_1742, %mul3A_1743 : vector<16xf32>
        %mul3A_1745 = arith.mulf %add3A_1731, %add3A_1731 : vector<16xf32>
        %mul3A_1746 = arith.mulf %add3A_1738, %add3A_1738 : vector<16xf32>
        %add3A_1747 = arith.addf %mul3A_1745, %mul3A_1746 : vector<16xf32>
        %add3A_1748 = arith.addf %add3A_1744, %add3A_1747 : vector<16xf32>
        %broadcast_in_dim3A_1749 = arith.constant true
        %broadcast_in_dim3A_1750 = vector.broadcast %broadcast_in_dim3A_1749 : i1 to vector<16xi1>
        %masked_cumsum3A_1751 = tpu.scan <sum>, %add3A_1741 masked %broadcast_in_dim3A_1750 : vector<16xf32>, vector<16xi1> -> vector<16xf32>
        %broadcast_in_dim3A_1752 = arith.constant 15 : i32
        %broadcast_in_dim3A_1753 = vector.broadcast %broadcast_in_dim3A_1752 : i32 to vector<16x1xi32>
        %gather3A_1754 = vector.shape_cast %broadcast_in_dim3A_1753 : vector<16x1xi32> to vector<16xi32>
        %gather3A_1755 = tpu.dynamic_gather %masked_cumsum3A_1751[%gather3A_1754] in [0] : vector<16xf32>, vector<16xi32> -> vector<16xf32>
        %broadcast_in_dim3A_1756 = arith.constant true
        %broadcast_in_dim3A_1757 = vector.broadcast %broadcast_in_dim3A_1756 : i1 to vector<16xi1>
        %masked_cumsum3A_1758 = tpu.scan <sum>, %add3A_1748 masked %broadcast_in_dim3A_1757 : vector<16xf32>, vector<16xi1> -> vector<16xf32>
        %broadcast_in_dim3A_1759 = arith.constant 15 : i32
        %broadcast_in_dim3A_1760 = vector.broadcast %broadcast_in_dim3A_1759 : i32 to vector<16x1xi32>
        %gather3A_1761 = vector.shape_cast %broadcast_in_dim3A_1760 : vector<16x1xi32> to vector<16xi32>
        %gather3A_1762 = tpu.dynamic_gather %masked_cumsum3A_1758[%gather3A_1761] in [0] : vector<16xf32>, vector<16xi32> -> vector<16xf32>
        %mul3A_1763 = arith.constant 1.562500e-02 : f32
        %mul3A_1764 = vector.broadcast %mul3A_1763 : f32 to vector<16xf32>
        %mul3A_1765 = arith.mulf %gather3A_1755, %mul3A_1764 : vector<16xf32>
        %mul3A_1766 = arith.constant 1.562500e-02 : f32
        %mul3A_1767 = vector.broadcast %mul3A_1766 : f32 to vector<16xf32>
        %mul3A_1768 = arith.mulf %gather3A_1762, %mul3A_1767 : vector<16xf32>
        %mul3A_1769 = arith.mulf %mul3A_1765, %mul3A_1765 : vector<16xf32>
        %sub3A_1770 = arith.subf %mul3A_1768, %mul3A_1769 : vector<16xf32>
        %add3A_1771 = arith.constant 9.99999974E-6 : f32
        %add3A_1772 = vector.broadcast %add3A_1771 : f32 to vector<16xf32>
        %add3A_1773 = arith.addf %sub3A_1770, %add3A_1772 : vector<16xf32>
        %bitcast3A_1774 = vector.bitcast %add3A_1773 : vector<16xf32> to vector<16xi32>
        %shift_right_arithmetic3A_1775 = arith.constant 1 : i32
        %shift_right_arithmetic3A_1776 = vector.broadcast %shift_right_arithmetic3A_1775 : i32 to vector<16xi32>
        %shift_right_arithmetic3A_1777 = arith.shrsi %bitcast3A_1774, %shift_right_arithmetic3A_1776 : vector<16xi32>
        %sub3A_1778 = arith.constant 1597463007 : i32
        %sub3A_1779 = vector.broadcast %sub3A_1778 : i32 to vector<16xi32>
        %sub3A_1780 = arith.subi %sub3A_1779, %shift_right_arithmetic3A_1777 : vector<16xi32>
        %bitcast3A_1781 = vector.bitcast %sub3A_1780 : vector<16xi32> to vector<16xf32>
        %mul3A_1782 = arith.constant 5.000000e-01 : f32
        %mul3A_1783 = vector.broadcast %mul3A_1782 : f32 to vector<16xf32>
        %mul3A_1784 = arith.mulf %mul3A_1783, %add3A_1773 : vector<16xf32>
        %mul3A_1785 = arith.mulf %mul3A_1784, %bitcast3A_1781 : vector<16xf32>
        %mul3A_1786 = arith.mulf %mul3A_1785, %bitcast3A_1781 : vector<16xf32>
        %sub3A_1787 = arith.constant 1.500000e+00 : f32
        %sub3A_1788 = vector.broadcast %sub3A_1787 : f32 to vector<16xf32>
        %sub3A_1789 = arith.subf %sub3A_1788, %mul3A_1786 : vector<16xf32>
        %mul3A_1790 = arith.mulf %bitcast3A_1781, %sub3A_1789 : vector<16xf32>
        %mul3A_1791 = arith.constant 5.000000e-01 : f32
        %mul3A_1792 = vector.broadcast %mul3A_1791 : f32 to vector<16xf32>
        %mul3A_1793 = arith.mulf %mul3A_1792, %add3A_1773 : vector<16xf32>
        %mul3A_1794 = arith.mulf %mul3A_1793, %mul3A_1790 : vector<16xf32>
        %mul3A_1795 = arith.mulf %mul3A_1794, %mul3A_1790 : vector<16xf32>
        %sub3A_1796 = arith.constant 1.500000e+00 : f32
        %sub3A_1797 = vector.broadcast %sub3A_1796 : f32 to vector<16xf32>
        %sub3A_1798 = arith.subf %sub3A_1797, %mul3A_1795 : vector<16xf32>
        %mul3A_1799 = arith.mulf %mul3A_1790, %sub3A_1798 : vector<16xf32>
        %sub3A_1800 = arith.subf %add3A_1717, %mul3A_1765 : vector<16xf32>
        %mul3A_1801 = arith.mulf %mul3A_1799, %get3A_3 : vector<16xf32>
        %mul3A_1802 = arith.mulf %sub3A_1800, %mul3A_1801 : vector<16xf32>
        %add3A_1803 = arith.addf %mul3A_1802, %get3A_11 : vector<16xf32>
        %swap3A_1804 = arith.index_cast %add3A_1710 : i32 to index
        %swap3A_1805 = arith.constant 0 : index
        %swap3A_1806 = tpu.vector_load %arg15[%swap3A_1804, %swap3A_1805] {strides = array<i32>} : memref<128x64xf32, #tpu.memory_space<vmem>>, vector<16xf32>,
        tpu.vector_store %arg15[%swap3A_1804, %swap3A_1805], %add3A_1803 {strides = array<i32>} : memref<128x64xf32, #tpu.memory_space<vmem>>, vector<16xf32>,
        %sub3A_1807 = arith.subf %add3A_1724, %mul3A_1765 : vector<16xf32>
        %mul3A_1808 = arith.mulf %mul3A_1799, %get3A_5 : vector<16xf32>
        %mul3A_1809 = arith.mulf %sub3A_1807, %mul3A_1808 : vector<16xf32>
        %add3A_1810 = arith.addf %mul3A_1809, %get3A_13 : vector<16xf32>
        %swap3A_1811 = arith.index_cast %add3A_1710 : i32 to index
        %swap3A_1812 = arith.constant 16 : index
        %swap3A_1813 = tpu.vector_load %arg15[%swap3A_1811, %swap3A_1812] {strides = array<i32>} : memref<128x64xf32, #tpu.memory_space<vmem>>, vector<16xf32>,
        tpu.vector_store %arg15[%swap3A_1811, %swap3A_1812], %add3A_1810 {strides = array<i32>} : memref<128x64xf32, #tpu.memory_space<vmem>>, vector<16xf32>,
        %sub3A_1814 = arith.subf %add3A_1731, %mul3A_1765 : vector<16xf32>
        %mul3A_1815 = arith.mulf %mul3A_1799, %get3A_7 : vector<16xf32>
        %mul3A_1816 = arith.mulf %sub3A_1814, %mul3A_1815 : vector<16xf32>
        %add3A_1817 = arith.addf %mul3A_1816, %get3A_15 : vector<16xf32>
        %swap3A_1818 = arith.index_cast %add3A_1710 : i32 to index
        %swap3A_1819 = arith.constant 32 : index
        %swap3A_1820 = tpu.vector_load %arg15[%swap3A_1818, %swap3A_1819] {strides = array<i32>} : memref<128x64xf32, #tpu.memory_space<vmem>>, vector<16xf32>,
        tpu.vector_store %arg15[%swap3A_1818, %swap3A_1819], %add3A_1817 {strides = array<i32>} : memref<128x64xf32, #tpu.memory_space<vmem>>, vector<16xf32>,
        %sub3A_1821 = arith.subf %add3A_1738, %mul3A_1765 : vector<16xf32>
        %mul3A_1822 = arith.mulf %mul3A_1799, %get3A_9 : vector<16xf32>
        %mul3A_1823 = arith.mulf %sub3A_1821, %mul3A_1822 : vector<16xf32>
        %add3A_1824 = arith.addf %mul3A_1823, %get3A_17 : vector<16xf32>
        %swap3A_1825 = arith.index_cast %add3A_1710 : i32 to index
        %swap3A_1826 = arith.constant 48 : index
        %swap3A_1827 = tpu.vector_load %arg15[%swap3A_1825, %swap3A_1826] {strides = array<i32>} : memref<128x64xf32, #tpu.memory_space<vmem>>, vector<16xf32>,
        tpu.vector_store %arg15[%swap3A_1825, %swap3A_1826], %add3A_1824 {strides = array<i32>} : memref<128x64xf32, #tpu.memory_space<vmem>>, vector<16xf32>,
        %mul3A_1828 = arith.constant 16 : i32
        %mul3A_1829 = arith.muli %scan3A_140, %mul3A_1828 : i32
        %add3A_1830 = arith.constant 14 : i32
        %add3A_1831 = arith.addi %mul3A_1829, %add3A_1830 : i32
        %get3A_1832 = arith.index_cast %add3A_1831 : i32 to index
        %get3A_1833 = arith.constant 0 : index
        %get3A_1834 = tpu.vector_load %arg11[%get3A_1832, %get3A_1833] {strides = array<i32>} : memref<128x64xf32, #tpu.memory_space<vmem>>, vector<16xf32>,
        %get3A_1835 = arith.index_cast %add3A_1831 : i32 to index
        %get3A_1836 = arith.constant 0 : index
        %get3A_1837 = tpu.vector_load %arg13[%get3A_1835, %get3A_1836] {strides = array<i32>} : memref<128x64xf32, #tpu.memory_space<vmem>>, vector<16xf32>,
        %add3A_1838 = arith.addf %get3A_1834, %get3A_1837 : vector<16xf32>
        %get3A_1839 = arith.index_cast %add3A_1831 : i32 to index
        %get3A_1840 = arith.constant 16 : index
        %get3A_1841 = tpu.vector_load %arg11[%get3A_1839, %get3A_1840] {strides = array<i32>} : memref<128x64xf32, #tpu.memory_space<vmem>>, vector<16xf32>,
        %get3A_1842 = arith.index_cast %add3A_1831 : i32 to index
        %get3A_1843 = arith.constant 16 : index
        %get3A_1844 = tpu.vector_load %arg13[%get3A_1842, %get3A_1843] {strides = array<i32>} : memref<128x64xf32, #tpu.memory_space<vmem>>, vector<16xf32>,
        %add3A_1845 = arith.addf %get3A_1841, %get3A_1844 : vector<16xf32>
        %get3A_1846 = arith.index_cast %add3A_1831 : i32 to index
        %get3A_1847 = arith.constant 32 : index
        %get3A_1848 = tpu.vector_load %arg11[%get3A_1846, %get3A_1847] {strides = array<i32>} : memref<128x64xf32, #tpu.memory_space<vmem>>, vector<16xf32>,
        %get3A_1849 = arith.index_cast %add3A_1831 : i32 to index
        %get3A_1850 = arith.constant 32 : index
        %get3A_1851 = tpu.vector_load %arg13[%get3A_1849, %get3A_1850] {strides = array<i32>} : memref<128x64xf32, #tpu.memory_space<vmem>>, vector<16xf32>,
        %add3A_1852 = arith.addf %get3A_1848, %get3A_1851 : vector<16xf32>
        %get3A_1853 = arith.index_cast %add3A_1831 : i32 to index
        %get3A_1854 = arith.constant 48 : index
        %get3A_1855 = tpu.vector_load %arg11[%get3A_1853, %get3A_1854] {strides = array<i32>} : memref<128x64xf32, #tpu.memory_space<vmem>>, vector<16xf32>,
        %get3A_1856 = arith.index_cast %add3A_1831 : i32 to index
        %get3A_1857 = arith.constant 48 : index
        %get3A_1858 = tpu.vector_load %arg13[%get3A_1856, %get3A_1857] {strides = array<i32>} : memref<128x64xf32, #tpu.memory_space<vmem>>, vector<16xf32>,
        %add3A_1859 = arith.addf %get3A_1855, %get3A_1858 : vector<16xf32>
        %add3A_1860 = arith.addf %add3A_1838, %add3A_1845 : vector<16xf32>
        %add3A_1861 = arith.addf %add3A_1852, %add3A_1859 : vector<16xf32>
        %add3A_1862 = arith.addf %add3A_1860, %add3A_1861 : vector<16xf32>
        %mul3A_1863 = arith.mulf %add3A_1838, %add3A_1838 : vector<16xf32>
        %mul3A_1864 = arith.mulf %add3A_1845, %add3A_1845 : vector<16xf32>
        %add3A_1865 = arith.addf %mul3A_1863, %mul3A_1864 : vector<16xf32>
        %mul3A_1866 = arith.mulf %add3A_1852, %add3A_1852 : vector<16xf32>
        %mul3A_1867 = arith.mulf %add3A_1859, %add3A_1859 : vector<16xf32>
        %add3A_1868 = arith.addf %mul3A_1866, %mul3A_1867 : vector<16xf32>
        %add3A_1869 = arith.addf %add3A_1865, %add3A_1868 : vector<16xf32>
        %broadcast_in_dim3A_1870 = arith.constant true
        %broadcast_in_dim3A_1871 = vector.broadcast %broadcast_in_dim3A_1870 : i1 to vector<16xi1>
        %masked_cumsum3A_1872 = tpu.scan <sum>, %add3A_1862 masked %broadcast_in_dim3A_1871 : vector<16xf32>, vector<16xi1> -> vector<16xf32>
        %broadcast_in_dim3A_1873 = arith.constant 15 : i32
        %broadcast_in_dim3A_1874 = vector.broadcast %broadcast_in_dim3A_1873 : i32 to vector<16x1xi32>
        %gather3A_1875 = vector.shape_cast %broadcast_in_dim3A_1874 : vector<16x1xi32> to vector<16xi32>
        %gather3A_1876 = tpu.dynamic_gather %masked_cumsum3A_1872[%gather3A_1875] in [0] : vector<16xf32>, vector<16xi32> -> vector<16xf32>
        %broadcast_in_dim3A_1877 = arith.constant true
        %broadcast_in_dim3A_1878 = vector.broadcast %broadcast_in_dim3A_1877 : i1 to vector<16xi1>
        %masked_cumsum3A_1879 = tpu.scan <sum>, %add3A_1869 masked %broadcast_in_dim3A_1878 : vector<16xf32>, vector<16xi1> -> vector<16xf32>
        %broadcast_in_dim3A_1880 = arith.constant 15 : i32
        %broadcast_in_dim3A_1881 = vector.broadcast %broadcast_in_dim3A_1880 : i32 to vector<16x1xi32>
        %gather3A_1882 = vector.shape_cast %broadcast_in_dim3A_1881 : vector<16x1xi32> to vector<16xi32>
        %gather3A_1883 = tpu.dynamic_gather %masked_cumsum3A_1879[%gather3A_1882] in [0] : vector<16xf32>, vector<16xi32> -> vector<16xf32>
        %mul3A_1884 = arith.constant 1.562500e-02 : f32
        %mul3A_1885 = vector.broadcast %mul3A_1884 : f32 to vector<16xf32>
        %mul3A_1886 = arith.mulf %gather3A_1876, %mul3A_1885 : vector<16xf32>
        %mul3A_1887 = arith.constant 1.562500e-02 : f32
        %mul3A_1888 = vector.broadcast %mul3A_1887 : f32 to vector<16xf32>
        %mul3A_1889 = arith.mulf %gather3A_1883, %mul3A_1888 : vector<16xf32>
        %mul3A_1890 = arith.mulf %mul3A_1886, %mul3A_1886 : vector<16xf32>
        %sub3A_1891 = arith.subf %mul3A_1889, %mul3A_1890 : vector<16xf32>
        %add3A_1892 = arith.constant 9.99999974E-6 : f32
        %add3A_1893 = vector.broadcast %add3A_1892 : f32 to vector<16xf32>
        %add3A_1894 = arith.addf %sub3A_1891, %add3A_1893 : vector<16xf32>
        %bitcast3A_1895 = vector.bitcast %add3A_1894 : vector<16xf32> to vector<16xi32>
        %shift_right_arithmetic3A_1896 = arith.constant 1 : i32
        %shift_right_arithmetic3A_1897 = vector.broadcast %shift_right_arithmetic3A_1896 : i32 to vector<16xi32>
        %shift_right_arithmetic3A_1898 = arith.shrsi %bitcast3A_1895, %shift_right_arithmetic3A_1897 : vector<16xi32>
        %sub3A_1899 = arith.constant 1597463007 : i32
        %sub3A_1900 = vector.broadcast %sub3A_1899 : i32 to vector<16xi32>
        %sub3A_1901 = arith.subi %sub3A_1900, %shift_right_arithmetic3A_1898 : vector<16xi32>
        %bitcast3A_1902 = vector.bitcast %sub3A_1901 : vector<16xi32> to vector<16xf32>
        %mul3A_1903 = arith.constant 5.000000e-01 : f32
        %mul3A_1904 = vector.broadcast %mul3A_1903 : f32 to vector<16xf32>
        %mul3A_1905 = arith.mulf %mul3A_1904, %add3A_1894 : vector<16xf32>
        %mul3A_1906 = arith.mulf %mul3A_1905, %bitcast3A_1902 : vector<16xf32>
        %mul3A_1907 = arith.mulf %mul3A_1906, %bitcast3A_1902 : vector<16xf32>
        %sub3A_1908 = arith.constant 1.500000e+00 : f32
        %sub3A_1909 = vector.broadcast %sub3A_1908 : f32 to vector<16xf32>
        %sub3A_1910 = arith.subf %sub3A_1909, %mul3A_1907 : vector<16xf32>
        %mul3A_1911 = arith.mulf %bitcast3A_1902, %sub3A_1910 : vector<16xf32>
        %mul3A_1912 = arith.constant 5.000000e-01 : f32
        %mul3A_1913 = vector.broadcast %mul3A_1912 : f32 to vector<16xf32>
        %mul3A_1914 = arith.mulf %mul3A_1913, %add3A_1894 : vector<16xf32>
        %mul3A_1915 = arith.mulf %mul3A_1914, %mul3A_1911 : vector<16xf32>
        %mul3A_1916 = arith.mulf %mul3A_1915, %mul3A_1911 : vector<16xf32>
        %sub3A_1917 = arith.constant 1.500000e+00 : f32
        %sub3A_1918 = vector.broadcast %sub3A_1917 : f32 to vector<16xf32>
        %sub3A_1919 = arith.subf %sub3A_1918, %mul3A_1916 : vector<16xf32>
        %mul3A_1920 = arith.mulf %mul3A_1911, %sub3A_1919 : vector<16xf32>
        %sub3A_1921 = arith.subf %add3A_1838, %mul3A_1886 : vector<16xf32>
        %mul3A_1922 = arith.mulf %mul3A_1920, %get3A_3 : vector<16xf32>
        %mul3A_1923 = arith.mulf %sub3A_1921, %mul3A_1922 : vector<16xf32>
        %add3A_1924 = arith.addf %mul3A_1923, %get3A_11 : vector<16xf32>
        %swap3A_1925 = arith.index_cast %add3A_1831 : i32 to index
        %swap3A_1926 = arith.constant 0 : index
        %swap3A_1927 = tpu.vector_load %arg15[%swap3A_1925, %swap3A_1926] {strides = array<i32>} : memref<128x64xf32, #tpu.memory_space<vmem>>, vector<16xf32>,
        tpu.vector_store %arg15[%swap3A_1925, %swap3A_1926], %add3A_1924 {strides = array<i32>} : memref<128x64xf32, #tpu.memory_space<vmem>>, vector<16xf32>,
        %sub3A_1928 = arith.subf %add3A_1845, %mul3A_1886 : vector<16xf32>
        %mul3A_1929 = arith.mulf %mul3A_1920, %get3A_5 : vector<16xf32>
        %mul3A_1930 = arith.mulf %sub3A_1928, %mul3A_1929 : vector<16xf32>
        %add3A_1931 = arith.addf %mul3A_1930, %get3A_13 : vector<16xf32>
        %swap3A_1932 = arith.index_cast %add3A_1831 : i32 to index
        %swap3A_1933 = arith.constant 16 : index
        %swap3A_1934 = tpu.vector_load %arg15[%swap3A_1932, %swap3A_1933] {strides = array<i32>} : memref<128x64xf32, #tpu.memory_space<vmem>>, vector<16xf32>,
        tpu.vector_store %arg15[%swap3A_1932, %swap3A_1933], %add3A_1931 {strides = array<i32>} : memref<128x64xf32, #tpu.memory_space<vmem>>, vector<16xf32>,
        %sub3A_1935 = arith.subf %add3A_1852, %mul3A_1886 : vector<16xf32>
        %mul3A_1936 = arith.mulf %mul3A_1920, %get3A_7 : vector<16xf32>
        %mul3A_1937 = arith.mulf %sub3A_1935, %mul3A_1936 : vector<16xf32>
        %add3A_1938 = arith.addf %mul3A_1937, %get3A_15 : vector<16xf32>
        %swap3A_1939 = arith.index_cast %add3A_1831 : i32 to index
        %swap3A_1940 = arith.constant 32 : index
        %swap3A_1941 = tpu.vector_load %arg15[%swap3A_1939, %swap3A_1940] {strides = array<i32>} : memref<128x64xf32, #tpu.memory_space<vmem>>, vector<16xf32>,
        tpu.vector_store %arg15[%swap3A_1939, %swap3A_1940], %add3A_1938 {strides = array<i32>} : memref<128x64xf32, #tpu.memory_space<vmem>>, vector<16xf32>,
        %sub3A_1942 = arith.subf %add3A_1859, %mul3A_1886 : vector<16xf32>
        %mul3A_1943 = arith.mulf %mul3A_1920, %get3A_9 : vector<16xf32>
        %mul3A_1944 = arith.mulf %sub3A_1942, %mul3A_1943 : vector<16xf32>
        %add3A_1945 = arith.addf %mul3A_1944, %get3A_17 : vector<16xf32>
        %swap3A_1946 = arith.index_cast %add3A_1831 : i32 to index
        %swap3A_1947 = arith.constant 48 : index
        %swap3A_1948 = tpu.vector_load %arg15[%swap3A_1946, %swap3A_1947] {strides = array<i32>} : memref<128x64xf32, #tpu.memory_space<vmem>>, vector<16xf32>,
        tpu.vector_store %arg15[%swap3A_1946, %swap3A_1947], %add3A_1945 {strides = array<i32>} : memref<128x64xf32, #tpu.memory_space<vmem>>, vector<16xf32>,
        %mul3A_1949 = arith.constant 16 : i32
        %mul3A_1950 = arith.muli %scan3A_140, %mul3A_1949 : i32
        %add3A_1951 = arith.constant 15 : i32
        %add3A_1952 = arith.addi %mul3A_1950, %add3A_1951 : i32
        %get3A_1953 = arith.index_cast %add3A_1952 : i32 to index
        %get3A_1954 = arith.constant 0 : index
        %get3A_1955 = tpu.vector_load %arg11[%get3A_1953, %get3A_1954] {strides = array<i32>} : memref<128x64xf32, #tpu.memory_space<vmem>>, vector<16xf32>,
        %get3A_1956 = arith.index_cast %add3A_1952 : i32 to index
        %get3A_1957 = arith.constant 0 : index
        %get3A_1958 = tpu.vector_load %arg13[%get3A_1956, %get3A_1957] {strides = array<i32>} : memref<128x64xf32, #tpu.memory_space<vmem>>, vector<16xf32>,
        %add3A_1959 = arith.addf %get3A_1955, %get3A_1958 : vector<16xf32>
        %get3A_1960 = arith.index_cast %add3A_1952 : i32 to index
        %get3A_1961 = arith.constant 16 : index
        %get3A_1962 = tpu.vector_load %arg11[%get3A_1960, %get3A_1961] {strides = array<i32>} : memref<128x64xf32, #tpu.memory_space<vmem>>, vector<16xf32>,
        %get3A_1963 = arith.index_cast %add3A_1952 : i32 to index
        %get3A_1964 = arith.constant 16 : index
        %get3A_1965 = tpu.vector_load %arg13[%get3A_1963, %get3A_1964] {strides = array<i32>} : memref<128x64xf32, #tpu.memory_space<vmem>>, vector<16xf32>,
        %add3A_1966 = arith.addf %get3A_1962, %get3A_1965 : vector<16xf32>
        %get3A_1967 = arith.index_cast %add3A_1952 : i32 to index
        %get3A_1968 = arith.constant 32 : index
        %get3A_1969 = tpu.vector_load %arg11[%get3A_1967, %get3A_1968] {strides = array<i32>} : memref<128x64xf32, #tpu.memory_space<vmem>>, vector<16xf32>,
        %get3A_1970 = arith.index_cast %add3A_1952 : i32 to index
        %get3A_1971 = arith.constant 32 : index
        %get3A_1972 = tpu.vector_load %arg13[%get3A_1970, %get3A_1971] {strides = array<i32>} : memref<128x64xf32, #tpu.memory_space<vmem>>, vector<16xf32>,
        %add3A_1973 = arith.addf %get3A_1969, %get3A_1972 : vector<16xf32>
        %get3A_1974 = arith.index_cast %add3A_1952 : i32 to index
        %get3A_1975 = arith.constant 48 : index
        %get3A_1976 = tpu.vector_load %arg11[%get3A_1974, %get3A_1975] {strides = array<i32>} : memref<128x64xf32, #tpu.memory_space<vmem>>, vector<16xf32>,
        %get3A_1977 = arith.index_cast %add3A_1952 : i32 to index
        %get3A_1978 = arith.constant 48 : index
        %get3A_1979 = tpu.vector_load %arg13[%get3A_1977, %get3A_1978] {strides = array<i32>} : memref<128x64xf32, #tpu.memory_space<vmem>>, vector<16xf32>,
        %add3A_1980 = arith.addf %get3A_1976, %get3A_1979 : vector<16xf32>
        %add3A_1981 = arith.addf %add3A_1959, %add3A_1966 : vector<16xf32>
        %add3A_1982 = arith.addf %add3A_1973, %add3A_1980 : vector<16xf32>
        %add3A_1983 = arith.addf %add3A_1981, %add3A_1982 : vector<16xf32>
        %mul3A_1984 = arith.mulf %add3A_1959, %add3A_1959 : vector<16xf32>
        %mul3A_1985 = arith.mulf %add3A_1966, %add3A_1966 : vector<16xf32>
        %add3A_1986 = arith.addf %mul3A_1984, %mul3A_1985 : vector<16xf32>
        %mul3A_1987 = arith.mulf %add3A_1973, %add3A_1973 : vector<16xf32>
        %mul3A_1988 = arith.mulf %add3A_1980, %add3A_1980 : vector<16xf32>
        %add3A_1989 = arith.addf %mul3A_1987, %mul3A_1988 : vector<16xf32>
        %add3A_1990 = arith.addf %add3A_1986, %add3A_1989 : vector<16xf32>
        %broadcast_in_dim3A_1991 = arith.constant true
        %broadcast_in_dim3A_1992 = vector.broadcast %broadcast_in_dim3A_1991 : i1 to vector<16xi1>
        %masked_cumsum3A_1993 = tpu.scan <sum>, %add3A_1983 masked %broadcast_in_dim3A_1992 : vector<16xf32>, vector<16xi1> -> vector<16xf32>
        %broadcast_in_dim3A_1994 = arith.constant 15 : i32
        %broadcast_in_dim3A_1995 = vector.broadcast %broadcast_in_dim3A_1994 : i32 to vector<16x1xi32>
        %gather3A_1996 = vector.shape_cast %broadcast_in_dim3A_1995 : vector<16x1xi32> to vector<16xi32>
        %gather3A_1997 = tpu.dynamic_gather %masked_cumsum3A_1993[%gather3A_1996] in [0] : vector<16xf32>, vector<16xi32> -> vector<16xf32>
        %broadcast_in_dim3A_1998 = arith.constant true
        %broadcast_in_dim3A_1999 = vector.broadcast %broadcast_in_dim3A_1998 : i1 to vector<16xi1>
        %masked_cumsum3A_2000 = tpu.scan <sum>, %add3A_1990 masked %broadcast_in_dim3A_1999 : vector<16xf32>, vector<16xi1> -> vector<16xf32>
        %broadcast_in_dim3A_2001 = arith.constant 15 : i32
        %broadcast_in_dim3A_2002 = vector.broadcast %broadcast_in_dim3A_2001 : i32 to vector<16x1xi32>
        %gather3A_2003 = vector.shape_cast %broadcast_in_dim3A_2002 : vector<16x1xi32> to vector<16xi32>
        %gather3A_2004 = tpu.dynamic_gather %masked_cumsum3A_2000[%gather3A_2003] in [0] : vector<16xf32>, vector<16xi32> -> vector<16xf32>
        %mul3A_2005 = arith.constant 1.562500e-02 : f32
        %mul3A_2006 = vector.broadcast %mul3A_2005 : f32 to vector<16xf32>
        %mul3A_2007 = arith.mulf %gather3A_1997, %mul3A_2006 : vector<16xf32>
        %mul3A_2008 = arith.constant 1.562500e-02 : f32
        %mul3A_2009 = vector.broadcast %mul3A_2008 : f32 to vector<16xf32>
        %mul3A_2010 = arith.mulf %gather3A_2004, %mul3A_2009 : vector<16xf32>
        %mul3A_2011 = arith.mulf %mul3A_2007, %mul3A_2007 : vector<16xf32>
        %sub3A_2012 = arith.subf %mul3A_2010, %mul3A_2011 : vector<16xf32>
        %add3A_2013 = arith.constant 9.99999974E-6 : f32
        %add3A_2014 = vector.broadcast %add3A_2013 : f32 to vector<16xf32>
        %add3A_2015 = arith.addf %sub3A_2012, %add3A_2014 : vector<16xf32>
        %bitcast3A_2016 = vector.bitcast %add3A_2015 : vector<16xf32> to vector<16xi32>
        %shift_right_arithmetic3A_2017 = arith.constant 1 : i32
        %shift_right_arithmetic3A_2018 = vector.broadcast %shift_right_arithmetic3A_2017 : i32 to vector<16xi32>
        %shift_right_arithmetic3A_2019 = arith.shrsi %bitcast3A_2016, %shift_right_arithmetic3A_2018 : vector<16xi32>
        %sub3A_2020 = arith.constant 1597463007 : i32
        %sub3A_2021 = vector.broadcast %sub3A_2020 : i32 to vector<16xi32>
        %sub3A_2022 = arith.subi %sub3A_2021, %shift_right_arithmetic3A_2019 : vector<16xi32>
        %bitcast3A_2023 = vector.bitcast %sub3A_2022 : vector<16xi32> to vector<16xf32>
        %mul3A_2024 = arith.constant 5.000000e-01 : f32
        %mul3A_2025 = vector.broadcast %mul3A_2024 : f32 to vector<16xf32>
        %mul3A_2026 = arith.mulf %mul3A_2025, %add3A_2015 : vector<16xf32>
        %mul3A_2027 = arith.mulf %mul3A_2026, %bitcast3A_2023 : vector<16xf32>
        %mul3A_2028 = arith.mulf %mul3A_2027, %bitcast3A_2023 : vector<16xf32>
        %sub3A_2029 = arith.constant 1.500000e+00 : f32
        %sub3A_2030 = vector.broadcast %sub3A_2029 : f32 to vector<16xf32>
        %sub3A_2031 = arith.subf %sub3A_2030, %mul3A_2028 : vector<16xf32>
        %mul3A_2032 = arith.mulf %bitcast3A_2023, %sub3A_2031 : vector<16xf32>
        %mul3A_2033 = arith.constant 5.000000e-01 : f32
        %mul3A_2034 = vector.broadcast %mul3A_2033 : f32 to vector<16xf32>
        %mul3A_2035 = arith.mulf %mul3A_2034, %add3A_2015 : vector<16xf32>
        %mul3A_2036 = arith.mulf %mul3A_2035, %mul3A_2032 : vector<16xf32>
        %mul3A_2037 = arith.mulf %mul3A_2036, %mul3A_2032 : vector<16xf32>
        %sub3A_2038 = arith.constant 1.500000e+00 : f32
        %sub3A_2039 = vector.broadcast %sub3A_2038 : f32 to vector<16xf32>
        %sub3A_2040 = arith.subf %sub3A_2039, %mul3A_2037 : vector<16xf32>
        %mul3A_2041 = arith.mulf %mul3A_2032, %sub3A_2040 : vector<16xf32>
        %sub3A_2042 = arith.subf %add3A_1959, %mul3A_2007 : vector<16xf32>
        %mul3A_2043 = arith.mulf %mul3A_2041, %get3A_3 : vector<16xf32>
        %mul3A_2044 = arith.mulf %sub3A_2042, %mul3A_2043 : vector<16xf32>
        %add3A_2045 = arith.addf %mul3A_2044, %get3A_11 : vector<16xf32>
        %swap3A_2046 = arith.index_cast %add3A_1952 : i32 to index
        %swap3A_2047 = arith.constant 0 : index
        %swap3A_2048 = tpu.vector_load %arg15[%swap3A_2046, %swap3A_2047] {strides = array<i32>} : memref<128x64xf32, #tpu.memory_space<vmem>>, vector<16xf32>,
        tpu.vector_store %arg15[%swap3A_2046, %swap3A_2047], %add3A_2045 {strides = array<i32>} : memref<128x64xf32, #tpu.memory_space<vmem>>, vector<16xf32>,
        %sub3A_2049 = arith.subf %add3A_1966, %mul3A_2007 : vector<16xf32>
        %mul3A_2050 = arith.mulf %mul3A_2041, %get3A_5 : vector<16xf32>
        %mul3A_2051 = arith.mulf %sub3A_2049, %mul3A_2050 : vector<16xf32>
        %add3A_2052 = arith.addf %mul3A_2051, %get3A_13 : vector<16xf32>
        %swap3A_2053 = arith.index_cast %add3A_1952 : i32 to index
        %swap3A_2054 = arith.constant 16 : index
        %swap3A_2055 = tpu.vector_load %arg15[%swap3A_2053, %swap3A_2054] {strides = array<i32>} : memref<128x64xf32, #tpu.memory_space<vmem>>, vector<16xf32>,
        tpu.vector_store %arg15[%swap3A_2053, %swap3A_2054], %add3A_2052 {strides = array<i32>} : memref<128x64xf32, #tpu.memory_space<vmem>>, vector<16xf32>,
        %sub3A_2056 = arith.subf %add3A_1973, %mul3A_2007 : vector<16xf32>
        %mul3A_2057 = arith.mulf %mul3A_2041, %get3A_7 : vector<16xf32>
        %mul3A_2058 = arith.mulf %sub3A_2056, %mul3A_2057 : vector<16xf32>
        %add3A_2059 = arith.addf %mul3A_2058, %get3A_15 : vector<16xf32>
        %swap3A_2060 = arith.index_cast %add3A_1952 : i32 to index
        %swap3A_2061 = arith.constant 32 : index
        %swap3A_2062 = tpu.vector_load %arg15[%swap3A_2060, %swap3A_2061] {strides = array<i32>} : memref<128x64xf32, #tpu.memory_space<vmem>>, vector<16xf32>,
        tpu.vector_store %arg15[%swap3A_2060, %swap3A_2061], %add3A_2059 {strides = array<i32>} : memref<128x64xf32, #tpu.memory_space<vmem>>, vector<16xf32>,
        %sub3A_2063 = arith.subf %add3A_1980, %mul3A_2007 : vector<16xf32>
        %mul3A_2064 = arith.mulf %mul3A_2041, %get3A_9 : vector<16xf32>
        %mul3A_2065 = arith.mulf %sub3A_2063, %mul3A_2064 : vector<16xf32>
        %add3A_2066 = arith.addf %mul3A_2065, %get3A_17 : vector<16xf32>
        %swap3A_2067 = arith.index_cast %add3A_1952 : i32 to index
        %swap3A_2068 = arith.constant 48 : index
        %swap3A_2069 = tpu.vector_load %arg15[%swap3A_2067, %swap3A_2068] {strides = array<i32>} : memref<128x64xf32, #tpu.memory_space<vmem>>, vector<16xf32>,
        tpu.vector_store %arg15[%swap3A_2067, %swap3A_2068], %add3A_2066 {strides = array<i32>} : memref<128x64xf32, #tpu.memory_space<vmem>>, vector<16xf32>,
      }
      %scan3A_89 = arith.constant 8 : i32
      %lt3A = arith.constant 48 : i32
      %lt3A_90 = arith.cmpi slt, %add3A_69, %lt3A : i32
      %convert_element_type3A_91 = arith.extui %lt3A_90 : i1 to i32
      %cond3A_92 = arith.constant 0 : i32
      %cond3A_93 = arith.cmpi ne, %convert_element_type3A_91, %cond3A_92 : i32
      scf.if %cond3A_93 {
        %add3A_140 = arith.constant 2 : i32
        %add3A_141 = arith.addi %add3A_69, %add3A_140 : i32
        %dma_start3A_142 = arith.constant 0 : i32
        %dma_start3A_143 = tpu.memref_slice %arg9[%add3A_141, %dma_start3A_142] : memref<50x128xi32, #tpu.memory_space<vmem>> -> memref<1x128xi32, #tpu.memory_space<vmem>>
        %dma_start3A_144 = tpu.memref_squeeze %dma_start3A_143 : memref<1x128xi32, #tpu.memory_space<vmem>> -> memref<128xi32, #tpu.memory_space<vmem>>
        %dma_start3A_145 = arith.constant 0 : i32
        %dma_start3A_146 = arith.constant 0 : i32
        %dma_start3A_147 = tpu.memref_slice %arg4[%dma_start3A_145, %dma_start3A_146] : memref<1000000x64xf32, #tpu.memory_space<hbm>> -> memref<1000000x64xf32, #tpu.memory_space<hbm>>
        tpu.enqueue_indirect_dma source(%dma_start3A_147 : memref<1000000x64xf32, #tpu.memory_space<hbm>>) target(%arg11 : memref<128x64xf32, #tpu.memory_space<vmem>>) offsets(%dma_start3A_144 : memref<128xi32, #tpu.memory_space<vmem>>) semaphore(%arg19 : memref<!tpu.dma_semaphore, #tpu.memory_space<semaphore_mem>>)
        %dma_start3A_148 = arith.constant 0 : i32
        %dma_start3A_149 = tpu.memref_slice %arg10[%add3A_141, %dma_start3A_148] : memref<50x128xi32, #tpu.memory_space<vmem>> -> memref<1x128xi32, #tpu.memory_space<vmem>>
        %dma_start3A_150 = tpu.memref_squeeze %dma_start3A_149 : memref<1x128xi32, #tpu.memory_space<vmem>> -> memref<128xi32, #tpu.memory_space<vmem>>
        %dma_start3A_151 = arith.constant 0 : i32
        %dma_start3A_152 = arith.constant 0 : i32
        %dma_start3A_153 = tpu.memref_slice %arg5[%dma_start3A_151, %dma_start3A_152] : memref<16384x64xf32, #tpu.memory_space<hbm>> -> memref<16384x64xf32, #tpu.memory_space<hbm>>
        tpu.enqueue_indirect_dma source(%dma_start3A_153 : memref<16384x64xf32, #tpu.memory_space<hbm>>) target(%arg13 : memref<128x64xf32, #tpu.memory_space<vmem>>) offsets(%dma_start3A_150 : memref<128xi32, #tpu.memory_space<vmem>>) semaphore(%arg21 : memref<!tpu.dma_semaphore, #tpu.memory_space<semaphore_mem>>)
      } else {
      }
      %mul3A_94 = arith.constant 128 : i32
      %mul3A_95 = arith.muli %add3A_69, %mul3A_94 : i32
      %add3A_96 = arith.addi %mul3A_2, %mul3A_95 : i32
      %dma_start3A_97 = arith.constant 0 : i32
      %dma_start3A_98 = tpu.memref_slice %arg8[%add3A_96, %dma_start3A_97] : memref<204800x64xf32, #tpu.memory_space<hbm>> -> memref<128x64xf32, #tpu.memory_space<hbm>>
      %dma_start3A_99 = arith.constant 0 : i32
      %dma_start3A_100 = tpu.memref_slice %arg8[%add3A_96, %dma_start3A_99] : memref<204800x64xf32, #tpu.memory_space<hbm>> -> memref<128x64xf32, #tpu.memory_space<hbm>>
      tpu.enqueue_dma source(%arg15 : memref<128x64xf32, #tpu.memory_space<vmem>>) target(%dma_start3A_100 : memref<128x64xf32, #tpu.memory_space<hbm>>) target_semaphore(%arg23 : memref<!tpu.dma_semaphore, #tpu.memory_space<semaphore_mem>>)
      %mul3A_101 = arith.constant 2 : i32
      %mul3A_102 = arith.muli %mul3A_101, %scan3A_65 : i32
      %add3A_103 = arith.constant 1 : i32
      %add3A_104 = arith.addi %mul3A_102, %add3A_103 : i32
      %dma_wait3A_105 = arith.constant 0 : i32
      %dma_wait3A_106 = tpu.memref_slice %arg9[%add3A_104, %dma_wait3A_105] : memref<50x128xi32, #tpu.memory_space<vmem>> -> memref<1x128xi32, #tpu.memory_space<vmem>>
      %dma_wait3A_107 = tpu.memref_squeeze %dma_wait3A_106 : memref<1x128xi32, #tpu.memory_space<vmem>> -> memref<128xi32, #tpu.memory_space<vmem>>
      %dma_wait3A_108 = arith.constant 0 : i32
      %dma_wait3A_109 = arith.constant 0 : i32
      %dma_wait3A_110 = tpu.memref_slice %arg4[%dma_wait3A_108, %dma_wait3A_109] : memref<1000000x64xf32, #tpu.memory_space<hbm>> -> memref<1000000x64xf32, #tpu.memory_space<hbm>>
      tpu.wait_indirect_dma semaphore(%arg20 : memref<!tpu.dma_semaphore, #tpu.memory_space<semaphore_mem>>) src(%dma_wait3A_110 : memref<1000000x64xf32, #tpu.memory_space<hbm>>) dst(%arg12 : memref<128x64xf32, #tpu.memory_space<vmem>>)
      %dma_wait3A_111 = arith.constant 0 : i32
      %dma_wait3A_112 = tpu.memref_slice %arg10[%add3A_104, %dma_wait3A_111] : memref<50x128xi32, #tpu.memory_space<vmem>> -> memref<1x128xi32, #tpu.memory_space<vmem>>
      %dma_wait3A_113 = tpu.memref_squeeze %dma_wait3A_112 : memref<1x128xi32, #tpu.memory_space<vmem>> -> memref<128xi32, #tpu.memory_space<vmem>>
      %dma_wait3A_114 = arith.constant 0 : i32
      %dma_wait3A_115 = arith.constant 0 : i32
      %dma_wait3A_116 = tpu.memref_slice %arg5[%dma_wait3A_114, %dma_wait3A_115] : memref<16384x64xf32, #tpu.memory_space<hbm>> -> memref<16384x64xf32, #tpu.memory_space<hbm>>
      tpu.wait_indirect_dma semaphore(%arg22 : memref<!tpu.dma_semaphore, #tpu.memory_space<semaphore_mem>>) src(%dma_wait3A_116 : memref<16384x64xf32, #tpu.memory_space<hbm>>) dst(%arg14 : memref<128x64xf32, #tpu.memory_space<vmem>>)
      %ge3A_117 = arith.constant 2 : i32
      %ge3A_118 = arith.cmpi sge, %add3A_104, %ge3A_117 : i32
      %convert_element_type3A_119 = arith.extui %ge3A_118 : i1 to i32
      %cond3A_120 = arith.constant 0 : i32
      %cond3A_121 = arith.cmpi ne, %convert_element_type3A_119, %cond3A_120 : i32
      scf.if %cond3A_121 {
        %sub3A = arith.constant 2 : i32
        %sub3A_140 = arith.subi %add3A_104, %sub3A : i32
        %mul3A_141 = arith.constant 128 : i32
        %mul3A_142 = arith.muli %sub3A_140, %mul3A_141 : i32
        %add3A_143 = arith.addi %mul3A_2, %mul3A_142 : i32
        %dma_wait3A_144 = arith.constant 0 : i32
        %dma_wait3A_145 = tpu.memref_slice %arg8[%add3A_143, %dma_wait3A_144] : memref<204800x64xf32, #tpu.memory_space<hbm>> -> memref<128x64xf32, #tpu.memory_space<hbm>>
        %dma_wait3A_146 = arith.constant 0 : i32
        %dma_wait3A_147 = tpu.memref_slice %arg8[%add3A_143, %dma_wait3A_146] : memref<204800x64xf32, #tpu.memory_space<hbm>> -> memref<128x64xf32, #tpu.memory_space<hbm>>
        tpu.wait_dma2 semaphore(%arg24 : memref<!tpu.dma_semaphore, #tpu.memory_space<semaphore_mem>>) src(%arg16 : memref<128x64xf32, #tpu.memory_space<vmem>>) dst(%dma_wait3A_147 : memref<128x64xf32, #tpu.memory_space<hbm>>)
      } else {
      }
      %scan3A_122 = arith.constant 0 : i32
      %scan3A_123 = arith.constant 0 : i32
      %scan3A_124 = arith.constant 8 : i32
      %scan3A_125 = arith.addi %scan3A_123, %scan3A_124 : i32
      %scan3A_126 = arith.constant 1 : i32
      scf.for %scan3A_140 = %scan3A_123 to %scan3A_125 step %scan3A_126  : i32 {
        %mul3A_141 = arith.constant 16 : i32
        %mul3A_142 = arith.muli %scan3A_140, %mul3A_141 : i32
        %add3A_143 = arith.constant 0 : i32
        %add3A_144 = arith.addi %mul3A_142, %add3A_143 : i32
        %get3A_145 = arith.index_cast %add3A_144 : i32 to index
        %get3A_146 = arith.constant 0 : index
        %get3A_147 = tpu.vector_load %arg12[%get3A_145, %get3A_146] {strides = array<i32>} : memref<128x64xf32, #tpu.memory_space<vmem>>, vector<16xf32>,
        %get3A_148 = arith.index_cast %add3A_144 : i32 to index
        %get3A_149 = arith.constant 0 : index
        %get3A_150 = tpu.vector_load %arg14[%get3A_148, %get3A_149] {strides = array<i32>} : memref<128x64xf32, #tpu.memory_space<vmem>>, vector<16xf32>,
        %add3A_151 = arith.addf %get3A_147, %get3A_150 : vector<16xf32>
        %get3A_152 = arith.index_cast %add3A_144 : i32 to index
        %get3A_153 = arith.constant 16 : index
        %get3A_154 = tpu.vector_load %arg12[%get3A_152, %get3A_153] {strides = array<i32>} : memref<128x64xf32, #tpu.memory_space<vmem>>, vector<16xf32>,
        %get3A_155 = arith.index_cast %add3A_144 : i32 to index
        %get3A_156 = arith.constant 16 : index
        %get3A_157 = tpu.vector_load %arg14[%get3A_155, %get3A_156] {strides = array<i32>} : memref<128x64xf32, #tpu.memory_space<vmem>>, vector<16xf32>,
        %add3A_158 = arith.addf %get3A_154, %get3A_157 : vector<16xf32>
        %get3A_159 = arith.index_cast %add3A_144 : i32 to index
        %get3A_160 = arith.constant 32 : index
        %get3A_161 = tpu.vector_load %arg12[%get3A_159, %get3A_160] {strides = array<i32>} : memref<128x64xf32, #tpu.memory_space<vmem>>, vector<16xf32>,
        %get3A_162 = arith.index_cast %add3A_144 : i32 to index
        %get3A_163 = arith.constant 32 : index
        %get3A_164 = tpu.vector_load %arg14[%get3A_162, %get3A_163] {strides = array<i32>} : memref<128x64xf32, #tpu.memory_space<vmem>>, vector<16xf32>,
        %add3A_165 = arith.addf %get3A_161, %get3A_164 : vector<16xf32>
        %get3A_166 = arith.index_cast %add3A_144 : i32 to index
        %get3A_167 = arith.constant 48 : index
        %get3A_168 = tpu.vector_load %arg12[%get3A_166, %get3A_167] {strides = array<i32>} : memref<128x64xf32, #tpu.memory_space<vmem>>, vector<16xf32>,
        %get3A_169 = arith.index_cast %add3A_144 : i32 to index
        %get3A_170 = arith.constant 48 : index
        %get3A_171 = tpu.vector_load %arg14[%get3A_169, %get3A_170] {strides = array<i32>} : memref<128x64xf32, #tpu.memory_space<vmem>>, vector<16xf32>,
        %add3A_172 = arith.addf %get3A_168, %get3A_171 : vector<16xf32>
        %add3A_173 = arith.addf %add3A_151, %add3A_158 : vector<16xf32>
        %add3A_174 = arith.addf %add3A_165, %add3A_172 : vector<16xf32>
        %add3A_175 = arith.addf %add3A_173, %add3A_174 : vector<16xf32>
        %mul3A_176 = arith.mulf %add3A_151, %add3A_151 : vector<16xf32>
        %mul3A_177 = arith.mulf %add3A_158, %add3A_158 : vector<16xf32>
        %add3A_178 = arith.addf %mul3A_176, %mul3A_177 : vector<16xf32>
        %mul3A_179 = arith.mulf %add3A_165, %add3A_165 : vector<16xf32>
        %mul3A_180 = arith.mulf %add3A_172, %add3A_172 : vector<16xf32>
        %add3A_181 = arith.addf %mul3A_179, %mul3A_180 : vector<16xf32>
        %add3A_182 = arith.addf %add3A_178, %add3A_181 : vector<16xf32>
        %broadcast_in_dim3A = arith.constant true
        %broadcast_in_dim3A_183 = vector.broadcast %broadcast_in_dim3A : i1 to vector<16xi1>
        %masked_cumsum3A = tpu.scan <sum>, %add3A_175 masked %broadcast_in_dim3A_183 : vector<16xf32>, vector<16xi1> -> vector<16xf32>
        %broadcast_in_dim3A_184 = arith.constant 15 : i32
        %broadcast_in_dim3A_185 = vector.broadcast %broadcast_in_dim3A_184 : i32 to vector<16x1xi32>
        %gather3A = vector.shape_cast %broadcast_in_dim3A_185 : vector<16x1xi32> to vector<16xi32>
        %gather3A_186 = tpu.dynamic_gather %masked_cumsum3A[%gather3A] in [0] : vector<16xf32>, vector<16xi32> -> vector<16xf32>
        %broadcast_in_dim3A_187 = arith.constant true
        %broadcast_in_dim3A_188 = vector.broadcast %broadcast_in_dim3A_187 : i1 to vector<16xi1>
        %masked_cumsum3A_189 = tpu.scan <sum>, %add3A_182 masked %broadcast_in_dim3A_188 : vector<16xf32>, vector<16xi1> -> vector<16xf32>
        %broadcast_in_dim3A_190 = arith.constant 15 : i32
        %broadcast_in_dim3A_191 = vector.broadcast %broadcast_in_dim3A_190 : i32 to vector<16x1xi32>
        %gather3A_192 = vector.shape_cast %broadcast_in_dim3A_191 : vector<16x1xi32> to vector<16xi32>
        %gather3A_193 = tpu.dynamic_gather %masked_cumsum3A_189[%gather3A_192] in [0] : vector<16xf32>, vector<16xi32> -> vector<16xf32>
        %mul3A_194 = arith.constant 1.562500e-02 : f32
        %mul3A_195 = vector.broadcast %mul3A_194 : f32 to vector<16xf32>
        %mul3A_196 = arith.mulf %gather3A_186, %mul3A_195 : vector<16xf32>
        %mul3A_197 = arith.constant 1.562500e-02 : f32
        %mul3A_198 = vector.broadcast %mul3A_197 : f32 to vector<16xf32>
        %mul3A_199 = arith.mulf %gather3A_193, %mul3A_198 : vector<16xf32>
        %mul3A_200 = arith.mulf %mul3A_196, %mul3A_196 : vector<16xf32>
        %sub3A = arith.subf %mul3A_199, %mul3A_200 : vector<16xf32>
        %add3A_201 = arith.constant 9.99999974E-6 : f32
        %add3A_202 = vector.broadcast %add3A_201 : f32 to vector<16xf32>
        %add3A_203 = arith.addf %sub3A, %add3A_202 : vector<16xf32>
        %bitcast3A = vector.bitcast %add3A_203 : vector<16xf32> to vector<16xi32>
        %shift_right_arithmetic3A = arith.constant 1 : i32
        %shift_right_arithmetic3A_204 = vector.broadcast %shift_right_arithmetic3A : i32 to vector<16xi32>
        %shift_right_arithmetic3A_205 = arith.shrsi %bitcast3A, %shift_right_arithmetic3A_204 : vector<16xi32>
        %sub3A_206 = arith.constant 1597463007 : i32
        %sub3A_207 = vector.broadcast %sub3A_206 : i32 to vector<16xi32>
        %sub3A_208 = arith.subi %sub3A_207, %shift_right_arithmetic3A_205 : vector<16xi32>
        %bitcast3A_209 = vector.bitcast %sub3A_208 : vector<16xi32> to vector<16xf32>
        %mul3A_210 = arith.constant 5.000000e-01 : f32
        %mul3A_211 = vector.broadcast %mul3A_210 : f32 to vector<16xf32>
        %mul3A_212 = arith.mulf %mul3A_211, %add3A_203 : vector<16xf32>
        %mul3A_213 = arith.mulf %mul3A_212, %bitcast3A_209 : vector<16xf32>
        %mul3A_214 = arith.mulf %mul3A_213, %bitcast3A_209 : vector<16xf32>
        %sub3A_215 = arith.constant 1.500000e+00 : f32
        %sub3A_216 = vector.broadcast %sub3A_215 : f32 to vector<16xf32>
        %sub3A_217 = arith.subf %sub3A_216, %mul3A_214 : vector<16xf32>
        %mul3A_218 = arith.mulf %bitcast3A_209, %sub3A_217 : vector<16xf32>
        %mul3A_219 = arith.constant 5.000000e-01 : f32
        %mul3A_220 = vector.broadcast %mul3A_219 : f32 to vector<16xf32>
        %mul3A_221 = arith.mulf %mul3A_220, %add3A_203 : vector<16xf32>
        %mul3A_222 = arith.mulf %mul3A_221, %mul3A_218 : vector<16xf32>
        %mul3A_223 = arith.mulf %mul3A_222, %mul3A_218 : vector<16xf32>
        %sub3A_224 = arith.constant 1.500000e+00 : f32
        %sub3A_225 = vector.broadcast %sub3A_224 : f32 to vector<16xf32>
        %sub3A_226 = arith.subf %sub3A_225, %mul3A_223 : vector<16xf32>
        %mul3A_227 = arith.mulf %mul3A_218, %sub3A_226 : vector<16xf32>
        %sub3A_228 = arith.subf %add3A_151, %mul3A_196 : vector<16xf32>
        %mul3A_229 = arith.mulf %mul3A_227, %get3A_3 : vector<16xf32>
        %mul3A_230 = arith.mulf %sub3A_228, %mul3A_229 : vector<16xf32>
        %add3A_231 = arith.addf %mul3A_230, %get3A_11 : vector<16xf32>
        %swap3A = arith.index_cast %add3A_144 : i32 to index
        %swap3A_232 = arith.constant 0 : index
        %swap3A_233 = tpu.vector_load %arg16[%swap3A, %swap3A_232] {strides = array<i32>} : memref<128x64xf32, #tpu.memory_space<vmem>>, vector<16xf32>,
        tpu.vector_store %arg16[%swap3A, %swap3A_232], %add3A_231 {strides = array<i32>} : memref<128x64xf32, #tpu.memory_space<vmem>>, vector<16xf32>,
        %sub3A_234 = arith.subf %add3A_158, %mul3A_196 : vector<16xf32>
        %mul3A_235 = arith.mulf %mul3A_227, %get3A_5 : vector<16xf32>
        %mul3A_236 = arith.mulf %sub3A_234, %mul3A_235 : vector<16xf32>
        %add3A_237 = arith.addf %mul3A_236, %get3A_13 : vector<16xf32>
        %swap3A_238 = arith.index_cast %add3A_144 : i32 to index
        %swap3A_239 = arith.constant 16 : index
        %swap3A_240 = tpu.vector_load %arg16[%swap3A_238, %swap3A_239] {strides = array<i32>} : memref<128x64xf32, #tpu.memory_space<vmem>>, vector<16xf32>,
        tpu.vector_store %arg16[%swap3A_238, %swap3A_239], %add3A_237 {strides = array<i32>} : memref<128x64xf32, #tpu.memory_space<vmem>>, vector<16xf32>,
        %sub3A_241 = arith.subf %add3A_165, %mul3A_196 : vector<16xf32>
        %mul3A_242 = arith.mulf %mul3A_227, %get3A_7 : vector<16xf32>
        %mul3A_243 = arith.mulf %sub3A_241, %mul3A_242 : vector<16xf32>
        %add3A_244 = arith.addf %mul3A_243, %get3A_15 : vector<16xf32>
        %swap3A_245 = arith.index_cast %add3A_144 : i32 to index
        %swap3A_246 = arith.constant 32 : index
        %swap3A_247 = tpu.vector_load %arg16[%swap3A_245, %swap3A_246] {strides = array<i32>} : memref<128x64xf32, #tpu.memory_space<vmem>>, vector<16xf32>,
        tpu.vector_store %arg16[%swap3A_245, %swap3A_246], %add3A_244 {strides = array<i32>} : memref<128x64xf32, #tpu.memory_space<vmem>>, vector<16xf32>,
        %sub3A_248 = arith.subf %add3A_172, %mul3A_196 : vector<16xf32>
        %mul3A_249 = arith.mulf %mul3A_227, %get3A_9 : vector<16xf32>
        %mul3A_250 = arith.mulf %sub3A_248, %mul3A_249 : vector<16xf32>
        %add3A_251 = arith.addf %mul3A_250, %get3A_17 : vector<16xf32>
        %swap3A_252 = arith.index_cast %add3A_144 : i32 to index
        %swap3A_253 = arith.constant 48 : index
        %swap3A_254 = tpu.vector_load %arg16[%swap3A_252, %swap3A_253] {strides = array<i32>} : memref<128x64xf32, #tpu.memory_space<vmem>>, vector<16xf32>,
        tpu.vector_store %arg16[%swap3A_252, %swap3A_253], %add3A_251 {strides = array<i32>} : memref<128x64xf32, #tpu.memory_space<vmem>>, vector<16xf32>,
        %mul3A_255 = arith.constant 16 : i32
        %mul3A_256 = arith.muli %scan3A_140, %mul3A_255 : i32
        %add3A_257 = arith.constant 1 : i32
        %add3A_258 = arith.addi %mul3A_256, %add3A_257 : i32
        %get3A_259 = arith.index_cast %add3A_258 : i32 to index
        %get3A_260 = arith.constant 0 : index
        %get3A_261 = tpu.vector_load %arg12[%get3A_259, %get3A_260] {strides = array<i32>} : memref<128x64xf32, #tpu.memory_space<vmem>>, vector<16xf32>,
        %get3A_262 = arith.index_cast %add3A_258 : i32 to index
        %get3A_263 = arith.constant 0 : index
        %get3A_264 = tpu.vector_load %arg14[%get3A_262, %get3A_263] {strides = array<i32>} : memref<128x64xf32, #tpu.memory_space<vmem>>, vector<16xf32>,
        %add3A_265 = arith.addf %get3A_261, %get3A_264 : vector<16xf32>
        %get3A_266 = arith.index_cast %add3A_258 : i32 to index
        %get3A_267 = arith.constant 16 : index
        %get3A_268 = tpu.vector_load %arg12[%get3A_266, %get3A_267] {strides = array<i32>} : memref<128x64xf32, #tpu.memory_space<vmem>>, vector<16xf32>,
        %get3A_269 = arith.index_cast %add3A_258 : i32 to index
        %get3A_270 = arith.constant 16 : index
        %get3A_271 = tpu.vector_load %arg14[%get3A_269, %get3A_270] {strides = array<i32>} : memref<128x64xf32, #tpu.memory_space<vmem>>, vector<16xf32>,
        %add3A_272 = arith.addf %get3A_268, %get3A_271 : vector<16xf32>
        %get3A_273 = arith.index_cast %add3A_258 : i32 to index
        %get3A_274 = arith.constant 32 : index
        %get3A_275 = tpu.vector_load %arg12[%get3A_273, %get3A_274] {strides = array<i32>} : memref<128x64xf32, #tpu.memory_space<vmem>>, vector<16xf32>,
        %get3A_276 = arith.index_cast %add3A_258 : i32 to index
        %get3A_277 = arith.constant 32 : index
        %get3A_278 = tpu.vector_load %arg14[%get3A_276, %get3A_277] {strides = array<i32>} : memref<128x64xf32, #tpu.memory_space<vmem>>, vector<16xf32>,
        %add3A_279 = arith.addf %get3A_275, %get3A_278 : vector<16xf32>
        %get3A_280 = arith.index_cast %add3A_258 : i32 to index
        %get3A_281 = arith.constant 48 : index
        %get3A_282 = tpu.vector_load %arg12[%get3A_280, %get3A_281] {strides = array<i32>} : memref<128x64xf32, #tpu.memory_space<vmem>>, vector<16xf32>,
        %get3A_283 = arith.index_cast %add3A_258 : i32 to index
        %get3A_284 = arith.constant 48 : index
        %get3A_285 = tpu.vector_load %arg14[%get3A_283, %get3A_284] {strides = array<i32>} : memref<128x64xf32, #tpu.memory_space<vmem>>, vector<16xf32>,
        %add3A_286 = arith.addf %get3A_282, %get3A_285 : vector<16xf32>
        %add3A_287 = arith.addf %add3A_265, %add3A_272 : vector<16xf32>
        %add3A_288 = arith.addf %add3A_279, %add3A_286 : vector<16xf32>
        %add3A_289 = arith.addf %add3A_287, %add3A_288 : vector<16xf32>
        %mul3A_290 = arith.mulf %add3A_265, %add3A_265 : vector<16xf32>
        %mul3A_291 = arith.mulf %add3A_272, %add3A_272 : vector<16xf32>
        %add3A_292 = arith.addf %mul3A_290, %mul3A_291 : vector<16xf32>
        %mul3A_293 = arith.mulf %add3A_279, %add3A_279 : vector<16xf32>
        %mul3A_294 = arith.mulf %add3A_286, %add3A_286 : vector<16xf32>
        %add3A_295 = arith.addf %mul3A_293, %mul3A_294 : vector<16xf32>
        %add3A_296 = arith.addf %add3A_292, %add3A_295 : vector<16xf32>
        %broadcast_in_dim3A_297 = arith.constant true
        %broadcast_in_dim3A_298 = vector.broadcast %broadcast_in_dim3A_297 : i1 to vector<16xi1>
        %masked_cumsum3A_299 = tpu.scan <sum>, %add3A_289 masked %broadcast_in_dim3A_298 : vector<16xf32>, vector<16xi1> -> vector<16xf32>
        %broadcast_in_dim3A_300 = arith.constant 15 : i32
        %broadcast_in_dim3A_301 = vector.broadcast %broadcast_in_dim3A_300 : i32 to vector<16x1xi32>
        %gather3A_302 = vector.shape_cast %broadcast_in_dim3A_301 : vector<16x1xi32> to vector<16xi32>
        %gather3A_303 = tpu.dynamic_gather %masked_cumsum3A_299[%gather3A_302] in [0] : vector<16xf32>, vector<16xi32> -> vector<16xf32>
        %broadcast_in_dim3A_304 = arith.constant true
        %broadcast_in_dim3A_305 = vector.broadcast %broadcast_in_dim3A_304 : i1 to vector<16xi1>
        %masked_cumsum3A_306 = tpu.scan <sum>, %add3A_296 masked %broadcast_in_dim3A_305 : vector<16xf32>, vector<16xi1> -> vector<16xf32>
        %broadcast_in_dim3A_307 = arith.constant 15 : i32
        %broadcast_in_dim3A_308 = vector.broadcast %broadcast_in_dim3A_307 : i32 to vector<16x1xi32>
        %gather3A_309 = vector.shape_cast %broadcast_in_dim3A_308 : vector<16x1xi32> to vector<16xi32>
        %gather3A_310 = tpu.dynamic_gather %masked_cumsum3A_306[%gather3A_309] in [0] : vector<16xf32>, vector<16xi32> -> vector<16xf32>
        %mul3A_311 = arith.constant 1.562500e-02 : f32
        %mul3A_312 = vector.broadcast %mul3A_311 : f32 to vector<16xf32>
        %mul3A_313 = arith.mulf %gather3A_303, %mul3A_312 : vector<16xf32>
        %mul3A_314 = arith.constant 1.562500e-02 : f32
        %mul3A_315 = vector.broadcast %mul3A_314 : f32 to vector<16xf32>
        %mul3A_316 = arith.mulf %gather3A_310, %mul3A_315 : vector<16xf32>
        %mul3A_317 = arith.mulf %mul3A_313, %mul3A_313 : vector<16xf32>
        %sub3A_318 = arith.subf %mul3A_316, %mul3A_317 : vector<16xf32>
        %add3A_319 = arith.constant 9.99999974E-6 : f32
        %add3A_320 = vector.broadcast %add3A_319 : f32 to vector<16xf32>
        %add3A_321 = arith.addf %sub3A_318, %add3A_320 : vector<16xf32>
        %bitcast3A_322 = vector.bitcast %add3A_321 : vector<16xf32> to vector<16xi32>
        %shift_right_arithmetic3A_323 = arith.constant 1 : i32
        %shift_right_arithmetic3A_324 = vector.broadcast %shift_right_arithmetic3A_323 : i32 to vector<16xi32>
        %shift_right_arithmetic3A_325 = arith.shrsi %bitcast3A_322, %shift_right_arithmetic3A_324 : vector<16xi32>
        %sub3A_326 = arith.constant 1597463007 : i32
        %sub3A_327 = vector.broadcast %sub3A_326 : i32 to vector<16xi32>
        %sub3A_328 = arith.subi %sub3A_327, %shift_right_arithmetic3A_325 : vector<16xi32>
        %bitcast3A_329 = vector.bitcast %sub3A_328 : vector<16xi32> to vector<16xf32>
        %mul3A_330 = arith.constant 5.000000e-01 : f32
        %mul3A_331 = vector.broadcast %mul3A_330 : f32 to vector<16xf32>
        %mul3A_332 = arith.mulf %mul3A_331, %add3A_321 : vector<16xf32>
        %mul3A_333 = arith.mulf %mul3A_332, %bitcast3A_329 : vector<16xf32>
        %mul3A_334 = arith.mulf %mul3A_333, %bitcast3A_329 : vector<16xf32>
        %sub3A_335 = arith.constant 1.500000e+00 : f32
        %sub3A_336 = vector.broadcast %sub3A_335 : f32 to vector<16xf32>
        %sub3A_337 = arith.subf %sub3A_336, %mul3A_334 : vector<16xf32>
        %mul3A_338 = arith.mulf %bitcast3A_329, %sub3A_337 : vector<16xf32>
        %mul3A_339 = arith.constant 5.000000e-01 : f32
        %mul3A_340 = vector.broadcast %mul3A_339 : f32 to vector<16xf32>
        %mul3A_341 = arith.mulf %mul3A_340, %add3A_321 : vector<16xf32>
        %mul3A_342 = arith.mulf %mul3A_341, %mul3A_338 : vector<16xf32>
        %mul3A_343 = arith.mulf %mul3A_342, %mul3A_338 : vector<16xf32>
        %sub3A_344 = arith.constant 1.500000e+00 : f32
        %sub3A_345 = vector.broadcast %sub3A_344 : f32 to vector<16xf32>
        %sub3A_346 = arith.subf %sub3A_345, %mul3A_343 : vector<16xf32>
        %mul3A_347 = arith.mulf %mul3A_338, %sub3A_346 : vector<16xf32>
        %sub3A_348 = arith.subf %add3A_265, %mul3A_313 : vector<16xf32>
        %mul3A_349 = arith.mulf %mul3A_347, %get3A_3 : vector<16xf32>
        %mul3A_350 = arith.mulf %sub3A_348, %mul3A_349 : vector<16xf32>
        %add3A_351 = arith.addf %mul3A_350, %get3A_11 : vector<16xf32>
        %swap3A_352 = arith.index_cast %add3A_258 : i32 to index
        %swap3A_353 = arith.constant 0 : index
        %swap3A_354 = tpu.vector_load %arg16[%swap3A_352, %swap3A_353] {strides = array<i32>} : memref<128x64xf32, #tpu.memory_space<vmem>>, vector<16xf32>,
        tpu.vector_store %arg16[%swap3A_352, %swap3A_353], %add3A_351 {strides = array<i32>} : memref<128x64xf32, #tpu.memory_space<vmem>>, vector<16xf32>,
        %sub3A_355 = arith.subf %add3A_272, %mul3A_313 : vector<16xf32>
        %mul3A_356 = arith.mulf %mul3A_347, %get3A_5 : vector<16xf32>
        %mul3A_357 = arith.mulf %sub3A_355, %mul3A_356 : vector<16xf32>
        %add3A_358 = arith.addf %mul3A_357, %get3A_13 : vector<16xf32>
        %swap3A_359 = arith.index_cast %add3A_258 : i32 to index
        %swap3A_360 = arith.constant 16 : index
        %swap3A_361 = tpu.vector_load %arg16[%swap3A_359, %swap3A_360] {strides = array<i32>} : memref<128x64xf32, #tpu.memory_space<vmem>>, vector<16xf32>,
        tpu.vector_store %arg16[%swap3A_359, %swap3A_360], %add3A_358 {strides = array<i32>} : memref<128x64xf32, #tpu.memory_space<vmem>>, vector<16xf32>,
        %sub3A_362 = arith.subf %add3A_279, %mul3A_313 : vector<16xf32>
        %mul3A_363 = arith.mulf %mul3A_347, %get3A_7 : vector<16xf32>
        %mul3A_364 = arith.mulf %sub3A_362, %mul3A_363 : vector<16xf32>
        %add3A_365 = arith.addf %mul3A_364, %get3A_15 : vector<16xf32>
        %swap3A_366 = arith.index_cast %add3A_258 : i32 to index
        %swap3A_367 = arith.constant 32 : index
        %swap3A_368 = tpu.vector_load %arg16[%swap3A_366, %swap3A_367] {strides = array<i32>} : memref<128x64xf32, #tpu.memory_space<vmem>>, vector<16xf32>,
        tpu.vector_store %arg16[%swap3A_366, %swap3A_367], %add3A_365 {strides = array<i32>} : memref<128x64xf32, #tpu.memory_space<vmem>>, vector<16xf32>,
        %sub3A_369 = arith.subf %add3A_286, %mul3A_313 : vector<16xf32>
        %mul3A_370 = arith.mulf %mul3A_347, %get3A_9 : vector<16xf32>
        %mul3A_371 = arith.mulf %sub3A_369, %mul3A_370 : vector<16xf32>
        %add3A_372 = arith.addf %mul3A_371, %get3A_17 : vector<16xf32>
        %swap3A_373 = arith.index_cast %add3A_258 : i32 to index
        %swap3A_374 = arith.constant 48 : index
        %swap3A_375 = tpu.vector_load %arg16[%swap3A_373, %swap3A_374] {strides = array<i32>} : memref<128x64xf32, #tpu.memory_space<vmem>>, vector<16xf32>,
        tpu.vector_store %arg16[%swap3A_373, %swap3A_374], %add3A_372 {strides = array<i32>} : memref<128x64xf32, #tpu.memory_space<vmem>>, vector<16xf32>,
        %mul3A_376 = arith.constant 16 : i32
        %mul3A_377 = arith.muli %scan3A_140, %mul3A_376 : i32
        %add3A_378 = arith.constant 2 : i32
        %add3A_379 = arith.addi %mul3A_377, %add3A_378 : i32
        %get3A_380 = arith.index_cast %add3A_379 : i32 to index
        %get3A_381 = arith.constant 0 : index
        %get3A_382 = tpu.vector_load %arg12[%get3A_380, %get3A_381] {strides = array<i32>} : memref<128x64xf32, #tpu.memory_space<vmem>>, vector<16xf32>,
        %get3A_383 = arith.index_cast %add3A_379 : i32 to index
        %get3A_384 = arith.constant 0 : index
        %get3A_385 = tpu.vector_load %arg14[%get3A_383, %get3A_384] {strides = array<i32>} : memref<128x64xf32, #tpu.memory_space<vmem>>, vector<16xf32>,
        %add3A_386 = arith.addf %get3A_382, %get3A_385 : vector<16xf32>
        %get3A_387 = arith.index_cast %add3A_379 : i32 to index
        %get3A_388 = arith.constant 16 : index
        %get3A_389 = tpu.vector_load %arg12[%get3A_387, %get3A_388] {strides = array<i32>} : memref<128x64xf32, #tpu.memory_space<vmem>>, vector<16xf32>,
        %get3A_390 = arith.index_cast %add3A_379 : i32 to index
        %get3A_391 = arith.constant 16 : index
        %get3A_392 = tpu.vector_load %arg14[%get3A_390, %get3A_391] {strides = array<i32>} : memref<128x64xf32, #tpu.memory_space<vmem>>, vector<16xf32>,
        %add3A_393 = arith.addf %get3A_389, %get3A_392 : vector<16xf32>
        %get3A_394 = arith.index_cast %add3A_379 : i32 to index
        %get3A_395 = arith.constant 32 : index
        %get3A_396 = tpu.vector_load %arg12[%get3A_394, %get3A_395] {strides = array<i32>} : memref<128x64xf32, #tpu.memory_space<vmem>>, vector<16xf32>,
        %get3A_397 = arith.index_cast %add3A_379 : i32 to index
        %get3A_398 = arith.constant 32 : index
        %get3A_399 = tpu.vector_load %arg14[%get3A_397, %get3A_398] {strides = array<i32>} : memref<128x64xf32, #tpu.memory_space<vmem>>, vector<16xf32>,
        %add3A_400 = arith.addf %get3A_396, %get3A_399 : vector<16xf32>
        %get3A_401 = arith.index_cast %add3A_379 : i32 to index
        %get3A_402 = arith.constant 48 : index
        %get3A_403 = tpu.vector_load %arg12[%get3A_401, %get3A_402] {strides = array<i32>} : memref<128x64xf32, #tpu.memory_space<vmem>>, vector<16xf32>,
        %get3A_404 = arith.index_cast %add3A_379 : i32 to index
        %get3A_405 = arith.constant 48 : index
        %get3A_406 = tpu.vector_load %arg14[%get3A_404, %get3A_405] {strides = array<i32>} : memref<128x64xf32, #tpu.memory_space<vmem>>, vector<16xf32>,
        %add3A_407 = arith.addf %get3A_403, %get3A_406 : vector<16xf32>
        %add3A_408 = arith.addf %add3A_386, %add3A_393 : vector<16xf32>
        %add3A_409 = arith.addf %add3A_400, %add3A_407 : vector<16xf32>
        %add3A_410 = arith.addf %add3A_408, %add3A_409 : vector<16xf32>
        %mul3A_411 = arith.mulf %add3A_386, %add3A_386 : vector<16xf32>
        %mul3A_412 = arith.mulf %add3A_393, %add3A_393 : vector<16xf32>
        %add3A_413 = arith.addf %mul3A_411, %mul3A_412 : vector<16xf32>
        %mul3A_414 = arith.mulf %add3A_400, %add3A_400 : vector<16xf32>
        %mul3A_415 = arith.mulf %add3A_407, %add3A_407 : vector<16xf32>
        %add3A_416 = arith.addf %mul3A_414, %mul3A_415 : vector<16xf32>
        %add3A_417 = arith.addf %add3A_413, %add3A_416 : vector<16xf32>
        %broadcast_in_dim3A_418 = arith.constant true
        %broadcast_in_dim3A_419 = vector.broadcast %broadcast_in_dim3A_418 : i1 to vector<16xi1>
        %masked_cumsum3A_420 = tpu.scan <sum>, %add3A_410 masked %broadcast_in_dim3A_419 : vector<16xf32>, vector<16xi1> -> vector<16xf32>
        %broadcast_in_dim3A_421 = arith.constant 15 : i32
        %broadcast_in_dim3A_422 = vector.broadcast %broadcast_in_dim3A_421 : i32 to vector<16x1xi32>
        %gather3A_423 = vector.shape_cast %broadcast_in_dim3A_422 : vector<16x1xi32> to vector<16xi32>
        %gather3A_424 = tpu.dynamic_gather %masked_cumsum3A_420[%gather3A_423] in [0] : vector<16xf32>, vector<16xi32> -> vector<16xf32>
        %broadcast_in_dim3A_425 = arith.constant true
        %broadcast_in_dim3A_426 = vector.broadcast %broadcast_in_dim3A_425 : i1 to vector<16xi1>
        %masked_cumsum3A_427 = tpu.scan <sum>, %add3A_417 masked %broadcast_in_dim3A_426 : vector<16xf32>, vector<16xi1> -> vector<16xf32>
        %broadcast_in_dim3A_428 = arith.constant 15 : i32
        %broadcast_in_dim3A_429 = vector.broadcast %broadcast_in_dim3A_428 : i32 to vector<16x1xi32>
        %gather3A_430 = vector.shape_cast %broadcast_in_dim3A_429 : vector<16x1xi32> to vector<16xi32>
        %gather3A_431 = tpu.dynamic_gather %masked_cumsum3A_427[%gather3A_430] in [0] : vector<16xf32>, vector<16xi32> -> vector<16xf32>
        %mul3A_432 = arith.constant 1.562500e-02 : f32
        %mul3A_433 = vector.broadcast %mul3A_432 : f32 to vector<16xf32>
        %mul3A_434 = arith.mulf %gather3A_424, %mul3A_433 : vector<16xf32>
        %mul3A_435 = arith.constant 1.562500e-02 : f32
        %mul3A_436 = vector.broadcast %mul3A_435 : f32 to vector<16xf32>
        %mul3A_437 = arith.mulf %gather3A_431, %mul3A_436 : vector<16xf32>
        %mul3A_438 = arith.mulf %mul3A_434, %mul3A_434 : vector<16xf32>
        %sub3A_439 = arith.subf %mul3A_437, %mul3A_438 : vector<16xf32>
        %add3A_440 = arith.constant 9.99999974E-6 : f32
        %add3A_441 = vector.broadcast %add3A_440 : f32 to vector<16xf32>
        %add3A_442 = arith.addf %sub3A_439, %add3A_441 : vector<16xf32>
        %bitcast3A_443 = vector.bitcast %add3A_442 : vector<16xf32> to vector<16xi32>
        %shift_right_arithmetic3A_444 = arith.constant 1 : i32
        %shift_right_arithmetic3A_445 = vector.broadcast %shift_right_arithmetic3A_444 : i32 to vector<16xi32>
        %shift_right_arithmetic3A_446 = arith.shrsi %bitcast3A_443, %shift_right_arithmetic3A_445 : vector<16xi32>
        %sub3A_447 = arith.constant 1597463007 : i32
        %sub3A_448 = vector.broadcast %sub3A_447 : i32 to vector<16xi32>
        %sub3A_449 = arith.subi %sub3A_448, %shift_right_arithmetic3A_446 : vector<16xi32>
        %bitcast3A_450 = vector.bitcast %sub3A_449 : vector<16xi32> to vector<16xf32>
        %mul3A_451 = arith.constant 5.000000e-01 : f32
        %mul3A_452 = vector.broadcast %mul3A_451 : f32 to vector<16xf32>
        %mul3A_453 = arith.mulf %mul3A_452, %add3A_442 : vector<16xf32>
        %mul3A_454 = arith.mulf %mul3A_453, %bitcast3A_450 : vector<16xf32>
        %mul3A_455 = arith.mulf %mul3A_454, %bitcast3A_450 : vector<16xf32>
        %sub3A_456 = arith.constant 1.500000e+00 : f32
        %sub3A_457 = vector.broadcast %sub3A_456 : f32 to vector<16xf32>
        %sub3A_458 = arith.subf %sub3A_457, %mul3A_455 : vector<16xf32>
        %mul3A_459 = arith.mulf %bitcast3A_450, %sub3A_458 : vector<16xf32>
        %mul3A_460 = arith.constant 5.000000e-01 : f32
        %mul3A_461 = vector.broadcast %mul3A_460 : f32 to vector<16xf32>
        %mul3A_462 = arith.mulf %mul3A_461, %add3A_442 : vector<16xf32>
        %mul3A_463 = arith.mulf %mul3A_462, %mul3A_459 : vector<16xf32>
        %mul3A_464 = arith.mulf %mul3A_463, %mul3A_459 : vector<16xf32>
        %sub3A_465 = arith.constant 1.500000e+00 : f32
        %sub3A_466 = vector.broadcast %sub3A_465 : f32 to vector<16xf32>
        %sub3A_467 = arith.subf %sub3A_466, %mul3A_464 : vector<16xf32>
        %mul3A_468 = arith.mulf %mul3A_459, %sub3A_467 : vector<16xf32>
        %sub3A_469 = arith.subf %add3A_386, %mul3A_434 : vector<16xf32>
        %mul3A_470 = arith.mulf %mul3A_468, %get3A_3 : vector<16xf32>
        %mul3A_471 = arith.mulf %sub3A_469, %mul3A_470 : vector<16xf32>
        %add3A_472 = arith.addf %mul3A_471, %get3A_11 : vector<16xf32>
        %swap3A_473 = arith.index_cast %add3A_379 : i32 to index
        %swap3A_474 = arith.constant 0 : index
        %swap3A_475 = tpu.vector_load %arg16[%swap3A_473, %swap3A_474] {strides = array<i32>} : memref<128x64xf32, #tpu.memory_space<vmem>>, vector<16xf32>,
        tpu.vector_store %arg16[%swap3A_473, %swap3A_474], %add3A_472 {strides = array<i32>} : memref<128x64xf32, #tpu.memory_space<vmem>>, vector<16xf32>,
        %sub3A_476 = arith.subf %add3A_393, %mul3A_434 : vector<16xf32>
        %mul3A_477 = arith.mulf %mul3A_468, %get3A_5 : vector<16xf32>
        %mul3A_478 = arith.mulf %sub3A_476, %mul3A_477 : vector<16xf32>
        %add3A_479 = arith.addf %mul3A_478, %get3A_13 : vector<16xf32>
        %swap3A_480 = arith.index_cast %add3A_379 : i32 to index
        %swap3A_481 = arith.constant 16 : index
        %swap3A_482 = tpu.vector_load %arg16[%swap3A_480, %swap3A_481] {strides = array<i32>} : memref<128x64xf32, #tpu.memory_space<vmem>>, vector<16xf32>,
        tpu.vector_store %arg16[%swap3A_480, %swap3A_481], %add3A_479 {strides = array<i32>} : memref<128x64xf32, #tpu.memory_space<vmem>>, vector<16xf32>,
        %sub3A_483 = arith.subf %add3A_400, %mul3A_434 : vector<16xf32>
        %mul3A_484 = arith.mulf %mul3A_468, %get3A_7 : vector<16xf32>
        %mul3A_485 = arith.mulf %sub3A_483, %mul3A_484 : vector<16xf32>
        %add3A_486 = arith.addf %mul3A_485, %get3A_15 : vector<16xf32>
        %swap3A_487 = arith.index_cast %add3A_379 : i32 to index
        %swap3A_488 = arith.constant 32 : index
        %swap3A_489 = tpu.vector_load %arg16[%swap3A_487, %swap3A_488] {strides = array<i32>} : memref<128x64xf32, #tpu.memory_space<vmem>>, vector<16xf32>,
        tpu.vector_store %arg16[%swap3A_487, %swap3A_488], %add3A_486 {strides = array<i32>} : memref<128x64xf32, #tpu.memory_space<vmem>>, vector<16xf32>,
        %sub3A_490 = arith.subf %add3A_407, %mul3A_434 : vector<16xf32>
        %mul3A_491 = arith.mulf %mul3A_468, %get3A_9 : vector<16xf32>
        %mul3A_492 = arith.mulf %sub3A_490, %mul3A_491 : vector<16xf32>
        %add3A_493 = arith.addf %mul3A_492, %get3A_17 : vector<16xf32>
        %swap3A_494 = arith.index_cast %add3A_379 : i32 to index
        %swap3A_495 = arith.constant 48 : index
        %swap3A_496 = tpu.vector_load %arg16[%swap3A_494, %swap3A_495] {strides = array<i32>} : memref<128x64xf32, #tpu.memory_space<vmem>>, vector<16xf32>,
        tpu.vector_store %arg16[%swap3A_494, %swap3A_495], %add3A_493 {strides = array<i32>} : memref<128x64xf32, #tpu.memory_space<vmem>>, vector<16xf32>,
        %mul3A_497 = arith.constant 16 : i32
        %mul3A_498 = arith.muli %scan3A_140, %mul3A_497 : i32
        %add3A_499 = arith.constant 3 : i32
        %add3A_500 = arith.addi %mul3A_498, %add3A_499 : i32
        %get3A_501 = arith.index_cast %add3A_500 : i32 to index
        %get3A_502 = arith.constant 0 : index
        %get3A_503 = tpu.vector_load %arg12[%get3A_501, %get3A_502] {strides = array<i32>} : memref<128x64xf32, #tpu.memory_space<vmem>>, vector<16xf32>,
        %get3A_504 = arith.index_cast %add3A_500 : i32 to index
        %get3A_505 = arith.constant 0 : index
        %get3A_506 = tpu.vector_load %arg14[%get3A_504, %get3A_505] {strides = array<i32>} : memref<128x64xf32, #tpu.memory_space<vmem>>, vector<16xf32>,
        %add3A_507 = arith.addf %get3A_503, %get3A_506 : vector<16xf32>
        %get3A_508 = arith.index_cast %add3A_500 : i32 to index
        %get3A_509 = arith.constant 16 : index
        %get3A_510 = tpu.vector_load %arg12[%get3A_508, %get3A_509] {strides = array<i32>} : memref<128x64xf32, #tpu.memory_space<vmem>>, vector<16xf32>,
        %get3A_511 = arith.index_cast %add3A_500 : i32 to index
        %get3A_512 = arith.constant 16 : index
        %get3A_513 = tpu.vector_load %arg14[%get3A_511, %get3A_512] {strides = array<i32>} : memref<128x64xf32, #tpu.memory_space<vmem>>, vector<16xf32>,
        %add3A_514 = arith.addf %get3A_510, %get3A_513 : vector<16xf32>
        %get3A_515 = arith.index_cast %add3A_500 : i32 to index
        %get3A_516 = arith.constant 32 : index
        %get3A_517 = tpu.vector_load %arg12[%get3A_515, %get3A_516] {strides = array<i32>} : memref<128x64xf32, #tpu.memory_space<vmem>>, vector<16xf32>,
        %get3A_518 = arith.index_cast %add3A_500 : i32 to index
        %get3A_519 = arith.constant 32 : index
        %get3A_520 = tpu.vector_load %arg14[%get3A_518, %get3A_519] {strides = array<i32>} : memref<128x64xf32, #tpu.memory_space<vmem>>, vector<16xf32>,
        %add3A_521 = arith.addf %get3A_517, %get3A_520 : vector<16xf32>
        %get3A_522 = arith.index_cast %add3A_500 : i32 to index
        %get3A_523 = arith.constant 48 : index
        %get3A_524 = tpu.vector_load %arg12[%get3A_522, %get3A_523] {strides = array<i32>} : memref<128x64xf32, #tpu.memory_space<vmem>>, vector<16xf32>,
        %get3A_525 = arith.index_cast %add3A_500 : i32 to index
        %get3A_526 = arith.constant 48 : index
        %get3A_527 = tpu.vector_load %arg14[%get3A_525, %get3A_526] {strides = array<i32>} : memref<128x64xf32, #tpu.memory_space<vmem>>, vector<16xf32>,
        %add3A_528 = arith.addf %get3A_524, %get3A_527 : vector<16xf32>
        %add3A_529 = arith.addf %add3A_507, %add3A_514 : vector<16xf32>
        %add3A_530 = arith.addf %add3A_521, %add3A_528 : vector<16xf32>
        %add3A_531 = arith.addf %add3A_529, %add3A_530 : vector<16xf32>
        %mul3A_532 = arith.mulf %add3A_507, %add3A_507 : vector<16xf32>
        %mul3A_533 = arith.mulf %add3A_514, %add3A_514 : vector<16xf32>
        %add3A_534 = arith.addf %mul3A_532, %mul3A_533 : vector<16xf32>
        %mul3A_535 = arith.mulf %add3A_521, %add3A_521 : vector<16xf32>
        %mul3A_536 = arith.mulf %add3A_528, %add3A_528 : vector<16xf32>
        %add3A_537 = arith.addf %mul3A_535, %mul3A_536 : vector<16xf32>
        %add3A_538 = arith.addf %add3A_534, %add3A_537 : vector<16xf32>
        %broadcast_in_dim3A_539 = arith.constant true
        %broadcast_in_dim3A_540 = vector.broadcast %broadcast_in_dim3A_539 : i1 to vector<16xi1>
        %masked_cumsum3A_541 = tpu.scan <sum>, %add3A_531 masked %broadcast_in_dim3A_540 : vector<16xf32>, vector<16xi1> -> vector<16xf32>
        %broadcast_in_dim3A_542 = arith.constant 15 : i32
        %broadcast_in_dim3A_543 = vector.broadcast %broadcast_in_dim3A_542 : i32 to vector<16x1xi32>
        %gather3A_544 = vector.shape_cast %broadcast_in_dim3A_543 : vector<16x1xi32> to vector<16xi32>
        %gather3A_545 = tpu.dynamic_gather %masked_cumsum3A_541[%gather3A_544] in [0] : vector<16xf32>, vector<16xi32> -> vector<16xf32>
        %broadcast_in_dim3A_546 = arith.constant true
        %broadcast_in_dim3A_547 = vector.broadcast %broadcast_in_dim3A_546 : i1 to vector<16xi1>
        %masked_cumsum3A_548 = tpu.scan <sum>, %add3A_538 masked %broadcast_in_dim3A_547 : vector<16xf32>, vector<16xi1> -> vector<16xf32>
        %broadcast_in_dim3A_549 = arith.constant 15 : i32
        %broadcast_in_dim3A_550 = vector.broadcast %broadcast_in_dim3A_549 : i32 to vector<16x1xi32>
        %gather3A_551 = vector.shape_cast %broadcast_in_dim3A_550 : vector<16x1xi32> to vector<16xi32>
        %gather3A_552 = tpu.dynamic_gather %masked_cumsum3A_548[%gather3A_551] in [0] : vector<16xf32>, vector<16xi32> -> vector<16xf32>
        %mul3A_553 = arith.constant 1.562500e-02 : f32
        %mul3A_554 = vector.broadcast %mul3A_553 : f32 to vector<16xf32>
        %mul3A_555 = arith.mulf %gather3A_545, %mul3A_554 : vector<16xf32>
        %mul3A_556 = arith.constant 1.562500e-02 : f32
        %mul3A_557 = vector.broadcast %mul3A_556 : f32 to vector<16xf32>
        %mul3A_558 = arith.mulf %gather3A_552, %mul3A_557 : vector<16xf32>
        %mul3A_559 = arith.mulf %mul3A_555, %mul3A_555 : vector<16xf32>
        %sub3A_560 = arith.subf %mul3A_558, %mul3A_559 : vector<16xf32>
        %add3A_561 = arith.constant 9.99999974E-6 : f32
        %add3A_562 = vector.broadcast %add3A_561 : f32 to vector<16xf32>
        %add3A_563 = arith.addf %sub3A_560, %add3A_562 : vector<16xf32>
        %bitcast3A_564 = vector.bitcast %add3A_563 : vector<16xf32> to vector<16xi32>
        %shift_right_arithmetic3A_565 = arith.constant 1 : i32
        %shift_right_arithmetic3A_566 = vector.broadcast %shift_right_arithmetic3A_565 : i32 to vector<16xi32>
        %shift_right_arithmetic3A_567 = arith.shrsi %bitcast3A_564, %shift_right_arithmetic3A_566 : vector<16xi32>
        %sub3A_568 = arith.constant 1597463007 : i32
        %sub3A_569 = vector.broadcast %sub3A_568 : i32 to vector<16xi32>
        %sub3A_570 = arith.subi %sub3A_569, %shift_right_arithmetic3A_567 : vector<16xi32>
        %bitcast3A_571 = vector.bitcast %sub3A_570 : vector<16xi32> to vector<16xf32>
        %mul3A_572 = arith.constant 5.000000e-01 : f32
        %mul3A_573 = vector.broadcast %mul3A_572 : f32 to vector<16xf32>
        %mul3A_574 = arith.mulf %mul3A_573, %add3A_563 : vector<16xf32>
        %mul3A_575 = arith.mulf %mul3A_574, %bitcast3A_571 : vector<16xf32>
        %mul3A_576 = arith.mulf %mul3A_575, %bitcast3A_571 : vector<16xf32>
        %sub3A_577 = arith.constant 1.500000e+00 : f32
        %sub3A_578 = vector.broadcast %sub3A_577 : f32 to vector<16xf32>
        %sub3A_579 = arith.subf %sub3A_578, %mul3A_576 : vector<16xf32>
        %mul3A_580 = arith.mulf %bitcast3A_571, %sub3A_579 : vector<16xf32>
        %mul3A_581 = arith.constant 5.000000e-01 : f32
        %mul3A_582 = vector.broadcast %mul3A_581 : f32 to vector<16xf32>
        %mul3A_583 = arith.mulf %mul3A_582, %add3A_563 : vector<16xf32>
        %mul3A_584 = arith.mulf %mul3A_583, %mul3A_580 : vector<16xf32>
        %mul3A_585 = arith.mulf %mul3A_584, %mul3A_580 : vector<16xf32>
        %sub3A_586 = arith.constant 1.500000e+00 : f32
        %sub3A_587 = vector.broadcast %sub3A_586 : f32 to vector<16xf32>
        %sub3A_588 = arith.subf %sub3A_587, %mul3A_585 : vector<16xf32>
        %mul3A_589 = arith.mulf %mul3A_580, %sub3A_588 : vector<16xf32>
        %sub3A_590 = arith.subf %add3A_507, %mul3A_555 : vector<16xf32>
        %mul3A_591 = arith.mulf %mul3A_589, %get3A_3 : vector<16xf32>
        %mul3A_592 = arith.mulf %sub3A_590, %mul3A_591 : vector<16xf32>
        %add3A_593 = arith.addf %mul3A_592, %get3A_11 : vector<16xf32>
        %swap3A_594 = arith.index_cast %add3A_500 : i32 to index
        %swap3A_595 = arith.constant 0 : index
        %swap3A_596 = tpu.vector_load %arg16[%swap3A_594, %swap3A_595] {strides = array<i32>} : memref<128x64xf32, #tpu.memory_space<vmem>>, vector<16xf32>,
        tpu.vector_store %arg16[%swap3A_594, %swap3A_595], %add3A_593 {strides = array<i32>} : memref<128x64xf32, #tpu.memory_space<vmem>>, vector<16xf32>,
        %sub3A_597 = arith.subf %add3A_514, %mul3A_555 : vector<16xf32>
        %mul3A_598 = arith.mulf %mul3A_589, %get3A_5 : vector<16xf32>
        %mul3A_599 = arith.mulf %sub3A_597, %mul3A_598 : vector<16xf32>
        %add3A_600 = arith.addf %mul3A_599, %get3A_13 : vector<16xf32>
        %swap3A_601 = arith.index_cast %add3A_500 : i32 to index
        %swap3A_602 = arith.constant 16 : index
        %swap3A_603 = tpu.vector_load %arg16[%swap3A_601, %swap3A_602] {strides = array<i32>} : memref<128x64xf32, #tpu.memory_space<vmem>>, vector<16xf32>,
        tpu.vector_store %arg16[%swap3A_601, %swap3A_602], %add3A_600 {strides = array<i32>} : memref<128x64xf32, #tpu.memory_space<vmem>>, vector<16xf32>,
        %sub3A_604 = arith.subf %add3A_521, %mul3A_555 : vector<16xf32>
        %mul3A_605 = arith.mulf %mul3A_589, %get3A_7 : vector<16xf32>
        %mul3A_606 = arith.mulf %sub3A_604, %mul3A_605 : vector<16xf32>
        %add3A_607 = arith.addf %mul3A_606, %get3A_15 : vector<16xf32>
        %swap3A_608 = arith.index_cast %add3A_500 : i32 to index
        %swap3A_609 = arith.constant 32 : index
        %swap3A_610 = tpu.vector_load %arg16[%swap3A_608, %swap3A_609] {strides = array<i32>} : memref<128x64xf32, #tpu.memory_space<vmem>>, vector<16xf32>,
        tpu.vector_store %arg16[%swap3A_608, %swap3A_609], %add3A_607 {strides = array<i32>} : memref<128x64xf32, #tpu.memory_space<vmem>>, vector<16xf32>,
        %sub3A_611 = arith.subf %add3A_528, %mul3A_555 : vector<16xf32>
        %mul3A_612 = arith.mulf %mul3A_589, %get3A_9 : vector<16xf32>
        %mul3A_613 = arith.mulf %sub3A_611, %mul3A_612 : vector<16xf32>
        %add3A_614 = arith.addf %mul3A_613, %get3A_17 : vector<16xf32>
        %swap3A_615 = arith.index_cast %add3A_500 : i32 to index
        %swap3A_616 = arith.constant 48 : index
        %swap3A_617 = tpu.vector_load %arg16[%swap3A_615, %swap3A_616] {strides = array<i32>} : memref<128x64xf32, #tpu.memory_space<vmem>>, vector<16xf32>,
        tpu.vector_store %arg16[%swap3A_615, %swap3A_616], %add3A_614 {strides = array<i32>} : memref<128x64xf32, #tpu.memory_space<vmem>>, vector<16xf32>,
        %mul3A_618 = arith.constant 16 : i32
        %mul3A_619 = arith.muli %scan3A_140, %mul3A_618 : i32
        %add3A_620 = arith.constant 4 : i32
        %add3A_621 = arith.addi %mul3A_619, %add3A_620 : i32
        %get3A_622 = arith.index_cast %add3A_621 : i32 to index
        %get3A_623 = arith.constant 0 : index
        %get3A_624 = tpu.vector_load %arg12[%get3A_622, %get3A_623] {strides = array<i32>} : memref<128x64xf32, #tpu.memory_space<vmem>>, vector<16xf32>,
        %get3A_625 = arith.index_cast %add3A_621 : i32 to index
        %get3A_626 = arith.constant 0 : index
        %get3A_627 = tpu.vector_load %arg14[%get3A_625, %get3A_626] {strides = array<i32>} : memref<128x64xf32, #tpu.memory_space<vmem>>, vector<16xf32>,
        %add3A_628 = arith.addf %get3A_624, %get3A_627 : vector<16xf32>
        %get3A_629 = arith.index_cast %add3A_621 : i32 to index
        %get3A_630 = arith.constant 16 : index
        %get3A_631 = tpu.vector_load %arg12[%get3A_629, %get3A_630] {strides = array<i32>} : memref<128x64xf32, #tpu.memory_space<vmem>>, vector<16xf32>,
        %get3A_632 = arith.index_cast %add3A_621 : i32 to index
        %get3A_633 = arith.constant 16 : index
        %get3A_634 = tpu.vector_load %arg14[%get3A_632, %get3A_633] {strides = array<i32>} : memref<128x64xf32, #tpu.memory_space<vmem>>, vector<16xf32>,
        %add3A_635 = arith.addf %get3A_631, %get3A_634 : vector<16xf32>
        %get3A_636 = arith.index_cast %add3A_621 : i32 to index
        %get3A_637 = arith.constant 32 : index
        %get3A_638 = tpu.vector_load %arg12[%get3A_636, %get3A_637] {strides = array<i32>} : memref<128x64xf32, #tpu.memory_space<vmem>>, vector<16xf32>,
        %get3A_639 = arith.index_cast %add3A_621 : i32 to index
        %get3A_640 = arith.constant 32 : index
        %get3A_641 = tpu.vector_load %arg14[%get3A_639, %get3A_640] {strides = array<i32>} : memref<128x64xf32, #tpu.memory_space<vmem>>, vector<16xf32>,
        %add3A_642 = arith.addf %get3A_638, %get3A_641 : vector<16xf32>
        %get3A_643 = arith.index_cast %add3A_621 : i32 to index
        %get3A_644 = arith.constant 48 : index
        %get3A_645 = tpu.vector_load %arg12[%get3A_643, %get3A_644] {strides = array<i32>} : memref<128x64xf32, #tpu.memory_space<vmem>>, vector<16xf32>,
        %get3A_646 = arith.index_cast %add3A_621 : i32 to index
        %get3A_647 = arith.constant 48 : index
        %get3A_648 = tpu.vector_load %arg14[%get3A_646, %get3A_647] {strides = array<i32>} : memref<128x64xf32, #tpu.memory_space<vmem>>, vector<16xf32>,
        %add3A_649 = arith.addf %get3A_645, %get3A_648 : vector<16xf32>
        %add3A_650 = arith.addf %add3A_628, %add3A_635 : vector<16xf32>
        %add3A_651 = arith.addf %add3A_642, %add3A_649 : vector<16xf32>
        %add3A_652 = arith.addf %add3A_650, %add3A_651 : vector<16xf32>
        %mul3A_653 = arith.mulf %add3A_628, %add3A_628 : vector<16xf32>
        %mul3A_654 = arith.mulf %add3A_635, %add3A_635 : vector<16xf32>
        %add3A_655 = arith.addf %mul3A_653, %mul3A_654 : vector<16xf32>
        %mul3A_656 = arith.mulf %add3A_642, %add3A_642 : vector<16xf32>
        %mul3A_657 = arith.mulf %add3A_649, %add3A_649 : vector<16xf32>
        %add3A_658 = arith.addf %mul3A_656, %mul3A_657 : vector<16xf32>
        %add3A_659 = arith.addf %add3A_655, %add3A_658 : vector<16xf32>
        %broadcast_in_dim3A_660 = arith.constant true
        %broadcast_in_dim3A_661 = vector.broadcast %broadcast_in_dim3A_660 : i1 to vector<16xi1>
        %masked_cumsum3A_662 = tpu.scan <sum>, %add3A_652 masked %broadcast_in_dim3A_661 : vector<16xf32>, vector<16xi1> -> vector<16xf32>
        %broadcast_in_dim3A_663 = arith.constant 15 : i32
        %broadcast_in_dim3A_664 = vector.broadcast %broadcast_in_dim3A_663 : i32 to vector<16x1xi32>
        %gather3A_665 = vector.shape_cast %broadcast_in_dim3A_664 : vector<16x1xi32> to vector<16xi32>
        %gather3A_666 = tpu.dynamic_gather %masked_cumsum3A_662[%gather3A_665] in [0] : vector<16xf32>, vector<16xi32> -> vector<16xf32>
        %broadcast_in_dim3A_667 = arith.constant true
        %broadcast_in_dim3A_668 = vector.broadcast %broadcast_in_dim3A_667 : i1 to vector<16xi1>
        %masked_cumsum3A_669 = tpu.scan <sum>, %add3A_659 masked %broadcast_in_dim3A_668 : vector<16xf32>, vector<16xi1> -> vector<16xf32>
        %broadcast_in_dim3A_670 = arith.constant 15 : i32
        %broadcast_in_dim3A_671 = vector.broadcast %broadcast_in_dim3A_670 : i32 to vector<16x1xi32>
        %gather3A_672 = vector.shape_cast %broadcast_in_dim3A_671 : vector<16x1xi32> to vector<16xi32>
        %gather3A_673 = tpu.dynamic_gather %masked_cumsum3A_669[%gather3A_672] in [0] : vector<16xf32>, vector<16xi32> -> vector<16xf32>
        %mul3A_674 = arith.constant 1.562500e-02 : f32
        %mul3A_675 = vector.broadcast %mul3A_674 : f32 to vector<16xf32>
        %mul3A_676 = arith.mulf %gather3A_666, %mul3A_675 : vector<16xf32>
        %mul3A_677 = arith.constant 1.562500e-02 : f32
        %mul3A_678 = vector.broadcast %mul3A_677 : f32 to vector<16xf32>
        %mul3A_679 = arith.mulf %gather3A_673, %mul3A_678 : vector<16xf32>
        %mul3A_680 = arith.mulf %mul3A_676, %mul3A_676 : vector<16xf32>
        %sub3A_681 = arith.subf %mul3A_679, %mul3A_680 : vector<16xf32>
        %add3A_682 = arith.constant 9.99999974E-6 : f32
        %add3A_683 = vector.broadcast %add3A_682 : f32 to vector<16xf32>
        %add3A_684 = arith.addf %sub3A_681, %add3A_683 : vector<16xf32>
        %bitcast3A_685 = vector.bitcast %add3A_684 : vector<16xf32> to vector<16xi32>
        %shift_right_arithmetic3A_686 = arith.constant 1 : i32
        %shift_right_arithmetic3A_687 = vector.broadcast %shift_right_arithmetic3A_686 : i32 to vector<16xi32>
        %shift_right_arithmetic3A_688 = arith.shrsi %bitcast3A_685, %shift_right_arithmetic3A_687 : vector<16xi32>
        %sub3A_689 = arith.constant 1597463007 : i32
        %sub3A_690 = vector.broadcast %sub3A_689 : i32 to vector<16xi32>
        %sub3A_691 = arith.subi %sub3A_690, %shift_right_arithmetic3A_688 : vector<16xi32>
        %bitcast3A_692 = vector.bitcast %sub3A_691 : vector<16xi32> to vector<16xf32>
        %mul3A_693 = arith.constant 5.000000e-01 : f32
        %mul3A_694 = vector.broadcast %mul3A_693 : f32 to vector<16xf32>
        %mul3A_695 = arith.mulf %mul3A_694, %add3A_684 : vector<16xf32>
        %mul3A_696 = arith.mulf %mul3A_695, %bitcast3A_692 : vector<16xf32>
        %mul3A_697 = arith.mulf %mul3A_696, %bitcast3A_692 : vector<16xf32>
        %sub3A_698 = arith.constant 1.500000e+00 : f32
        %sub3A_699 = vector.broadcast %sub3A_698 : f32 to vector<16xf32>
        %sub3A_700 = arith.subf %sub3A_699, %mul3A_697 : vector<16xf32>
        %mul3A_701 = arith.mulf %bitcast3A_692, %sub3A_700 : vector<16xf32>
        %mul3A_702 = arith.constant 5.000000e-01 : f32
        %mul3A_703 = vector.broadcast %mul3A_702 : f32 to vector<16xf32>
        %mul3A_704 = arith.mulf %mul3A_703, %add3A_684 : vector<16xf32>
        %mul3A_705 = arith.mulf %mul3A_704, %mul3A_701 : vector<16xf32>
        %mul3A_706 = arith.mulf %mul3A_705, %mul3A_701 : vector<16xf32>
        %sub3A_707 = arith.constant 1.500000e+00 : f32
        %sub3A_708 = vector.broadcast %sub3A_707 : f32 to vector<16xf32>
        %sub3A_709 = arith.subf %sub3A_708, %mul3A_706 : vector<16xf32>
        %mul3A_710 = arith.mulf %mul3A_701, %sub3A_709 : vector<16xf32>
        %sub3A_711 = arith.subf %add3A_628, %mul3A_676 : vector<16xf32>
        %mul3A_712 = arith.mulf %mul3A_710, %get3A_3 : vector<16xf32>
        %mul3A_713 = arith.mulf %sub3A_711, %mul3A_712 : vector<16xf32>
        %add3A_714 = arith.addf %mul3A_713, %get3A_11 : vector<16xf32>
        %swap3A_715 = arith.index_cast %add3A_621 : i32 to index
        %swap3A_716 = arith.constant 0 : index
        %swap3A_717 = tpu.vector_load %arg16[%swap3A_715, %swap3A_716] {strides = array<i32>} : memref<128x64xf32, #tpu.memory_space<vmem>>, vector<16xf32>,
        tpu.vector_store %arg16[%swap3A_715, %swap3A_716], %add3A_714 {strides = array<i32>} : memref<128x64xf32, #tpu.memory_space<vmem>>, vector<16xf32>,
        %sub3A_718 = arith.subf %add3A_635, %mul3A_676 : vector<16xf32>
        %mul3A_719 = arith.mulf %mul3A_710, %get3A_5 : vector<16xf32>
        %mul3A_720 = arith.mulf %sub3A_718, %mul3A_719 : vector<16xf32>
        %add3A_721 = arith.addf %mul3A_720, %get3A_13 : vector<16xf32>
        %swap3A_722 = arith.index_cast %add3A_621 : i32 to index
        %swap3A_723 = arith.constant 16 : index
        %swap3A_724 = tpu.vector_load %arg16[%swap3A_722, %swap3A_723] {strides = array<i32>} : memref<128x64xf32, #tpu.memory_space<vmem>>, vector<16xf32>,
        tpu.vector_store %arg16[%swap3A_722, %swap3A_723], %add3A_721 {strides = array<i32>} : memref<128x64xf32, #tpu.memory_space<vmem>>, vector<16xf32>,
        %sub3A_725 = arith.subf %add3A_642, %mul3A_676 : vector<16xf32>
        %mul3A_726 = arith.mulf %mul3A_710, %get3A_7 : vector<16xf32>
        %mul3A_727 = arith.mulf %sub3A_725, %mul3A_726 : vector<16xf32>
        %add3A_728 = arith.addf %mul3A_727, %get3A_15 : vector<16xf32>
        %swap3A_729 = arith.index_cast %add3A_621 : i32 to index
        %swap3A_730 = arith.constant 32 : index
        %swap3A_731 = tpu.vector_load %arg16[%swap3A_729, %swap3A_730] {strides = array<i32>} : memref<128x64xf32, #tpu.memory_space<vmem>>, vector<16xf32>,
        tpu.vector_store %arg16[%swap3A_729, %swap3A_730], %add3A_728 {strides = array<i32>} : memref<128x64xf32, #tpu.memory_space<vmem>>, vector<16xf32>,
        %sub3A_732 = arith.subf %add3A_649, %mul3A_676 : vector<16xf32>
        %mul3A_733 = arith.mulf %mul3A_710, %get3A_9 : vector<16xf32>
        %mul3A_734 = arith.mulf %sub3A_732, %mul3A_733 : vector<16xf32>
        %add3A_735 = arith.addf %mul3A_734, %get3A_17 : vector<16xf32>
        %swap3A_736 = arith.index_cast %add3A_621 : i32 to index
        %swap3A_737 = arith.constant 48 : index
        %swap3A_738 = tpu.vector_load %arg16[%swap3A_736, %swap3A_737] {strides = array<i32>} : memref<128x64xf32, #tpu.memory_space<vmem>>, vector<16xf32>,
        tpu.vector_store %arg16[%swap3A_736, %swap3A_737], %add3A_735 {strides = array<i32>} : memref<128x64xf32, #tpu.memory_space<vmem>>, vector<16xf32>,
        %mul3A_739 = arith.constant 16 : i32
        %mul3A_740 = arith.muli %scan3A_140, %mul3A_739 : i32
        %add3A_741 = arith.constant 5 : i32
        %add3A_742 = arith.addi %mul3A_740, %add3A_741 : i32
        %get3A_743 = arith.index_cast %add3A_742 : i32 to index
        %get3A_744 = arith.constant 0 : index
        %get3A_745 = tpu.vector_load %arg12[%get3A_743, %get3A_744] {strides = array<i32>} : memref<128x64xf32, #tpu.memory_space<vmem>>, vector<16xf32>,
        %get3A_746 = arith.index_cast %add3A_742 : i32 to index
        %get3A_747 = arith.constant 0 : index
        %get3A_748 = tpu.vector_load %arg14[%get3A_746, %get3A_747] {strides = array<i32>} : memref<128x64xf32, #tpu.memory_space<vmem>>, vector<16xf32>,
        %add3A_749 = arith.addf %get3A_745, %get3A_748 : vector<16xf32>
        %get3A_750 = arith.index_cast %add3A_742 : i32 to index
        %get3A_751 = arith.constant 16 : index
        %get3A_752 = tpu.vector_load %arg12[%get3A_750, %get3A_751] {strides = array<i32>} : memref<128x64xf32, #tpu.memory_space<vmem>>, vector<16xf32>,
        %get3A_753 = arith.index_cast %add3A_742 : i32 to index
        %get3A_754 = arith.constant 16 : index
        %get3A_755 = tpu.vector_load %arg14[%get3A_753, %get3A_754] {strides = array<i32>} : memref<128x64xf32, #tpu.memory_space<vmem>>, vector<16xf32>,
        %add3A_756 = arith.addf %get3A_752, %get3A_755 : vector<16xf32>
        %get3A_757 = arith.index_cast %add3A_742 : i32 to index
        %get3A_758 = arith.constant 32 : index
        %get3A_759 = tpu.vector_load %arg12[%get3A_757, %get3A_758] {strides = array<i32>} : memref<128x64xf32, #tpu.memory_space<vmem>>, vector<16xf32>,
        %get3A_760 = arith.index_cast %add3A_742 : i32 to index
        %get3A_761 = arith.constant 32 : index
        %get3A_762 = tpu.vector_load %arg14[%get3A_760, %get3A_761] {strides = array<i32>} : memref<128x64xf32, #tpu.memory_space<vmem>>, vector<16xf32>,
        %add3A_763 = arith.addf %get3A_759, %get3A_762 : vector<16xf32>
        %get3A_764 = arith.index_cast %add3A_742 : i32 to index
        %get3A_765 = arith.constant 48 : index
        %get3A_766 = tpu.vector_load %arg12[%get3A_764, %get3A_765] {strides = array<i32>} : memref<128x64xf32, #tpu.memory_space<vmem>>, vector<16xf32>,
        %get3A_767 = arith.index_cast %add3A_742 : i32 to index
        %get3A_768 = arith.constant 48 : index
        %get3A_769 = tpu.vector_load %arg14[%get3A_767, %get3A_768] {strides = array<i32>} : memref<128x64xf32, #tpu.memory_space<vmem>>, vector<16xf32>,
        %add3A_770 = arith.addf %get3A_766, %get3A_769 : vector<16xf32>
        %add3A_771 = arith.addf %add3A_749, %add3A_756 : vector<16xf32>
        %add3A_772 = arith.addf %add3A_763, %add3A_770 : vector<16xf32>
        %add3A_773 = arith.addf %add3A_771, %add3A_772 : vector<16xf32>
        %mul3A_774 = arith.mulf %add3A_749, %add3A_749 : vector<16xf32>
        %mul3A_775 = arith.mulf %add3A_756, %add3A_756 : vector<16xf32>
        %add3A_776 = arith.addf %mul3A_774, %mul3A_775 : vector<16xf32>
        %mul3A_777 = arith.mulf %add3A_763, %add3A_763 : vector<16xf32>
        %mul3A_778 = arith.mulf %add3A_770, %add3A_770 : vector<16xf32>
        %add3A_779 = arith.addf %mul3A_777, %mul3A_778 : vector<16xf32>
        %add3A_780 = arith.addf %add3A_776, %add3A_779 : vector<16xf32>
        %broadcast_in_dim3A_781 = arith.constant true
        %broadcast_in_dim3A_782 = vector.broadcast %broadcast_in_dim3A_781 : i1 to vector<16xi1>
        %masked_cumsum3A_783 = tpu.scan <sum>, %add3A_773 masked %broadcast_in_dim3A_782 : vector<16xf32>, vector<16xi1> -> vector<16xf32>
        %broadcast_in_dim3A_784 = arith.constant 15 : i32
        %broadcast_in_dim3A_785 = vector.broadcast %broadcast_in_dim3A_784 : i32 to vector<16x1xi32>
        %gather3A_786 = vector.shape_cast %broadcast_in_dim3A_785 : vector<16x1xi32> to vector<16xi32>
        %gather3A_787 = tpu.dynamic_gather %masked_cumsum3A_783[%gather3A_786] in [0] : vector<16xf32>, vector<16xi32> -> vector<16xf32>
        %broadcast_in_dim3A_788 = arith.constant true
        %broadcast_in_dim3A_789 = vector.broadcast %broadcast_in_dim3A_788 : i1 to vector<16xi1>
        %masked_cumsum3A_790 = tpu.scan <sum>, %add3A_780 masked %broadcast_in_dim3A_789 : vector<16xf32>, vector<16xi1> -> vector<16xf32>
        %broadcast_in_dim3A_791 = arith.constant 15 : i32
        %broadcast_in_dim3A_792 = vector.broadcast %broadcast_in_dim3A_791 : i32 to vector<16x1xi32>
        %gather3A_793 = vector.shape_cast %broadcast_in_dim3A_792 : vector<16x1xi32> to vector<16xi32>
        %gather3A_794 = tpu.dynamic_gather %masked_cumsum3A_790[%gather3A_793] in [0] : vector<16xf32>, vector<16xi32> -> vector<16xf32>
        %mul3A_795 = arith.constant 1.562500e-02 : f32
        %mul3A_796 = vector.broadcast %mul3A_795 : f32 to vector<16xf32>
        %mul3A_797 = arith.mulf %gather3A_787, %mul3A_796 : vector<16xf32>
        %mul3A_798 = arith.constant 1.562500e-02 : f32
        %mul3A_799 = vector.broadcast %mul3A_798 : f32 to vector<16xf32>
        %mul3A_800 = arith.mulf %gather3A_794, %mul3A_799 : vector<16xf32>
        %mul3A_801 = arith.mulf %mul3A_797, %mul3A_797 : vector<16xf32>
        %sub3A_802 = arith.subf %mul3A_800, %mul3A_801 : vector<16xf32>
        %add3A_803 = arith.constant 9.99999974E-6 : f32
        %add3A_804 = vector.broadcast %add3A_803 : f32 to vector<16xf32>
        %add3A_805 = arith.addf %sub3A_802, %add3A_804 : vector<16xf32>
        %bitcast3A_806 = vector.bitcast %add3A_805 : vector<16xf32> to vector<16xi32>
        %shift_right_arithmetic3A_807 = arith.constant 1 : i32
        %shift_right_arithmetic3A_808 = vector.broadcast %shift_right_arithmetic3A_807 : i32 to vector<16xi32>
        %shift_right_arithmetic3A_809 = arith.shrsi %bitcast3A_806, %shift_right_arithmetic3A_808 : vector<16xi32>
        %sub3A_810 = arith.constant 1597463007 : i32
        %sub3A_811 = vector.broadcast %sub3A_810 : i32 to vector<16xi32>
        %sub3A_812 = arith.subi %sub3A_811, %shift_right_arithmetic3A_809 : vector<16xi32>
        %bitcast3A_813 = vector.bitcast %sub3A_812 : vector<16xi32> to vector<16xf32>
        %mul3A_814 = arith.constant 5.000000e-01 : f32
        %mul3A_815 = vector.broadcast %mul3A_814 : f32 to vector<16xf32>
        %mul3A_816 = arith.mulf %mul3A_815, %add3A_805 : vector<16xf32>
        %mul3A_817 = arith.mulf %mul3A_816, %bitcast3A_813 : vector<16xf32>
        %mul3A_818 = arith.mulf %mul3A_817, %bitcast3A_813 : vector<16xf32>
        %sub3A_819 = arith.constant 1.500000e+00 : f32
        %sub3A_820 = vector.broadcast %sub3A_819 : f32 to vector<16xf32>
        %sub3A_821 = arith.subf %sub3A_820, %mul3A_818 : vector<16xf32>
        %mul3A_822 = arith.mulf %bitcast3A_813, %sub3A_821 : vector<16xf32>
        %mul3A_823 = arith.constant 5.000000e-01 : f32
        %mul3A_824 = vector.broadcast %mul3A_823 : f32 to vector<16xf32>
        %mul3A_825 = arith.mulf %mul3A_824, %add3A_805 : vector<16xf32>
        %mul3A_826 = arith.mulf %mul3A_825, %mul3A_822 : vector<16xf32>
        %mul3A_827 = arith.mulf %mul3A_826, %mul3A_822 : vector<16xf32>
        %sub3A_828 = arith.constant 1.500000e+00 : f32
        %sub3A_829 = vector.broadcast %sub3A_828 : f32 to vector<16xf32>
        %sub3A_830 = arith.subf %sub3A_829, %mul3A_827 : vector<16xf32>
        %mul3A_831 = arith.mulf %mul3A_822, %sub3A_830 : vector<16xf32>
        %sub3A_832 = arith.subf %add3A_749, %mul3A_797 : vector<16xf32>
        %mul3A_833 = arith.mulf %mul3A_831, %get3A_3 : vector<16xf32>
        %mul3A_834 = arith.mulf %sub3A_832, %mul3A_833 : vector<16xf32>
        %add3A_835 = arith.addf %mul3A_834, %get3A_11 : vector<16xf32>
        %swap3A_836 = arith.index_cast %add3A_742 : i32 to index
        %swap3A_837 = arith.constant 0 : index
        %swap3A_838 = tpu.vector_load %arg16[%swap3A_836, %swap3A_837] {strides = array<i32>} : memref<128x64xf32, #tpu.memory_space<vmem>>, vector<16xf32>,
        tpu.vector_store %arg16[%swap3A_836, %swap3A_837], %add3A_835 {strides = array<i32>} : memref<128x64xf32, #tpu.memory_space<vmem>>, vector<16xf32>,
        %sub3A_839 = arith.subf %add3A_756, %mul3A_797 : vector<16xf32>
        %mul3A_840 = arith.mulf %mul3A_831, %get3A_5 : vector<16xf32>
        %mul3A_841 = arith.mulf %sub3A_839, %mul3A_840 : vector<16xf32>
        %add3A_842 = arith.addf %mul3A_841, %get3A_13 : vector<16xf32>
        %swap3A_843 = arith.index_cast %add3A_742 : i32 to index
        %swap3A_844 = arith.constant 16 : index
        %swap3A_845 = tpu.vector_load %arg16[%swap3A_843, %swap3A_844] {strides = array<i32>} : memref<128x64xf32, #tpu.memory_space<vmem>>, vector<16xf32>,
        tpu.vector_store %arg16[%swap3A_843, %swap3A_844], %add3A_842 {strides = array<i32>} : memref<128x64xf32, #tpu.memory_space<vmem>>, vector<16xf32>,
        %sub3A_846 = arith.subf %add3A_763, %mul3A_797 : vector<16xf32>
        %mul3A_847 = arith.mulf %mul3A_831, %get3A_7 : vector<16xf32>
        %mul3A_848 = arith.mulf %sub3A_846, %mul3A_847 : vector<16xf32>
        %add3A_849 = arith.addf %mul3A_848, %get3A_15 : vector<16xf32>
        %swap3A_850 = arith.index_cast %add3A_742 : i32 to index
        %swap3A_851 = arith.constant 32 : index
        %swap3A_852 = tpu.vector_load %arg16[%swap3A_850, %swap3A_851] {strides = array<i32>} : memref<128x64xf32, #tpu.memory_space<vmem>>, vector<16xf32>,
        tpu.vector_store %arg16[%swap3A_850, %swap3A_851], %add3A_849 {strides = array<i32>} : memref<128x64xf32, #tpu.memory_space<vmem>>, vector<16xf32>,
        %sub3A_853 = arith.subf %add3A_770, %mul3A_797 : vector<16xf32>
        %mul3A_854 = arith.mulf %mul3A_831, %get3A_9 : vector<16xf32>
        %mul3A_855 = arith.mulf %sub3A_853, %mul3A_854 : vector<16xf32>
        %add3A_856 = arith.addf %mul3A_855, %get3A_17 : vector<16xf32>
        %swap3A_857 = arith.index_cast %add3A_742 : i32 to index
        %swap3A_858 = arith.constant 48 : index
        %swap3A_859 = tpu.vector_load %arg16[%swap3A_857, %swap3A_858] {strides = array<i32>} : memref<128x64xf32, #tpu.memory_space<vmem>>, vector<16xf32>,
        tpu.vector_store %arg16[%swap3A_857, %swap3A_858], %add3A_856 {strides = array<i32>} : memref<128x64xf32, #tpu.memory_space<vmem>>, vector<16xf32>,
        %mul3A_860 = arith.constant 16 : i32
        %mul3A_861 = arith.muli %scan3A_140, %mul3A_860 : i32
        %add3A_862 = arith.constant 6 : i32
        %add3A_863 = arith.addi %mul3A_861, %add3A_862 : i32
        %get3A_864 = arith.index_cast %add3A_863 : i32 to index
        %get3A_865 = arith.constant 0 : index
        %get3A_866 = tpu.vector_load %arg12[%get3A_864, %get3A_865] {strides = array<i32>} : memref<128x64xf32, #tpu.memory_space<vmem>>, vector<16xf32>,
        %get3A_867 = arith.index_cast %add3A_863 : i32 to index
        %get3A_868 = arith.constant 0 : index
        %get3A_869 = tpu.vector_load %arg14[%get3A_867, %get3A_868] {strides = array<i32>} : memref<128x64xf32, #tpu.memory_space<vmem>>, vector<16xf32>,
        %add3A_870 = arith.addf %get3A_866, %get3A_869 : vector<16xf32>
        %get3A_871 = arith.index_cast %add3A_863 : i32 to index
        %get3A_872 = arith.constant 16 : index
        %get3A_873 = tpu.vector_load %arg12[%get3A_871, %get3A_872] {strides = array<i32>} : memref<128x64xf32, #tpu.memory_space<vmem>>, vector<16xf32>,
        %get3A_874 = arith.index_cast %add3A_863 : i32 to index
        %get3A_875 = arith.constant 16 : index
        %get3A_876 = tpu.vector_load %arg14[%get3A_874, %get3A_875] {strides = array<i32>} : memref<128x64xf32, #tpu.memory_space<vmem>>, vector<16xf32>,
        %add3A_877 = arith.addf %get3A_873, %get3A_876 : vector<16xf32>
        %get3A_878 = arith.index_cast %add3A_863 : i32 to index
        %get3A_879 = arith.constant 32 : index
        %get3A_880 = tpu.vector_load %arg12[%get3A_878, %get3A_879] {strides = array<i32>} : memref<128x64xf32, #tpu.memory_space<vmem>>, vector<16xf32>,
        %get3A_881 = arith.index_cast %add3A_863 : i32 to index
        %get3A_882 = arith.constant 32 : index
        %get3A_883 = tpu.vector_load %arg14[%get3A_881, %get3A_882] {strides = array<i32>} : memref<128x64xf32, #tpu.memory_space<vmem>>, vector<16xf32>,
        %add3A_884 = arith.addf %get3A_880, %get3A_883 : vector<16xf32>
        %get3A_885 = arith.index_cast %add3A_863 : i32 to index
        %get3A_886 = arith.constant 48 : index
        %get3A_887 = tpu.vector_load %arg12[%get3A_885, %get3A_886] {strides = array<i32>} : memref<128x64xf32, #tpu.memory_space<vmem>>, vector<16xf32>,
        %get3A_888 = arith.index_cast %add3A_863 : i32 to index
        %get3A_889 = arith.constant 48 : index
        %get3A_890 = tpu.vector_load %arg14[%get3A_888, %get3A_889] {strides = array<i32>} : memref<128x64xf32, #tpu.memory_space<vmem>>, vector<16xf32>,
        %add3A_891 = arith.addf %get3A_887, %get3A_890 : vector<16xf32>
        %add3A_892 = arith.addf %add3A_870, %add3A_877 : vector<16xf32>
        %add3A_893 = arith.addf %add3A_884, %add3A_891 : vector<16xf32>
        %add3A_894 = arith.addf %add3A_892, %add3A_893 : vector<16xf32>
        %mul3A_895 = arith.mulf %add3A_870, %add3A_870 : vector<16xf32>
        %mul3A_896 = arith.mulf %add3A_877, %add3A_877 : vector<16xf32>
        %add3A_897 = arith.addf %mul3A_895, %mul3A_896 : vector<16xf32>
        %mul3A_898 = arith.mulf %add3A_884, %add3A_884 : vector<16xf32>
        %mul3A_899 = arith.mulf %add3A_891, %add3A_891 : vector<16xf32>
        %add3A_900 = arith.addf %mul3A_898, %mul3A_899 : vector<16xf32>
        %add3A_901 = arith.addf %add3A_897, %add3A_900 : vector<16xf32>
        %broadcast_in_dim3A_902 = arith.constant true
        %broadcast_in_dim3A_903 = vector.broadcast %broadcast_in_dim3A_902 : i1 to vector<16xi1>
        %masked_cumsum3A_904 = tpu.scan <sum>, %add3A_894 masked %broadcast_in_dim3A_903 : vector<16xf32>, vector<16xi1> -> vector<16xf32>
        %broadcast_in_dim3A_905 = arith.constant 15 : i32
        %broadcast_in_dim3A_906 = vector.broadcast %broadcast_in_dim3A_905 : i32 to vector<16x1xi32>
        %gather3A_907 = vector.shape_cast %broadcast_in_dim3A_906 : vector<16x1xi32> to vector<16xi32>
        %gather3A_908 = tpu.dynamic_gather %masked_cumsum3A_904[%gather3A_907] in [0] : vector<16xf32>, vector<16xi32> -> vector<16xf32>
        %broadcast_in_dim3A_909 = arith.constant true
        %broadcast_in_dim3A_910 = vector.broadcast %broadcast_in_dim3A_909 : i1 to vector<16xi1>
        %masked_cumsum3A_911 = tpu.scan <sum>, %add3A_901 masked %broadcast_in_dim3A_910 : vector<16xf32>, vector<16xi1> -> vector<16xf32>
        %broadcast_in_dim3A_912 = arith.constant 15 : i32
        %broadcast_in_dim3A_913 = vector.broadcast %broadcast_in_dim3A_912 : i32 to vector<16x1xi32>
        %gather3A_914 = vector.shape_cast %broadcast_in_dim3A_913 : vector<16x1xi32> to vector<16xi32>
        %gather3A_915 = tpu.dynamic_gather %masked_cumsum3A_911[%gather3A_914] in [0] : vector<16xf32>, vector<16xi32> -> vector<16xf32>
        %mul3A_916 = arith.constant 1.562500e-02 : f32
        %mul3A_917 = vector.broadcast %mul3A_916 : f32 to vector<16xf32>
        %mul3A_918 = arith.mulf %gather3A_908, %mul3A_917 : vector<16xf32>
        %mul3A_919 = arith.constant 1.562500e-02 : f32
        %mul3A_920 = vector.broadcast %mul3A_919 : f32 to vector<16xf32>
        %mul3A_921 = arith.mulf %gather3A_915, %mul3A_920 : vector<16xf32>
        %mul3A_922 = arith.mulf %mul3A_918, %mul3A_918 : vector<16xf32>
        %sub3A_923 = arith.subf %mul3A_921, %mul3A_922 : vector<16xf32>
        %add3A_924 = arith.constant 9.99999974E-6 : f32
        %add3A_925 = vector.broadcast %add3A_924 : f32 to vector<16xf32>
        %add3A_926 = arith.addf %sub3A_923, %add3A_925 : vector<16xf32>
        %bitcast3A_927 = vector.bitcast %add3A_926 : vector<16xf32> to vector<16xi32>
        %shift_right_arithmetic3A_928 = arith.constant 1 : i32
        %shift_right_arithmetic3A_929 = vector.broadcast %shift_right_arithmetic3A_928 : i32 to vector<16xi32>
        %shift_right_arithmetic3A_930 = arith.shrsi %bitcast3A_927, %shift_right_arithmetic3A_929 : vector<16xi32>
        %sub3A_931 = arith.constant 1597463007 : i32
        %sub3A_932 = vector.broadcast %sub3A_931 : i32 to vector<16xi32>
        %sub3A_933 = arith.subi %sub3A_932, %shift_right_arithmetic3A_930 : vector<16xi32>
        %bitcast3A_934 = vector.bitcast %sub3A_933 : vector<16xi32> to vector<16xf32>
        %mul3A_935 = arith.constant 5.000000e-01 : f32
        %mul3A_936 = vector.broadcast %mul3A_935 : f32 to vector<16xf32>
        %mul3A_937 = arith.mulf %mul3A_936, %add3A_926 : vector<16xf32>
        %mul3A_938 = arith.mulf %mul3A_937, %bitcast3A_934 : vector<16xf32>
        %mul3A_939 = arith.mulf %mul3A_938, %bitcast3A_934 : vector<16xf32>
        %sub3A_940 = arith.constant 1.500000e+00 : f32
        %sub3A_941 = vector.broadcast %sub3A_940 : f32 to vector<16xf32>
        %sub3A_942 = arith.subf %sub3A_941, %mul3A_939 : vector<16xf32>
        %mul3A_943 = arith.mulf %bitcast3A_934, %sub3A_942 : vector<16xf32>
        %mul3A_944 = arith.constant 5.000000e-01 : f32
        %mul3A_945 = vector.broadcast %mul3A_944 : f32 to vector<16xf32>
        %mul3A_946 = arith.mulf %mul3A_945, %add3A_926 : vector<16xf32>
        %mul3A_947 = arith.mulf %mul3A_946, %mul3A_943 : vector<16xf32>
        %mul3A_948 = arith.mulf %mul3A_947, %mul3A_943 : vector<16xf32>
        %sub3A_949 = arith.constant 1.500000e+00 : f32
        %sub3A_950 = vector.broadcast %sub3A_949 : f32 to vector<16xf32>
        %sub3A_951 = arith.subf %sub3A_950, %mul3A_948 : vector<16xf32>
        %mul3A_952 = arith.mulf %mul3A_943, %sub3A_951 : vector<16xf32>
        %sub3A_953 = arith.subf %add3A_870, %mul3A_918 : vector<16xf32>
        %mul3A_954 = arith.mulf %mul3A_952, %get3A_3 : vector<16xf32>
        %mul3A_955 = arith.mulf %sub3A_953, %mul3A_954 : vector<16xf32>
        %add3A_956 = arith.addf %mul3A_955, %get3A_11 : vector<16xf32>
        %swap3A_957 = arith.index_cast %add3A_863 : i32 to index
        %swap3A_958 = arith.constant 0 : index
        %swap3A_959 = tpu.vector_load %arg16[%swap3A_957, %swap3A_958] {strides = array<i32>} : memref<128x64xf32, #tpu.memory_space<vmem>>, vector<16xf32>,
        tpu.vector_store %arg16[%swap3A_957, %swap3A_958], %add3A_956 {strides = array<i32>} : memref<128x64xf32, #tpu.memory_space<vmem>>, vector<16xf32>,
        %sub3A_960 = arith.subf %add3A_877, %mul3A_918 : vector<16xf32>
        %mul3A_961 = arith.mulf %mul3A_952, %get3A_5 : vector<16xf32>
        %mul3A_962 = arith.mulf %sub3A_960, %mul3A_961 : vector<16xf32>
        %add3A_963 = arith.addf %mul3A_962, %get3A_13 : vector<16xf32>
        %swap3A_964 = arith.index_cast %add3A_863 : i32 to index
        %swap3A_965 = arith.constant 16 : index
        %swap3A_966 = tpu.vector_load %arg16[%swap3A_964, %swap3A_965] {strides = array<i32>} : memref<128x64xf32, #tpu.memory_space<vmem>>, vector<16xf32>,
        tpu.vector_store %arg16[%swap3A_964, %swap3A_965], %add3A_963 {strides = array<i32>} : memref<128x64xf32, #tpu.memory_space<vmem>>, vector<16xf32>,
        %sub3A_967 = arith.subf %add3A_884, %mul3A_918 : vector<16xf32>
        %mul3A_968 = arith.mulf %mul3A_952, %get3A_7 : vector<16xf32>
        %mul3A_969 = arith.mulf %sub3A_967, %mul3A_968 : vector<16xf32>
        %add3A_970 = arith.addf %mul3A_969, %get3A_15 : vector<16xf32>
        %swap3A_971 = arith.index_cast %add3A_863 : i32 to index
        %swap3A_972 = arith.constant 32 : index
        %swap3A_973 = tpu.vector_load %arg16[%swap3A_971, %swap3A_972] {strides = array<i32>} : memref<128x64xf32, #tpu.memory_space<vmem>>, vector<16xf32>,
        tpu.vector_store %arg16[%swap3A_971, %swap3A_972], %add3A_970 {strides = array<i32>} : memref<128x64xf32, #tpu.memory_space<vmem>>, vector<16xf32>,
        %sub3A_974 = arith.subf %add3A_891, %mul3A_918 : vector<16xf32>
        %mul3A_975 = arith.mulf %mul3A_952, %get3A_9 : vector<16xf32>
        %mul3A_976 = arith.mulf %sub3A_974, %mul3A_975 : vector<16xf32>
        %add3A_977 = arith.addf %mul3A_976, %get3A_17 : vector<16xf32>
        %swap3A_978 = arith.index_cast %add3A_863 : i32 to index
        %swap3A_979 = arith.constant 48 : index
        %swap3A_980 = tpu.vector_load %arg16[%swap3A_978, %swap3A_979] {strides = array<i32>} : memref<128x64xf32, #tpu.memory_space<vmem>>, vector<16xf32>,
        tpu.vector_store %arg16[%swap3A_978, %swap3A_979], %add3A_977 {strides = array<i32>} : memref<128x64xf32, #tpu.memory_space<vmem>>, vector<16xf32>,
        %mul3A_981 = arith.constant 16 : i32
        %mul3A_982 = arith.muli %scan3A_140, %mul3A_981 : i32
        %add3A_983 = arith.constant 7 : i32
        %add3A_984 = arith.addi %mul3A_982, %add3A_983 : i32
        %get3A_985 = arith.index_cast %add3A_984 : i32 to index
        %get3A_986 = arith.constant 0 : index
        %get3A_987 = tpu.vector_load %arg12[%get3A_985, %get3A_986] {strides = array<i32>} : memref<128x64xf32, #tpu.memory_space<vmem>>, vector<16xf32>,
        %get3A_988 = arith.index_cast %add3A_984 : i32 to index
        %get3A_989 = arith.constant 0 : index
        %get3A_990 = tpu.vector_load %arg14[%get3A_988, %get3A_989] {strides = array<i32>} : memref<128x64xf32, #tpu.memory_space<vmem>>, vector<16xf32>,
        %add3A_991 = arith.addf %get3A_987, %get3A_990 : vector<16xf32>
        %get3A_992 = arith.index_cast %add3A_984 : i32 to index
        %get3A_993 = arith.constant 16 : index
        %get3A_994 = tpu.vector_load %arg12[%get3A_992, %get3A_993] {strides = array<i32>} : memref<128x64xf32, #tpu.memory_space<vmem>>, vector<16xf32>,
        %get3A_995 = arith.index_cast %add3A_984 : i32 to index
        %get3A_996 = arith.constant 16 : index
        %get3A_997 = tpu.vector_load %arg14[%get3A_995, %get3A_996] {strides = array<i32>} : memref<128x64xf32, #tpu.memory_space<vmem>>, vector<16xf32>,
        %add3A_998 = arith.addf %get3A_994, %get3A_997 : vector<16xf32>
        %get3A_999 = arith.index_cast %add3A_984 : i32 to index
        %get3A_1000 = arith.constant 32 : index
        %get3A_1001 = tpu.vector_load %arg12[%get3A_999, %get3A_1000] {strides = array<i32>} : memref<128x64xf32, #tpu.memory_space<vmem>>, vector<16xf32>,
        %get3A_1002 = arith.index_cast %add3A_984 : i32 to index
        %get3A_1003 = arith.constant 32 : index
        %get3A_1004 = tpu.vector_load %arg14[%get3A_1002, %get3A_1003] {strides = array<i32>} : memref<128x64xf32, #tpu.memory_space<vmem>>, vector<16xf32>,
        %add3A_1005 = arith.addf %get3A_1001, %get3A_1004 : vector<16xf32>
        %get3A_1006 = arith.index_cast %add3A_984 : i32 to index
        %get3A_1007 = arith.constant 48 : index
        %get3A_1008 = tpu.vector_load %arg12[%get3A_1006, %get3A_1007] {strides = array<i32>} : memref<128x64xf32, #tpu.memory_space<vmem>>, vector<16xf32>,
        %get3A_1009 = arith.index_cast %add3A_984 : i32 to index
        %get3A_1010 = arith.constant 48 : index
        %get3A_1011 = tpu.vector_load %arg14[%get3A_1009, %get3A_1010] {strides = array<i32>} : memref<128x64xf32, #tpu.memory_space<vmem>>, vector<16xf32>,
        %add3A_1012 = arith.addf %get3A_1008, %get3A_1011 : vector<16xf32>
        %add3A_1013 = arith.addf %add3A_991, %add3A_998 : vector<16xf32>
        %add3A_1014 = arith.addf %add3A_1005, %add3A_1012 : vector<16xf32>
        %add3A_1015 = arith.addf %add3A_1013, %add3A_1014 : vector<16xf32>
        %mul3A_1016 = arith.mulf %add3A_991, %add3A_991 : vector<16xf32>
        %mul3A_1017 = arith.mulf %add3A_998, %add3A_998 : vector<16xf32>
        %add3A_1018 = arith.addf %mul3A_1016, %mul3A_1017 : vector<16xf32>
        %mul3A_1019 = arith.mulf %add3A_1005, %add3A_1005 : vector<16xf32>
        %mul3A_1020 = arith.mulf %add3A_1012, %add3A_1012 : vector<16xf32>
        %add3A_1021 = arith.addf %mul3A_1019, %mul3A_1020 : vector<16xf32>
        %add3A_1022 = arith.addf %add3A_1018, %add3A_1021 : vector<16xf32>
        %broadcast_in_dim3A_1023 = arith.constant true
        %broadcast_in_dim3A_1024 = vector.broadcast %broadcast_in_dim3A_1023 : i1 to vector<16xi1>
        %masked_cumsum3A_1025 = tpu.scan <sum>, %add3A_1015 masked %broadcast_in_dim3A_1024 : vector<16xf32>, vector<16xi1> -> vector<16xf32>
        %broadcast_in_dim3A_1026 = arith.constant 15 : i32
        %broadcast_in_dim3A_1027 = vector.broadcast %broadcast_in_dim3A_1026 : i32 to vector<16x1xi32>
        %gather3A_1028 = vector.shape_cast %broadcast_in_dim3A_1027 : vector<16x1xi32> to vector<16xi32>
        %gather3A_1029 = tpu.dynamic_gather %masked_cumsum3A_1025[%gather3A_1028] in [0] : vector<16xf32>, vector<16xi32> -> vector<16xf32>
        %broadcast_in_dim3A_1030 = arith.constant true
        %broadcast_in_dim3A_1031 = vector.broadcast %broadcast_in_dim3A_1030 : i1 to vector<16xi1>
        %masked_cumsum3A_1032 = tpu.scan <sum>, %add3A_1022 masked %broadcast_in_dim3A_1031 : vector<16xf32>, vector<16xi1> -> vector<16xf32>
        %broadcast_in_dim3A_1033 = arith.constant 15 : i32
        %broadcast_in_dim3A_1034 = vector.broadcast %broadcast_in_dim3A_1033 : i32 to vector<16x1xi32>
        %gather3A_1035 = vector.shape_cast %broadcast_in_dim3A_1034 : vector<16x1xi32> to vector<16xi32>
        %gather3A_1036 = tpu.dynamic_gather %masked_cumsum3A_1032[%gather3A_1035] in [0] : vector<16xf32>, vector<16xi32> -> vector<16xf32>
        %mul3A_1037 = arith.constant 1.562500e-02 : f32
        %mul3A_1038 = vector.broadcast %mul3A_1037 : f32 to vector<16xf32>
        %mul3A_1039 = arith.mulf %gather3A_1029, %mul3A_1038 : vector<16xf32>
        %mul3A_1040 = arith.constant 1.562500e-02 : f32
        %mul3A_1041 = vector.broadcast %mul3A_1040 : f32 to vector<16xf32>
        %mul3A_1042 = arith.mulf %gather3A_1036, %mul3A_1041 : vector<16xf32>
        %mul3A_1043 = arith.mulf %mul3A_1039, %mul3A_1039 : vector<16xf32>
        %sub3A_1044 = arith.subf %mul3A_1042, %mul3A_1043 : vector<16xf32>
        %add3A_1045 = arith.constant 9.99999974E-6 : f32
        %add3A_1046 = vector.broadcast %add3A_1045 : f32 to vector<16xf32>
        %add3A_1047 = arith.addf %sub3A_1044, %add3A_1046 : vector<16xf32>
        %bitcast3A_1048 = vector.bitcast %add3A_1047 : vector<16xf32> to vector<16xi32>
        %shift_right_arithmetic3A_1049 = arith.constant 1 : i32
        %shift_right_arithmetic3A_1050 = vector.broadcast %shift_right_arithmetic3A_1049 : i32 to vector<16xi32>
        %shift_right_arithmetic3A_1051 = arith.shrsi %bitcast3A_1048, %shift_right_arithmetic3A_1050 : vector<16xi32>
        %sub3A_1052 = arith.constant 1597463007 : i32
        %sub3A_1053 = vector.broadcast %sub3A_1052 : i32 to vector<16xi32>
        %sub3A_1054 = arith.subi %sub3A_1053, %shift_right_arithmetic3A_1051 : vector<16xi32>
        %bitcast3A_1055 = vector.bitcast %sub3A_1054 : vector<16xi32> to vector<16xf32>
        %mul3A_1056 = arith.constant 5.000000e-01 : f32
        %mul3A_1057 = vector.broadcast %mul3A_1056 : f32 to vector<16xf32>
        %mul3A_1058 = arith.mulf %mul3A_1057, %add3A_1047 : vector<16xf32>
        %mul3A_1059 = arith.mulf %mul3A_1058, %bitcast3A_1055 : vector<16xf32>
        %mul3A_1060 = arith.mulf %mul3A_1059, %bitcast3A_1055 : vector<16xf32>
        %sub3A_1061 = arith.constant 1.500000e+00 : f32
        %sub3A_1062 = vector.broadcast %sub3A_1061 : f32 to vector<16xf32>
        %sub3A_1063 = arith.subf %sub3A_1062, %mul3A_1060 : vector<16xf32>
        %mul3A_1064 = arith.mulf %bitcast3A_1055, %sub3A_1063 : vector<16xf32>
        %mul3A_1065 = arith.constant 5.000000e-01 : f32
        %mul3A_1066 = vector.broadcast %mul3A_1065 : f32 to vector<16xf32>
        %mul3A_1067 = arith.mulf %mul3A_1066, %add3A_1047 : vector<16xf32>
        %mul3A_1068 = arith.mulf %mul3A_1067, %mul3A_1064 : vector<16xf32>
        %mul3A_1069 = arith.mulf %mul3A_1068, %mul3A_1064 : vector<16xf32>
        %sub3A_1070 = arith.constant 1.500000e+00 : f32
        %sub3A_1071 = vector.broadcast %sub3A_1070 : f32 to vector<16xf32>
        %sub3A_1072 = arith.subf %sub3A_1071, %mul3A_1069 : vector<16xf32>
        %mul3A_1073 = arith.mulf %mul3A_1064, %sub3A_1072 : vector<16xf32>
        %sub3A_1074 = arith.subf %add3A_991, %mul3A_1039 : vector<16xf32>
        %mul3A_1075 = arith.mulf %mul3A_1073, %get3A_3 : vector<16xf32>
        %mul3A_1076 = arith.mulf %sub3A_1074, %mul3A_1075 : vector<16xf32>
        %add3A_1077 = arith.addf %mul3A_1076, %get3A_11 : vector<16xf32>
        %swap3A_1078 = arith.index_cast %add3A_984 : i32 to index
        %swap3A_1079 = arith.constant 0 : index
        %swap3A_1080 = tpu.vector_load %arg16[%swap3A_1078, %swap3A_1079] {strides = array<i32>} : memref<128x64xf32, #tpu.memory_space<vmem>>, vector<16xf32>,
        tpu.vector_store %arg16[%swap3A_1078, %swap3A_1079], %add3A_1077 {strides = array<i32>} : memref<128x64xf32, #tpu.memory_space<vmem>>, vector<16xf32>,
        %sub3A_1081 = arith.subf %add3A_998, %mul3A_1039 : vector<16xf32>
        %mul3A_1082 = arith.mulf %mul3A_1073, %get3A_5 : vector<16xf32>
        %mul3A_1083 = arith.mulf %sub3A_1081, %mul3A_1082 : vector<16xf32>
        %add3A_1084 = arith.addf %mul3A_1083, %get3A_13 : vector<16xf32>
        %swap3A_1085 = arith.index_cast %add3A_984 : i32 to index
        %swap3A_1086 = arith.constant 16 : index
        %swap3A_1087 = tpu.vector_load %arg16[%swap3A_1085, %swap3A_1086] {strides = array<i32>} : memref<128x64xf32, #tpu.memory_space<vmem>>, vector<16xf32>,
        tpu.vector_store %arg16[%swap3A_1085, %swap3A_1086], %add3A_1084 {strides = array<i32>} : memref<128x64xf32, #tpu.memory_space<vmem>>, vector<16xf32>,
        %sub3A_1088 = arith.subf %add3A_1005, %mul3A_1039 : vector<16xf32>
        %mul3A_1089 = arith.mulf %mul3A_1073, %get3A_7 : vector<16xf32>
        %mul3A_1090 = arith.mulf %sub3A_1088, %mul3A_1089 : vector<16xf32>
        %add3A_1091 = arith.addf %mul3A_1090, %get3A_15 : vector<16xf32>
        %swap3A_1092 = arith.index_cast %add3A_984 : i32 to index
        %swap3A_1093 = arith.constant 32 : index
        %swap3A_1094 = tpu.vector_load %arg16[%swap3A_1092, %swap3A_1093] {strides = array<i32>} : memref<128x64xf32, #tpu.memory_space<vmem>>, vector<16xf32>,
        tpu.vector_store %arg16[%swap3A_1092, %swap3A_1093], %add3A_1091 {strides = array<i32>} : memref<128x64xf32, #tpu.memory_space<vmem>>, vector<16xf32>,
        %sub3A_1095 = arith.subf %add3A_1012, %mul3A_1039 : vector<16xf32>
        %mul3A_1096 = arith.mulf %mul3A_1073, %get3A_9 : vector<16xf32>
        %mul3A_1097 = arith.mulf %sub3A_1095, %mul3A_1096 : vector<16xf32>
        %add3A_1098 = arith.addf %mul3A_1097, %get3A_17 : vector<16xf32>
        %swap3A_1099 = arith.index_cast %add3A_984 : i32 to index
        %swap3A_1100 = arith.constant 48 : index
        %swap3A_1101 = tpu.vector_load %arg16[%swap3A_1099, %swap3A_1100] {strides = array<i32>} : memref<128x64xf32, #tpu.memory_space<vmem>>, vector<16xf32>,
        tpu.vector_store %arg16[%swap3A_1099, %swap3A_1100], %add3A_1098 {strides = array<i32>} : memref<128x64xf32, #tpu.memory_space<vmem>>, vector<16xf32>,
        %mul3A_1102 = arith.constant 16 : i32
        %mul3A_1103 = arith.muli %scan3A_140, %mul3A_1102 : i32
        %add3A_1104 = arith.constant 8 : i32
        %add3A_1105 = arith.addi %mul3A_1103, %add3A_1104 : i32
        %get3A_1106 = arith.index_cast %add3A_1105 : i32 to index
        %get3A_1107 = arith.constant 0 : index
        %get3A_1108 = tpu.vector_load %arg12[%get3A_1106, %get3A_1107] {strides = array<i32>} : memref<128x64xf32, #tpu.memory_space<vmem>>, vector<16xf32>,
        %get3A_1109 = arith.index_cast %add3A_1105 : i32 to index
        %get3A_1110 = arith.constant 0 : index
        %get3A_1111 = tpu.vector_load %arg14[%get3A_1109, %get3A_1110] {strides = array<i32>} : memref<128x64xf32, #tpu.memory_space<vmem>>, vector<16xf32>,
        %add3A_1112 = arith.addf %get3A_1108, %get3A_1111 : vector<16xf32>
        %get3A_1113 = arith.index_cast %add3A_1105 : i32 to index
        %get3A_1114 = arith.constant 16 : index
        %get3A_1115 = tpu.vector_load %arg12[%get3A_1113, %get3A_1114] {strides = array<i32>} : memref<128x64xf32, #tpu.memory_space<vmem>>, vector<16xf32>,
        %get3A_1116 = arith.index_cast %add3A_1105 : i32 to index
        %get3A_1117 = arith.constant 16 : index
        %get3A_1118 = tpu.vector_load %arg14[%get3A_1116, %get3A_1117] {strides = array<i32>} : memref<128x64xf32, #tpu.memory_space<vmem>>, vector<16xf32>,
        %add3A_1119 = arith.addf %get3A_1115, %get3A_1118 : vector<16xf32>
        %get3A_1120 = arith.index_cast %add3A_1105 : i32 to index
        %get3A_1121 = arith.constant 32 : index
        %get3A_1122 = tpu.vector_load %arg12[%get3A_1120, %get3A_1121] {strides = array<i32>} : memref<128x64xf32, #tpu.memory_space<vmem>>, vector<16xf32>,
        %get3A_1123 = arith.index_cast %add3A_1105 : i32 to index
        %get3A_1124 = arith.constant 32 : index
        %get3A_1125 = tpu.vector_load %arg14[%get3A_1123, %get3A_1124] {strides = array<i32>} : memref<128x64xf32, #tpu.memory_space<vmem>>, vector<16xf32>,
        %add3A_1126 = arith.addf %get3A_1122, %get3A_1125 : vector<16xf32>
        %get3A_1127 = arith.index_cast %add3A_1105 : i32 to index
        %get3A_1128 = arith.constant 48 : index
        %get3A_1129 = tpu.vector_load %arg12[%get3A_1127, %get3A_1128] {strides = array<i32>} : memref<128x64xf32, #tpu.memory_space<vmem>>, vector<16xf32>,
        %get3A_1130 = arith.index_cast %add3A_1105 : i32 to index
        %get3A_1131 = arith.constant 48 : index
        %get3A_1132 = tpu.vector_load %arg14[%get3A_1130, %get3A_1131] {strides = array<i32>} : memref<128x64xf32, #tpu.memory_space<vmem>>, vector<16xf32>,
        %add3A_1133 = arith.addf %get3A_1129, %get3A_1132 : vector<16xf32>
        %add3A_1134 = arith.addf %add3A_1112, %add3A_1119 : vector<16xf32>
        %add3A_1135 = arith.addf %add3A_1126, %add3A_1133 : vector<16xf32>
        %add3A_1136 = arith.addf %add3A_1134, %add3A_1135 : vector<16xf32>
        %mul3A_1137 = arith.mulf %add3A_1112, %add3A_1112 : vector<16xf32>
        %mul3A_1138 = arith.mulf %add3A_1119, %add3A_1119 : vector<16xf32>
        %add3A_1139 = arith.addf %mul3A_1137, %mul3A_1138 : vector<16xf32>
        %mul3A_1140 = arith.mulf %add3A_1126, %add3A_1126 : vector<16xf32>
        %mul3A_1141 = arith.mulf %add3A_1133, %add3A_1133 : vector<16xf32>
        %add3A_1142 = arith.addf %mul3A_1140, %mul3A_1141 : vector<16xf32>
        %add3A_1143 = arith.addf %add3A_1139, %add3A_1142 : vector<16xf32>
        %broadcast_in_dim3A_1144 = arith.constant true
        %broadcast_in_dim3A_1145 = vector.broadcast %broadcast_in_dim3A_1144 : i1 to vector<16xi1>
        %masked_cumsum3A_1146 = tpu.scan <sum>, %add3A_1136 masked %broadcast_in_dim3A_1145 : vector<16xf32>, vector<16xi1> -> vector<16xf32>
        %broadcast_in_dim3A_1147 = arith.constant 15 : i32
        %broadcast_in_dim3A_1148 = vector.broadcast %broadcast_in_dim3A_1147 : i32 to vector<16x1xi32>
        %gather3A_1149 = vector.shape_cast %broadcast_in_dim3A_1148 : vector<16x1xi32> to vector<16xi32>
        %gather3A_1150 = tpu.dynamic_gather %masked_cumsum3A_1146[%gather3A_1149] in [0] : vector<16xf32>, vector<16xi32> -> vector<16xf32>
        %broadcast_in_dim3A_1151 = arith.constant true
        %broadcast_in_dim3A_1152 = vector.broadcast %broadcast_in_dim3A_1151 : i1 to vector<16xi1>
        %masked_cumsum3A_1153 = tpu.scan <sum>, %add3A_1143 masked %broadcast_in_dim3A_1152 : vector<16xf32>, vector<16xi1> -> vector<16xf32>
        %broadcast_in_dim3A_1154 = arith.constant 15 : i32
        %broadcast_in_dim3A_1155 = vector.broadcast %broadcast_in_dim3A_1154 : i32 to vector<16x1xi32>
        %gather3A_1156 = vector.shape_cast %broadcast_in_dim3A_1155 : vector<16x1xi32> to vector<16xi32>
        %gather3A_1157 = tpu.dynamic_gather %masked_cumsum3A_1153[%gather3A_1156] in [0] : vector<16xf32>, vector<16xi32> -> vector<16xf32>
        %mul3A_1158 = arith.constant 1.562500e-02 : f32
        %mul3A_1159 = vector.broadcast %mul3A_1158 : f32 to vector<16xf32>
        %mul3A_1160 = arith.mulf %gather3A_1150, %mul3A_1159 : vector<16xf32>
        %mul3A_1161 = arith.constant 1.562500e-02 : f32
        %mul3A_1162 = vector.broadcast %mul3A_1161 : f32 to vector<16xf32>
        %mul3A_1163 = arith.mulf %gather3A_1157, %mul3A_1162 : vector<16xf32>
        %mul3A_1164 = arith.mulf %mul3A_1160, %mul3A_1160 : vector<16xf32>
        %sub3A_1165 = arith.subf %mul3A_1163, %mul3A_1164 : vector<16xf32>
        %add3A_1166 = arith.constant 9.99999974E-6 : f32
        %add3A_1167 = vector.broadcast %add3A_1166 : f32 to vector<16xf32>
        %add3A_1168 = arith.addf %sub3A_1165, %add3A_1167 : vector<16xf32>
        %bitcast3A_1169 = vector.bitcast %add3A_1168 : vector<16xf32> to vector<16xi32>
        %shift_right_arithmetic3A_1170 = arith.constant 1 : i32
        %shift_right_arithmetic3A_1171 = vector.broadcast %shift_right_arithmetic3A_1170 : i32 to vector<16xi32>
        %shift_right_arithmetic3A_1172 = arith.shrsi %bitcast3A_1169, %shift_right_arithmetic3A_1171 : vector<16xi32>
        %sub3A_1173 = arith.constant 1597463007 : i32
        %sub3A_1174 = vector.broadcast %sub3A_1173 : i32 to vector<16xi32>
        %sub3A_1175 = arith.subi %sub3A_1174, %shift_right_arithmetic3A_1172 : vector<16xi32>
        %bitcast3A_1176 = vector.bitcast %sub3A_1175 : vector<16xi32> to vector<16xf32>
        %mul3A_1177 = arith.constant 5.000000e-01 : f32
        %mul3A_1178 = vector.broadcast %mul3A_1177 : f32 to vector<16xf32>
        %mul3A_1179 = arith.mulf %mul3A_1178, %add3A_1168 : vector<16xf32>
        %mul3A_1180 = arith.mulf %mul3A_1179, %bitcast3A_1176 : vector<16xf32>
        %mul3A_1181 = arith.mulf %mul3A_1180, %bitcast3A_1176 : vector<16xf32>
        %sub3A_1182 = arith.constant 1.500000e+00 : f32
        %sub3A_1183 = vector.broadcast %sub3A_1182 : f32 to vector<16xf32>
        %sub3A_1184 = arith.subf %sub3A_1183, %mul3A_1181 : vector<16xf32>
        %mul3A_1185 = arith.mulf %bitcast3A_1176, %sub3A_1184 : vector<16xf32>
        %mul3A_1186 = arith.constant 5.000000e-01 : f32
        %mul3A_1187 = vector.broadcast %mul3A_1186 : f32 to vector<16xf32>
        %mul3A_1188 = arith.mulf %mul3A_1187, %add3A_1168 : vector<16xf32>
        %mul3A_1189 = arith.mulf %mul3A_1188, %mul3A_1185 : vector<16xf32>
        %mul3A_1190 = arith.mulf %mul3A_1189, %mul3A_1185 : vector<16xf32>
        %sub3A_1191 = arith.constant 1.500000e+00 : f32
        %sub3A_1192 = vector.broadcast %sub3A_1191 : f32 to vector<16xf32>
        %sub3A_1193 = arith.subf %sub3A_1192, %mul3A_1190 : vector<16xf32>
        %mul3A_1194 = arith.mulf %mul3A_1185, %sub3A_1193 : vector<16xf32>
        %sub3A_1195 = arith.subf %add3A_1112, %mul3A_1160 : vector<16xf32>
        %mul3A_1196 = arith.mulf %mul3A_1194, %get3A_3 : vector<16xf32>
        %mul3A_1197 = arith.mulf %sub3A_1195, %mul3A_1196 : vector<16xf32>
        %add3A_1198 = arith.addf %mul3A_1197, %get3A_11 : vector<16xf32>
        %swap3A_1199 = arith.index_cast %add3A_1105 : i32 to index
        %swap3A_1200 = arith.constant 0 : index
        %swap3A_1201 = tpu.vector_load %arg16[%swap3A_1199, %swap3A_1200] {strides = array<i32>} : memref<128x64xf32, #tpu.memory_space<vmem>>, vector<16xf32>,
        tpu.vector_store %arg16[%swap3A_1199, %swap3A_1200], %add3A_1198 {strides = array<i32>} : memref<128x64xf32, #tpu.memory_space<vmem>>, vector<16xf32>,
        %sub3A_1202 = arith.subf %add3A_1119, %mul3A_1160 : vector<16xf32>
        %mul3A_1203 = arith.mulf %mul3A_1194, %get3A_5 : vector<16xf32>
        %mul3A_1204 = arith.mulf %sub3A_1202, %mul3A_1203 : vector<16xf32>
        %add3A_1205 = arith.addf %mul3A_1204, %get3A_13 : vector<16xf32>
        %swap3A_1206 = arith.index_cast %add3A_1105 : i32 to index
        %swap3A_1207 = arith.constant 16 : index
        %swap3A_1208 = tpu.vector_load %arg16[%swap3A_1206, %swap3A_1207] {strides = array<i32>} : memref<128x64xf32, #tpu.memory_space<vmem>>, vector<16xf32>,
        tpu.vector_store %arg16[%swap3A_1206, %swap3A_1207], %add3A_1205 {strides = array<i32>} : memref<128x64xf32, #tpu.memory_space<vmem>>, vector<16xf32>,
        %sub3A_1209 = arith.subf %add3A_1126, %mul3A_1160 : vector<16xf32>
        %mul3A_1210 = arith.mulf %mul3A_1194, %get3A_7 : vector<16xf32>
        %mul3A_1211 = arith.mulf %sub3A_1209, %mul3A_1210 : vector<16xf32>
        %add3A_1212 = arith.addf %mul3A_1211, %get3A_15 : vector<16xf32>
        %swap3A_1213 = arith.index_cast %add3A_1105 : i32 to index
        %swap3A_1214 = arith.constant 32 : index
        %swap3A_1215 = tpu.vector_load %arg16[%swap3A_1213, %swap3A_1214] {strides = array<i32>} : memref<128x64xf32, #tpu.memory_space<vmem>>, vector<16xf32>,
        tpu.vector_store %arg16[%swap3A_1213, %swap3A_1214], %add3A_1212 {strides = array<i32>} : memref<128x64xf32, #tpu.memory_space<vmem>>, vector<16xf32>,
        %sub3A_1216 = arith.subf %add3A_1133, %mul3A_1160 : vector<16xf32>
        %mul3A_1217 = arith.mulf %mul3A_1194, %get3A_9 : vector<16xf32>
        %mul3A_1218 = arith.mulf %sub3A_1216, %mul3A_1217 : vector<16xf32>
        %add3A_1219 = arith.addf %mul3A_1218, %get3A_17 : vector<16xf32>
        %swap3A_1220 = arith.index_cast %add3A_1105 : i32 to index
        %swap3A_1221 = arith.constant 48 : index
        %swap3A_1222 = tpu.vector_load %arg16[%swap3A_1220, %swap3A_1221] {strides = array<i32>} : memref<128x64xf32, #tpu.memory_space<vmem>>, vector<16xf32>,
        tpu.vector_store %arg16[%swap3A_1220, %swap3A_1221], %add3A_1219 {strides = array<i32>} : memref<128x64xf32, #tpu.memory_space<vmem>>, vector<16xf32>,
        %mul3A_1223 = arith.constant 16 : i32
        %mul3A_1224 = arith.muli %scan3A_140, %mul3A_1223 : i32
        %add3A_1225 = arith.constant 9 : i32
        %add3A_1226 = arith.addi %mul3A_1224, %add3A_1225 : i32
        %get3A_1227 = arith.index_cast %add3A_1226 : i32 to index
        %get3A_1228 = arith.constant 0 : index
        %get3A_1229 = tpu.vector_load %arg12[%get3A_1227, %get3A_1228] {strides = array<i32>} : memref<128x64xf32, #tpu.memory_space<vmem>>, vector<16xf32>,
        %get3A_1230 = arith.index_cast %add3A_1226 : i32 to index
        %get3A_1231 = arith.constant 0 : index
        %get3A_1232 = tpu.vector_load %arg14[%get3A_1230, %get3A_1231] {strides = array<i32>} : memref<128x64xf32, #tpu.memory_space<vmem>>, vector<16xf32>,
        %add3A_1233 = arith.addf %get3A_1229, %get3A_1232 : vector<16xf32>
        %get3A_1234 = arith.index_cast %add3A_1226 : i32 to index
        %get3A_1235 = arith.constant 16 : index
        %get3A_1236 = tpu.vector_load %arg12[%get3A_1234, %get3A_1235] {strides = array<i32>} : memref<128x64xf32, #tpu.memory_space<vmem>>, vector<16xf32>,
        %get3A_1237 = arith.index_cast %add3A_1226 : i32 to index
        %get3A_1238 = arith.constant 16 : index
        %get3A_1239 = tpu.vector_load %arg14[%get3A_1237, %get3A_1238] {strides = array<i32>} : memref<128x64xf32, #tpu.memory_space<vmem>>, vector<16xf32>,
        %add3A_1240 = arith.addf %get3A_1236, %get3A_1239 : vector<16xf32>
        %get3A_1241 = arith.index_cast %add3A_1226 : i32 to index
        %get3A_1242 = arith.constant 32 : index
        %get3A_1243 = tpu.vector_load %arg12[%get3A_1241, %get3A_1242] {strides = array<i32>} : memref<128x64xf32, #tpu.memory_space<vmem>>, vector<16xf32>,
        %get3A_1244 = arith.index_cast %add3A_1226 : i32 to index
        %get3A_1245 = arith.constant 32 : index
        %get3A_1246 = tpu.vector_load %arg14[%get3A_1244, %get3A_1245] {strides = array<i32>} : memref<128x64xf32, #tpu.memory_space<vmem>>, vector<16xf32>,
        %add3A_1247 = arith.addf %get3A_1243, %get3A_1246 : vector<16xf32>
        %get3A_1248 = arith.index_cast %add3A_1226 : i32 to index
        %get3A_1249 = arith.constant 48 : index
        %get3A_1250 = tpu.vector_load %arg12[%get3A_1248, %get3A_1249] {strides = array<i32>} : memref<128x64xf32, #tpu.memory_space<vmem>>, vector<16xf32>,
        %get3A_1251 = arith.index_cast %add3A_1226 : i32 to index
        %get3A_1252 = arith.constant 48 : index
        %get3A_1253 = tpu.vector_load %arg14[%get3A_1251, %get3A_1252] {strides = array<i32>} : memref<128x64xf32, #tpu.memory_space<vmem>>, vector<16xf32>,
        %add3A_1254 = arith.addf %get3A_1250, %get3A_1253 : vector<16xf32>
        %add3A_1255 = arith.addf %add3A_1233, %add3A_1240 : vector<16xf32>
        %add3A_1256 = arith.addf %add3A_1247, %add3A_1254 : vector<16xf32>
        %add3A_1257 = arith.addf %add3A_1255, %add3A_1256 : vector<16xf32>
        %mul3A_1258 = arith.mulf %add3A_1233, %add3A_1233 : vector<16xf32>
        %mul3A_1259 = arith.mulf %add3A_1240, %add3A_1240 : vector<16xf32>
        %add3A_1260 = arith.addf %mul3A_1258, %mul3A_1259 : vector<16xf32>
        %mul3A_1261 = arith.mulf %add3A_1247, %add3A_1247 : vector<16xf32>
        %mul3A_1262 = arith.mulf %add3A_1254, %add3A_1254 : vector<16xf32>
        %add3A_1263 = arith.addf %mul3A_1261, %mul3A_1262 : vector<16xf32>
        %add3A_1264 = arith.addf %add3A_1260, %add3A_1263 : vector<16xf32>
        %broadcast_in_dim3A_1265 = arith.constant true
        %broadcast_in_dim3A_1266 = vector.broadcast %broadcast_in_dim3A_1265 : i1 to vector<16xi1>
        %masked_cumsum3A_1267 = tpu.scan <sum>, %add3A_1257 masked %broadcast_in_dim3A_1266 : vector<16xf32>, vector<16xi1> -> vector<16xf32>
        %broadcast_in_dim3A_1268 = arith.constant 15 : i32
        %broadcast_in_dim3A_1269 = vector.broadcast %broadcast_in_dim3A_1268 : i32 to vector<16x1xi32>
        %gather3A_1270 = vector.shape_cast %broadcast_in_dim3A_1269 : vector<16x1xi32> to vector<16xi32>
        %gather3A_1271 = tpu.dynamic_gather %masked_cumsum3A_1267[%gather3A_1270] in [0] : vector<16xf32>, vector<16xi32> -> vector<16xf32>
        %broadcast_in_dim3A_1272 = arith.constant true
        %broadcast_in_dim3A_1273 = vector.broadcast %broadcast_in_dim3A_1272 : i1 to vector<16xi1>
        %masked_cumsum3A_1274 = tpu.scan <sum>, %add3A_1264 masked %broadcast_in_dim3A_1273 : vector<16xf32>, vector<16xi1> -> vector<16xf32>
        %broadcast_in_dim3A_1275 = arith.constant 15 : i32
        %broadcast_in_dim3A_1276 = vector.broadcast %broadcast_in_dim3A_1275 : i32 to vector<16x1xi32>
        %gather3A_1277 = vector.shape_cast %broadcast_in_dim3A_1276 : vector<16x1xi32> to vector<16xi32>
        %gather3A_1278 = tpu.dynamic_gather %masked_cumsum3A_1274[%gather3A_1277] in [0] : vector<16xf32>, vector<16xi32> -> vector<16xf32>
        %mul3A_1279 = arith.constant 1.562500e-02 : f32
        %mul3A_1280 = vector.broadcast %mul3A_1279 : f32 to vector<16xf32>
        %mul3A_1281 = arith.mulf %gather3A_1271, %mul3A_1280 : vector<16xf32>
        %mul3A_1282 = arith.constant 1.562500e-02 : f32
        %mul3A_1283 = vector.broadcast %mul3A_1282 : f32 to vector<16xf32>
        %mul3A_1284 = arith.mulf %gather3A_1278, %mul3A_1283 : vector<16xf32>
        %mul3A_1285 = arith.mulf %mul3A_1281, %mul3A_1281 : vector<16xf32>
        %sub3A_1286 = arith.subf %mul3A_1284, %mul3A_1285 : vector<16xf32>
        %add3A_1287 = arith.constant 9.99999974E-6 : f32
        %add3A_1288 = vector.broadcast %add3A_1287 : f32 to vector<16xf32>
        %add3A_1289 = arith.addf %sub3A_1286, %add3A_1288 : vector<16xf32>
        %bitcast3A_1290 = vector.bitcast %add3A_1289 : vector<16xf32> to vector<16xi32>
        %shift_right_arithmetic3A_1291 = arith.constant 1 : i32
        %shift_right_arithmetic3A_1292 = vector.broadcast %shift_right_arithmetic3A_1291 : i32 to vector<16xi32>
        %shift_right_arithmetic3A_1293 = arith.shrsi %bitcast3A_1290, %shift_right_arithmetic3A_1292 : vector<16xi32>
        %sub3A_1294 = arith.constant 1597463007 : i32
        %sub3A_1295 = vector.broadcast %sub3A_1294 : i32 to vector<16xi32>
        %sub3A_1296 = arith.subi %sub3A_1295, %shift_right_arithmetic3A_1293 : vector<16xi32>
        %bitcast3A_1297 = vector.bitcast %sub3A_1296 : vector<16xi32> to vector<16xf32>
        %mul3A_1298 = arith.constant 5.000000e-01 : f32
        %mul3A_1299 = vector.broadcast %mul3A_1298 : f32 to vector<16xf32>
        %mul3A_1300 = arith.mulf %mul3A_1299, %add3A_1289 : vector<16xf32>
        %mul3A_1301 = arith.mulf %mul3A_1300, %bitcast3A_1297 : vector<16xf32>
        %mul3A_1302 = arith.mulf %mul3A_1301, %bitcast3A_1297 : vector<16xf32>
        %sub3A_1303 = arith.constant 1.500000e+00 : f32
        %sub3A_1304 = vector.broadcast %sub3A_1303 : f32 to vector<16xf32>
        %sub3A_1305 = arith.subf %sub3A_1304, %mul3A_1302 : vector<16xf32>
        %mul3A_1306 = arith.mulf %bitcast3A_1297, %sub3A_1305 : vector<16xf32>
        %mul3A_1307 = arith.constant 5.000000e-01 : f32
        %mul3A_1308 = vector.broadcast %mul3A_1307 : f32 to vector<16xf32>
        %mul3A_1309 = arith.mulf %mul3A_1308, %add3A_1289 : vector<16xf32>
        %mul3A_1310 = arith.mulf %mul3A_1309, %mul3A_1306 : vector<16xf32>
        %mul3A_1311 = arith.mulf %mul3A_1310, %mul3A_1306 : vector<16xf32>
        %sub3A_1312 = arith.constant 1.500000e+00 : f32
        %sub3A_1313 = vector.broadcast %sub3A_1312 : f32 to vector<16xf32>
        %sub3A_1314 = arith.subf %sub3A_1313, %mul3A_1311 : vector<16xf32>
        %mul3A_1315 = arith.mulf %mul3A_1306, %sub3A_1314 : vector<16xf32>
        %sub3A_1316 = arith.subf %add3A_1233, %mul3A_1281 : vector<16xf32>
        %mul3A_1317 = arith.mulf %mul3A_1315, %get3A_3 : vector<16xf32>
        %mul3A_1318 = arith.mulf %sub3A_1316, %mul3A_1317 : vector<16xf32>
        %add3A_1319 = arith.addf %mul3A_1318, %get3A_11 : vector<16xf32>
        %swap3A_1320 = arith.index_cast %add3A_1226 : i32 to index
        %swap3A_1321 = arith.constant 0 : index
        %swap3A_1322 = tpu.vector_load %arg16[%swap3A_1320, %swap3A_1321] {strides = array<i32>} : memref<128x64xf32, #tpu.memory_space<vmem>>, vector<16xf32>,
        tpu.vector_store %arg16[%swap3A_1320, %swap3A_1321], %add3A_1319 {strides = array<i32>} : memref<128x64xf32, #tpu.memory_space<vmem>>, vector<16xf32>,
        %sub3A_1323 = arith.subf %add3A_1240, %mul3A_1281 : vector<16xf32>
        %mul3A_1324 = arith.mulf %mul3A_1315, %get3A_5 : vector<16xf32>
        %mul3A_1325 = arith.mulf %sub3A_1323, %mul3A_1324 : vector<16xf32>
        %add3A_1326 = arith.addf %mul3A_1325, %get3A_13 : vector<16xf32>
        %swap3A_1327 = arith.index_cast %add3A_1226 : i32 to index
        %swap3A_1328 = arith.constant 16 : index
        %swap3A_1329 = tpu.vector_load %arg16[%swap3A_1327, %swap3A_1328] {strides = array<i32>} : memref<128x64xf32, #tpu.memory_space<vmem>>, vector<16xf32>,
        tpu.vector_store %arg16[%swap3A_1327, %swap3A_1328], %add3A_1326 {strides = array<i32>} : memref<128x64xf32, #tpu.memory_space<vmem>>, vector<16xf32>,
        %sub3A_1330 = arith.subf %add3A_1247, %mul3A_1281 : vector<16xf32>
        %mul3A_1331 = arith.mulf %mul3A_1315, %get3A_7 : vector<16xf32>
        %mul3A_1332 = arith.mulf %sub3A_1330, %mul3A_1331 : vector<16xf32>
        %add3A_1333 = arith.addf %mul3A_1332, %get3A_15 : vector<16xf32>
        %swap3A_1334 = arith.index_cast %add3A_1226 : i32 to index
        %swap3A_1335 = arith.constant 32 : index
        %swap3A_1336 = tpu.vector_load %arg16[%swap3A_1334, %swap3A_1335] {strides = array<i32>} : memref<128x64xf32, #tpu.memory_space<vmem>>, vector<16xf32>,
        tpu.vector_store %arg16[%swap3A_1334, %swap3A_1335], %add3A_1333 {strides = array<i32>} : memref<128x64xf32, #tpu.memory_space<vmem>>, vector<16xf32>,
        %sub3A_1337 = arith.subf %add3A_1254, %mul3A_1281 : vector<16xf32>
        %mul3A_1338 = arith.mulf %mul3A_1315, %get3A_9 : vector<16xf32>
        %mul3A_1339 = arith.mulf %sub3A_1337, %mul3A_1338 : vector<16xf32>
        %add3A_1340 = arith.addf %mul3A_1339, %get3A_17 : vector<16xf32>
        %swap3A_1341 = arith.index_cast %add3A_1226 : i32 to index
        %swap3A_1342 = arith.constant 48 : index
        %swap3A_1343 = tpu.vector_load %arg16[%swap3A_1341, %swap3A_1342] {strides = array<i32>} : memref<128x64xf32, #tpu.memory_space<vmem>>, vector<16xf32>,
        tpu.vector_store %arg16[%swap3A_1341, %swap3A_1342], %add3A_1340 {strides = array<i32>} : memref<128x64xf32, #tpu.memory_space<vmem>>, vector<16xf32>,
        %mul3A_1344 = arith.constant 16 : i32
        %mul3A_1345 = arith.muli %scan3A_140, %mul3A_1344 : i32
        %add3A_1346 = arith.constant 10 : i32
        %add3A_1347 = arith.addi %mul3A_1345, %add3A_1346 : i32
        %get3A_1348 = arith.index_cast %add3A_1347 : i32 to index
        %get3A_1349 = arith.constant 0 : index
        %get3A_1350 = tpu.vector_load %arg12[%get3A_1348, %get3A_1349] {strides = array<i32>} : memref<128x64xf32, #tpu.memory_space<vmem>>, vector<16xf32>,
        %get3A_1351 = arith.index_cast %add3A_1347 : i32 to index
        %get3A_1352 = arith.constant 0 : index
        %get3A_1353 = tpu.vector_load %arg14[%get3A_1351, %get3A_1352] {strides = array<i32>} : memref<128x64xf32, #tpu.memory_space<vmem>>, vector<16xf32>,
        %add3A_1354 = arith.addf %get3A_1350, %get3A_1353 : vector<16xf32>
        %get3A_1355 = arith.index_cast %add3A_1347 : i32 to index
        %get3A_1356 = arith.constant 16 : index
        %get3A_1357 = tpu.vector_load %arg12[%get3A_1355, %get3A_1356] {strides = array<i32>} : memref<128x64xf32, #tpu.memory_space<vmem>>, vector<16xf32>,
        %get3A_1358 = arith.index_cast %add3A_1347 : i32 to index
        %get3A_1359 = arith.constant 16 : index
        %get3A_1360 = tpu.vector_load %arg14[%get3A_1358, %get3A_1359] {strides = array<i32>} : memref<128x64xf32, #tpu.memory_space<vmem>>, vector<16xf32>,
        %add3A_1361 = arith.addf %get3A_1357, %get3A_1360 : vector<16xf32>
        %get3A_1362 = arith.index_cast %add3A_1347 : i32 to index
        %get3A_1363 = arith.constant 32 : index
        %get3A_1364 = tpu.vector_load %arg12[%get3A_1362, %get3A_1363] {strides = array<i32>} : memref<128x64xf32, #tpu.memory_space<vmem>>, vector<16xf32>,
        %get3A_1365 = arith.index_cast %add3A_1347 : i32 to index
        %get3A_1366 = arith.constant 32 : index
        %get3A_1367 = tpu.vector_load %arg14[%get3A_1365, %get3A_1366] {strides = array<i32>} : memref<128x64xf32, #tpu.memory_space<vmem>>, vector<16xf32>,
        %add3A_1368 = arith.addf %get3A_1364, %get3A_1367 : vector<16xf32>
        %get3A_1369 = arith.index_cast %add3A_1347 : i32 to index
        %get3A_1370 = arith.constant 48 : index
        %get3A_1371 = tpu.vector_load %arg12[%get3A_1369, %get3A_1370] {strides = array<i32>} : memref<128x64xf32, #tpu.memory_space<vmem>>, vector<16xf32>,
        %get3A_1372 = arith.index_cast %add3A_1347 : i32 to index
        %get3A_1373 = arith.constant 48 : index
        %get3A_1374 = tpu.vector_load %arg14[%get3A_1372, %get3A_1373] {strides = array<i32>} : memref<128x64xf32, #tpu.memory_space<vmem>>, vector<16xf32>,
        %add3A_1375 = arith.addf %get3A_1371, %get3A_1374 : vector<16xf32>
        %add3A_1376 = arith.addf %add3A_1354, %add3A_1361 : vector<16xf32>
        %add3A_1377 = arith.addf %add3A_1368, %add3A_1375 : vector<16xf32>
        %add3A_1378 = arith.addf %add3A_1376, %add3A_1377 : vector<16xf32>
        %mul3A_1379 = arith.mulf %add3A_1354, %add3A_1354 : vector<16xf32>
        %mul3A_1380 = arith.mulf %add3A_1361, %add3A_1361 : vector<16xf32>
        %add3A_1381 = arith.addf %mul3A_1379, %mul3A_1380 : vector<16xf32>
        %mul3A_1382 = arith.mulf %add3A_1368, %add3A_1368 : vector<16xf32>
        %mul3A_1383 = arith.mulf %add3A_1375, %add3A_1375 : vector<16xf32>
        %add3A_1384 = arith.addf %mul3A_1382, %mul3A_1383 : vector<16xf32>
        %add3A_1385 = arith.addf %add3A_1381, %add3A_1384 : vector<16xf32>
        %broadcast_in_dim3A_1386 = arith.constant true
        %broadcast_in_dim3A_1387 = vector.broadcast %broadcast_in_dim3A_1386 : i1 to vector<16xi1>
        %masked_cumsum3A_1388 = tpu.scan <sum>, %add3A_1378 masked %broadcast_in_dim3A_1387 : vector<16xf32>, vector<16xi1> -> vector<16xf32>
        %broadcast_in_dim3A_1389 = arith.constant 15 : i32
        %broadcast_in_dim3A_1390 = vector.broadcast %broadcast_in_dim3A_1389 : i32 to vector<16x1xi32>
        %gather3A_1391 = vector.shape_cast %broadcast_in_dim3A_1390 : vector<16x1xi32> to vector<16xi32>
        %gather3A_1392 = tpu.dynamic_gather %masked_cumsum3A_1388[%gather3A_1391] in [0] : vector<16xf32>, vector<16xi32> -> vector<16xf32>
        %broadcast_in_dim3A_1393 = arith.constant true
        %broadcast_in_dim3A_1394 = vector.broadcast %broadcast_in_dim3A_1393 : i1 to vector<16xi1>
        %masked_cumsum3A_1395 = tpu.scan <sum>, %add3A_1385 masked %broadcast_in_dim3A_1394 : vector<16xf32>, vector<16xi1> -> vector<16xf32>
        %broadcast_in_dim3A_1396 = arith.constant 15 : i32
        %broadcast_in_dim3A_1397 = vector.broadcast %broadcast_in_dim3A_1396 : i32 to vector<16x1xi32>
        %gather3A_1398 = vector.shape_cast %broadcast_in_dim3A_1397 : vector<16x1xi32> to vector<16xi32>
        %gather3A_1399 = tpu.dynamic_gather %masked_cumsum3A_1395[%gather3A_1398] in [0] : vector<16xf32>, vector<16xi32> -> vector<16xf32>
        %mul3A_1400 = arith.constant 1.562500e-02 : f32
        %mul3A_1401 = vector.broadcast %mul3A_1400 : f32 to vector<16xf32>
        %mul3A_1402 = arith.mulf %gather3A_1392, %mul3A_1401 : vector<16xf32>
        %mul3A_1403 = arith.constant 1.562500e-02 : f32
        %mul3A_1404 = vector.broadcast %mul3A_1403 : f32 to vector<16xf32>
        %mul3A_1405 = arith.mulf %gather3A_1399, %mul3A_1404 : vector<16xf32>
        %mul3A_1406 = arith.mulf %mul3A_1402, %mul3A_1402 : vector<16xf32>
        %sub3A_1407 = arith.subf %mul3A_1405, %mul3A_1406 : vector<16xf32>
        %add3A_1408 = arith.constant 9.99999974E-6 : f32
        %add3A_1409 = vector.broadcast %add3A_1408 : f32 to vector<16xf32>
        %add3A_1410 = arith.addf %sub3A_1407, %add3A_1409 : vector<16xf32>
        %bitcast3A_1411 = vector.bitcast %add3A_1410 : vector<16xf32> to vector<16xi32>
        %shift_right_arithmetic3A_1412 = arith.constant 1 : i32
        %shift_right_arithmetic3A_1413 = vector.broadcast %shift_right_arithmetic3A_1412 : i32 to vector<16xi32>
        %shift_right_arithmetic3A_1414 = arith.shrsi %bitcast3A_1411, %shift_right_arithmetic3A_1413 : vector<16xi32>
        %sub3A_1415 = arith.constant 1597463007 : i32
        %sub3A_1416 = vector.broadcast %sub3A_1415 : i32 to vector<16xi32>
        %sub3A_1417 = arith.subi %sub3A_1416, %shift_right_arithmetic3A_1414 : vector<16xi32>
        %bitcast3A_1418 = vector.bitcast %sub3A_1417 : vector<16xi32> to vector<16xf32>
        %mul3A_1419 = arith.constant 5.000000e-01 : f32
        %mul3A_1420 = vector.broadcast %mul3A_1419 : f32 to vector<16xf32>
        %mul3A_1421 = arith.mulf %mul3A_1420, %add3A_1410 : vector<16xf32>
        %mul3A_1422 = arith.mulf %mul3A_1421, %bitcast3A_1418 : vector<16xf32>
        %mul3A_1423 = arith.mulf %mul3A_1422, %bitcast3A_1418 : vector<16xf32>
        %sub3A_1424 = arith.constant 1.500000e+00 : f32
        %sub3A_1425 = vector.broadcast %sub3A_1424 : f32 to vector<16xf32>
        %sub3A_1426 = arith.subf %sub3A_1425, %mul3A_1423 : vector<16xf32>
        %mul3A_1427 = arith.mulf %bitcast3A_1418, %sub3A_1426 : vector<16xf32>
        %mul3A_1428 = arith.constant 5.000000e-01 : f32
        %mul3A_1429 = vector.broadcast %mul3A_1428 : f32 to vector<16xf32>
        %mul3A_1430 = arith.mulf %mul3A_1429, %add3A_1410 : vector<16xf32>
        %mul3A_1431 = arith.mulf %mul3A_1430, %mul3A_1427 : vector<16xf32>
        %mul3A_1432 = arith.mulf %mul3A_1431, %mul3A_1427 : vector<16xf32>
        %sub3A_1433 = arith.constant 1.500000e+00 : f32
        %sub3A_1434 = vector.broadcast %sub3A_1433 : f32 to vector<16xf32>
        %sub3A_1435 = arith.subf %sub3A_1434, %mul3A_1432 : vector<16xf32>
        %mul3A_1436 = arith.mulf %mul3A_1427, %sub3A_1435 : vector<16xf32>
        %sub3A_1437 = arith.subf %add3A_1354, %mul3A_1402 : vector<16xf32>
        %mul3A_1438 = arith.mulf %mul3A_1436, %get3A_3 : vector<16xf32>
        %mul3A_1439 = arith.mulf %sub3A_1437, %mul3A_1438 : vector<16xf32>
        %add3A_1440 = arith.addf %mul3A_1439, %get3A_11 : vector<16xf32>
        %swap3A_1441 = arith.index_cast %add3A_1347 : i32 to index
        %swap3A_1442 = arith.constant 0 : index
        %swap3A_1443 = tpu.vector_load %arg16[%swap3A_1441, %swap3A_1442] {strides = array<i32>} : memref<128x64xf32, #tpu.memory_space<vmem>>, vector<16xf32>,
        tpu.vector_store %arg16[%swap3A_1441, %swap3A_1442], %add3A_1440 {strides = array<i32>} : memref<128x64xf32, #tpu.memory_space<vmem>>, vector<16xf32>,
        %sub3A_1444 = arith.subf %add3A_1361, %mul3A_1402 : vector<16xf32>
        %mul3A_1445 = arith.mulf %mul3A_1436, %get3A_5 : vector<16xf32>
        %mul3A_1446 = arith.mulf %sub3A_1444, %mul3A_1445 : vector<16xf32>
        %add3A_1447 = arith.addf %mul3A_1446, %get3A_13 : vector<16xf32>
        %swap3A_1448 = arith.index_cast %add3A_1347 : i32 to index
        %swap3A_1449 = arith.constant 16 : index
        %swap3A_1450 = tpu.vector_load %arg16[%swap3A_1448, %swap3A_1449] {strides = array<i32>} : memref<128x64xf32, #tpu.memory_space<vmem>>, vector<16xf32>,
        tpu.vector_store %arg16[%swap3A_1448, %swap3A_1449], %add3A_1447 {strides = array<i32>} : memref<128x64xf32, #tpu.memory_space<vmem>>, vector<16xf32>,
        %sub3A_1451 = arith.subf %add3A_1368, %mul3A_1402 : vector<16xf32>
        %mul3A_1452 = arith.mulf %mul3A_1436, %get3A_7 : vector<16xf32>
        %mul3A_1453 = arith.mulf %sub3A_1451, %mul3A_1452 : vector<16xf32>
        %add3A_1454 = arith.addf %mul3A_1453, %get3A_15 : vector<16xf32>
        %swap3A_1455 = arith.index_cast %add3A_1347 : i32 to index
        %swap3A_1456 = arith.constant 32 : index
        %swap3A_1457 = tpu.vector_load %arg16[%swap3A_1455, %swap3A_1456] {strides = array<i32>} : memref<128x64xf32, #tpu.memory_space<vmem>>, vector<16xf32>,
        tpu.vector_store %arg16[%swap3A_1455, %swap3A_1456], %add3A_1454 {strides = array<i32>} : memref<128x64xf32, #tpu.memory_space<vmem>>, vector<16xf32>,
        %sub3A_1458 = arith.subf %add3A_1375, %mul3A_1402 : vector<16xf32>
        %mul3A_1459 = arith.mulf %mul3A_1436, %get3A_9 : vector<16xf32>
        %mul3A_1460 = arith.mulf %sub3A_1458, %mul3A_1459 : vector<16xf32>
        %add3A_1461 = arith.addf %mul3A_1460, %get3A_17 : vector<16xf32>
        %swap3A_1462 = arith.index_cast %add3A_1347 : i32 to index
        %swap3A_1463 = arith.constant 48 : index
        %swap3A_1464 = tpu.vector_load %arg16[%swap3A_1462, %swap3A_1463] {strides = array<i32>} : memref<128x64xf32, #tpu.memory_space<vmem>>, vector<16xf32>,
        tpu.vector_store %arg16[%swap3A_1462, %swap3A_1463], %add3A_1461 {strides = array<i32>} : memref<128x64xf32, #tpu.memory_space<vmem>>, vector<16xf32>,
        %mul3A_1465 = arith.constant 16 : i32
        %mul3A_1466 = arith.muli %scan3A_140, %mul3A_1465 : i32
        %add3A_1467 = arith.constant 11 : i32
        %add3A_1468 = arith.addi %mul3A_1466, %add3A_1467 : i32
        %get3A_1469 = arith.index_cast %add3A_1468 : i32 to index
        %get3A_1470 = arith.constant 0 : index
        %get3A_1471 = tpu.vector_load %arg12[%get3A_1469, %get3A_1470] {strides = array<i32>} : memref<128x64xf32, #tpu.memory_space<vmem>>, vector<16xf32>,
        %get3A_1472 = arith.index_cast %add3A_1468 : i32 to index
        %get3A_1473 = arith.constant 0 : index
        %get3A_1474 = tpu.vector_load %arg14[%get3A_1472, %get3A_1473] {strides = array<i32>} : memref<128x64xf32, #tpu.memory_space<vmem>>, vector<16xf32>,
        %add3A_1475 = arith.addf %get3A_1471, %get3A_1474 : vector<16xf32>
        %get3A_1476 = arith.index_cast %add3A_1468 : i32 to index
        %get3A_1477 = arith.constant 16 : index
        %get3A_1478 = tpu.vector_load %arg12[%get3A_1476, %get3A_1477] {strides = array<i32>} : memref<128x64xf32, #tpu.memory_space<vmem>>, vector<16xf32>,
        %get3A_1479 = arith.index_cast %add3A_1468 : i32 to index
        %get3A_1480 = arith.constant 16 : index
        %get3A_1481 = tpu.vector_load %arg14[%get3A_1479, %get3A_1480] {strides = array<i32>} : memref<128x64xf32, #tpu.memory_space<vmem>>, vector<16xf32>,
        %add3A_1482 = arith.addf %get3A_1478, %get3A_1481 : vector<16xf32>
        %get3A_1483 = arith.index_cast %add3A_1468 : i32 to index
        %get3A_1484 = arith.constant 32 : index
        %get3A_1485 = tpu.vector_load %arg12[%get3A_1483, %get3A_1484] {strides = array<i32>} : memref<128x64xf32, #tpu.memory_space<vmem>>, vector<16xf32>,
        %get3A_1486 = arith.index_cast %add3A_1468 : i32 to index
        %get3A_1487 = arith.constant 32 : index
        %get3A_1488 = tpu.vector_load %arg14[%get3A_1486, %get3A_1487] {strides = array<i32>} : memref<128x64xf32, #tpu.memory_space<vmem>>, vector<16xf32>,
        %add3A_1489 = arith.addf %get3A_1485, %get3A_1488 : vector<16xf32>
        %get3A_1490 = arith.index_cast %add3A_1468 : i32 to index
        %get3A_1491 = arith.constant 48 : index
        %get3A_1492 = tpu.vector_load %arg12[%get3A_1490, %get3A_1491] {strides = array<i32>} : memref<128x64xf32, #tpu.memory_space<vmem>>, vector<16xf32>,
        %get3A_1493 = arith.index_cast %add3A_1468 : i32 to index
        %get3A_1494 = arith.constant 48 : index
        %get3A_1495 = tpu.vector_load %arg14[%get3A_1493, %get3A_1494] {strides = array<i32>} : memref<128x64xf32, #tpu.memory_space<vmem>>, vector<16xf32>,
        %add3A_1496 = arith.addf %get3A_1492, %get3A_1495 : vector<16xf32>
        %add3A_1497 = arith.addf %add3A_1475, %add3A_1482 : vector<16xf32>
        %add3A_1498 = arith.addf %add3A_1489, %add3A_1496 : vector<16xf32>
        %add3A_1499 = arith.addf %add3A_1497, %add3A_1498 : vector<16xf32>
        %mul3A_1500 = arith.mulf %add3A_1475, %add3A_1475 : vector<16xf32>
        %mul3A_1501 = arith.mulf %add3A_1482, %add3A_1482 : vector<16xf32>
        %add3A_1502 = arith.addf %mul3A_1500, %mul3A_1501 : vector<16xf32>
        %mul3A_1503 = arith.mulf %add3A_1489, %add3A_1489 : vector<16xf32>
        %mul3A_1504 = arith.mulf %add3A_1496, %add3A_1496 : vector<16xf32>
        %add3A_1505 = arith.addf %mul3A_1503, %mul3A_1504 : vector<16xf32>
        %add3A_1506 = arith.addf %add3A_1502, %add3A_1505 : vector<16xf32>
        %broadcast_in_dim3A_1507 = arith.constant true
        %broadcast_in_dim3A_1508 = vector.broadcast %broadcast_in_dim3A_1507 : i1 to vector<16xi1>
        %masked_cumsum3A_1509 = tpu.scan <sum>, %add3A_1499 masked %broadcast_in_dim3A_1508 : vector<16xf32>, vector<16xi1> -> vector<16xf32>
        %broadcast_in_dim3A_1510 = arith.constant 15 : i32
        %broadcast_in_dim3A_1511 = vector.broadcast %broadcast_in_dim3A_1510 : i32 to vector<16x1xi32>
        %gather3A_1512 = vector.shape_cast %broadcast_in_dim3A_1511 : vector<16x1xi32> to vector<16xi32>
        %gather3A_1513 = tpu.dynamic_gather %masked_cumsum3A_1509[%gather3A_1512] in [0] : vector<16xf32>, vector<16xi32> -> vector<16xf32>
        %broadcast_in_dim3A_1514 = arith.constant true
        %broadcast_in_dim3A_1515 = vector.broadcast %broadcast_in_dim3A_1514 : i1 to vector<16xi1>
        %masked_cumsum3A_1516 = tpu.scan <sum>, %add3A_1506 masked %broadcast_in_dim3A_1515 : vector<16xf32>, vector<16xi1> -> vector<16xf32>
        %broadcast_in_dim3A_1517 = arith.constant 15 : i32
        %broadcast_in_dim3A_1518 = vector.broadcast %broadcast_in_dim3A_1517 : i32 to vector<16x1xi32>
        %gather3A_1519 = vector.shape_cast %broadcast_in_dim3A_1518 : vector<16x1xi32> to vector<16xi32>
        %gather3A_1520 = tpu.dynamic_gather %masked_cumsum3A_1516[%gather3A_1519] in [0] : vector<16xf32>, vector<16xi32> -> vector<16xf32>
        %mul3A_1521 = arith.constant 1.562500e-02 : f32
        %mul3A_1522 = vector.broadcast %mul3A_1521 : f32 to vector<16xf32>
        %mul3A_1523 = arith.mulf %gather3A_1513, %mul3A_1522 : vector<16xf32>
        %mul3A_1524 = arith.constant 1.562500e-02 : f32
        %mul3A_1525 = vector.broadcast %mul3A_1524 : f32 to vector<16xf32>
        %mul3A_1526 = arith.mulf %gather3A_1520, %mul3A_1525 : vector<16xf32>
        %mul3A_1527 = arith.mulf %mul3A_1523, %mul3A_1523 : vector<16xf32>
        %sub3A_1528 = arith.subf %mul3A_1526, %mul3A_1527 : vector<16xf32>
        %add3A_1529 = arith.constant 9.99999974E-6 : f32
        %add3A_1530 = vector.broadcast %add3A_1529 : f32 to vector<16xf32>
        %add3A_1531 = arith.addf %sub3A_1528, %add3A_1530 : vector<16xf32>
        %bitcast3A_1532 = vector.bitcast %add3A_1531 : vector<16xf32> to vector<16xi32>
        %shift_right_arithmetic3A_1533 = arith.constant 1 : i32
        %shift_right_arithmetic3A_1534 = vector.broadcast %shift_right_arithmetic3A_1533 : i32 to vector<16xi32>
        %shift_right_arithmetic3A_1535 = arith.shrsi %bitcast3A_1532, %shift_right_arithmetic3A_1534 : vector<16xi32>
        %sub3A_1536 = arith.constant 1597463007 : i32
        %sub3A_1537 = vector.broadcast %sub3A_1536 : i32 to vector<16xi32>
        %sub3A_1538 = arith.subi %sub3A_1537, %shift_right_arithmetic3A_1535 : vector<16xi32>
        %bitcast3A_1539 = vector.bitcast %sub3A_1538 : vector<16xi32> to vector<16xf32>
        %mul3A_1540 = arith.constant 5.000000e-01 : f32
        %mul3A_1541 = vector.broadcast %mul3A_1540 : f32 to vector<16xf32>
        %mul3A_1542 = arith.mulf %mul3A_1541, %add3A_1531 : vector<16xf32>
        %mul3A_1543 = arith.mulf %mul3A_1542, %bitcast3A_1539 : vector<16xf32>
        %mul3A_1544 = arith.mulf %mul3A_1543, %bitcast3A_1539 : vector<16xf32>
        %sub3A_1545 = arith.constant 1.500000e+00 : f32
        %sub3A_1546 = vector.broadcast %sub3A_1545 : f32 to vector<16xf32>
        %sub3A_1547 = arith.subf %sub3A_1546, %mul3A_1544 : vector<16xf32>
        %mul3A_1548 = arith.mulf %bitcast3A_1539, %sub3A_1547 : vector<16xf32>
        %mul3A_1549 = arith.constant 5.000000e-01 : f32
        %mul3A_1550 = vector.broadcast %mul3A_1549 : f32 to vector<16xf32>
        %mul3A_1551 = arith.mulf %mul3A_1550, %add3A_1531 : vector<16xf32>
        %mul3A_1552 = arith.mulf %mul3A_1551, %mul3A_1548 : vector<16xf32>
        %mul3A_1553 = arith.mulf %mul3A_1552, %mul3A_1548 : vector<16xf32>
        %sub3A_1554 = arith.constant 1.500000e+00 : f32
        %sub3A_1555 = vector.broadcast %sub3A_1554 : f32 to vector<16xf32>
        %sub3A_1556 = arith.subf %sub3A_1555, %mul3A_1553 : vector<16xf32>
        %mul3A_1557 = arith.mulf %mul3A_1548, %sub3A_1556 : vector<16xf32>
        %sub3A_1558 = arith.subf %add3A_1475, %mul3A_1523 : vector<16xf32>
        %mul3A_1559 = arith.mulf %mul3A_1557, %get3A_3 : vector<16xf32>
        %mul3A_1560 = arith.mulf %sub3A_1558, %mul3A_1559 : vector<16xf32>
        %add3A_1561 = arith.addf %mul3A_1560, %get3A_11 : vector<16xf32>
        %swap3A_1562 = arith.index_cast %add3A_1468 : i32 to index
        %swap3A_1563 = arith.constant 0 : index
        %swap3A_1564 = tpu.vector_load %arg16[%swap3A_1562, %swap3A_1563] {strides = array<i32>} : memref<128x64xf32, #tpu.memory_space<vmem>>, vector<16xf32>,
        tpu.vector_store %arg16[%swap3A_1562, %swap3A_1563], %add3A_1561 {strides = array<i32>} : memref<128x64xf32, #tpu.memory_space<vmem>>, vector<16xf32>,
        %sub3A_1565 = arith.subf %add3A_1482, %mul3A_1523 : vector<16xf32>
        %mul3A_1566 = arith.mulf %mul3A_1557, %get3A_5 : vector<16xf32>
        %mul3A_1567 = arith.mulf %sub3A_1565, %mul3A_1566 : vector<16xf32>
        %add3A_1568 = arith.addf %mul3A_1567, %get3A_13 : vector<16xf32>
        %swap3A_1569 = arith.index_cast %add3A_1468 : i32 to index
        %swap3A_1570 = arith.constant 16 : index
        %swap3A_1571 = tpu.vector_load %arg16[%swap3A_1569, %swap3A_1570] {strides = array<i32>} : memref<128x64xf32, #tpu.memory_space<vmem>>, vector<16xf32>,
        tpu.vector_store %arg16[%swap3A_1569, %swap3A_1570], %add3A_1568 {strides = array<i32>} : memref<128x64xf32, #tpu.memory_space<vmem>>, vector<16xf32>,
        %sub3A_1572 = arith.subf %add3A_1489, %mul3A_1523 : vector<16xf32>
        %mul3A_1573 = arith.mulf %mul3A_1557, %get3A_7 : vector<16xf32>
        %mul3A_1574 = arith.mulf %sub3A_1572, %mul3A_1573 : vector<16xf32>
        %add3A_1575 = arith.addf %mul3A_1574, %get3A_15 : vector<16xf32>
        %swap3A_1576 = arith.index_cast %add3A_1468 : i32 to index
        %swap3A_1577 = arith.constant 32 : index
        %swap3A_1578 = tpu.vector_load %arg16[%swap3A_1576, %swap3A_1577] {strides = array<i32>} : memref<128x64xf32, #tpu.memory_space<vmem>>, vector<16xf32>,
        tpu.vector_store %arg16[%swap3A_1576, %swap3A_1577], %add3A_1575 {strides = array<i32>} : memref<128x64xf32, #tpu.memory_space<vmem>>, vector<16xf32>,
        %sub3A_1579 = arith.subf %add3A_1496, %mul3A_1523 : vector<16xf32>
        %mul3A_1580 = arith.mulf %mul3A_1557, %get3A_9 : vector<16xf32>
        %mul3A_1581 = arith.mulf %sub3A_1579, %mul3A_1580 : vector<16xf32>
        %add3A_1582 = arith.addf %mul3A_1581, %get3A_17 : vector<16xf32>
        %swap3A_1583 = arith.index_cast %add3A_1468 : i32 to index
        %swap3A_1584 = arith.constant 48 : index
        %swap3A_1585 = tpu.vector_load %arg16[%swap3A_1583, %swap3A_1584] {strides = array<i32>} : memref<128x64xf32, #tpu.memory_space<vmem>>, vector<16xf32>,
        tpu.vector_store %arg16[%swap3A_1583, %swap3A_1584], %add3A_1582 {strides = array<i32>} : memref<128x64xf32, #tpu.memory_space<vmem>>, vector<16xf32>,
        %mul3A_1586 = arith.constant 16 : i32
        %mul3A_1587 = arith.muli %scan3A_140, %mul3A_1586 : i32
        %add3A_1588 = arith.constant 12 : i32
        %add3A_1589 = arith.addi %mul3A_1587, %add3A_1588 : i32
        %get3A_1590 = arith.index_cast %add3A_1589 : i32 to index
        %get3A_1591 = arith.constant 0 : index
        %get3A_1592 = tpu.vector_load %arg12[%get3A_1590, %get3A_1591] {strides = array<i32>} : memref<128x64xf32, #tpu.memory_space<vmem>>, vector<16xf32>,
        %get3A_1593 = arith.index_cast %add3A_1589 : i32 to index
        %get3A_1594 = arith.constant 0 : index
        %get3A_1595 = tpu.vector_load %arg14[%get3A_1593, %get3A_1594] {strides = array<i32>} : memref<128x64xf32, #tpu.memory_space<vmem>>, vector<16xf32>,
        %add3A_1596 = arith.addf %get3A_1592, %get3A_1595 : vector<16xf32>
        %get3A_1597 = arith.index_cast %add3A_1589 : i32 to index
        %get3A_1598 = arith.constant 16 : index
        %get3A_1599 = tpu.vector_load %arg12[%get3A_1597, %get3A_1598] {strides = array<i32>} : memref<128x64xf32, #tpu.memory_space<vmem>>, vector<16xf32>,
        %get3A_1600 = arith.index_cast %add3A_1589 : i32 to index
        %get3A_1601 = arith.constant 16 : index
        %get3A_1602 = tpu.vector_load %arg14[%get3A_1600, %get3A_1601] {strides = array<i32>} : memref<128x64xf32, #tpu.memory_space<vmem>>, vector<16xf32>,
        %add3A_1603 = arith.addf %get3A_1599, %get3A_1602 : vector<16xf32>
        %get3A_1604 = arith.index_cast %add3A_1589 : i32 to index
        %get3A_1605 = arith.constant 32 : index
        %get3A_1606 = tpu.vector_load %arg12[%get3A_1604, %get3A_1605] {strides = array<i32>} : memref<128x64xf32, #tpu.memory_space<vmem>>, vector<16xf32>,
        %get3A_1607 = arith.index_cast %add3A_1589 : i32 to index
        %get3A_1608 = arith.constant 32 : index
        %get3A_1609 = tpu.vector_load %arg14[%get3A_1607, %get3A_1608] {strides = array<i32>} : memref<128x64xf32, #tpu.memory_space<vmem>>, vector<16xf32>,
        %add3A_1610 = arith.addf %get3A_1606, %get3A_1609 : vector<16xf32>
        %get3A_1611 = arith.index_cast %add3A_1589 : i32 to index
        %get3A_1612 = arith.constant 48 : index
        %get3A_1613 = tpu.vector_load %arg12[%get3A_1611, %get3A_1612] {strides = array<i32>} : memref<128x64xf32, #tpu.memory_space<vmem>>, vector<16xf32>,
        %get3A_1614 = arith.index_cast %add3A_1589 : i32 to index
        %get3A_1615 = arith.constant 48 : index
        %get3A_1616 = tpu.vector_load %arg14[%get3A_1614, %get3A_1615] {strides = array<i32>} : memref<128x64xf32, #tpu.memory_space<vmem>>, vector<16xf32>,
        %add3A_1617 = arith.addf %get3A_1613, %get3A_1616 : vector<16xf32>
        %add3A_1618 = arith.addf %add3A_1596, %add3A_1603 : vector<16xf32>
        %add3A_1619 = arith.addf %add3A_1610, %add3A_1617 : vector<16xf32>
        %add3A_1620 = arith.addf %add3A_1618, %add3A_1619 : vector<16xf32>
        %mul3A_1621 = arith.mulf %add3A_1596, %add3A_1596 : vector<16xf32>
        %mul3A_1622 = arith.mulf %add3A_1603, %add3A_1603 : vector<16xf32>
        %add3A_1623 = arith.addf %mul3A_1621, %mul3A_1622 : vector<16xf32>
        %mul3A_1624 = arith.mulf %add3A_1610, %add3A_1610 : vector<16xf32>
        %mul3A_1625 = arith.mulf %add3A_1617, %add3A_1617 : vector<16xf32>
        %add3A_1626 = arith.addf %mul3A_1624, %mul3A_1625 : vector<16xf32>
        %add3A_1627 = arith.addf %add3A_1623, %add3A_1626 : vector<16xf32>
        %broadcast_in_dim3A_1628 = arith.constant true
        %broadcast_in_dim3A_1629 = vector.broadcast %broadcast_in_dim3A_1628 : i1 to vector<16xi1>
        %masked_cumsum3A_1630 = tpu.scan <sum>, %add3A_1620 masked %broadcast_in_dim3A_1629 : vector<16xf32>, vector<16xi1> -> vector<16xf32>
        %broadcast_in_dim3A_1631 = arith.constant 15 : i32
        %broadcast_in_dim3A_1632 = vector.broadcast %broadcast_in_dim3A_1631 : i32 to vector<16x1xi32>
        %gather3A_1633 = vector.shape_cast %broadcast_in_dim3A_1632 : vector<16x1xi32> to vector<16xi32>
        %gather3A_1634 = tpu.dynamic_gather %masked_cumsum3A_1630[%gather3A_1633] in [0] : vector<16xf32>, vector<16xi32> -> vector<16xf32>
        %broadcast_in_dim3A_1635 = arith.constant true
        %broadcast_in_dim3A_1636 = vector.broadcast %broadcast_in_dim3A_1635 : i1 to vector<16xi1>
        %masked_cumsum3A_1637 = tpu.scan <sum>, %add3A_1627 masked %broadcast_in_dim3A_1636 : vector<16xf32>, vector<16xi1> -> vector<16xf32>
        %broadcast_in_dim3A_1638 = arith.constant 15 : i32
        %broadcast_in_dim3A_1639 = vector.broadcast %broadcast_in_dim3A_1638 : i32 to vector<16x1xi32>
        %gather3A_1640 = vector.shape_cast %broadcast_in_dim3A_1639 : vector<16x1xi32> to vector<16xi32>
        %gather3A_1641 = tpu.dynamic_gather %masked_cumsum3A_1637[%gather3A_1640] in [0] : vector<16xf32>, vector<16xi32> -> vector<16xf32>
        %mul3A_1642 = arith.constant 1.562500e-02 : f32
        %mul3A_1643 = vector.broadcast %mul3A_1642 : f32 to vector<16xf32>
        %mul3A_1644 = arith.mulf %gather3A_1634, %mul3A_1643 : vector<16xf32>
        %mul3A_1645 = arith.constant 1.562500e-02 : f32
        %mul3A_1646 = vector.broadcast %mul3A_1645 : f32 to vector<16xf32>
        %mul3A_1647 = arith.mulf %gather3A_1641, %mul3A_1646 : vector<16xf32>
        %mul3A_1648 = arith.mulf %mul3A_1644, %mul3A_1644 : vector<16xf32>
        %sub3A_1649 = arith.subf %mul3A_1647, %mul3A_1648 : vector<16xf32>
        %add3A_1650 = arith.constant 9.99999974E-6 : f32
        %add3A_1651 = vector.broadcast %add3A_1650 : f32 to vector<16xf32>
        %add3A_1652 = arith.addf %sub3A_1649, %add3A_1651 : vector<16xf32>
        %bitcast3A_1653 = vector.bitcast %add3A_1652 : vector<16xf32> to vector<16xi32>
        %shift_right_arithmetic3A_1654 = arith.constant 1 : i32
        %shift_right_arithmetic3A_1655 = vector.broadcast %shift_right_arithmetic3A_1654 : i32 to vector<16xi32>
        %shift_right_arithmetic3A_1656 = arith.shrsi %bitcast3A_1653, %shift_right_arithmetic3A_1655 : vector<16xi32>
        %sub3A_1657 = arith.constant 1597463007 : i32
        %sub3A_1658 = vector.broadcast %sub3A_1657 : i32 to vector<16xi32>
        %sub3A_1659 = arith.subi %sub3A_1658, %shift_right_arithmetic3A_1656 : vector<16xi32>
        %bitcast3A_1660 = vector.bitcast %sub3A_1659 : vector<16xi32> to vector<16xf32>
        %mul3A_1661 = arith.constant 5.000000e-01 : f32
        %mul3A_1662 = vector.broadcast %mul3A_1661 : f32 to vector<16xf32>
        %mul3A_1663 = arith.mulf %mul3A_1662, %add3A_1652 : vector<16xf32>
        %mul3A_1664 = arith.mulf %mul3A_1663, %bitcast3A_1660 : vector<16xf32>
        %mul3A_1665 = arith.mulf %mul3A_1664, %bitcast3A_1660 : vector<16xf32>
        %sub3A_1666 = arith.constant 1.500000e+00 : f32
        %sub3A_1667 = vector.broadcast %sub3A_1666 : f32 to vector<16xf32>
        %sub3A_1668 = arith.subf %sub3A_1667, %mul3A_1665 : vector<16xf32>
        %mul3A_1669 = arith.mulf %bitcast3A_1660, %sub3A_1668 : vector<16xf32>
        %mul3A_1670 = arith.constant 5.000000e-01 : f32
        %mul3A_1671 = vector.broadcast %mul3A_1670 : f32 to vector<16xf32>
        %mul3A_1672 = arith.mulf %mul3A_1671, %add3A_1652 : vector<16xf32>
        %mul3A_1673 = arith.mulf %mul3A_1672, %mul3A_1669 : vector<16xf32>
        %mul3A_1674 = arith.mulf %mul3A_1673, %mul3A_1669 : vector<16xf32>
        %sub3A_1675 = arith.constant 1.500000e+00 : f32
        %sub3A_1676 = vector.broadcast %sub3A_1675 : f32 to vector<16xf32>
        %sub3A_1677 = arith.subf %sub3A_1676, %mul3A_1674 : vector<16xf32>
        %mul3A_1678 = arith.mulf %mul3A_1669, %sub3A_1677 : vector<16xf32>
        %sub3A_1679 = arith.subf %add3A_1596, %mul3A_1644 : vector<16xf32>
        %mul3A_1680 = arith.mulf %mul3A_1678, %get3A_3 : vector<16xf32>
        %mul3A_1681 = arith.mulf %sub3A_1679, %mul3A_1680 : vector<16xf32>
        %add3A_1682 = arith.addf %mul3A_1681, %get3A_11 : vector<16xf32>
        %swap3A_1683 = arith.index_cast %add3A_1589 : i32 to index
        %swap3A_1684 = arith.constant 0 : index
        %swap3A_1685 = tpu.vector_load %arg16[%swap3A_1683, %swap3A_1684] {strides = array<i32>} : memref<128x64xf32, #tpu.memory_space<vmem>>, vector<16xf32>,
        tpu.vector_store %arg16[%swap3A_1683, %swap3A_1684], %add3A_1682 {strides = array<i32>} : memref<128x64xf32, #tpu.memory_space<vmem>>, vector<16xf32>,
        %sub3A_1686 = arith.subf %add3A_1603, %mul3A_1644 : vector<16xf32>
        %mul3A_1687 = arith.mulf %mul3A_1678, %get3A_5 : vector<16xf32>
        %mul3A_1688 = arith.mulf %sub3A_1686, %mul3A_1687 : vector<16xf32>
        %add3A_1689 = arith.addf %mul3A_1688, %get3A_13 : vector<16xf32>
        %swap3A_1690 = arith.index_cast %add3A_1589 : i32 to index
        %swap3A_1691 = arith.constant 16 : index
        %swap3A_1692 = tpu.vector_load %arg16[%swap3A_1690, %swap3A_1691] {strides = array<i32>} : memref<128x64xf32, #tpu.memory_space<vmem>>, vector<16xf32>,
        tpu.vector_store %arg16[%swap3A_1690, %swap3A_1691], %add3A_1689 {strides = array<i32>} : memref<128x64xf32, #tpu.memory_space<vmem>>, vector<16xf32>,
        %sub3A_1693 = arith.subf %add3A_1610, %mul3A_1644 : vector<16xf32>
        %mul3A_1694 = arith.mulf %mul3A_1678, %get3A_7 : vector<16xf32>
        %mul3A_1695 = arith.mulf %sub3A_1693, %mul3A_1694 : vector<16xf32>
        %add3A_1696 = arith.addf %mul3A_1695, %get3A_15 : vector<16xf32>
        %swap3A_1697 = arith.index_cast %add3A_1589 : i32 to index
        %swap3A_1698 = arith.constant 32 : index
        %swap3A_1699 = tpu.vector_load %arg16[%swap3A_1697, %swap3A_1698] {strides = array<i32>} : memref<128x64xf32, #tpu.memory_space<vmem>>, vector<16xf32>,
        tpu.vector_store %arg16[%swap3A_1697, %swap3A_1698], %add3A_1696 {strides = array<i32>} : memref<128x64xf32, #tpu.memory_space<vmem>>, vector<16xf32>,
        %sub3A_1700 = arith.subf %add3A_1617, %mul3A_1644 : vector<16xf32>
        %mul3A_1701 = arith.mulf %mul3A_1678, %get3A_9 : vector<16xf32>
        %mul3A_1702 = arith.mulf %sub3A_1700, %mul3A_1701 : vector<16xf32>
        %add3A_1703 = arith.addf %mul3A_1702, %get3A_17 : vector<16xf32>
        %swap3A_1704 = arith.index_cast %add3A_1589 : i32 to index
        %swap3A_1705 = arith.constant 48 : index
        %swap3A_1706 = tpu.vector_load %arg16[%swap3A_1704, %swap3A_1705] {strides = array<i32>} : memref<128x64xf32, #tpu.memory_space<vmem>>, vector<16xf32>,
        tpu.vector_store %arg16[%swap3A_1704, %swap3A_1705], %add3A_1703 {strides = array<i32>} : memref<128x64xf32, #tpu.memory_space<vmem>>, vector<16xf32>,
        %mul3A_1707 = arith.constant 16 : i32
        %mul3A_1708 = arith.muli %scan3A_140, %mul3A_1707 : i32
        %add3A_1709 = arith.constant 13 : i32
        %add3A_1710 = arith.addi %mul3A_1708, %add3A_1709 : i32
        %get3A_1711 = arith.index_cast %add3A_1710 : i32 to index
        %get3A_1712 = arith.constant 0 : index
        %get3A_1713 = tpu.vector_load %arg12[%get3A_1711, %get3A_1712] {strides = array<i32>} : memref<128x64xf32, #tpu.memory_space<vmem>>, vector<16xf32>,
        %get3A_1714 = arith.index_cast %add3A_1710 : i32 to index
        %get3A_1715 = arith.constant 0 : index
        %get3A_1716 = tpu.vector_load %arg14[%get3A_1714, %get3A_1715] {strides = array<i32>} : memref<128x64xf32, #tpu.memory_space<vmem>>, vector<16xf32>,
        %add3A_1717 = arith.addf %get3A_1713, %get3A_1716 : vector<16xf32>
        %get3A_1718 = arith.index_cast %add3A_1710 : i32 to index
        %get3A_1719 = arith.constant 16 : index
        %get3A_1720 = tpu.vector_load %arg12[%get3A_1718, %get3A_1719] {strides = array<i32>} : memref<128x64xf32, #tpu.memory_space<vmem>>, vector<16xf32>,
        %get3A_1721 = arith.index_cast %add3A_1710 : i32 to index
        %get3A_1722 = arith.constant 16 : index
        %get3A_1723 = tpu.vector_load %arg14[%get3A_1721, %get3A_1722] {strides = array<i32>} : memref<128x64xf32, #tpu.memory_space<vmem>>, vector<16xf32>,
        %add3A_1724 = arith.addf %get3A_1720, %get3A_1723 : vector<16xf32>
        %get3A_1725 = arith.index_cast %add3A_1710 : i32 to index
        %get3A_1726 = arith.constant 32 : index
        %get3A_1727 = tpu.vector_load %arg12[%get3A_1725, %get3A_1726] {strides = array<i32>} : memref<128x64xf32, #tpu.memory_space<vmem>>, vector<16xf32>,
        %get3A_1728 = arith.index_cast %add3A_1710 : i32 to index
        %get3A_1729 = arith.constant 32 : index
        %get3A_1730 = tpu.vector_load %arg14[%get3A_1728, %get3A_1729] {strides = array<i32>} : memref<128x64xf32, #tpu.memory_space<vmem>>, vector<16xf32>,
        %add3A_1731 = arith.addf %get3A_1727, %get3A_1730 : vector<16xf32>
        %get3A_1732 = arith.index_cast %add3A_1710 : i32 to index
        %get3A_1733 = arith.constant 48 : index
        %get3A_1734 = tpu.vector_load %arg12[%get3A_1732, %get3A_1733] {strides = array<i32>} : memref<128x64xf32, #tpu.memory_space<vmem>>, vector<16xf32>,
        %get3A_1735 = arith.index_cast %add3A_1710 : i32 to index
        %get3A_1736 = arith.constant 48 : index
        %get3A_1737 = tpu.vector_load %arg14[%get3A_1735, %get3A_1736] {strides = array<i32>} : memref<128x64xf32, #tpu.memory_space<vmem>>, vector<16xf32>,
        %add3A_1738 = arith.addf %get3A_1734, %get3A_1737 : vector<16xf32>
        %add3A_1739 = arith.addf %add3A_1717, %add3A_1724 : vector<16xf32>
        %add3A_1740 = arith.addf %add3A_1731, %add3A_1738 : vector<16xf32>
        %add3A_1741 = arith.addf %add3A_1739, %add3A_1740 : vector<16xf32>
        %mul3A_1742 = arith.mulf %add3A_1717, %add3A_1717 : vector<16xf32>
        %mul3A_1743 = arith.mulf %add3A_1724, %add3A_1724 : vector<16xf32>
        %add3A_1744 = arith.addf %mul3A_1742, %mul3A_1743 : vector<16xf32>
        %mul3A_1745 = arith.mulf %add3A_1731, %add3A_1731 : vector<16xf32>
        %mul3A_1746 = arith.mulf %add3A_1738, %add3A_1738 : vector<16xf32>
        %add3A_1747 = arith.addf %mul3A_1745, %mul3A_1746 : vector<16xf32>
        %add3A_1748 = arith.addf %add3A_1744, %add3A_1747 : vector<16xf32>
        %broadcast_in_dim3A_1749 = arith.constant true
        %broadcast_in_dim3A_1750 = vector.broadcast %broadcast_in_dim3A_1749 : i1 to vector<16xi1>
        %masked_cumsum3A_1751 = tpu.scan <sum>, %add3A_1741 masked %broadcast_in_dim3A_1750 : vector<16xf32>, vector<16xi1> -> vector<16xf32>
        %broadcast_in_dim3A_1752 = arith.constant 15 : i32
        %broadcast_in_dim3A_1753 = vector.broadcast %broadcast_in_dim3A_1752 : i32 to vector<16x1xi32>
        %gather3A_1754 = vector.shape_cast %broadcast_in_dim3A_1753 : vector<16x1xi32> to vector<16xi32>
        %gather3A_1755 = tpu.dynamic_gather %masked_cumsum3A_1751[%gather3A_1754] in [0] : vector<16xf32>, vector<16xi32> -> vector<16xf32>
        %broadcast_in_dim3A_1756 = arith.constant true
        %broadcast_in_dim3A_1757 = vector.broadcast %broadcast_in_dim3A_1756 : i1 to vector<16xi1>
        %masked_cumsum3A_1758 = tpu.scan <sum>, %add3A_1748 masked %broadcast_in_dim3A_1757 : vector<16xf32>, vector<16xi1> -> vector<16xf32>
        %broadcast_in_dim3A_1759 = arith.constant 15 : i32
        %broadcast_in_dim3A_1760 = vector.broadcast %broadcast_in_dim3A_1759 : i32 to vector<16x1xi32>
        %gather3A_1761 = vector.shape_cast %broadcast_in_dim3A_1760 : vector<16x1xi32> to vector<16xi32>
        %gather3A_1762 = tpu.dynamic_gather %masked_cumsum3A_1758[%gather3A_1761] in [0] : vector<16xf32>, vector<16xi32> -> vector<16xf32>
        %mul3A_1763 = arith.constant 1.562500e-02 : f32
        %mul3A_1764 = vector.broadcast %mul3A_1763 : f32 to vector<16xf32>
        %mul3A_1765 = arith.mulf %gather3A_1755, %mul3A_1764 : vector<16xf32>
        %mul3A_1766 = arith.constant 1.562500e-02 : f32
        %mul3A_1767 = vector.broadcast %mul3A_1766 : f32 to vector<16xf32>
        %mul3A_1768 = arith.mulf %gather3A_1762, %mul3A_1767 : vector<16xf32>
        %mul3A_1769 = arith.mulf %mul3A_1765, %mul3A_1765 : vector<16xf32>
        %sub3A_1770 = arith.subf %mul3A_1768, %mul3A_1769 : vector<16xf32>
        %add3A_1771 = arith.constant 9.99999974E-6 : f32
        %add3A_1772 = vector.broadcast %add3A_1771 : f32 to vector<16xf32>
        %add3A_1773 = arith.addf %sub3A_1770, %add3A_1772 : vector<16xf32>
        %bitcast3A_1774 = vector.bitcast %add3A_1773 : vector<16xf32> to vector<16xi32>
        %shift_right_arithmetic3A_1775 = arith.constant 1 : i32
        %shift_right_arithmetic3A_1776 = vector.broadcast %shift_right_arithmetic3A_1775 : i32 to vector<16xi32>
        %shift_right_arithmetic3A_1777 = arith.shrsi %bitcast3A_1774, %shift_right_arithmetic3A_1776 : vector<16xi32>
        %sub3A_1778 = arith.constant 1597463007 : i32
        %sub3A_1779 = vector.broadcast %sub3A_1778 : i32 to vector<16xi32>
        %sub3A_1780 = arith.subi %sub3A_1779, %shift_right_arithmetic3A_1777 : vector<16xi32>
        %bitcast3A_1781 = vector.bitcast %sub3A_1780 : vector<16xi32> to vector<16xf32>
        %mul3A_1782 = arith.constant 5.000000e-01 : f32
        %mul3A_1783 = vector.broadcast %mul3A_1782 : f32 to vector<16xf32>
        %mul3A_1784 = arith.mulf %mul3A_1783, %add3A_1773 : vector<16xf32>
        %mul3A_1785 = arith.mulf %mul3A_1784, %bitcast3A_1781 : vector<16xf32>
        %mul3A_1786 = arith.mulf %mul3A_1785, %bitcast3A_1781 : vector<16xf32>
        %sub3A_1787 = arith.constant 1.500000e+00 : f32
        %sub3A_1788 = vector.broadcast %sub3A_1787 : f32 to vector<16xf32>
        %sub3A_1789 = arith.subf %sub3A_1788, %mul3A_1786 : vector<16xf32>
        %mul3A_1790 = arith.mulf %bitcast3A_1781, %sub3A_1789 : vector<16xf32>
        %mul3A_1791 = arith.constant 5.000000e-01 : f32
        %mul3A_1792 = vector.broadcast %mul3A_1791 : f32 to vector<16xf32>
        %mul3A_1793 = arith.mulf %mul3A_1792, %add3A_1773 : vector<16xf32>
        %mul3A_1794 = arith.mulf %mul3A_1793, %mul3A_1790 : vector<16xf32>
        %mul3A_1795 = arith.mulf %mul3A_1794, %mul3A_1790 : vector<16xf32>
        %sub3A_1796 = arith.constant 1.500000e+00 : f32
        %sub3A_1797 = vector.broadcast %sub3A_1796 : f32 to vector<16xf32>
        %sub3A_1798 = arith.subf %sub3A_1797, %mul3A_1795 : vector<16xf32>
        %mul3A_1799 = arith.mulf %mul3A_1790, %sub3A_1798 : vector<16xf32>
        %sub3A_1800 = arith.subf %add3A_1717, %mul3A_1765 : vector<16xf32>
        %mul3A_1801 = arith.mulf %mul3A_1799, %get3A_3 : vector<16xf32>
        %mul3A_1802 = arith.mulf %sub3A_1800, %mul3A_1801 : vector<16xf32>
        %add3A_1803 = arith.addf %mul3A_1802, %get3A_11 : vector<16xf32>
        %swap3A_1804 = arith.index_cast %add3A_1710 : i32 to index
        %swap3A_1805 = arith.constant 0 : index
        %swap3A_1806 = tpu.vector_load %arg16[%swap3A_1804, %swap3A_1805] {strides = array<i32>} : memref<128x64xf32, #tpu.memory_space<vmem>>, vector<16xf32>,
        tpu.vector_store %arg16[%swap3A_1804, %swap3A_1805], %add3A_1803 {strides = array<i32>} : memref<128x64xf32, #tpu.memory_space<vmem>>, vector<16xf32>,
        %sub3A_1807 = arith.subf %add3A_1724, %mul3A_1765 : vector<16xf32>
        %mul3A_1808 = arith.mulf %mul3A_1799, %get3A_5 : vector<16xf32>
        %mul3A_1809 = arith.mulf %sub3A_1807, %mul3A_1808 : vector<16xf32>
        %add3A_1810 = arith.addf %mul3A_1809, %get3A_13 : vector<16xf32>
        %swap3A_1811 = arith.index_cast %add3A_1710 : i32 to index
        %swap3A_1812 = arith.constant 16 : index
        %swap3A_1813 = tpu.vector_load %arg16[%swap3A_1811, %swap3A_1812] {strides = array<i32>} : memref<128x64xf32, #tpu.memory_space<vmem>>, vector<16xf32>,
        tpu.vector_store %arg16[%swap3A_1811, %swap3A_1812], %add3A_1810 {strides = array<i32>} : memref<128x64xf32, #tpu.memory_space<vmem>>, vector<16xf32>,
        %sub3A_1814 = arith.subf %add3A_1731, %mul3A_1765 : vector<16xf32>
        %mul3A_1815 = arith.mulf %mul3A_1799, %get3A_7 : vector<16xf32>
        %mul3A_1816 = arith.mulf %sub3A_1814, %mul3A_1815 : vector<16xf32>
        %add3A_1817 = arith.addf %mul3A_1816, %get3A_15 : vector<16xf32>
        %swap3A_1818 = arith.index_cast %add3A_1710 : i32 to index
        %swap3A_1819 = arith.constant 32 : index
        %swap3A_1820 = tpu.vector_load %arg16[%swap3A_1818, %swap3A_1819] {strides = array<i32>} : memref<128x64xf32, #tpu.memory_space<vmem>>, vector<16xf32>,
        tpu.vector_store %arg16[%swap3A_1818, %swap3A_1819], %add3A_1817 {strides = array<i32>} : memref<128x64xf32, #tpu.memory_space<vmem>>, vector<16xf32>,
        %sub3A_1821 = arith.subf %add3A_1738, %mul3A_1765 : vector<16xf32>
        %mul3A_1822 = arith.mulf %mul3A_1799, %get3A_9 : vector<16xf32>
        %mul3A_1823 = arith.mulf %sub3A_1821, %mul3A_1822 : vector<16xf32>
        %add3A_1824 = arith.addf %mul3A_1823, %get3A_17 : vector<16xf32>
        %swap3A_1825 = arith.index_cast %add3A_1710 : i32 to index
        %swap3A_1826 = arith.constant 48 : index
        %swap3A_1827 = tpu.vector_load %arg16[%swap3A_1825, %swap3A_1826] {strides = array<i32>} : memref<128x64xf32, #tpu.memory_space<vmem>>, vector<16xf32>,
        tpu.vector_store %arg16[%swap3A_1825, %swap3A_1826], %add3A_1824 {strides = array<i32>} : memref<128x64xf32, #tpu.memory_space<vmem>>, vector<16xf32>,
        %mul3A_1828 = arith.constant 16 : i32
        %mul3A_1829 = arith.muli %scan3A_140, %mul3A_1828 : i32
        %add3A_1830 = arith.constant 14 : i32
        %add3A_1831 = arith.addi %mul3A_1829, %add3A_1830 : i32
        %get3A_1832 = arith.index_cast %add3A_1831 : i32 to index
        %get3A_1833 = arith.constant 0 : index
        %get3A_1834 = tpu.vector_load %arg12[%get3A_1832, %get3A_1833] {strides = array<i32>} : memref<128x64xf32, #tpu.memory_space<vmem>>, vector<16xf32>,
        %get3A_1835 = arith.index_cast %add3A_1831 : i32 to index
        %get3A_1836 = arith.constant 0 : index
        %get3A_1837 = tpu.vector_load %arg14[%get3A_1835, %get3A_1836] {strides = array<i32>} : memref<128x64xf32, #tpu.memory_space<vmem>>, vector<16xf32>,
        %add3A_1838 = arith.addf %get3A_1834, %get3A_1837 : vector<16xf32>
        %get3A_1839 = arith.index_cast %add3A_1831 : i32 to index
        %get3A_1840 = arith.constant 16 : index
        %get3A_1841 = tpu.vector_load %arg12[%get3A_1839, %get3A_1840] {strides = array<i32>} : memref<128x64xf32, #tpu.memory_space<vmem>>, vector<16xf32>,
        %get3A_1842 = arith.index_cast %add3A_1831 : i32 to index
        %get3A_1843 = arith.constant 16 : index
        %get3A_1844 = tpu.vector_load %arg14[%get3A_1842, %get3A_1843] {strides = array<i32>} : memref<128x64xf32, #tpu.memory_space<vmem>>, vector<16xf32>,
        %add3A_1845 = arith.addf %get3A_1841, %get3A_1844 : vector<16xf32>
        %get3A_1846 = arith.index_cast %add3A_1831 : i32 to index
        %get3A_1847 = arith.constant 32 : index
        %get3A_1848 = tpu.vector_load %arg12[%get3A_1846, %get3A_1847] {strides = array<i32>} : memref<128x64xf32, #tpu.memory_space<vmem>>, vector<16xf32>,
        %get3A_1849 = arith.index_cast %add3A_1831 : i32 to index
        %get3A_1850 = arith.constant 32 : index
        %get3A_1851 = tpu.vector_load %arg14[%get3A_1849, %get3A_1850] {strides = array<i32>} : memref<128x64xf32, #tpu.memory_space<vmem>>, vector<16xf32>,
        %add3A_1852 = arith.addf %get3A_1848, %get3A_1851 : vector<16xf32>
        %get3A_1853 = arith.index_cast %add3A_1831 : i32 to index
        %get3A_1854 = arith.constant 48 : index
        %get3A_1855 = tpu.vector_load %arg12[%get3A_1853, %get3A_1854] {strides = array<i32>} : memref<128x64xf32, #tpu.memory_space<vmem>>, vector<16xf32>,
        %get3A_1856 = arith.index_cast %add3A_1831 : i32 to index
        %get3A_1857 = arith.constant 48 : index
        %get3A_1858 = tpu.vector_load %arg14[%get3A_1856, %get3A_1857] {strides = array<i32>} : memref<128x64xf32, #tpu.memory_space<vmem>>, vector<16xf32>,
        %add3A_1859 = arith.addf %get3A_1855, %get3A_1858 : vector<16xf32>
        %add3A_1860 = arith.addf %add3A_1838, %add3A_1845 : vector<16xf32>
        %add3A_1861 = arith.addf %add3A_1852, %add3A_1859 : vector<16xf32>
        %add3A_1862 = arith.addf %add3A_1860, %add3A_1861 : vector<16xf32>
        %mul3A_1863 = arith.mulf %add3A_1838, %add3A_1838 : vector<16xf32>
        %mul3A_1864 = arith.mulf %add3A_1845, %add3A_1845 : vector<16xf32>
        %add3A_1865 = arith.addf %mul3A_1863, %mul3A_1864 : vector<16xf32>
        %mul3A_1866 = arith.mulf %add3A_1852, %add3A_1852 : vector<16xf32>
        %mul3A_1867 = arith.mulf %add3A_1859, %add3A_1859 : vector<16xf32>
        %add3A_1868 = arith.addf %mul3A_1866, %mul3A_1867 : vector<16xf32>
        %add3A_1869 = arith.addf %add3A_1865, %add3A_1868 : vector<16xf32>
        %broadcast_in_dim3A_1870 = arith.constant true
        %broadcast_in_dim3A_1871 = vector.broadcast %broadcast_in_dim3A_1870 : i1 to vector<16xi1>
        %masked_cumsum3A_1872 = tpu.scan <sum>, %add3A_1862 masked %broadcast_in_dim3A_1871 : vector<16xf32>, vector<16xi1> -> vector<16xf32>
        %broadcast_in_dim3A_1873 = arith.constant 15 : i32
        %broadcast_in_dim3A_1874 = vector.broadcast %broadcast_in_dim3A_1873 : i32 to vector<16x1xi32>
        %gather3A_1875 = vector.shape_cast %broadcast_in_dim3A_1874 : vector<16x1xi32> to vector<16xi32>
        %gather3A_1876 = tpu.dynamic_gather %masked_cumsum3A_1872[%gather3A_1875] in [0] : vector<16xf32>, vector<16xi32> -> vector<16xf32>
        %broadcast_in_dim3A_1877 = arith.constant true
        %broadcast_in_dim3A_1878 = vector.broadcast %broadcast_in_dim3A_1877 : i1 to vector<16xi1>
        %masked_cumsum3A_1879 = tpu.scan <sum>, %add3A_1869 masked %broadcast_in_dim3A_1878 : vector<16xf32>, vector<16xi1> -> vector<16xf32>
        %broadcast_in_dim3A_1880 = arith.constant 15 : i32
        %broadcast_in_dim3A_1881 = vector.broadcast %broadcast_in_dim3A_1880 : i32 to vector<16x1xi32>
        %gather3A_1882 = vector.shape_cast %broadcast_in_dim3A_1881 : vector<16x1xi32> to vector<16xi32>
        %gather3A_1883 = tpu.dynamic_gather %masked_cumsum3A_1879[%gather3A_1882] in [0] : vector<16xf32>, vector<16xi32> -> vector<16xf32>
        %mul3A_1884 = arith.constant 1.562500e-02 : f32
        %mul3A_1885 = vector.broadcast %mul3A_1884 : f32 to vector<16xf32>
        %mul3A_1886 = arith.mulf %gather3A_1876, %mul3A_1885 : vector<16xf32>
        %mul3A_1887 = arith.constant 1.562500e-02 : f32
        %mul3A_1888 = vector.broadcast %mul3A_1887 : f32 to vector<16xf32>
        %mul3A_1889 = arith.mulf %gather3A_1883, %mul3A_1888 : vector<16xf32>
        %mul3A_1890 = arith.mulf %mul3A_1886, %mul3A_1886 : vector<16xf32>
        %sub3A_1891 = arith.subf %mul3A_1889, %mul3A_1890 : vector<16xf32>
        %add3A_1892 = arith.constant 9.99999974E-6 : f32
        %add3A_1893 = vector.broadcast %add3A_1892 : f32 to vector<16xf32>
        %add3A_1894 = arith.addf %sub3A_1891, %add3A_1893 : vector<16xf32>
        %bitcast3A_1895 = vector.bitcast %add3A_1894 : vector<16xf32> to vector<16xi32>
        %shift_right_arithmetic3A_1896 = arith.constant 1 : i32
        %shift_right_arithmetic3A_1897 = vector.broadcast %shift_right_arithmetic3A_1896 : i32 to vector<16xi32>
        %shift_right_arithmetic3A_1898 = arith.shrsi %bitcast3A_1895, %shift_right_arithmetic3A_1897 : vector<16xi32>
        %sub3A_1899 = arith.constant 1597463007 : i32
        %sub3A_1900 = vector.broadcast %sub3A_1899 : i32 to vector<16xi32>
        %sub3A_1901 = arith.subi %sub3A_1900, %shift_right_arithmetic3A_1898 : vector<16xi32>
        %bitcast3A_1902 = vector.bitcast %sub3A_1901 : vector<16xi32> to vector<16xf32>
        %mul3A_1903 = arith.constant 5.000000e-01 : f32
        %mul3A_1904 = vector.broadcast %mul3A_1903 : f32 to vector<16xf32>
        %mul3A_1905 = arith.mulf %mul3A_1904, %add3A_1894 : vector<16xf32>
        %mul3A_1906 = arith.mulf %mul3A_1905, %bitcast3A_1902 : vector<16xf32>
        %mul3A_1907 = arith.mulf %mul3A_1906, %bitcast3A_1902 : vector<16xf32>
        %sub3A_1908 = arith.constant 1.500000e+00 : f32
        %sub3A_1909 = vector.broadcast %sub3A_1908 : f32 to vector<16xf32>
        %sub3A_1910 = arith.subf %sub3A_1909, %mul3A_1907 : vector<16xf32>
        %mul3A_1911 = arith.mulf %bitcast3A_1902, %sub3A_1910 : vector<16xf32>
        %mul3A_1912 = arith.constant 5.000000e-01 : f32
        %mul3A_1913 = vector.broadcast %mul3A_1912 : f32 to vector<16xf32>
        %mul3A_1914 = arith.mulf %mul3A_1913, %add3A_1894 : vector<16xf32>
        %mul3A_1915 = arith.mulf %mul3A_1914, %mul3A_1911 : vector<16xf32>
        %mul3A_1916 = arith.mulf %mul3A_1915, %mul3A_1911 : vector<16xf32>
        %sub3A_1917 = arith.constant 1.500000e+00 : f32
        %sub3A_1918 = vector.broadcast %sub3A_1917 : f32 to vector<16xf32>
        %sub3A_1919 = arith.subf %sub3A_1918, %mul3A_1916 : vector<16xf32>
        %mul3A_1920 = arith.mulf %mul3A_1911, %sub3A_1919 : vector<16xf32>
        %sub3A_1921 = arith.subf %add3A_1838, %mul3A_1886 : vector<16xf32>
        %mul3A_1922 = arith.mulf %mul3A_1920, %get3A_3 : vector<16xf32>
        %mul3A_1923 = arith.mulf %sub3A_1921, %mul3A_1922 : vector<16xf32>
        %add3A_1924 = arith.addf %mul3A_1923, %get3A_11 : vector<16xf32>
        %swap3A_1925 = arith.index_cast %add3A_1831 : i32 to index
        %swap3A_1926 = arith.constant 0 : index
        %swap3A_1927 = tpu.vector_load %arg16[%swap3A_1925, %swap3A_1926] {strides = array<i32>} : memref<128x64xf32, #tpu.memory_space<vmem>>, vector<16xf32>,
        tpu.vector_store %arg16[%swap3A_1925, %swap3A_1926], %add3A_1924 {strides = array<i32>} : memref<128x64xf32, #tpu.memory_space<vmem>>, vector<16xf32>,
        %sub3A_1928 = arith.subf %add3A_1845, %mul3A_1886 : vector<16xf32>
        %mul3A_1929 = arith.mulf %mul3A_1920, %get3A_5 : vector<16xf32>
        %mul3A_1930 = arith.mulf %sub3A_1928, %mul3A_1929 : vector<16xf32>
        %add3A_1931 = arith.addf %mul3A_1930, %get3A_13 : vector<16xf32>
        %swap3A_1932 = arith.index_cast %add3A_1831 : i32 to index
        %swap3A_1933 = arith.constant 16 : index
        %swap3A_1934 = tpu.vector_load %arg16[%swap3A_1932, %swap3A_1933] {strides = array<i32>} : memref<128x64xf32, #tpu.memory_space<vmem>>, vector<16xf32>,
        tpu.vector_store %arg16[%swap3A_1932, %swap3A_1933], %add3A_1931 {strides = array<i32>} : memref<128x64xf32, #tpu.memory_space<vmem>>, vector<16xf32>,
        %sub3A_1935 = arith.subf %add3A_1852, %mul3A_1886 : vector<16xf32>
        %mul3A_1936 = arith.mulf %mul3A_1920, %get3A_7 : vector<16xf32>
        %mul3A_1937 = arith.mulf %sub3A_1935, %mul3A_1936 : vector<16xf32>
        %add3A_1938 = arith.addf %mul3A_1937, %get3A_15 : vector<16xf32>
        %swap3A_1939 = arith.index_cast %add3A_1831 : i32 to index
        %swap3A_1940 = arith.constant 32 : index
        %swap3A_1941 = tpu.vector_load %arg16[%swap3A_1939, %swap3A_1940] {strides = array<i32>} : memref<128x64xf32, #tpu.memory_space<vmem>>, vector<16xf32>,
        tpu.vector_store %arg16[%swap3A_1939, %swap3A_1940], %add3A_1938 {strides = array<i32>} : memref<128x64xf32, #tpu.memory_space<vmem>>, vector<16xf32>,
        %sub3A_1942 = arith.subf %add3A_1859, %mul3A_1886 : vector<16xf32>
        %mul3A_1943 = arith.mulf %mul3A_1920, %get3A_9 : vector<16xf32>
        %mul3A_1944 = arith.mulf %sub3A_1942, %mul3A_1943 : vector<16xf32>
        %add3A_1945 = arith.addf %mul3A_1944, %get3A_17 : vector<16xf32>
        %swap3A_1946 = arith.index_cast %add3A_1831 : i32 to index
        %swap3A_1947 = arith.constant 48 : index
        %swap3A_1948 = tpu.vector_load %arg16[%swap3A_1946, %swap3A_1947] {strides = array<i32>} : memref<128x64xf32, #tpu.memory_space<vmem>>, vector<16xf32>,
        tpu.vector_store %arg16[%swap3A_1946, %swap3A_1947], %add3A_1945 {strides = array<i32>} : memref<128x64xf32, #tpu.memory_space<vmem>>, vector<16xf32>,
        %mul3A_1949 = arith.constant 16 : i32
        %mul3A_1950 = arith.muli %scan3A_140, %mul3A_1949 : i32
        %add3A_1951 = arith.constant 15 : i32
        %add3A_1952 = arith.addi %mul3A_1950, %add3A_1951 : i32
        %get3A_1953 = arith.index_cast %add3A_1952 : i32 to index
        %get3A_1954 = arith.constant 0 : index
        %get3A_1955 = tpu.vector_load %arg12[%get3A_1953, %get3A_1954] {strides = array<i32>} : memref<128x64xf32, #tpu.memory_space<vmem>>, vector<16xf32>,
        %get3A_1956 = arith.index_cast %add3A_1952 : i32 to index
        %get3A_1957 = arith.constant 0 : index
        %get3A_1958 = tpu.vector_load %arg14[%get3A_1956, %get3A_1957] {strides = array<i32>} : memref<128x64xf32, #tpu.memory_space<vmem>>, vector<16xf32>,
        %add3A_1959 = arith.addf %get3A_1955, %get3A_1958 : vector<16xf32>
        %get3A_1960 = arith.index_cast %add3A_1952 : i32 to index
        %get3A_1961 = arith.constant 16 : index
        %get3A_1962 = tpu.vector_load %arg12[%get3A_1960, %get3A_1961] {strides = array<i32>} : memref<128x64xf32, #tpu.memory_space<vmem>>, vector<16xf32>,
        %get3A_1963 = arith.index_cast %add3A_1952 : i32 to index
        %get3A_1964 = arith.constant 16 : index
        %get3A_1965 = tpu.vector_load %arg14[%get3A_1963, %get3A_1964] {strides = array<i32>} : memref<128x64xf32, #tpu.memory_space<vmem>>, vector<16xf32>,
        %add3A_1966 = arith.addf %get3A_1962, %get3A_1965 : vector<16xf32>
        %get3A_1967 = arith.index_cast %add3A_1952 : i32 to index
        %get3A_1968 = arith.constant 32 : index
        %get3A_1969 = tpu.vector_load %arg12[%get3A_1967, %get3A_1968] {strides = array<i32>} : memref<128x64xf32, #tpu.memory_space<vmem>>, vector<16xf32>,
        %get3A_1970 = arith.index_cast %add3A_1952 : i32 to index
        %get3A_1971 = arith.constant 32 : index
        %get3A_1972 = tpu.vector_load %arg14[%get3A_1970, %get3A_1971] {strides = array<i32>} : memref<128x64xf32, #tpu.memory_space<vmem>>, vector<16xf32>,
        %add3A_1973 = arith.addf %get3A_1969, %get3A_1972 : vector<16xf32>
        %get3A_1974 = arith.index_cast %add3A_1952 : i32 to index
        %get3A_1975 = arith.constant 48 : index
        %get3A_1976 = tpu.vector_load %arg12[%get3A_1974, %get3A_1975] {strides = array<i32>} : memref<128x64xf32, #tpu.memory_space<vmem>>, vector<16xf32>,
        %get3A_1977 = arith.index_cast %add3A_1952 : i32 to index
        %get3A_1978 = arith.constant 48 : index
        %get3A_1979 = tpu.vector_load %arg14[%get3A_1977, %get3A_1978] {strides = array<i32>} : memref<128x64xf32, #tpu.memory_space<vmem>>, vector<16xf32>,
        %add3A_1980 = arith.addf %get3A_1976, %get3A_1979 : vector<16xf32>
        %add3A_1981 = arith.addf %add3A_1959, %add3A_1966 : vector<16xf32>
        %add3A_1982 = arith.addf %add3A_1973, %add3A_1980 : vector<16xf32>
        %add3A_1983 = arith.addf %add3A_1981, %add3A_1982 : vector<16xf32>
        %mul3A_1984 = arith.mulf %add3A_1959, %add3A_1959 : vector<16xf32>
        %mul3A_1985 = arith.mulf %add3A_1966, %add3A_1966 : vector<16xf32>
        %add3A_1986 = arith.addf %mul3A_1984, %mul3A_1985 : vector<16xf32>
        %mul3A_1987 = arith.mulf %add3A_1973, %add3A_1973 : vector<16xf32>
        %mul3A_1988 = arith.mulf %add3A_1980, %add3A_1980 : vector<16xf32>
        %add3A_1989 = arith.addf %mul3A_1987, %mul3A_1988 : vector<16xf32>
        %add3A_1990 = arith.addf %add3A_1986, %add3A_1989 : vector<16xf32>
        %broadcast_in_dim3A_1991 = arith.constant true
        %broadcast_in_dim3A_1992 = vector.broadcast %broadcast_in_dim3A_1991 : i1 to vector<16xi1>
        %masked_cumsum3A_1993 = tpu.scan <sum>, %add3A_1983 masked %broadcast_in_dim3A_1992 : vector<16xf32>, vector<16xi1> -> vector<16xf32>
        %broadcast_in_dim3A_1994 = arith.constant 15 : i32
        %broadcast_in_dim3A_1995 = vector.broadcast %broadcast_in_dim3A_1994 : i32 to vector<16x1xi32>
        %gather3A_1996 = vector.shape_cast %broadcast_in_dim3A_1995 : vector<16x1xi32> to vector<16xi32>
        %gather3A_1997 = tpu.dynamic_gather %masked_cumsum3A_1993[%gather3A_1996] in [0] : vector<16xf32>, vector<16xi32> -> vector<16xf32>
        %broadcast_in_dim3A_1998 = arith.constant true
        %broadcast_in_dim3A_1999 = vector.broadcast %broadcast_in_dim3A_1998 : i1 to vector<16xi1>
        %masked_cumsum3A_2000 = tpu.scan <sum>, %add3A_1990 masked %broadcast_in_dim3A_1999 : vector<16xf32>, vector<16xi1> -> vector<16xf32>
        %broadcast_in_dim3A_2001 = arith.constant 15 : i32
        %broadcast_in_dim3A_2002 = vector.broadcast %broadcast_in_dim3A_2001 : i32 to vector<16x1xi32>
        %gather3A_2003 = vector.shape_cast %broadcast_in_dim3A_2002 : vector<16x1xi32> to vector<16xi32>
        %gather3A_2004 = tpu.dynamic_gather %masked_cumsum3A_2000[%gather3A_2003] in [0] : vector<16xf32>, vector<16xi32> -> vector<16xf32>
        %mul3A_2005 = arith.constant 1.562500e-02 : f32
        %mul3A_2006 = vector.broadcast %mul3A_2005 : f32 to vector<16xf32>
        %mul3A_2007 = arith.mulf %gather3A_1997, %mul3A_2006 : vector<16xf32>
        %mul3A_2008 = arith.constant 1.562500e-02 : f32
        %mul3A_2009 = vector.broadcast %mul3A_2008 : f32 to vector<16xf32>
        %mul3A_2010 = arith.mulf %gather3A_2004, %mul3A_2009 : vector<16xf32>
        %mul3A_2011 = arith.mulf %mul3A_2007, %mul3A_2007 : vector<16xf32>
        %sub3A_2012 = arith.subf %mul3A_2010, %mul3A_2011 : vector<16xf32>
        %add3A_2013 = arith.constant 9.99999974E-6 : f32
        %add3A_2014 = vector.broadcast %add3A_2013 : f32 to vector<16xf32>
        %add3A_2015 = arith.addf %sub3A_2012, %add3A_2014 : vector<16xf32>
        %bitcast3A_2016 = vector.bitcast %add3A_2015 : vector<16xf32> to vector<16xi32>
        %shift_right_arithmetic3A_2017 = arith.constant 1 : i32
        %shift_right_arithmetic3A_2018 = vector.broadcast %shift_right_arithmetic3A_2017 : i32 to vector<16xi32>
        %shift_right_arithmetic3A_2019 = arith.shrsi %bitcast3A_2016, %shift_right_arithmetic3A_2018 : vector<16xi32>
        %sub3A_2020 = arith.constant 1597463007 : i32
        %sub3A_2021 = vector.broadcast %sub3A_2020 : i32 to vector<16xi32>
        %sub3A_2022 = arith.subi %sub3A_2021, %shift_right_arithmetic3A_2019 : vector<16xi32>
        %bitcast3A_2023 = vector.bitcast %sub3A_2022 : vector<16xi32> to vector<16xf32>
        %mul3A_2024 = arith.constant 5.000000e-01 : f32
        %mul3A_2025 = vector.broadcast %mul3A_2024 : f32 to vector<16xf32>
        %mul3A_2026 = arith.mulf %mul3A_2025, %add3A_2015 : vector<16xf32>
        %mul3A_2027 = arith.mulf %mul3A_2026, %bitcast3A_2023 : vector<16xf32>
        %mul3A_2028 = arith.mulf %mul3A_2027, %bitcast3A_2023 : vector<16xf32>
        %sub3A_2029 = arith.constant 1.500000e+00 : f32
        %sub3A_2030 = vector.broadcast %sub3A_2029 : f32 to vector<16xf32>
        %sub3A_2031 = arith.subf %sub3A_2030, %mul3A_2028 : vector<16xf32>
        %mul3A_2032 = arith.mulf %bitcast3A_2023, %sub3A_2031 : vector<16xf32>
        %mul3A_2033 = arith.constant 5.000000e-01 : f32
        %mul3A_2034 = vector.broadcast %mul3A_2033 : f32 to vector<16xf32>
        %mul3A_2035 = arith.mulf %mul3A_2034, %add3A_2015 : vector<16xf32>
        %mul3A_2036 = arith.mulf %mul3A_2035, %mul3A_2032 : vector<16xf32>
        %mul3A_2037 = arith.mulf %mul3A_2036, %mul3A_2032 : vector<16xf32>
        %sub3A_2038 = arith.constant 1.500000e+00 : f32
        %sub3A_2039 = vector.broadcast %sub3A_2038 : f32 to vector<16xf32>
        %sub3A_2040 = arith.subf %sub3A_2039, %mul3A_2037 : vector<16xf32>
        %mul3A_2041 = arith.mulf %mul3A_2032, %sub3A_2040 : vector<16xf32>
        %sub3A_2042 = arith.subf %add3A_1959, %mul3A_2007 : vector<16xf32>
        %mul3A_2043 = arith.mulf %mul3A_2041, %get3A_3 : vector<16xf32>
        %mul3A_2044 = arith.mulf %sub3A_2042, %mul3A_2043 : vector<16xf32>
        %add3A_2045 = arith.addf %mul3A_2044, %get3A_11 : vector<16xf32>
        %swap3A_2046 = arith.index_cast %add3A_1952 : i32 to index
        %swap3A_2047 = arith.constant 0 : index
        %swap3A_2048 = tpu.vector_load %arg16[%swap3A_2046, %swap3A_2047] {strides = array<i32>} : memref<128x64xf32, #tpu.memory_space<vmem>>, vector<16xf32>,
        tpu.vector_store %arg16[%swap3A_2046, %swap3A_2047], %add3A_2045 {strides = array<i32>} : memref<128x64xf32, #tpu.memory_space<vmem>>, vector<16xf32>,
        %sub3A_2049 = arith.subf %add3A_1966, %mul3A_2007 : vector<16xf32>
        %mul3A_2050 = arith.mulf %mul3A_2041, %get3A_5 : vector<16xf32>
        %mul3A_2051 = arith.mulf %sub3A_2049, %mul3A_2050 : vector<16xf32>
        %add3A_2052 = arith.addf %mul3A_2051, %get3A_13 : vector<16xf32>
        %swap3A_2053 = arith.index_cast %add3A_1952 : i32 to index
        %swap3A_2054 = arith.constant 16 : index
        %swap3A_2055 = tpu.vector_load %arg16[%swap3A_2053, %swap3A_2054] {strides = array<i32>} : memref<128x64xf32, #tpu.memory_space<vmem>>, vector<16xf32>,
        tpu.vector_store %arg16[%swap3A_2053, %swap3A_2054], %add3A_2052 {strides = array<i32>} : memref<128x64xf32, #tpu.memory_space<vmem>>, vector<16xf32>,
        %sub3A_2056 = arith.subf %add3A_1973, %mul3A_2007 : vector<16xf32>
        %mul3A_2057 = arith.mulf %mul3A_2041, %get3A_7 : vector<16xf32>
        %mul3A_2058 = arith.mulf %sub3A_2056, %mul3A_2057 : vector<16xf32>
        %add3A_2059 = arith.addf %mul3A_2058, %get3A_15 : vector<16xf32>
        %swap3A_2060 = arith.index_cast %add3A_1952 : i32 to index
        %swap3A_2061 = arith.constant 32 : index
        %swap3A_2062 = tpu.vector_load %arg16[%swap3A_2060, %swap3A_2061] {strides = array<i32>} : memref<128x64xf32, #tpu.memory_space<vmem>>, vector<16xf32>,
        tpu.vector_store %arg16[%swap3A_2060, %swap3A_2061], %add3A_2059 {strides = array<i32>} : memref<128x64xf32, #tpu.memory_space<vmem>>, vector<16xf32>,
        %sub3A_2063 = arith.subf %add3A_1980, %mul3A_2007 : vector<16xf32>
        %mul3A_2064 = arith.mulf %mul3A_2041, %get3A_9 : vector<16xf32>
        %mul3A_2065 = arith.mulf %sub3A_2063, %mul3A_2064 : vector<16xf32>
        %add3A_2066 = arith.addf %mul3A_2065, %get3A_17 : vector<16xf32>
        %swap3A_2067 = arith.index_cast %add3A_1952 : i32 to index
        %swap3A_2068 = arith.constant 48 : index
        %swap3A_2069 = tpu.vector_load %arg16[%swap3A_2067, %swap3A_2068] {strides = array<i32>} : memref<128x64xf32, #tpu.memory_space<vmem>>, vector<16xf32>,
        tpu.vector_store %arg16[%swap3A_2067, %swap3A_2068], %add3A_2066 {strides = array<i32>} : memref<128x64xf32, #tpu.memory_space<vmem>>, vector<16xf32>,
      }
      %scan3A_127 = arith.constant 8 : i32
      %lt3A_128 = arith.constant 48 : i32
      %lt3A_129 = arith.cmpi slt, %add3A_104, %lt3A_128 : i32
      %convert_element_type3A_130 = arith.extui %lt3A_129 : i1 to i32
      %cond3A_131 = arith.constant 0 : i32
      %cond3A_132 = arith.cmpi ne, %convert_element_type3A_130, %cond3A_131 : i32
      scf.if %cond3A_132 {
        %add3A_140 = arith.constant 2 : i32
        %add3A_141 = arith.addi %add3A_104, %add3A_140 : i32
        %dma_start3A_142 = arith.constant 0 : i32
        %dma_start3A_143 = tpu.memref_slice %arg9[%add3A_141, %dma_start3A_142] : memref<50x128xi32, #tpu.memory_space<vmem>> -> memref<1x128xi32, #tpu.memory_space<vmem>>
        %dma_start3A_144 = tpu.memref_squeeze %dma_start3A_143 : memref<1x128xi32, #tpu.memory_space<vmem>> -> memref<128xi32, #tpu.memory_space<vmem>>
        %dma_start3A_145 = arith.constant 0 : i32
        %dma_start3A_146 = arith.constant 0 : i32
        %dma_start3A_147 = tpu.memref_slice %arg4[%dma_start3A_145, %dma_start3A_146] : memref<1000000x64xf32, #tpu.memory_space<hbm>> -> memref<1000000x64xf32, #tpu.memory_space<hbm>>
        tpu.enqueue_indirect_dma source(%dma_start3A_147 : memref<1000000x64xf32, #tpu.memory_space<hbm>>) target(%arg12 : memref<128x64xf32, #tpu.memory_space<vmem>>) offsets(%dma_start3A_144 : memref<128xi32, #tpu.memory_space<vmem>>) semaphore(%arg20 : memref<!tpu.dma_semaphore, #tpu.memory_space<semaphore_mem>>)
        %dma_start3A_148 = arith.constant 0 : i32
        %dma_start3A_149 = tpu.memref_slice %arg10[%add3A_141, %dma_start3A_148] : memref<50x128xi32, #tpu.memory_space<vmem>> -> memref<1x128xi32, #tpu.memory_space<vmem>>
        %dma_start3A_150 = tpu.memref_squeeze %dma_start3A_149 : memref<1x128xi32, #tpu.memory_space<vmem>> -> memref<128xi32, #tpu.memory_space<vmem>>
        %dma_start3A_151 = arith.constant 0 : i32
        %dma_start3A_152 = arith.constant 0 : i32
        %dma_start3A_153 = tpu.memref_slice %arg5[%dma_start3A_151, %dma_start3A_152] : memref<16384x64xf32, #tpu.memory_space<hbm>> -> memref<16384x64xf32, #tpu.memory_space<hbm>>
        tpu.enqueue_indirect_dma source(%dma_start3A_153 : memref<16384x64xf32, #tpu.memory_space<hbm>>) target(%arg14 : memref<128x64xf32, #tpu.memory_space<vmem>>) offsets(%dma_start3A_150 : memref<128xi32, #tpu.memory_space<vmem>>) semaphore(%arg22 : memref<!tpu.dma_semaphore, #tpu.memory_space<semaphore_mem>>)
      } else {
      }
      %mul3A_133 = arith.constant 128 : i32
      %mul3A_134 = arith.muli %add3A_104, %mul3A_133 : i32
      %add3A_135 = arith.addi %mul3A_2, %mul3A_134 : i32
      %dma_start3A_136 = arith.constant 0 : i32
      %dma_start3A_137 = tpu.memref_slice %arg8[%add3A_135, %dma_start3A_136] : memref<204800x64xf32, #tpu.memory_space<hbm>> -> memref<128x64xf32, #tpu.memory_space<hbm>>
      %dma_start3A_138 = arith.constant 0 : i32
      %dma_start3A_139 = tpu.memref_slice %arg8[%add3A_135, %dma_start3A_138] : memref<204800x64xf32, #tpu.memory_space<hbm>> -> memref<128x64xf32, #tpu.memory_space<hbm>>
      tpu.enqueue_dma source(%arg16 : memref<128x64xf32, #tpu.memory_space<vmem>>) target(%dma_start3A_139 : memref<128x64xf32, #tpu.memory_space<hbm>>) target_semaphore(%arg24 : memref<!tpu.dma_semaphore, #tpu.memory_space<semaphore_mem>>)
    }
    %scan3A_53 = arith.constant 25 : i32
    %add3A_54 = arith.constant 6144 : i32
    %add3A_55 = arith.addi %mul3A_2, %add3A_54 : i32
    %dma_wait3A = arith.constant 0 : i32
    %dma_wait3A_56 = tpu.memref_slice %arg8[%add3A_55, %dma_wait3A] : memref<204800x64xf32, #tpu.memory_space<hbm>> -> memref<128x64xf32, #tpu.memory_space<hbm>>
    %dma_wait3A_57 = arith.constant 0 : i32
    %dma_wait3A_58 = tpu.memref_slice %arg8[%add3A_55, %dma_wait3A_57] : memref<204800x64xf32, #tpu.memory_space<hbm>> -> memref<128x64xf32, #tpu.memory_space<hbm>>
    tpu.wait_dma2 semaphore(%arg23 : memref<!tpu.dma_semaphore, #tpu.memory_space<semaphore_mem>>) src(%arg15 : memref<128x64xf32, #tpu.memory_space<vmem>>) dst(%dma_wait3A_58 : memref<128x64xf32, #tpu.memory_space<hbm>>)
    %add3A_59 = arith.constant 6272 : i32
    %add3A_60 = arith.addi %mul3A_2, %add3A_59 : i32
    %dma_wait3A_61 = arith.constant 0 : i32
    %dma_wait3A_62 = tpu.memref_slice %arg8[%add3A_60, %dma_wait3A_61] : memref<204800x64xf32, #tpu.memory_space<hbm>> -> memref<128x64xf32, #tpu.memory_space<hbm>>
    %dma_wait3A_63 = arith.constant 0 : i32
    %dma_wait3A_64 = tpu.memref_slice %arg8[%add3A_60, %dma_wait3A_63] : memref<204800x64xf32, #tpu.memory_space<hbm>> -> memref<128x64xf32, #tpu.memory_space<hbm>>
    tpu.wait_dma2 semaphore(%arg24 : memref<!tpu.dma_semaphore, #tpu.memory_space<semaphore_mem>>) src(%arg16 : memref<128x64xf32, #tpu.memory_space<vmem>>) dst(%dma_wait3A_64 : memref<128x64xf32, #tpu.memory_space<hbm>>)
    return
  }
}

module attributes {stable_mosaic.version = 14 : i64} {
  func.func @_combo_body(%arg0: memref<8x64xf32, #tpu.memory_space<vmem>>, %arg1: memref<2048x64xf32, #tpu.memory_space<vmem>>, %arg2: memref<16384x64xf32, #tpu.memory_space<vmem>>) attributes {dimension_semantics = [], scalar_prefetch = 0 : i64, scratch_operands = 0 : i64, tpu.core_type = #tpu.core_type<tc>} {
    %get3A = arith.constant 0 : index
    %get3A_0 = arith.constant 0 : index
    %get3A_1 = vector.load %arg1[%get3A, %get3A_0] : memref<2048x64xf32, #tpu.memory_space<vmem>>, vector<2048x64xf32>
    %get3A_2 = arith.constant 0 : index
    %get3A_3 = arith.constant 0 : index
    %get3A_4 = vector.load %arg0[%get3A_2, %get3A_3] : memref<8x64xf32, #tpu.memory_space<vmem>>, vector<1x64xf32>
    %add3A = vector.broadcast %get3A_4 : vector<1x64xf32> to vector<2048x64xf32>
    %add3A_5 = arith.addf %get3A_1, %add3A : vector<2048x64xf32>
    %swap3A = arith.constant 0 : index
    %swap3A_6 = arith.constant 0 : index
    %swap3A_7 = vector.load %arg2[%swap3A, %swap3A_6] : memref<16384x64xf32, #tpu.memory_space<vmem>>, vector<2048x64xf32>
    tpu.vector_store %arg2[%swap3A, %swap3A_6], %add3A_5 {strides = array<i32>} : memref<16384x64xf32, #tpu.memory_space<vmem>>, vector<2048x64xf32>,
    %get3A_8 = arith.constant 1 : index
    %get3A_9 = arith.constant 0 : index
    %get3A_10 = vector.load %arg0[%get3A_8, %get3A_9] : memref<8x64xf32, #tpu.memory_space<vmem>>, vector<1x64xf32>
    %add3A_11 = vector.broadcast %get3A_10 : vector<1x64xf32> to vector<2048x64xf32>
    %add3A_12 = arith.addf %get3A_1, %add3A_11 : vector<2048x64xf32>
    %swap3A_13 = arith.constant 2048 : index
    %swap3A_14 = arith.constant 0 : index
    %swap3A_15 = vector.load %arg2[%swap3A_13, %swap3A_14] : memref<16384x64xf32, #tpu.memory_space<vmem>>, vector<2048x64xf32>
    tpu.vector_store %arg2[%swap3A_13, %swap3A_14], %add3A_12 {strides = array<i32>} : memref<16384x64xf32, #tpu.memory_space<vmem>>, vector<2048x64xf32>,
    %get3A_16 = arith.constant 2 : index
    %get3A_17 = arith.constant 0 : index
    %get3A_18 = vector.load %arg0[%get3A_16, %get3A_17] : memref<8x64xf32, #tpu.memory_space<vmem>>, vector<1x64xf32>
    %add3A_19 = vector.broadcast %get3A_18 : vector<1x64xf32> to vector<2048x64xf32>
    %add3A_20 = arith.addf %get3A_1, %add3A_19 : vector<2048x64xf32>
    %swap3A_21 = arith.constant 4096 : index
    %swap3A_22 = arith.constant 0 : index
    %swap3A_23 = vector.load %arg2[%swap3A_21, %swap3A_22] : memref<16384x64xf32, #tpu.memory_space<vmem>>, vector<2048x64xf32>
    tpu.vector_store %arg2[%swap3A_21, %swap3A_22], %add3A_20 {strides = array<i32>} : memref<16384x64xf32, #tpu.memory_space<vmem>>, vector<2048x64xf32>,
    %get3A_24 = arith.constant 3 : index
    %get3A_25 = arith.constant 0 : index
    %get3A_26 = vector.load %arg0[%get3A_24, %get3A_25] : memref<8x64xf32, #tpu.memory_space<vmem>>, vector<1x64xf32>
    %add3A_27 = vector.broadcast %get3A_26 : vector<1x64xf32> to vector<2048x64xf32>
    %add3A_28 = arith.addf %get3A_1, %add3A_27 : vector<2048x64xf32>
    %swap3A_29 = arith.constant 6144 : index
    %swap3A_30 = arith.constant 0 : index
    %swap3A_31 = vector.load %arg2[%swap3A_29, %swap3A_30] : memref<16384x64xf32, #tpu.memory_space<vmem>>, vector<2048x64xf32>
    tpu.vector_store %arg2[%swap3A_29, %swap3A_30], %add3A_28 {strides = array<i32>} : memref<16384x64xf32, #tpu.memory_space<vmem>>, vector<2048x64xf32>,
    %get3A_32 = arith.constant 4 : index
    %get3A_33 = arith.constant 0 : index
    %get3A_34 = vector.load %arg0[%get3A_32, %get3A_33] : memref<8x64xf32, #tpu.memory_space<vmem>>, vector<1x64xf32>
    %add3A_35 = vector.broadcast %get3A_34 : vector<1x64xf32> to vector<2048x64xf32>
    %add3A_36 = arith.addf %get3A_1, %add3A_35 : vector<2048x64xf32>
    %swap3A_37 = arith.constant 8192 : index
    %swap3A_38 = arith.constant 0 : index
    %swap3A_39 = vector.load %arg2[%swap3A_37, %swap3A_38] : memref<16384x64xf32, #tpu.memory_space<vmem>>, vector<2048x64xf32>
    tpu.vector_store %arg2[%swap3A_37, %swap3A_38], %add3A_36 {strides = array<i32>} : memref<16384x64xf32, #tpu.memory_space<vmem>>, vector<2048x64xf32>,
    %get3A_40 = arith.constant 5 : index
    %get3A_41 = arith.constant 0 : index
    %get3A_42 = vector.load %arg0[%get3A_40, %get3A_41] : memref<8x64xf32, #tpu.memory_space<vmem>>, vector<1x64xf32>
    %add3A_43 = vector.broadcast %get3A_42 : vector<1x64xf32> to vector<2048x64xf32>
    %add3A_44 = arith.addf %get3A_1, %add3A_43 : vector<2048x64xf32>
    %swap3A_45 = arith.constant 10240 : index
    %swap3A_46 = arith.constant 0 : index
    %swap3A_47 = vector.load %arg2[%swap3A_45, %swap3A_46] : memref<16384x64xf32, #tpu.memory_space<vmem>>, vector<2048x64xf32>
    tpu.vector_store %arg2[%swap3A_45, %swap3A_46], %add3A_44 {strides = array<i32>} : memref<16384x64xf32, #tpu.memory_space<vmem>>, vector<2048x64xf32>,
    %get3A_48 = arith.constant 6 : index
    %get3A_49 = arith.constant 0 : index
    %get3A_50 = vector.load %arg0[%get3A_48, %get3A_49] : memref<8x64xf32, #tpu.memory_space<vmem>>, vector<1x64xf32>
    %add3A_51 = vector.broadcast %get3A_50 : vector<1x64xf32> to vector<2048x64xf32>
    %add3A_52 = arith.addf %get3A_1, %add3A_51 : vector<2048x64xf32>
    %swap3A_53 = arith.constant 12288 : index
    %swap3A_54 = arith.constant 0 : index
    %swap3A_55 = vector.load %arg2[%swap3A_53, %swap3A_54] : memref<16384x64xf32, #tpu.memory_space<vmem>>, vector<2048x64xf32>
    tpu.vector_store %arg2[%swap3A_53, %swap3A_54], %add3A_52 {strides = array<i32>} : memref<16384x64xf32, #tpu.memory_space<vmem>>, vector<2048x64xf32>,
    %get3A_56 = arith.constant 7 : index
    %get3A_57 = arith.constant 0 : index
    %get3A_58 = vector.load %arg0[%get3A_56, %get3A_57] : memref<8x64xf32, #tpu.memory_space<vmem>>, vector<1x64xf32>
    %add3A_59 = vector.broadcast %get3A_58 : vector<1x64xf32> to vector<2048x64xf32>
    %add3A_60 = arith.addf %get3A_1, %add3A_59 : vector<2048x64xf32>
    %swap3A_61 = arith.constant 14336 : index
    %swap3A_62 = arith.constant 0 : index
    %swap3A_63 = vector.load %arg2[%swap3A_61, %swap3A_62] : memref<16384x64xf32, #tpu.memory_space<vmem>>, vector<2048x64xf32>
    tpu.vector_store %arg2[%swap3A_61, %swap3A_62], %add3A_60 {strides = array<i32>} : memref<16384x64xf32, #tpu.memory_space<vmem>>, vector<2048x64xf32>,
    return
  }
}

</mosaic_0001>

<sc_bundles>
// kernel: kernel.4.cloned.1.call-start
scs
__scs_entry_jumppad:
0x0: {  	(pc) =	sbr.rel $0x88, $3  }
0x1: {  	(tag) =	ssettag $0x0;
	lr =	simm.s32 $0x1  }
0x2: {  	[smem:$0x3F99] =	sst lr;
	_ =	strace $0xD0000000  }
0x3: {  	_ = 	snop  }
0x4: {  	_ = 	snop  }
0x5: {  	_ = 	snop  }
0x6: {  	_ = 	snop  }
0x7: {  	_ = 	snop  }
__scs_overlays_trampoline_lowered:
0x8: {  	[smem:$0x3FA8] =	sst s0  }
0x9: {  	[smem:$0x3FA9] =	sst s1  }
0xa: {  	[smem:$0x3FAA] =	sst s2  }
0xb: {  	[smem:$0x3FAB] =	sst s3  }
0xc: {  	[smem:$0x3FAC] =	sst s4  }
0xd: {  	[smem:$0x3FAD] =	sst s5  }
0xe: {  	[smem:$0x3FAE] =	sst s6  }
0xf: {  	[smem:$0x3FAF] =	sst s7  }
0x10: {  	[smem:$0x3FB0] =	sst s8  }
0x11: {  	[smem:$0x3FB1] =	sst s9;
	s0 =	simm.s32 @!p0 $0x0  }
0x12: {  	s1 =	sld [smem:$0x3F97];
	s0 =	simm.s32 @p0 $0x1  }
0x13: {  	[smem:$0x3FB2] =	sst s0;
	s0 =	simm.s32 @!p1 $0x0  }
0x14: {  	s2 =	sld [smem:$0x3F96];
	s0 =	simm.s32 @p1 $0x1  }
0x15: {  	[smem:$0x3FB3] =	sst s0;
	s0 =	simm.s32 @!p2 $0x0  }
0x16: {  	s3 =	sld [smem:$0x3FDB];
	s0 =	simm.s32 @p2 $0x1  }
0x17: {  	s4 =	simm.s32 $0x1BF5;
	[smem:$0x3FB5] =	sst s0  }
0x18: {  	s0 =	sld [smem:$0x3F98];
	_ =	swait.ge [sflag:s4], $0x0  }
0x19: {  	s7 =	sld [smem:$0x3F99]  }
0x1a: {  	s8 =	sadd.s32 $0xFFFFE003, lr  }
0x1b: {  	s9 =	sadd.s32 $0xFFFFFEF7, lr;
	s5 =	simm.s32 $0xFFFFFFFF;
	p2 =	slt.u32 s8, $0xFFFFF086  }
0x1c: {  	p1 =	slt.u32 s9, $0xF7A;
	s5 =	simm.s32 @!p2 $0x0  }
0x1d: {  	s5 =	simm.s32 @p1 $0x1;
	p0 =	seq.s32 s7, s2  }
0x1e: {  	s7 =	smul.u32 @!p0 $0xF7A, s2;
	p2 =	seq.s32 @!p0 s5, $0x0  }
0x1f: {  	s9 =	smul.u32 $0xF7A, s1;
	s8 =	simm.s32 @!p0 $0x1BF5;
	p2 =	por !p2, p0  }
0x20: {  	[sflag:s8] =	ssyncset.s32 @!p0 $0xFFFFF086;
	s6 =	sadd.s32 @!p0 s3, s7;
	s7 =	simm.s32 @!p0 $0x108  }
0x21: {  	s3 =	sadd.s32 s3, s9;
	s6 =	sadd.s32 @!p0 $0x88, s6;
	s7 =	simm.s32 @p2 $0x1082  }
0x22: {  	[simem:s7], [sflag:s8] =	dma.local @!p0 [hbm:s6], $0xF7A  }
0x23: {  	s9 =	sor.u32 $0xD0000000, s2;
	s6 =	simm.s32 $0x108;
	_ =	swait.ge @!p0 [sflag:s8], $0x0  }
0x24: {  	s3 =	sadd.s32 $0x88, s3;
	s6 =	simm.s32 @!p1 $0x1082;
	[sflag:s4] =	ssyncset.s32 $0xFFFFF086  }
0x25: {  	[simem:s6], [sflag:s4] =	dma.local [hbm:s3], $0xF7A  }
0x26: {  	[smem:$0x3F99] =	sst s1;
	(tag) =	ssettag s2;
	_ =	strace s9  }
0x27: {  	s1 =	sld [smem:$0x3FA9]  }
0x28: {  	s2 =	sld [smem:$0x3FAA]  }
0x29: {  	s4 =	sld [smem:$0x3FAC]  }
0x2a: {  	p0 =	seq.s32 s5, $0x0;
	s5 =	sld [smem:$0x3FAD]  }
0x2b: {  	s6 =	sld [smem:$0x3FAE]  }
0x2c: {  	s7 =	sld [smem:$0x3FAF]  }
0x2d: {  	s3 =	simm.s32 $0x108;
	s8 =	sld [smem:$0x3FB0]  }
0x2e: {  	s3 =	simm.s32 @!p0 $0x1082;
	s9 =	sld [smem:$0x3FB1]  }
0x2f: {  	lr =	sadd.s32 s0, s3;
	s0 =	sld [smem:$0x3FA8]  }
0x30: {  	s3 =	sld [smem:$0x3FAB]  }
0x31: {  	[smem:$0x3FB4] =	sst s10  }
0x32: {  	s10 =	sld [smem:$0x3FB2];
	_ =	sdelay $0x3  }
0x33: {  	p0 =	seq.s32 s10, $0x1;
	s10 =	sld [smem:$0x3FB4];
	_ =	sdelay $0x3  }
0x34: {  	[smem:$0x3FB4] =	sst s10  }
0x35: {  	s10 =	sld [smem:$0x3FB3];
	_ =	sdelay $0x3  }
0x36: {  	p1 =	seq.s32 s10, $0x1;
	s10 =	sld [smem:$0x3FB4];
	_ =	sdelay $0x3  }
0x37: {  	[smem:$0x3FB4] =	sst s10  }
0x38: {  	s10 =	sld [smem:$0x3FB5]  }
0x39: {  	_ = 	snop;
	(pc) =	sbr.ind lr, $3  }
0x3a: {  	_ = 	snop  }
0x3b: {  	_ = 	snop  }
0x3c: {  	p2 =	seq.s32 s10, $0x1;
	s10 =	sld [smem:$0x3FB4]  }
0x3d: {  	_ =	shalt  }
0x3e: {  	_ =	shalt  }
0x3f: {  	_ =	shalt  }
0x40: {  	_ =	shalt  }
0x41: {  	_ =	shalt  }
0x42: {  	_ =	shalt  }
0x43: {  	_ =	shalt  }
0x44: {  	_ =	shalt  }
0x45: {  	_ =	shalt  }
0x46: {  	_ =	shalt  }
0x47: {  	_ =	shalt  }
0x48: {  	_ =	shalt  }
0x49: {  	_ =	shalt  }
0x4a: {  	_ =	shalt  }
0x4b: {  	_ =	shalt  }
0x4c: {  	_ =	shalt  }
0x4d: {  	_ =	shalt  }
0x4e: {  	_ =	shalt  }
0x4f: {  	_ =	shalt  }
0x50: {  	_ =	shalt  }
0x51: {  	_ =	shalt  }
0x52: {  	_ =	shalt  }
0x53: {  	_ =	shalt  }
0x54: {  	_ =	shalt  }
0x55: {  	_ =	shalt  }
0x56: {  	_ =	shalt  }
0x57: {  	_ =	shalt  }
0x58: {  	_ =	shalt  }
0x59: {  	_ =	shalt  }
0x5a: {  	_ =	shalt  }
0x5b: {  	_ =	shalt  }
0x5c: {  	_ =	shalt  }
0x5d: {  	_ =	shalt  }
0x5e: {  	_ =	shalt  }
0x5f: {  	_ =	shalt  }
0x60: {  	_ =	shalt  }
0x61: {  	_ =	shalt  }
0x62: {  	_ =	shalt  }
0x63: {  	_ =	shalt  }
0x64: {  	_ =	shalt  }
0x65: {  	_ =	shalt  }
0x66: {  	_ =	shalt  }
0x67: {  	_ =	shalt  }
0x68: {  	_ =	shalt  }
0x69: {  	_ =	shalt  }
0x6a: {  	_ =	shalt  }
0x6b: {  	_ =	shalt  }
0x6c: {  	_ =	shalt  }
0x6d: {  	_ =	shalt  }
0x6e: {  	_ =	shalt  }
0x6f: {  	_ =	shalt  }
0x70: {  	_ =	shalt  }
0x71: {  	_ =	shalt  }
0x72: {  	_ =	shalt  }
0x73: {  	_ =	shalt  }
0x74: {  	_ =	shalt  }
0x75: {  	_ =	shalt  }
0x76: {  	_ =	shalt  }
0x77: {  	_ =	shalt  }
0x78: {  	_ =	shalt  }
0x79: {  	_ =	shalt  }
0x7a: {  	_ =	shalt  }
0x7b: {  	_ =	shalt  }
0x7c: {  	_ =	shalt  }
0x7d: {  	_ =	shalt  }
0x7e: {  	_ =	shalt  }
0x7f: {  	_ =	shalt  }
0x80: {  	_ =	shalt  }
0x81: {  	_ =	shalt  }
0x82: {  	_ =	shalt  }
0x83: {  	_ =	shalt  }
0x84: {  	_ =	shalt  }
0x85: {  	_ =	shalt  }
0x86: {  	_ =	shalt  }
0x87: {  	_ =	shalt  }
.Lfunc_end0:
.L_simem_size_0:
called_computation.1_lowered:
.L_overlay_start_0:
0x88: {  	s2 =	sld [smem:$0x3FD9]  }
0x89: {  	s3 =	sld [smem:$0x3FFE];
	_ =	sdelay $0x1  }
0x8a: {  	s1 =	srdreg.scid  }
0x8b: {  	s0 =	sand.u32 $0x1, s1  }
0x8c: {  	s17 =	sshll.u32 s0, $0xA;
	s2 =	sadd.s32 s3, s2  }
0x8d: {  	s2 =	sadd.s32 s2, s17  }
0x8e: {  	[smem:$0x3FC0] =	sst s2  }
0x8f: {  	_ = 	snop  }
0x90: {  	s2 =	sld [smem:$0x3FC3]  }
0x91: {  	s18 =	sld [smem:$0x3FC2]  }
0x92: {  	s4 =	sld [smem:$0x3FD0];
	(tm) =	ssettm $0x1  }
0x93: {  	s5 =	sld [smem:$0x3FFB];
	_ =	sdelay $0x3  }
0x94: {  	_ =	strace s5  }
0x95: {  	s5 =	sld [smem:$0x3FFC];
	_ =	sdelay $0x3  }
0x96: {  	_ =	strace s5  }
0x97: {  	s5 =	sld [smem:$0x3FFD];
	_ =	sdelay $0x3  }
0x98: {  	_ =	strace s5  }
0x99: {  	_ =	strace $0x8FFFFFFF  }
0x9a: {  	s19 =	sld [smem:$0x3FDB];
	_ =	sdelay $0x1  }
0x9b: {  	s6 =	simm.s32 $_scs_section_size  }
0x9c: {  	s7 =	simm.s32 $_size__tile_overlayer_lowered;
	s8 =	simm.s32 $_tile_overlayer_lowered  }
0x9d: {  	s22 =	simm.s32 $0x1BFF;
	s21 =	sshll.u32 s8, $0x1;
	s5 =	sadd.s32 s6, s19  }
0x9e: {  	s9 =	simm.s32 $0x0;
	s20 =	sshll.u32 s7, $0x1;
	s7 =	sadd.s32 s21, s5  }
0x9f: {  	[timem:s9], [sflag:s22] =	dma.local [hbm:s7], s20  }
0xa0: {  	_ =	swait.ge [sflag:s22], s20  }
0xa1: {  	s6 =	ssub.s32 $0x0, s20;
	[sflag:s22] =	ssyncset.done $0x0  }
0xa2: {  	[sflag:s22] =	ssyncadd.s32 s6;
	_ =	sdelay $0x1  }
0xa3: {  	s23 =	simm.s32 $0x1B8B  }
0xa4: {  	_ =	swait.ge [sflag:s23], $0x1  }
0xa5: {  	[sflag:s23] =	ssyncset.done $0x0  }
0xa6: {  	s25 =	simm.s32 $0x1B8E;
	s24 =	sld [smem:$0x3FFE];
	[sflag:s23] =	ssyncadd.s32 $0xFFFFFFFF  }
0xa7: {  	s26 =	simm.s32 $execute0_lowered;
	[smem:$0x3FD2] =	sst s25  }
0xa8: {  	s7 =	sshll.u32 s26, $0x1;
	_ =	strace $0x80000046;
	[dreg:$0x1] =	wrdreg $0xFFFFFFFF  }
0xa9: {  	s28 =	simm.s32 $_size_execute0_lowered;
	s5 =	sadd.s32 s5, s7;
	[dreg:$0x0] =	wrdreg $0x0  }
0xaa: {  	s7 =	sshll.u32 s28, $0x1;
	[dreg:$0x2] =	wrdreg s5  }
0xab: {  	[dreg:$0x3] =	wrdreg s7  }
0xac: {  	[dreg:$0x4] =	wrdreg $0xC0  }
0xad: {  	_ =	task [dreg:s9], $0x5FFFF  }
0xae: {  	[dreg:$0x1] =	wrdreg $0xFFFFFFFF  }
0xaf: {  	[dreg:$0x0] =	wrdreg $0x60  }
0xb0: {  	[dreg:$0x2] =	wrdreg s24  }
0xb1: {  	[dreg:$0x3] =	wrdreg s2  }
0xb2: {  	[dreg:$0x4] =	wrdreg s18  }
0xb3: {  	[dreg:$0x5] =	wrdreg s4  }
0xb4: {  	[dreg:$0x6] =	wrdreg $0x9  }
0xb5: {  	_ =	task.clear_ibuf [dreg:s9], $0x7FFFF;
	_ =	strace $0x90000046  }
0xb6: {  	s29 =	simm.s32 $0x9;
	_ =	strace $0x80000048  }
0xb7: {  	_ =	swait.ge [sflag:s29], $0x1  }
0xb8: {  	[sflag:s29] =	ssyncadd.s32 $0xFFFFFFFF  }
0xb9: {  	_ =	strace $0x90000048  }
0xba: {  	_ =	sfence  }
0xbb: {  	s30 =	sld [smem:$0x0];
	_ =	sdelay $0x2  }
0xbc: {  	s31 =	sshll.u32 s1, $0xD;
	s1 =	sshrl.u32 s1, $0x2  }
0xbd: {  	s3 =	sand.u32 $0x4000, s31;
	s1 =	sadd.s32 s1, s30  }
0xbe: {  	s0 =	sor.u32 s3, s0;
	s1 =	sshll.u32 s1, $0x11  }
0xbf: {  	s0 =	sor.u32 s1, s0  }
0xc0: {  	s0 =	sadd.s32 $0x8F2B, s0  }
0xc1: {  	[sflag:s0] =	ssyncadd.remote.s32 $0x1  }
0xc2: {  	_ =	sfence.sel $0xFFFF  }
0xc3: {  	[dreg:$0x0] =	wrdreg $0xFFFFFFFF;
	(pc) =	sbr.abs _section_cstart, $3  }
0xc4: {  	[dreg:$0x1] =	wrdreg $0xFFFFFFFF  }
0xc5: {  	_ =	task.clear_ibuf [dreg:s9], $0x2FFFF;
	_ =	strace $0x9FFFFFFF  }
0xc6: {  	(tm) =	ssettm $0x7FFFFFFF  }
0xc7: {  	_ =	shalt  }
tec
execute0_lowered:
.L_overlay_start_1:
0x0: {  	(tag) =	ssettag $0x1  }
0x1: {  	s0 =	rddreg [dreg:$0x0];
	s1 =	srdreg.scid  }
0x2: {  	s2 =	stileid.u32;
	s4 =	rddreg [dreg:$0x3];
	s5 =	simm.s32 $0x0  }
0x3: {  	s14 =	simm.s32 $0x7;
	s16 =	simm.s32 $0x1900;
	s17 =	simm.s32 $0x80  }
0x4: {  	s19 =	simm.s32 $0x7200;
	s20 =	simm.s32 $0x5200;
	s21 =	simm.s32 $0x1980  }
0x5: {  	s22 =	simm.s32 $0x9200;
	s23 =	simm.s32 $0x1;
	s24 =	simm.s32 $0x3  }
0x6: {  	s25 =	simm.s32 $0xB200;
	s28 =	simm.s32 $0x4;
	s29 =	simm.s32 $0xD200  }
0x7: {  	s30 =	simm.s32 $0x5;
	s1 =	sand.u32 $0x1, s1;
	s2 =	sshll.u32 s2, $0x1  }
0x8: {  	s31 =	simm.s32 $0x6;
	[smem:$0x7FF] =	sst s5;
	s2 =	sor.u32 s1, s2  }
0x9: {  	s6 =	sadd.s32 $0xF43600, s0;
	s7 =	sadd.s32 $0x1200, s0;
	s3 =	smul.u32 $0x320, s2  }
0xa: {  	_ =	strace $0x80000047;
	s1 =	ssub.s32 $0x2, s1;
	s8 =	smul.u32 $0x64000, s2  }
0xb: {  	s26 =	sshrl.u32 s1, $0x1;
	s2 =	simm.s32 $0x0;
	s3 =	sadd.s32 s3, s0  }
0xc: {  	s0 =	ssub.s32 s1, s26;
	s11 =	sor.u32 $0x2000, s8;
	s26 =	simm.s32 $0x2  }
0xd: {  	v36 =	vimm.s32 $0xF;
	s9 =	sadd.s32 $0x27600, s3;
	s10 =	sadd.s32 $0x21200, s3;
	s12 =	smax.u32 s0, $0x1  }
.LBB2_1:
0xe: {  	s0 =	rddreg [dreg:$0x1];
	s1 =	simm.s32 $0xF200  }
0xf: {  	[tilespmem:s1], [sflag:$0x7] =	stream.linear.gather [hbm4b:s0+s5], $0x40, $0x38;
	[tilespmem:$0xF280] =	vst v63  }
0x10: {  	_ =	swait.ge [sflag:s14], $0x40  }
0x11: {  	[sflag:s14] =	ssyncset.done $0x0  }
0x12: {  	[sflag:s14] =	ssyncadd.s32 $0xFFFFFFC0  }
0x13: {  	s15 =	simm.s32 $0xF240;
	s13 =	rddreg [dreg:$0x2]  }
0x14: {  	[tilespmem:s15], [sflag:$0x7] =	stream.linear.gather [hbm4b:s13+s5], $0x40, $0x38;
	[tilespmem:$0xF280] =	vst v63  }
0x15: {  	_ =	swait.ge [sflag:s14], $0x40  }
0x16: {  	[sflag:s14] =	ssyncset.done $0x0  }
0x17: {  	[sflag:s14] =	ssyncadd.s32 $0xFFFFFFC0  }
0x18: {  	v41 =	vld [tilespmem:$0xF200]  }
0x19: {  	v42 =	vld [tilespmem:$0xF210]  }
0x1a: {  	v43 =	vld [tilespmem:$0xF220]  }
0x1b: {  	v48 =	vld [tilespmem:$0xF230]  }
0x1c: {  	v8 =	vld [tilespmem:$0xF240]  }
0x1d: {  	v6 =	vld [tilespmem:$0xF250]  }
0x1e: {  	v3 =	vld [tilespmem:$0xF260]  }
0x1f: {  	v1 =	vld [tilespmem:$0xF270];
	[tilespmem:s5], [sflag:$0x7] =	stream.linear.gather [hbm4b:s9+s5], $0x1900, $0x38  }
0x20: {  	_ =	swait.ge [sflag:s14], $0x1900  }
0x21: {  	[sflag:s14] =	ssyncset.done $0x0  }
0x22: {  	[sflag:s14] =	ssyncadd.s32 $0xFFFFE700  }
0x23: {  	[tilespmem:s16], [sflag:$0x7] =	stream.linear.gather [hbm4b:s10+s5], $0x1900, $0x38;
	[tilespmem:$0xF280] =	vst v63  }
0x24: {  	_ =	swait.ge [sflag:s14], $0x1900  }
0x25: {  	[tilespmem:$0x1FF80] =	vst v41  }
0x26: {  	[tilespmem:$0x1FF90] =	vst v42  }
0x27: {  	[tilespmem:$0x1FFA0] =	vst v43  }
0x28: {  	[sflag:s14] =	ssyncset.done $0x0;
	[tilespmem:$0x1FFB0] =	vst v48  }
0x29: {  	s18 =	simm.s32 $0x3200;
	[tilespmem:$0x1FFC0] =	vst v8;
	[sflag:s14] =	ssyncadd.s32 $0xFFFFE700  }
0x2a: {  	[tilespmem:s18], [sflag:$0x1] =	stream.indirect.gather [hbm4b:s6+s17], $0x40, s5, s17, $0xb8;
	[tilespmem:$0xF280] =	vst v63  }
0x2b: {  	[tilespmem:$0x1FFD0] =	vst v6  }
0x2c: {  	[tilespmem:s19], [sflag:$0x3] =	stream.indirect.gather [hbm4b:s7+s17], $0x40, s16, s17, $0xb8;
	[tilespmem:$0xF280] =	vst v63  }
0x2d: {  	[tilespmem:$0x1FFE0] =	vst v3  }
0x2e: {  	[tilespmem:s20], [sflag:$0x2] =	stream.indirect.gather [hbm4b:s6+s17], $0x40, s17, s17, $0xb8;
	[tilespmem:$0xF280] =	vst v63  }
0x2f: {  	s0 =	simm.s32 $0x0;
	[tilespmem:$0x1FFF0] =	vst v1  }
0x30: {  	[tilespmem:s22], [sflag:$0x4] =	stream.indirect.gather [hbm4b:s7+s17], $0x40, s21, s17, $0xb8;
	[tilespmem:$0xF280] =	vst v63  }
.LBB2_2:
0x31: {  	_ =	swait.ge [sflag:s23], $0x2000  }
0x32: {  	[sflag:s23] =	ssyncset.done $0x0  }
0x33: {  	[sflag:s23] =	ssyncadd.s32 $0xFFFFE000  }
0x34: {  	_ =	swait.ge [sflag:s24], $0x2000  }
0x35: {  	p0 =	seq.s32 s0, $0x0;
	[sflag:s24] =	ssyncset.done $0x0  }
0x36: {  	s3 =	simm.s32 @!p0 $0x5;
	[sflag:s24] =	ssyncadd.s32 $0xFFFFE000  }
0x37: {  	_ =	swait.ge @!p0 [sflag:s3], $0x2000  }
0x38: {  	[sflag:s3] =	ssyncset.done @!p0 $0x0  }
0x39: {  	s1 =	sshll.u32 s0, $0xE;
	[sflag:s3] =	ssyncadd.s32 @!p0 $0xFFFFE000;
	s3 =	simm.s32 $0x0  }
.LBB2_3:
0x3a: {  	s13 =	sshra.s32 s3, $0x2  }
0x3b: {  	v0 =	vld [tilespmem:s13+$0x3200]  }
0x3c: {  	v9 =	vld [tilespmem:s13+$0x7200]  }
0x3d: {  	v10 =	vld [tilespmem:s13+$0x3210]  }
0x3e: {  	v11 =	vld [tilespmem:s13+$0x7210]  }
0x3f: {  	v12 =	vld [tilespmem:s13+$0x3220]  }
0x40: {  	v13 =	vld [tilespmem:s13+$0x7220]  }
0x41: {  	v15 =	vld [tilespmem:s13+$0x3230]  }
0x42: {  	v16 =	vld [tilespmem:s13+$0x7230]  }
0x43: {  	v17 =	vld [tilespmem:s13+$0x3240]  }
0x44: {  	v35 =	vld [tilespmem:s13+$0x7240]  }
0x45: {  	v37 =	vld [tilespmem:s13+$0x3250]  }
0x46: {  	v38 =	vld [tilespmem:s13+$0x7250];
	v25 =	vadd.f32 v9, v0;
	v18 =	vadd.f32 v11, v10  }
0x47: {  	v19 =	vld [tilespmem:s13+$0x3260];
	v14 =	vadd.f32 v13, v12;
	v0 =	vadd.f32 v16, v15  }
0x48: {  	v23 =	vld [tilespmem:s13+$0x7260];
	v39 =	vmul.f32 v25, v25;
	v40 =	vmul.f32 v18, v18  }
0x49: {  	v44 =	vld [tilespmem:s13+$0x3270];
	v20 =	vmul.f32 v14, v14;
	v22 =	vmul.f32 v0, v0  }
0x4a: {  	v46 =	vld [tilespmem:s13+$0x7270];
	v10 =	vadd.f32 v18, v25;
	v13 =	vadd.f32 v0, v14  }
0x4b: {  	v15 =	vadd.f32 v40, v39;
	v45 =	vadd.f32 v22, v20  }
0x4c: {  	v10 =	vadd.f32 v13, v10  }
0x4d: {  	v56 =	vld [tilespmem:s13+$0x3280];
	v9 =	vadd.f32 v38, v37;
	v15 =	vadd.f32 v45, v15  }
0x4e: {  	v57 =	vld [tilespmem:s13+$0x7280];
	v16 =	vadd.f32 v23, v19;
	(xrf2) =	vadd.scan.msk.f32 $0xffff, v10;
	v10 =	vadd.f32 v35, v17  }
0x4f: {  	v58 =	vld [tilespmem:s13+$0x3290];
	v12 =	vmul.f32 v9, v9;
	(xrf2) =	vadd.scan.msk.f32 $0xffff, v15;
	v15 =	vadd.f32 v46, v44  }
0x50: {  	v60 =	vld [tilespmem:s13+$0x7290];
	v49 =	vmul.f32 v16, v16;
	v47 =	vmul.f32 v10, v10  }
0x51: {  	v61 =	vld [tilespmem:s13+$0x32A0];
	v51 =	vadd.f32 v9, v10;
	v50 =	vmul.f32 v15, v15;
	v20 =	vadd.f32 v15, v16  }
0x52: {  	v24 =	vld [tilespmem:s13+$0x32B0];
	v11 =	vadd.f32 v12, v47  }
0x53: {  	v27 =	vld [tilespmem:s13+$0x72B0];
	v52 =	vadd.f32 v50, v49;
	v53 =	vadd.f32 v20, v51  }
0x54: {  	v32 =	vld [tilespmem:s13+$0x32D0]  }
0x55: {  	v3 =	vld [tilespmem:s13+$0x72D0];
	v11 =	vadd.f32 v52, v11;
	(xrf2) =	vadd.scan.msk.f32 $0xffff, v53  }
0x56: {  	v62 =	vld [tilespmem:s13+$0x72A0]  }
0x57: {  	v6 =	vld [tilespmem:s13+$0x32E0];
	(xrf2) =	vadd.scan.msk.f32 $0xffff, v11  }
0x58: {  	v37 =	vld [tilespmem:s13+$0x72E0];
	v54, _, _ =	vpop (xrf2)  }
0x59: {  	v40 =	vld [tilespmem:s13+$0x32F0];
	v12 =	vperm.xlane v54, v36  }
0x5a: {  	v19 =	vadd.f32 v27, v24;
	v23 =	vadd.f32 v3, v32;
	v44 =	vld [tilespmem:s13+$0x72F0];
	v55, _, _ =	vpop (xrf2)  }
0x5b: {  	v17 =	vadd.f32 v57, v56;
	v11 =	vperm.xlane v55, v36;
	v26 =	vmul.f32 $1.562500000e-02, v12  }
0x5c: {  	v39 =	vmul.f32 v19, v19;
	v20 =	vadd.f32 v62, v61;
	v12 =	vadd.f32 v60, v58  }
0x5d: {  	v22 =	vadd.f32 v37, v6;
	v11 =	vmul.f32 $1.562500000e-02, v11;
	v59 =	vmul.f32 v26, v26  }
0x5e: {  	v35 =	vmul.f32 v17, v17;
	v34 =	vadd.f32 v19, v20;
	v5 =	vadd.f32 v12, v17  }
0x5f: {  	v24 =	vadd.f32 v44, v40;
	v38 =	vmul.f32 v20, v20;
	v11 =	vsub.f32 v11, v59;
	v63, _, _ =	vpop (xrf2)  }
0x60: {  	v53 =	vmul.f32 v22, v22;
	v8 =	vadd.f32 v34, v5;
	v13 =	vperm.xlane v63, v36  }
0x61: {  	v54 =	vmul.f32 v24, v24;
	v7 =	vmul.f32 v12, v12;
	v11 =	vadd.f32 $9.999999740e-06, v11;
	v29, _, _ =	vpop (xrf2)  }
0x62: {  	v46 =	vadd.f32 v39, v38;
	(xrf2) =	vadd.scan.msk.f32 $0xffff, v8;
	v1 =	vperm.xlane v29, v36;
	v13 =	vmul.f32 $1.562500000e-02, v13  }
0x63: {  	v45 =	vadd.f32 v7, v35;
	v28 =	vshra.s32 v11, $0x1;
	v31 =	vmul.f32 $5.000000000e-01, v11  }
0x64: {  	v30 =	vld [tilespmem:s13+$0x32C0];
	v28 =	vsub.s32 $0x5F3759DF, v28;
	v11 =	vmul.f32 $1.562500000e-02, v1;
	v4 =	vmul.f32 v13, v13  }
0x65: {  	v2 =	vld [tilespmem:s13+$0x72C0];
	v56 =	vadd.f32 v24, v22;
	v58 =	vadd.f32 v54, v53;
	v33 =	vmul.f32 v28, v31  }
0x66: {  	v34 =	vadd.f32 v46, v45;
	v11 =	vsub.f32 v11, v4  }
0x67: {  	v25 =	vsub.f32 v25, v26;
	v18 =	vsub.f32 v18, v26;
	v33 =	vmul.f32 v28, v33  }
0x68: {  	v38 =	vsub.f32 v14, v26;
	(xrf2) =	vadd.scan.msk.f32 $0xffff, v34;
	v47 =	vadd.f32 $9.999999740e-06, v11  }
0x69: {  	v51 =	vmul.f32 v23, v23;
	v0 =	vsub.f32 v0, v26;
	v33 =	vsub.f32 $1.500000000e+00, v33  }
0x6a: {  	v11 =	vadd.f32 v2, v30;
	v49 =	vmul.f32 $5.000000000e-01, v47;
	v52 =	vshra.s32 v47, $0x1  }
0x6b: {  	v1 =	vimm.s32 $0xF;
	v28 =	vmul.f32 v28, v33;
	v32 =	vsub.s32 $0x5F3759DF, v52  }
0x6c: {  	v50 =	vmul.f32 v11, v11;
	v55 =	vadd.f32 v23, v11;
	v63, _, _ =	vpop (xrf2);
	v57 =	vmul.f32 v32, v49  }
0x6d: {  	v10 =	vsub.f32 v10, v13;
	v4 =	vperm.xlane v63, v1;
	v31 =	vmul.f32 v28, v31  }
0x6e: {  	v27 =	vadd.f32 v51, v50;
	v59 =	vadd.f32 v56, v55;
	v60 =	vmul.f32 v32, v57  }
0x6f: {  	v54 =	vld [tilespmem:s13+$0x7330];
	v9 =	vsub.f32 v9, v13;
	v16 =	vsub.f32 v16, v13;
	v61 =	vmul.f32 v31, v28  }
0x70: {  	v47 =	vld [tilespmem:s13+$0x3320];
	v33 =	vmul.f32 $1.562500000e-02, v4;
	v27 =	vadd.f32 v58, v27;
	(xrf2) =	vadd.scan.msk.f32 $0xffff, v59;
	v62 =	vsub.f32 $1.500000000e+00, v60  }
0x71: {  	v8 =	vimm.s32 $0xF;
	v13 =	vsub.f32 v15, v13;
	v52 =	vld [tilespmem:s13+$0x3330];
	v30 =	vsub.f32 $1.500000000e+00, v61  }
0x72: {  	v63 =	vimm.s32 $0xF;
	v6, _, _ =	vpop (xrf2);
	v50 =	vld [tilespmem:s13+$0x7320];
	v46 =	vmul.f32 v33, v33;
	(xrf2) =	vadd.scan.msk.f32 $0xffff, v27;
	v31 =	vmul.f32 v32, v62  }
0x73: {  	v17 =	vsub.f32 v17, v33;
	v32 =	vperm.xlane v6, v8;
	v30 =	vmul.f32 v30, v28  }
0x74: {  	v21 =	vld [tilespmem:s13+$0x3310];
	v12 =	vsub.f32 v12, v33;
	v20 =	vsub.f32 v20, v33;
	v44 =	vmul.f32 v31, v49  }
0x75: {  	v45 =	vld [tilespmem:s13+$0x7310];
	v60 =	vimm.s32 $0xF;
	v32 =	vmul.f32 $1.562500000e-02, v32;
	v49 =	vmul.f32 v30, v41  }
0x76: {  	v26 =	vadd.f32 v54, v52;
	v51 =	vmul.f32 v30, v42;
	v59 =	vmul.f32 v30, v43  }
0x77: {  	v5 =	vld [tilespmem:s13+$0x3300];
	v27 =	vadd.f32 v50, v47;
	v30 =	vmul.f32 v30, v48;
	v28 =	vmul.f32 v44, v31  }
0x78: {  	v7 =	vld [tilespmem:s13+$0x7300];
	v32 =	vsub.f32 v32, v46;
	v53 =	vmul.f32 v49, v25;
	v55 =	vmul.f32 v51, v18  }
0x79: {  	v43 =	vld [tilespmem:s13+$0x3350];
	v44 =	vmul.f32 v27, v27;
	v0 =	vmul.f32 v30, v0;
	v56 =	vsub.f32 $1.500000000e+00, v28  }
0x7a: {  	v46 =	vld [tilespmem:s13+$0x7350];
	v57 =	vadd.f32 $9.999999740e-06, v32;
	v58, _, _ =	vpop (xrf2);
	v28 =	vadd.f32 v45, v21;
	v45 =	vmul.f32 v26, v26  }
0x7b: {  	v37 =	vld [tilespmem:s13+$0x7340];
	v19 =	vsub.f32 v19, v33;
	v25 =	vperm.xlane v58, v60;
	v40 =	vmul.f32 v56, v31  }
0x7c: {  	v52 =	vld [tilespmem:$0x1FF80];
	v39 =	vadd.f32 v26, v27;
	v61, _, _ =	vpop (xrf2);
	v18 =	vmul.f32 $5.000000000e-01, v57;
	v6 =	vmul.f32 v28, v28  }
0x7d: {  	[tilespmem:$0x1FE20] =	vst v55;
	v55 =	vld [tilespmem:s13+$0x3370];
	v62 =	vshra.s32 v57, $0x1;
	v56 =	vmul.f32 v59, v38;
	v1 =	vperm.xlane v61, v63  }
0x7e: {  	v59 =	vld [tilespmem:s13+$0x7370];
	v14 =	vmul.f32 $1.562500000e-02, v25;
	v25 =	vadd.f32 v7, v5;
	v31 =	vsub.s32 $0x5F3759DF, v62  }
0x7f: {  	v29 =	vld [tilespmem:s13+$0x3340];
	v50 =	vadd.f32 v45, v44;
	v30 =	vadd.f32 v46, v43;
	v47 =	vmul.f32 v31, v18  }
0x80: {  	v51 =	vld [tilespmem:s13+$0x7360];
	v2 =	vmul.f32 $1.562500000e-02, v1;
	v3 =	vmul.f32 v14, v14;
	v4 =	vadd.f32 v28, v25  }
0x81: {  	[tilespmem:$0x1FE10] =	vst v53;
	v21 =	vld [tilespmem:s13+$0x3360];
	v53 =	vmul.f32 v40, v52;
	v5 =	vmul.f32 v25, v25;
	v11 =	vsub.f32 v11, v14  }
0x82: {  	v54 =	vmul.f32 v31, v47;
	v34 =	vsub.f32 v2, v3;
	v7 =	vadd.f32 v39, v4;
	v4 =	vld [tilespmem:$0x1FF90]  }
0x83: {  	v46 =	vmul.f32 v30, v30;
	v49 =	vadd.f32 v6, v5;
	v32 =	vadd.f32 v59, v55  }
0x84: {  	v23 =	vsub.f32 v23, v14;
	v60 =	vmul.f32 v53, v10;
	v61 =	vsub.f32 $1.500000000e+00, v54;
	(xrf2) =	vadd.scan.msk.f32 $0xffff, v7  }
0x85: {  	v57 =	vadd.f32 $9.999999740e-06, v34;
	v58 =	vadd.f32 v50, v49;
	v49 =	vmul.f32 v32, v32  }
0x86: {  	[tilespmem:$0x1FE40] =	vst v0;
	v50 =	vld [tilespmem:$0x1FFA0];
	v0 =	vmul.f32 v31, v61;
	v31 =	vadd.f32 v37, v29;
	v29 =	vadd.f32 v51, v21  }
0x87: {  	v62 =	vshra.s32 v57, $0x1;
	v63 =	vmul.f32 $5.000000000e-01, v57;
	(xrf2) =	vadd.scan.msk.f32 $0xffff, v58;
	v5 =	vmul.f32 v40, v4  }
0x88: {  	v10 =	vsub.s32 $0x5F3759DF, v62;
	v7 =	vmul.f32 v0, v18;
	v45 =	vmul.f32 v31, v31  }
0x89: {  	[tilespmem:$0x1FE50] =	vst v60;
	v60 =	vld [tilespmem:s13+$0x7390];
	v21 =	vadd.f32 v30, v31;
	v47 =	vmul.f32 v29, v29;
	v6 =	vmul.f32 v10, v63  }
0x8a: {  	v61 =	vld [tilespmem:$0x1FF80];
	v35 =	vadd.f32 v32, v29;
	v1 =	vmul.f32 v5, v9;
	v9 =	vmul.f32 v7, v0  }
0x8b: {  	v54 =	vimm.s32 $0xF;
	v4 =	vld [tilespmem:$0x1FF90];
	v51 =	vmul.f32 v40, v50;
	v8 =	vmul.f32 v10, v6  }
0x8c: {  	v37 =	vld [tilespmem:s13+$0x3390];
	v34 =	vadd.f32 v35, v21;
	v40 =	vmul.f32 v40, v48;
	v9 =	vsub.f32 $1.500000000e+00, v9  }
0x8d: {  	v36 =	vadd.f32 v46, v45;
	v7 =	vld [tilespmem:s13+$0x73A0];
	v15 =	vmul.f32 v51, v16;
	v18 =	vsub.f32 $1.500000000e+00, v8  }
0x8e: {  	v53 =	vadd.f32 v49, v47;
	v50 =	vld [tilespmem:s13+$0x33B0];
	v49 =	vmul.f32 v40, v13;
	v0 =	vmul.f32 v9, v0;
	v52, _, _ =	vpop (xrf2)  }
0x8f: {  	v22 =	vsub.f32 v22, v14;
	v41 =	vmul.f32 v10, v18;
	(xrf2) =	vadd.scan.msk.f32 $0xffff, v34;
	v34 =	vld [tilespmem:s13+$0x3380];
	v35 =	vperm.xlane v52, v54  }
0x90: {  	[tilespmem:$0x1FE30] =	vst v56;
	v56 =	vadd.f32 v53, v36;
	v62 =	vmul.f32 v0, v61;
	v5 =	vmul.f32 v0, v4;
	v54 =	vld [tilespmem:s13+$0x73B0]  }
0x91: {  	v57 =	vimm.s32 $0xF;
	v55, _, _ =	vpop (xrf2);
	v58 =	vmul.f32 v41, v63;
	v38 =	vmul.f32 $1.562500000e-02, v35;
	v35 =	vld [tilespmem:s13+$0x7380]  }
0x92: {  	v24 =	vsub.f32 v24, v14;
	v42 =	vmul.f32 v0, v48;
	(xrf2) =	vadd.scan.msk.f32 $0xffff, v56;
	v63 =	vld [tilespmem:s13+$0x33A0];
	v10 =	vperm.xlane v55, v57  }
0x93: {  	v18 =	vimm.s32 $0xF;
	v51 =	vmul.f32 v62, v17;
	v55 =	vld [tilespmem:$0x1FFA0];
	v9 =	vmul.f32 v58, v41  }
0x94: {  	v10 =	vmul.f32 $1.562500000e-02, v10;
	v59 =	vmul.f32 v38, v38;
	v16 =	vsub.f32 v25, v38  }
0x95: {  	v52 =	vmul.f32 v5, v12;
	v9 =	vsub.f32 $1.500000000e+00, v9;
	v33 =	vadd.f32 v54, v50  }
0x96: {  	v62 =	vimm.s32 $0xF;
	v6 =	vsub.f32 v10, v59;
	v36 =	vadd.f32 v35, v34  }
0x97: {  	v45 =	vld [tilespmem:s13+$0x33C0];
	v59 =	vimm.s32 $0xF;
	v34 =	vadd.f32 v60, v37;
	v35 =	vadd.f32 v7, v63  }
0x98: {  	v47 =	vld [tilespmem:s13+$0x7400];
	v40 =	vmul.f32 v0, v55;
	v41 =	vmul.f32 v9, v41;
	v53 =	vadd.f32 $9.999999740e-06, v6  }
0x99: {  	[tilespmem:$0x1FE70] =	vst v49;
	v49 =	vld [tilespmem:s13+$0x73C0];
	v54 =	vmul.f32 v33, v33;
	v4 =	vadd.f32 v34, v36;
	v5 =	vadd.f32 v33, v35  }
0x9a: {  	v57 =	vld [tilespmem:$0x1FF80];
	v58, _, _ =	vpop (xrf2);
	v6 =	vmul.f32 v36, v36;
	v56 =	vshra.s32 v53, $0x1;
	v12 =	vmul.f32 $5.000000000e-01, v53  }
0x9b: {  	v37 =	vld [tilespmem:s13+$0x33D0];
	v7 =	vmul.f32 v34, v34;
	v0 =	vperm.xlane v58, v59;
	v46 =	vsub.s32 $0x5F3759DF, v56  }
0x9c: {  	v21 =	vmul.f32 v35, v35;
	v61, _, _ =	vpop (xrf2);
	v17 =	vadd.f32 v5, v4;
	v5 =	vld [tilespmem:$0x1FF90];
	v60 =	vmul.f32 v46, v12  }
0x9d: {  	v28 =	vsub.f32 v28, v38;
	v56 =	vld [tilespmem:s13+$0x73D0];
	v63 =	vperm.xlane v61, v62;
	v0 =	vmul.f32 $1.562500000e-02, v0  }
0x9e: {  	v58 =	vmul.f32 v42, v19;
	v19 =	vld [tilespmem:s13+$0x33F0];
	v39 =	vadd.f32 v7, v6;
	v50 =	vmul.f32 v46, v60  }
0x9f: {  	[tilespmem:$0x1FE80] =	vst v51;
	v55 =	vadd.f32 v54, v21;
	v4 =	vld [tilespmem:s13+$0x73E0];
	v13 =	vmul.f32 $1.562500000e-02, v63;
	v51 =	vmul.f32 v0, v0  }
0xa0: {  	v27 =	vsub.f32 v27, v38;
	v44 =	vmul.f32 v41, v57;
	(xrf2) =	vadd.scan.msk.f32 $0xffff, v17;
	v60 =	vld [tilespmem:s13+$0x33E0];
	v59 =	vsub.f32 $1.500000000e+00, v50  }
0xa1: {  	v63 =	vadd.f32 v55, v39;
	v62 =	vsub.f32 v13, v51;
	v6 =	vmul.f32 v41, v5;
	v50 =	vld [tilespmem:s13+$0x73F0]  }
0xa2: {  	v13 =	vadd.f32 v49, v45;
	v37 =	vadd.f32 v56, v37;
	v56 =	vld [tilespmem:$0x1FFB0];
	v7 =	vmul.f32 v46, v59  }
0xa3: {  	v57 =	vmul.f32 v40, v20;
	[tilespmem:$0x1FEB0] =	vst v58;
	v61 =	vmul.f32 v44, v11;
	v46 =	vld [tilespmem:$0x1FFA0];
	v11 =	vadd.f32 $9.999999740e-06, v62  }
0xa4: {  	v44 =	vld [tilespmem:s13+$0x3400];
	(xrf2) =	vadd.scan.msk.f32 $0xffff, v63;
	v51 =	vmul.f32 v6, v23;
	v58 =	vadd.f32 v37, v13;
	v12 =	vmul.f32 v7, v12  }
0xa5: {  	[tilespmem:$0x1FE90] =	vst v52;
	v45 =	vmul.f32 v13, v13;
	v52 =	vshra.s32 v11, $0x1;
	v11 =	vmul.f32 $5.000000000e-01, v11  }
0xa6: {  	v54 =	vsub.s32 $0x5F3759DF, v52;
	v40 =	vadd.f32 v50, v19;
	v53 =	vmul.f32 v12, v7  }
0xa7: {  	v55 =	vmul.f32 v54, v11;
	v12 =	vadd.f32 v4, v60;
	v60 =	vmul.f32 v37, v37  }
0xa8: {  	v4 =	vimm.s32 $0xF;
	v48 =	vmul.f32 v41, v46;
	v41 =	vmul.f32 v41, v56  }
0xa9: {  	[tilespmem:$0x1FEA0] =	vst v57;
	v21 =	vld [tilespmem:$0x1FF80];
	v63 =	vmul.f32 v40, v40;
	v46 =	vadd.f32 v47, v44;
	v14 =	vsub.f32 $1.500000000e+00, v53  }
0xaa: {  	[tilespmem:$0x1FEC0] =	vst v61;
	v61, _, _ =	vpop (xrf2);
	v57 =	vmul.f32 v54, v55;
	v59 =	vadd.f32 v40, v12;
	v62 =	vmul.f32 v12, v12  }
0xab: {  	v20 =	vld [tilespmem:s13+$0x3410];
	v5 =	vperm.xlane v61, v4;
	v45 =	vadd.f32 v60, v45;
	v23 =	vmul.f32 v48, v22  }
0xac: {  	v60 =	vld [tilespmem:s13+$0x7420];
	v25 =	vmul.f32 v46, v46;
	v17 =	vsub.f32 $1.500000000e+00, v57;
	v43 =	vmul.f32 v14, v7  }
0xad: {  	v42 =	vadd.f32 v59, v58;
	v7 =	vadd.f32 v63, v62;
	v14 =	vmul.f32 $1.562500000e-02, v5;
	v5 =	vld [tilespmem:$0x1FFA0]  }
0xae: {  	v38 =	vsub.f32 v26, v38;
	v61 =	vld [tilespmem:$0x1FF90];
	v6, _, _ =	vpop (xrf2);
	v17 =	vmul.f32 v54, v17;
	v22 =	vmul.f32 v43, v21  }
0xaf: {  	v57 =	vld [tilespmem:s13+$0x3420];
	v58 =	vmul.f32 v41, v24;
	v19 =	vperm.xlane v6, v18;
	(xrf2) =	vadd.scan.msk.f32 $0xffff, v42;
	v45 =	vadd.f32 v7, v45  }
0xb0: {  	v31 =	vsub.f32 v31, v0;
	v11 =	vmul.f32 v17, v11;
	v59 =	vmul.f32 v22, v16;
	v16 =	vld [tilespmem:$0x1FFB0]  }
0xb1: {  	v30 =	vsub.f32 v30, v0;
	v4 =	vld [tilespmem:s13+$0x3430];
	v56 =	vmul.f32 v14, v14;
	v55 =	vmul.f32 $1.562500000e-02, v19;
	(xrf2) =	vadd.scan.msk.f32 $0xffff, v45  }
0xb2: {  	v32 =	vsub.f32 v32, v0;
	v54 =	vld [tilespmem:s13+$0x7410];
	v6 =	vmul.f32 v43, v5;
	v11 =	vmul.f32 v11, v17  }
0xb3: {  	v7 =	vld [tilespmem:s13+$0x7430];
	v36 =	vsub.f32 v36, v14;
	v62 =	vmul.f32 v43, v61;
	v63 =	vsub.f32 v55, v56  }
0xb4: {  	v44 =	vadd.f32 v60, v57;
	v26 =	vmul.f32 v6, v27;
	v6 =	vld [tilespmem:$0x1FF80];
	v11 =	vsub.f32 $1.500000000e+00, v11  }
0xb5: {  	v47 =	vld [tilespmem:s13+$0x3440];
	v18 =	vmul.f32 v62, v28;
	v45 =	vadd.f32 $9.999999740e-06, v63;
	v43 =	vmul.f32 v43, v16  }
0xb6: {  	v61 =	vimm.s32 $0xF;
	v60 =	vld [tilespmem:s13+$0x7440];
	v53 =	vmul.f32 v44, v44;
	v17 =	vmul.f32 v11, v17  }
0xb7: {  	v5 =	vld [tilespmem:s13+$0x3460];
	v19 =	vshra.s32 v45, $0x1;
	v28 =	vmul.f32 v43, v38;
	v38 =	vmul.f32 $5.000000000e-01, v45  }
0xb8: {  	v16 =	vld [tilespmem:s13+$0x7460];
	v11 =	vsub.s32 $0x5F3759DF, v19;
	v45 =	vadd.f32 v54, v20;
	v43 =	vadd.f32 v7, v4  }
0xb9: {  	v22 =	vimm.s32 $0xF;
	v19 =	vld [tilespmem:$0x1FF90];
	v20, _, _ =	vpop (xrf2);
	v7 =	vmul.f32 v17, v6;
	v21 =	vmul.f32 v11, v38  }
0xba: {  	[tilespmem:$0x1FEE0] =	vst v58;
	v58 =	vld [tilespmem:s13+$0x7470];
	v39 =	vperm.xlane v20, v22;
	v24 =	vadd.f32 v45, v46;
	v48 =	vadd.f32 v43, v44  }
0xbb: {  	[tilespmem:$0x1FF00] =	vst v18;
	v18 =	vld [tilespmem:s13+$0x3470];
	v49 =	vadd.f32 v60, v47;
	v27 =	vmul.f32 v45, v45;
	v54 =	vmul.f32 v43, v43;
	v52, _, _ =	vpop (xrf2)  }
0xbc: {  	v41 =	vmul.f32 v11, v21;
	v52 =	vperm.xlane v52, v61;
	v42 =	vadd.f32 v48, v24  }
0xbd: {  	v22 =	vld [tilespmem:$0x1FFA0];
	v56 =	vmul.f32 $1.562500000e-02, v39;
	v63 =	vadd.f32 v27, v25;
	v4 =	vadd.f32 v54, v53  }
0xbe: {  	v55 =	vld [tilespmem:s13+$0x3450];
	v47 =	vadd.f32 v16, v5;
	v20 =	vmul.f32 v17, v19;
	v41 =	vsub.f32 $1.500000000e+00, v41  }
0xbf: {  	v62 =	vld [tilespmem:s13+$0x7450];
	v52 =	vmul.f32 $1.562500000e-02, v52;
	v57 =	vmul.f32 v56, v56;
	v39 =	vadd.f32 v4, v63;
	(xrf2) =	vadd.scan.msk.f32 $0xffff, v42  }
0xc0: {  	v21 =	vsub.f32 v29, v0;
	v25 =	vmul.f32 v7, v31;
	v48 =	vadd.f32 v58, v18  }
0xc1: {  	v50 =	vmul.f32 v47, v47;
	v41 =	vmul.f32 v11, v41;
	v52 =	vsub.f32 v52, v57;
	(xrf2) =	vadd.scan.msk.f32 $0xffff, v39  }
0xc2: {  	v7 =	vimm.s32 $0xF;
	v31 =	vmul.f32 v20, v30;
	v24 =	vmul.f32 v17, v22  }
0xc3: {  	v6 =	vld [tilespmem:$0x1FFB0];
	v30 =	vmul.f32 v49, v49;
	v38 =	vmul.f32 v41, v38;
	v29 =	vadd.f32 $9.999999740e-06, v52  }
0xc4: {  	v61 =	vmul.f32 v48, v48;
	v11 =	vadd.f32 v62, v55;
	v27 =	vmul.f32 v24, v21  }
0xc5: {  	[tilespmem:$0x1FED0] =	vst v51;
	v38 =	vmul.f32 v38, v41;
	v51 =	vmul.f32 $5.000000000e-01, v29;
	v39 =	vshra.s32 v29, $0x1  }
0xc6: {  	v54 =	vadd.f32 v48, v47;
	v60 =	vmul.f32 v11, v11;
	[tilespmem:$0x1FF20] =	vst v27;
	v27 =	vld [tilespmem:$0x1FF80];
	v39 =	vsub.s32 $0x5F3759DF, v39  }
0xc7: {  	v62 =	vadd.f32 v11, v49;
	v63 =	vmul.f32 v39, v51;
	v38 =	vsub.f32 $1.500000000e+00, v38  }
0xc8: {  	v17 =	vmul.f32 v17, v6;
	v5 =	vadd.f32 v61, v50;
	v57 =	vld [tilespmem:$0x1FF90];
	v0 =	vadd.f32 v60, v30  }
0xc9: {  	v3 =	vld [tilespmem:s13+$0x74F0];
	v9 =	vadd.f32 v54, v62;
	v4, _, _ =	vpop (xrf2);
	v10 =	vmul.f32 v39, v63;
	v21 =	vmul.f32 v38, v41  }
0xca: {  	v19 =	vimm.s32 $0xF;
	v53 =	vld [tilespmem:s13+$0x3480];
	v42 =	vadd.f32 v5, v0;
	v8 =	vperm.xlane v4, v7  }
0xcb: {  	v20 =	vmul.f32 v17, v32;
	(xrf2) =	vadd.scan.msk.f32 $0xffff, v9;
	v4 =	vld [tilespmem:$0x1FFA0];
	v18, _, _ =	vpop (xrf2);
	v22 =	vsub.f32 $1.500000000e+00, v10;
	v29 =	vmul.f32 v21, v27  }
0xcc: {  	v34 =	vsub.f32 v34, v14;
	(xrf2) =	vadd.scan.msk.f32 $0xffff, v42;
	v54 =	vperm.xlane v18, v19;
	v0 =	vmul.f32 $1.562500000e-02, v8;
	v8 =	vld [tilespmem:$0x1FFB0]  }
0xcd: {  	v35 =	vsub.f32 v35, v14;
	v41 =	vld [tilespmem:s13+$0x7480];
	v58 =	vmul.f32 v21, v57;
	v30 =	vmul.f32 v39, v22  }
0xce: {  	v14 =	vsub.f32 v33, v14;
	[tilespmem:$0x1FF10] =	vst v25;
	v50 =	vld [tilespmem:s13+$0x3490];
	v24 =	vmul.f32 $1.562500000e-02, v54;
	v25 =	vmul.f32 v0, v0  }
0xcf: {  	v13 =	vsub.f32 v13, v56;
	v60 =	vmul.f32 v29, v36;
	v61 =	vmul.f32 v30, v51;
	v51 =	vld [tilespmem:s13+$0x7490]  }
0xd0: {  	[tilespmem:$0x1FEF0] =	vst v59;
	v62 =	vmul.f32 v58, v34;
	v29 =	vld [tilespmem:s13+$0x74B0];
	v5 =	vmul.f32 v21, v4;
	v59 =	vsub.f32 v24, v25  }
0xd1: {  	v12 =	vsub.f32 v12, v56;
	v24 =	vld [tilespmem:s13+$0x34B0];
	v6 =	vmul.f32 v61, v30;
	v17 =	vmul.f32 v21, v8  }
0xd2: {  	v7 =	vld [tilespmem:s13+$0x34A0];
	v34 =	vimm.s32 $0xF;
	v53 =	vadd.f32 v41, v53;
	v63 =	vadd.f32 $9.999999740e-06, v59  }
0xd3: {  	[tilespmem:$0x1FE60] =	vst v1;
	v36 =	vld [tilespmem:$0x1FF80];
	v38 =	vmul.f32 v5, v35;
	v33 =	vsub.f32 $1.500000000e+00, v6;
	v1 =	vmul.f32 v17, v14  }
0xd4: {  	v10 =	vld [tilespmem:s13+$0x74A0];
	v9 =	vshra.s32 v63, $0x1;
	v55 =	vmul.f32 $5.000000000e-01, v63;
	v50 =	vadd.f32 v51, v50  }
0xd5: {  	[tilespmem:$0x1FF40] =	vst v60;
	v60 =	vld [tilespmem:s13+$0x74C0];
	v27, _, _ =	vpop (xrf2);
	v35 =	vsub.s32 $0x5F3759DF, v9;
	v33 =	vmul.f32 v33, v30;
	v30 =	vimm.s32 $0xF  }
0xd6: {  	v8 =	vld [tilespmem:s13+$0x34E0];
	v32, _, _ =	vpop (xrf2);
	v54 =	vadd.f32 v29, v24;
	v25 =	vmul.f32 v35, v55;
	v17 =	vperm.xlane v27, v30  }
0xd7: {  	v45 =	vsub.f32 v45, v0;
	v9 =	vld [tilespmem:s13+$0x74E0];
	v52 =	vperm.xlane v32, v34;
	v27 =	vmul.f32 v50, v50  }
0xd8: {  	[tilespmem:$0x1FF50] =	vst v62;
	v62 =	vsub.f32 v37, v56;
	v37 =	vld [tilespmem:s13+$0x74D0];
	v61 =	vmul.f32 v33, v36;
	v4 =	vmul.f32 v54, v54  }
0xd9: {  	v56 =	vsub.f32 v40, v56;
	v59 =	vld [tilespmem:s13+$0x34C0];
	v14 =	vmul.f32 v35, v25;
	v17 =	vmul.f32 $1.562500000e-02, v17  }
0xda: {  	v21 =	vld [tilespmem:s13+$0x34D0];
	v18 =	vadd.f32 v50, v53;
	v52 =	vmul.f32 $1.562500000e-02, v52;
	v25 =	vmul.f32 v53, v53  }
0xdb: {  	v2 =	vmul.f32 v61, v13;
	v13 =	vadd.f32 v10, v7;
	v10 =	vld [tilespmem:$0x1FF90];
	v14 =	vsub.f32 $1.500000000e+00, v14  }
0xdc: {  	v19 =	vld [tilespmem:s13+$0x34F0];
	v63 =	vmul.f32 v17, v17;
	v57 =	vadd.f32 v9, v8;
	v11 =	vsub.f32 v11, v17  }
0xdd: {  	[tilespmem:$0x1FF70] =	vst v2;
	v24 =	vadd.f32 v54, v13;
	v29 =	vmul.f32 v13, v13;
	v2 =	vadd.f32 v27, v25  }
0xde: {  	v40 =	vld [tilespmem:s13+$0x7500];
	v52 =	vsub.f32 v52, v63;
	v14 =	vmul.f32 v35, v14;
	v63 =	vadd.f32 v60, v59  }
0xdf: {  	[tilespmem:$0x1FF60] =	vst v1;
	v1 =	vld [tilespmem:s13+$0x3510];
	v60 =	vadd.f32 v37, v21;
	v6 =	vmul.f32 v57, v57;
	v30 =	vadd.f32 v24, v18  }
0xe0: {  	v32 =	vld [tilespmem:$0x1FFB0];
	v4 =	vadd.f32 v4, v29;
	v16 =	vmul.f32 v33, v10;
	v52 =	vadd.f32 $9.999999740e-06, v52  }
0xe1: {  	v61 =	vld [tilespmem:s13+$0x3500];
	v36 =	vmul.f32 v14, v55;
	v55 =	vadd.f32 v3, v19;
	v39 =	vadd.f32 v60, v63  }
0xe2: {  	v29 =	vld [tilespmem:$0x1FFA0];
	v18 =	vmul.f32 v63, v63;
	v19 =	vmul.f32 v60, v60;
	v10 =	vimm.s32 $0xF  }
0xe3: {  	v8 =	vld [tilespmem:s13+$0x3530];
	v2 =	vadd.f32 v4, v2;
	v41 =	vmul.f32 v16, v62;
	v37 =	vshra.s32 v52, $0x1  }
0xe4: {  	v25 =	vld [tilespmem:s13+$0x7530];
	v51 =	vmul.f32 $5.000000000e-01, v52;
	v42 =	vadd.f32 v55, v57;
	v7 =	vmul.f32 v55, v55  }
0xe5: {  	v3 =	vld [tilespmem:s13+$0x7510];
	(xrf2) =	vadd.scan.msk.f32 $0xffff, v30;
	v58 =	vadd.f32 v19, v18;
	v27 =	vmul.f32 v36, v14;
	v52 =	vsub.f32 v44, v0  }
0xe6: {  	v5 =	vld [tilespmem:s13+$0x7520];
	v21 =	vsub.s32 $0x5F3759DF, v37;
	v4 =	vadd.f32 v42, v39;
	v6 =	vadd.f32 v7, v6  }
0xe7: {  	v16 =	vld [tilespmem:s13+$0x3520];
	v30 =	vmul.f32 v33, v29;
	v42 =	vadd.f32 v40, v61;
	v33 =	vmul.f32 v33, v32  }
0xe8: {  	(xrf2) =	vadd.scan.msk.f32 $0xffff, v2;
	v24 =	vmul.f32 v21, v51;
	v34 =	vsub.f32 $1.500000000e+00, v27;
	v61 =	vsub.f32 v46, v0  }
0xe9: {  	v46 =	vimm.s32 $0xF;
	v39 =	vmul.f32 v33, v56;
	v33 =	vadd.f32 v25, v8;
	v25 =	vld [tilespmem:$0x1FF80]  }
0xea: {  	v40 =	vadd.f32 v3, v1;
	v35 =	vmul.f32 v21, v24;
	v37 =	vmul.f32 v30, v12;
	v30 =	vld [tilespmem:$0x1FF90]  }
0xeb: {  	v0 =	vsub.f32 v43, v0;
	v3 =	vmul.f32 v34, v14;
	v18 =	vmul.f32 v42, v42  }
0xec: {  	(xrf2) =	vadd.scan.msk.f32 $0xffff, v4;
	v19 =	vmul.f32 v40, v40;
	v62 =	vsub.f32 $1.500000000e+00, v35;
	v35 =	vadd.f32 v5, v16  }
0xed: {  	[tilespmem:$0x1FF30] =	vst v20;
	v59 =	vld [tilespmem:$0x1FFA0];
	v20 =	vadd.f32 v40, v42;
	v16 =	vadd.f32 v6, v58;
	v24 =	vmul.f32 v33, v33  }
0xee: {  	v44 =	vld [tilespmem:s13+$0x3550];
	v22 =	vmul.f32 v35, v35;
	v29 =	vadd.f32 v33, v35;
	v34 =	vmul.f32 v21, v62  }
0xef: {  	v43 =	vld [tilespmem:s13+$0x7550];
	v4 =	vadd.f32 v19, v18;
	v27 =	vmul.f32 v3, v25;
	v32 =	vmul.f32 v3, v30;
	v36, _, _ =	vpop (xrf2)  }
0xf0: {  	(xrf2) =	vadd.scan.msk.f32 $0xffff, v16;
	v21 =	vld [tilespmem:$0x1FFB0];
	v14 =	vadd.f32 v24, v22;
	v6 =	vadd.f32 v29, v20;
	v7 =	vperm.xlane v36, v46  }
0xf1: {  	v1 =	vld [tilespmem:s13+$0x3540];
	v62 =	vmul.f32 v34, v51;
	v24 =	vimm.s32 $0xF;
	v51 =	vsub.f32 v48, v17  }
0xf2: {  	v12 =	vld [tilespmem:s13+$0x7560];
	v58 =	vmul.f32 v27, v61;
	v56 =	vmul.f32 v32, v45;
	v9, _, _ =	vpop (xrf2);
	v4 =	vadd.f32 v14, v4  }
0xf3: {  	v29 =	vimm.s32 $0xF;
	v36 =	vld [tilespmem:s13+$0x7570];
	v61 =	vmul.f32 v3, v59;
	(xrf2) =	vadd.scan.msk.f32 $0xffff, v6;
	v16 =	vperm.xlane v9, v10  }
0xf4: {  	v7 =	vmul.f32 $1.562500000e-02, v7;
	v18 =	vmul.f32 v62, v34;
	v14 =	vld [tilespmem:s13+$0x7540];
	v9 =	vimm.s32 $0xF;
	(xrf2) =	vadd.scan.msk.f32 $0xffff, v4  }
0xf5: {  	v59 =	vmul.f32 v61, v52;
	v3 =	vmul.f32 v3, v21;
	v21 =	vsub.f32 v49, v17;
	v52 =	vld [tilespmem:s13+$0x3580]  }
0xf6: {  	v6 =	vmul.f32 $1.562500000e-02, v16;
	v19 =	vmul.f32 v7, v7;
	v22, _, _ =	vpop (xrf2);
	v16 =	vsub.f32 v47, v17;
	v17 =	vld [tilespmem:s13+$0x3560]  }
0xf7: {  	v4 =	vsub.f32 $1.500000000e+00, v18;
	v47 =	vld [tilespmem:s13+$0x3570];
	v25 =	vperm.xlane v22, v24;
	v22 =	vsub.f32 v13, v7  }
0xf8: {  	v49 =	vld [tilespmem:s13+$0x7580];
	v61 =	vmul.f32 v3, v0;
	v6 =	vsub.f32 v6, v19;
	v19 =	vsub.f32 v53, v7  }
0xf9: {  	v53 =	vsub.f32 v50, v7;
	v50 =	vadd.f32 v43, v44;
	v10 =	vmul.f32 $1.562500000e-02, v25  }
0xfa: {  	v5 =	vmul.f32 v4, v34;
	v25 =	vsub.f32 v54, v7;
	v27, _, _ =	vpop (xrf2);
	v6 =	vadd.f32 $9.999999740e-06, v6  }
0xfb: {  	v30 =	vperm.xlane v27, v29;
	v34 =	vmul.f32 v10, v10;
	v27 =	vadd.f32 v14, v1  }
0xfc: {  	v62 =	vld [tilespmem:s13+$0x35A0];
	v29 =	vimm.s32 $0xF;
	v46 =	vadd.f32 v12, v17;
	v43 =	vadd.f32 v36, v47  }
0xfd: {  	v12 =	vld [tilespmem:s13+$0x7590];
	v47 =	vadd.f32 v49, v52;
	v4 =	vshra.s32 v6, $0x1;
	v32 =	vmul.f32 $1.562500000e-02, v30;
	v7, _, _ =	vpop (xrf2)  }
0xfe: {  	v52 =	vld [tilespmem:$0x1FFA0];
	v8 =	vmul.f32 $5.000000000e-01, v6;
	v45 =	vsub.s32 $0x5F3759DF, v4;
	v18 =	vperm.xlane v7, v9;
	v20, _, _ =	vpop (xrf2)  }
0xff: {  	v3 =	vmul.f32 v27, v27;
	v13 =	vsub.f32 v32, v34;
	v34 =	vld [tilespmem:$0x1FF80];
	v30 =	vperm.xlane v20, v29  }
0x100: {  	v32 =	vmul.f32 v45, v8;
	v9 =	vld [tilespmem:s13+$0x3590];
	v54 =	vmul.f32 $1.562500000e-02, v18  }
0x101: {  	v7 =	vld [tilespmem:s13+$0x75A0];
	v13 =	vadd.f32 $9.999999740e-06, v13;
	v14 =	vmul.f32 $1.562500000e-02, v30;
	v30 =	vmul.f32 v50, v50  }
0x102: {  	v44 =	vmul.f32 v45, v32;
	v20 =	vadd.f32 v50, v27;
	v32 =	vld [tilespmem:s13+$0x35B0];
	v18 =	vmul.f32 v54, v54  }
0x103: {  	v29 =	vadd.f32 v43, v46;
	v4 =	vmul.f32 $5.000000000e-01, v13;
	v1 =	vadd.f32 v30, v3;
	v30 =	vld [tilespmem:$0x1FF90]  }
0x104: {  	v36 =	vmul.f32 v5, v34;
	v34 =	vmul.f32 v46, v46;
	v24 =	vsub.f32 v14, v18;
	v18 =	vld [tilespmem:s13+$0x75B0]  }
0x105: {  	v48 =	vadd.f32 v12, v9;
	v12 =	vmul.f32 v5, v52;
	v14 =	vmul.f32 v43, v43  }
0x106: {  	v6 =	vld [tilespmem:s13+$0x35C0];
	v36 =	vmul.f32 v36, v21;
	v21 =	vadd.f32 v29, v20;
	v29 =	vsub.f32 $1.500000000e+00, v44  }
0x107: {  	v44 =	vadd.f32 v7, v62;
	v62 =	vld [tilespmem:s13+$0x35D0];
	v0 =	vadd.f32 v14, v34;
	v34 =	vmul.f32 v48, v48  }
0x108: {  	v7 =	vld [tilespmem:$0x1FFC0];
	v2 =	vmul.f32 v45, v29;
	v29 =	vadd.f32 v48, v47;
	v3 =	vmul.f32 v5, v30  }
0x109: {  	v14 =	vld [tilespmem:$0x1FFB0];
	v17 =	vadd.f32 v0, v1;
	v45 =	vadd.f32 v18, v32;
	v32 =	vmul.f32 v47, v47  }
0x10a: {  	v0 =	vshra.s32 v13, $0x1;
	v13 =	vld [tilespmem:$0x1FFE0];
	v18 =	vmul.f32 v44, v44;
	v49 =	vmul.f32 v3, v11  }
0x10b: {  	v9 =	vsub.s32 $0x5F3759DF, v0;
	v0 =	vld [tilespmem:s13+$0x75D0];
	v3 =	vmul.f32 v2, v8;
	v20 =	vmul.f32 v45, v45  }
0x10c: {  	v8 =	vld [tilespmem:s13+$0x75C0];
	v30 =	vadd.f32 v45, v44;
	v1 =	vadd.f32 v34, v32;
	v34 =	vmul.f32 v9, v4  }
0x10d: {  	v11 =	vld [tilespmem:$0x1FFD0];
	v32 =	vadd.f32 v20, v18  }
0x10e: {  	v18 =	vadd.f32 v30, v29;
	v29 =	vmul.f32 v9, v34;
	v34 =	vmul.f32 v12, v16;
	v12 =	vld [tilespmem:$0x1FE20]  }
0x10f: {  	v16 =	vld [tilespmem:$0x1FFF0]  }
0x110: {  	v30 =	vld [tilespmem:$0x1FFC0];
	v20 =	vadd.f32 v32, v1;
	v1 =	vmul.f32 v5, v14  }
0x111: {  	v14 =	vld [tilespmem:$0x1FE30];
	v52 =	vadd.f32 v8, v6  }
0x112: {  	v8 =	vld [tilespmem:$0x1FE10];
	v32 =	vmul.f32 v1, v51;
	v51 =	vadd.f32 v0, v62;
	v62 =	vsub.f32 $1.500000000e+00, v29  }
0x113: {  	v29 =	vld [tilespmem:$0x1FE40]  }
0x114: {  	v3 =	vmul.f32 v3, v2;
	v0 =	vmul.f32 v9, v62;
	v62 =	vld [tilespmem:$0x1FE50]  }
0x115: {  	v5 =	vadd.f32 v12, v11;
	v12 =	vld [tilespmem:$0x1FFD0]  }
0x116: {  	v3 =	vsub.f32 $1.500000000e+00, v3;
	v6 =	vadd.f32 v14, v13;
	v13 =	vld [tilespmem:$0x1FE60]  }
0x117: {  	v14 =	vld [tilespmem:$0x1FF80]  }
0x118: {  	v3 =	vmul.f32 v3, v2;
	v2 =	vadd.f32 v8, v7;
	v7 =	vadd.f32 v29, v16;
	v29 =	vld [tilespmem:$0x1FFF0]  }
0x119: {  	v8 =	vadd.f32 v62, v30;
	v30 =	vld [tilespmem:$0x1FE70];
	_ =	sdelay $0x2  }
0x11a: {  	v11 =	vmul.f32 v3, v14;
	_ =	sdelay $0x1  }
0x11b: {  	v9 =	vadd.f32 v13, v12;
	v12 =	vadd.f32 v30, v29;
	v29 =	vmul.f32 v11, v19;
	v19 =	vld [tilespmem:$0x1FFD0]  }
0x11c: {  	v30 =	vld [tilespmem:$0x1FE90]  }
0x11d: {  	v16 =	vld [tilespmem:$0x1FFE0]  }
0x11e: {  	[tilespmem:s13+$0xB200] =	vst v2;
	v2 =	vld [tilespmem:$0x1FFF0]  }
0x11f: {  	v13 =	vld [tilespmem:$0x1FFE0]  }
0x120: {  	v14 =	vld [tilespmem:$0x1FEA0]  }
0x121: {  	v19 =	vadd.f32 v30, v19;
	v30 =	vld [tilespmem:$0x1FEB0];
	_ =	sdelay $0x2  }
0x122: {  	v62 =	vadd.f32 v15, v16;
	v15 =	vld [tilespmem:$0x1FFC0]  }
0x123: {  	v16 =	vld [tilespmem:$0x1FE80]  }
0x124: {  	v11 =	vadd.f32 v14, v13;
	v13 =	vadd.f32 v30, v2;
	v2 =	vld [tilespmem:$0x1FFC0]  }
0x125: {  	v30 =	vld [tilespmem:$0x1FEC0];
	_ =	sdelay $0x3  }
0x126: {  	v16 =	vadd.f32 v16, v15;
	v15 =	vld [tilespmem:$0x1FF90]  }
0x127: {  	v14 =	vadd.f32 v30, v2;
	v30 =	vld [tilespmem:$0x1FFA0];
	_ =	sdelay $0x1  }
0x128: {  	(xrf2) =	vadd.scan.msk.f32 $0xffff, v21;
	v21 =	vld [tilespmem:$0x1FFE0]  }
0x129: {  	[tilespmem:s13+$0xB210] =	vst v5;
	v5 =	vld [tilespmem:$0x1FFE0];
	v4 =	vmul.f32 v0, v4  }
0x12a: {  	v1 =	vmul.f32 v3, v15;
	v15 =	vld [tilespmem:$0x1FFD0]  }
0x12b: {  	v4 =	vmul.f32 v4, v0;
	v2 =	vmul.f32 v3, v30;
	v30 =	vld [tilespmem:$0x1FED0];
	_ =	sdelay $0x1  }
0x12c: {  	v21 =	vadd.f32 v26, v21;
	v26 =	vld [tilespmem:$0x1FFF0];
	v4 =	vsub.f32 $1.500000000e+00, v4  }
0x12d: {  	[tilespmem:s13+$0xB220] =	vst v6;
	v6 =	vld [tilespmem:$0x1FFF0]  }
0x12e: {  	[tilespmem:s13+$0xB230] =	vst v7;
	v7 =	vmul.f32 v4, v0;
	v4 =	vld [tilespmem:$0x1FFC0]  }
0x12f: {  	v15 =	vadd.f32 v30, v15;
	v30 =	vmul.f32 v2, v22;
	v22 =	vadd.f32 v23, v5;
	v23 =	vld [tilespmem:$0x1FEE0]  }
0x130: {  	v5 =	vld [tilespmem:$0x1FEF0];
	_ =	sdelay $0x1  }
0x131: {  	v26 =	vadd.f32 v28, v26;
	v28 =	vld [tilespmem:$0x1FFC0]  }
0x132: {  	[tilespmem:s13+$0xB240] =	vst v8;
	v8 =	vld [tilespmem:$0x1FF10]  }
0x133: {  	v6 =	vadd.f32 v23, v6;
	v23 =	vld [tilespmem:$0x1FFD0]  }
0x134: {  	v4 =	vadd.f32 v5, v4;
	v5 =	vld [tilespmem:$0x1FF00];
	_ =	sdelay $0x2  }
0x135: {  	v8 =	vadd.f32 v8, v28;
	v28 =	vld [tilespmem:$0x1FF80]  }
0x136: {  	(xrf2) =	vadd.scan.msk.f32 $0xffff, v17;
	v17 =	vld [tilespmem:$0x1FFD0]  }
0x137: {  	v23 =	vadd.f32 v5, v23;
	v5 =	vld [tilespmem:$0x1FFB0];
	_ =	sdelay $0x2  }
0x138: {  	v63 =	vsub.f32 v63, v10;
	[tilespmem:s13+$0xB260] =	vst v62;
	v62 =	vld [tilespmem:$0x1FF40];
	v0 =	vmul.f32 v7, v28  }
0x139: {  	[tilespmem:s13+$0xB280] =	vst v16;
	v16 =	vld [tilespmem:$0x1FF50]  }
0x13a: {  	v17 =	vadd.f32 v31, v17;
	v31 =	vmul.f32 v0, v63;
	v0 =	vld [tilespmem:$0x1FFC0];
	v3 =	vmul.f32 v3, v5  }
0x13b: {  	v63 =	vld [tilespmem:$0x1FF20]  }
0x13c: {  	v28 =	vmul.f32 v3, v25;
	v25 =	vld [tilespmem:$0x1FFE0]  }
0x13d: {  	v53 =	vmul.f32 v1, v53;
	v1 =	vld [tilespmem:$0x1FFD0];
	v3 =	vadd.f32 $9.999999740e-06, v24  }
0x13e: {  	(xrf2) =	vadd.scan.msk.f32 $0xffff, v18;
	v18 =	vld [tilespmem:$0x1FF60]  }
0x13f: {  	[tilespmem:s13+$0xB250] =	vst v9;
	v9 =	vld [tilespmem:$0x1FFF0];
	v62 =	vadd.f32 v62, v0;
	v0 =	vshra.s32 v3, $0x1  }
0x140: {  	[tilespmem:s13+$0xB270] =	vst v12;
	v12 =	vsub.f32 v60, v10;
	v60 =	vsub.s32 $0x5F3759DF, v0;
	v0 =	vld [tilespmem:$0x1FF90]  }
0x141: {  	v63 =	vadd.f32 v63, v25;
	v25 =	vld [tilespmem:$0x1FF30]  }
0x142: {  	v16 =	vadd.f32 v16, v1;
	v1 =	vld [tilespmem:$0x1FFE0]  }
0x143: {  	v2 =	vld [tilespmem:s13+$0x75E0]  }
0x144: {  	v5 =	vld [tilespmem:s13+$0x35E0]  }
0x145: {  	v24 =	vld [tilespmem:s13+$0x35F0];
	v0 =	vmul.f32 v7, v0  }
0x146: {  	v25 =	vadd.f32 v25, v9;
	v9 =	vld [tilespmem:s13+$0x75F0]  }
0x147: {  	v12 =	vmul.f32 v0, v12;
	v0 =	vld [tilespmem:$0x1FFF0];
	_ =	sdelay $0x1  }
0x148: {  	v3 =	vmul.f32 $5.000000000e-01, v3  }
0x149: {  	v57 =	vsub.f32 v57, v10  }
0x14a: {  	v38 =	vadd.f32 v38, v1;
	v5 =	vadd.f32 v2, v5;
	v1 =	vmul.f32 v60, v3  }
0x14b: {  	[tilespmem:s13+$0xB2A0] =	vst v11;
	v18 =	vadd.f32 v18, v0;
	v0 =	vadd.f32 v9, v24  }
0x14c: {  	[tilespmem:s13+$0xB290] =	vst v19;
	v2 =	vsub.f32 v55, v10;
	v10 =	vmul.f32 v51, v51;
	v1 =	vmul.f32 v60, v1  }
0x14d: {  	v19, _, _ =	vpop (xrf2);
	[tilespmem:s13+$0xB2E0] =	vst v22;
	v22 =	vld [tilespmem:$0x1FFA0];
	v55 =	vimm.s32 $0xF;
	v11 =	vmul.f32 v5, v5;
	v24 =	vmul.f32 v0, v0  }
0x14e: {  	[tilespmem:s13+$0xB2B0] =	vst v13;
	v13 =	vperm.xlane v19, v55;
	v55 =	vld [tilespmem:$0x1FF70];
	v1 =	vsub.f32 $1.500000000e+00, v1;
	v9 =	vmul.f32 v52, v52  }
0x14f: {  	[tilespmem:s13+$0xB330] =	vst v26;
	v11 =	vadd.f32 v24, v11;
	v24 =	vld [tilespmem:$0x1FFC0]  }
0x150: {  	v26 =	vld [tilespmem:$0x1FFE0];
	[tilespmem:s13+$0xB380] =	vst v62;
	v1 =	vmul.f32 v60, v1;
	v9 =	vadd.f32 v10, v9  }
0x151: {  	v62 =	vld [tilespmem:$0x1FFF0];
	[tilespmem:s13+$0xB2C0] =	vst v14;
	v14, _, _ =	vpop (xrf2);
	v60 =	vimm.s32 $0xF;
	v10 =	vadd.f32 v51, v52;
	v19 =	vadd.f32 v0, v5  }
0x152: {  	(xrf2) =	vadd.scan.msk.f32 $0xffff, v20;
	[tilespmem:s13+$0xB360] =	vst v63;
	v63 =	vld [tilespmem:$0x1FFC0];
	v14 =	vperm.xlane v14, v60;
	v3 =	vmul.f32 v1, v3  }
0x153: {  	v13 =	vmul.f32 $1.562500000e-02, v13;
	v60 =	vld [tilespmem:$0x1FFE0];
	v10 =	vadd.f32 v19, v10;
	v19 =	vmul.f32 v7, v22  }
0x154: {  	[tilespmem:s13+$0xB2D0] =	vst v15;
	v3 =	vmul.f32 v3, v1;
	v22 =	vld [tilespmem:$0x1FFB0];
	v15 =	vadd.f32 v55, v24;
	v24 =	vmul.f32 $1.562500000e-02, v14  }
0x155: {  	[tilespmem:s13+$0xB320] =	vst v21;
	v21 =	vadd.f32 v59, v26;
	v55 =	vmul.f32 v13, v13;
	v14 =	vmul.f32 v19, v57;
	v57 =	vld [tilespmem:$0x1FFD0]  }
0x156: {  	v59 =	vsub.f32 v40, v54;
	[tilespmem:s13+$0xB3A0] =	vst v38;
	v3 =	vsub.f32 $1.500000000e+00, v3  }
0x157: {  	v32 =	vadd.f32 v32, v62;
	[tilespmem:s13+$0xB2F0] =	vst v6;
	v6 =	vsub.f32 v24, v55;
	v55 =	vld [tilespmem:$0x1FFC0]  }
0x158: {  	v38 =	vld [tilespmem:$0x1FFD0];
	[tilespmem:s13+$0xB300] =	vst v4;
	v26 =	vadd.f32 v36, v63;
	v1 =	vmul.f32 v3, v1;
	(xrf2) =	vadd.scan.msk.f32 $0xffff, v10  }
0x159: {  	[tilespmem:s13+$0xB310] =	vst v23;
	v23 =	vld [tilespmem:$0x1FFD0];
	v9 =	vadd.f32 v11, v9;
	v19 =	vadd.f32 v37, v60;
	v4 =	vmul.f32 v7, v22  }
0x15a: {  	v37 =	vld [tilespmem:$0x1FFF0];
	v24, _, _ =	vpop (xrf2);
	v60 =	vadd.f32 $9.999999740e-06, v6;
	v10 =	vadd.f32 v41, v57;
	v57 =	vimm.s32 $0xF  }
0x15b: {  	v2 =	vmul.f32 v4, v2;
	v41 =	vld [tilespmem:$0x1FF80];
	v7 =	vperm.xlane v24, v57;
	v24 =	vimm.s32 $0xF  }
0x15c: {  	(xrf2) =	vadd.scan.msk.f32 $0xffff, v9;
	v3 =	vmul.f32 $5.000000000e-01, v60;
	v4 =	vshra.s32 v60, $0x1;
	v57 =	vld [tilespmem:$0x1FFF0];
	v20 =	vadd.f32 v58, v55;
	v58, _, _ =	vpop (xrf2)  }
0x15d: {  	v4 =	vsub.s32 $0x5F3759DF, v4;
	v9 =	vperm.xlane v58, v24;
	v7 =	vmul.f32 $1.562500000e-02, v7  }
0x15e: {  	v6 =	vadd.f32 v56, v23;
	v55 =	vsub.f32 v42, v54;
	v42 =	vld [tilespmem:$0x1FF90];
	v58 =	vmul.f32 v4, v3  }
0x15f: {  	[tilespmem:s13+$0xB470] =	vst v32;
	v11 =	vadd.f32 v39, v37;
	v37 =	vmul.f32 $1.562500000e-02, v9;
	v39 =	vmul.f32 v7, v7  }
0x160: {  	[tilespmem:s13+$0xB3D0] =	vst v10;
	v10 =	vadd.f32 v53, v38;
	v9 =	vmul.f32 v4, v58;
	v32 =	vsub.f32 v44, v7  }
0x161: {  	[tilespmem:s13+$0xB340] =	vst v8;
	v56 =	vmul.f32 v1, v41;
	v23 =	vadd.f32 v61, v57;
	v8 =	vsub.f32 v37, v39;
	v37 =	vld [tilespmem:$0x1FFD0]  }
0x162: {  	v53 =	vld [tilespmem:$0x1FFF0];
	v61, _, _ =	vpop (xrf2);
	v57 =	vsub.f32 v35, v54;
	v39 =	vimm.s32 $0xF;
	v9 =	vsub.f32 $1.500000000e+00, v9  }
0x163: {  	v60 =	vmul.f32 v1, v42;
	v24 =	vperm.xlane v61, v39;
	v61 =	vld [tilespmem:$0x1FFE0];
	v8 =	vadd.f32 $9.999999740e-06, v8  }
0x164: {  	[tilespmem:s13+$0xB350] =	vst v17;
	v35 =	vld [tilespmem:$0x1FFB0];
	v17 =	vmul.f32 v56, v55;
	v56 =	vimm.s32 $0xF;
	v4 =	vmul.f32 v4, v9  }
0x165: {  	[tilespmem:s13+$0xB430] =	vst v23;
	v23 =	vld [tilespmem:$0x1FFF0];
	v22 =	vmul.f32 v60, v59;
	v59 =	vsub.f32 v33, v54;
	v40 =	vshra.s32 v8, $0x1  }
0x166: {  	[tilespmem:s13+$0xB390] =	vst v16;
	v33 =	vld [tilespmem:$0x1FFA0];
	v8 =	vmul.f32 $5.000000000e-01, v8;
	v3 =	vmul.f32 v4, v3;
	v16 =	vadd.f32 v49, v37;
	v49, _, _ =	vpop (xrf2)  }
0x167: {  	[tilespmem:s13+$0xB370] =	vst v25;
	v24 =	vmul.f32 $1.562500000e-02, v24;
	v55 =	vsub.s32 $0x5F3759DF, v40;
	v40 =	vld [tilespmem:$0x1FFE0];
	v25 =	vperm.xlane v49, v56  }
0x168: {  	[tilespmem:s13+$0xB3E0] =	vst v19;
	v58 =	vmul.f32 v55, v8;
	v19 =	vadd.f32 v34, v61;
	v34 =	vld [tilespmem:$0x1FFC0];
	v3 =	vmul.f32 v3, v4  }
0x169: {  	[tilespmem:s13+$0xB3C0] =	vst v15;
	v15 =	vadd.f32 v28, v53;
	v60 =	vmul.f32 v24, v24;
	v25 =	vmul.f32 $1.562500000e-02, v25  }
0x16a: {  	v2 =	vadd.f32 v2, v23;
	v9 =	vmul.f32 v55, v58;
	v3 =	vsub.f32 $1.500000000e+00, v3  }
0x16b: {  	[tilespmem:s13+$0xB3B0] =	vst v18;
	v58 =	vsub.f32 v50, v13;
	v63 =	vsub.f32 v25, v60;
	v25 =	vmul.f32 v1, v33  }
0x16c: {  	[tilespmem:s13+$0xB3F0] =	vst v11;
	v1 =	vmul.f32 v1, v35;
	v9 =	vsub.f32 $1.500000000e+00, v9;
	v18 =	vadd.f32 v30, v40  }
0x16d: {  	[tilespmem:s13+$0xB400] =	vst v20;
	v28 =	vld [tilespmem:$0x1FFE0];
	v3 =	vmul.f32 v3, v4;
	v20 =	vadd.f32 v29, v34;
	v11 =	vadd.f32 $9.999999740e-06, v63  }
0x16e: {  	[tilespmem:s13+$0xB420] =	vst v21;
	v60 =	vld [tilespmem:$0x1FFA0];
	v29 =	vsub.f32 v47, v7;
	v37 =	vmul.f32 v25, v57;
	v9 =	vmul.f32 v55, v9  }
0x16f: {  	[tilespmem:s13+$0xB440] =	vst v26;
	v1 =	vmul.f32 v1, v59;
	v63 =	vld [tilespmem:$0x1FFC0];
	v39 =	vshra.s32 v11, $0x1;
	v11 =	vmul.f32 $5.000000000e-01, v11  }
0x170: {  	[tilespmem:s13+$0xB410] =	vst v6;
	v56 =	vmul.f32 v3, v41;
	v25 =	vld [tilespmem:$0x1FFB0];
	v8 =	vmul.f32 v9, v8;
	v49 =	vsub.s32 $0x5F3759DF, v39  }
0x171: {  	[tilespmem:s13+$0xB490] =	vst v10;
	v34 =	vld [tilespmem:$0x1FFF0];
	v55 =	vsub.f32 v27, v13;
	v57 =	vmul.f32 v3, v42;
	v54 =	vmul.f32 v49, v11  }
0x172: {  	v38 =	vld [tilespmem:$0x1FFD0];
	[tilespmem:s13+$0xB4B0] =	vst v15;
	v59 =	vsub.f32 v46, v13;
	v13 =	vsub.f32 v43, v13;
	v8 =	vmul.f32 v8, v9  }
0x173: {  	[tilespmem:s13+$0xB450] =	vst v16;
	v43 =	vld [tilespmem:$0x1FFA0];
	v61 =	vmul.f32 v57, v58;
	v6 =	vadd.f32 v37, v28;
	v16 =	vmul.f32 v49, v54  }
0x174: {  	[tilespmem:s13+$0xB480] =	vst v20;
	v21 =	vmul.f32 v3, v60;
	v39 =	vld [tilespmem:$0x1FFE0];
	v20 =	vadd.f32 v31, v63;
	v8 =	vsub.f32 $1.500000000e+00, v8  }
0x175: {  	[tilespmem:s13+$0xB460] =	vst v19;
	v3 =	vmul.f32 v3, v25;
	v31 =	vsub.f32 v48, v7;
	v48 =	vld [tilespmem:$0x1FFB0];
	v16 =	vsub.f32 $1.500000000e+00, v16  }
0x176: {  	v44 =	vld [tilespmem:$0x1FFF0];
	[tilespmem:s13+$0xB4F0] =	vst v2;
	v1 =	vadd.f32 v1, v34;
	v62 =	vmul.f32 v21, v59;
	v8 =	vmul.f32 v8, v9  }
0x177: {  	[tilespmem:s13+$0xB4A0] =	vst v18;
	v7 =	vsub.f32 v45, v7;
	v45 =	vld [tilespmem:$0x1FFC0];
	v3 =	vmul.f32 v3, v13;
	v4 =	vmul.f32 v49, v16  }
0x178: {  	v53 =	vld [tilespmem:$0x1FFD0];
	[tilespmem:s13+$0xB520] =	vst v6;
	v10 =	vadd.f32 v61, v38;
	v30 =	vmul.f32 v8, v41;
	v33 =	vmul.f32 v8, v42  }
0x179: {  	[tilespmem:s13+$0xB530] =	vst v1;
	v16 =	vld [tilespmem:$0x1FFD0];
	v40 =	vmul.f32 v8, v43;
	v11 =	vmul.f32 v4, v11  }
0x17a: {  	v59 =	vld [tilespmem:$0x1FFF0];
	[tilespmem:s13+$0xB550] =	vst v10;
	v1 =	vadd.f32 v62, v39;
	v8 =	vmul.f32 v8, v48;
	v2 =	vmul.f32 v30, v29  }
0x17b: {  	v26 =	vld [tilespmem:$0x1FFC0];
	[tilespmem:s13+$0xB4C0] =	vst v20;
	v3 =	vadd.f32 v3, v44;
	v35 =	vmul.f32 v33, v31;
	v11 =	vmul.f32 v11, v4  }
0x17c: {  	v21 =	vld [tilespmem:$0x1FFE0];
	[tilespmem:s13+$0xB560] =	vst v1;
	v2 =	vadd.f32 v2, v45  }
0x17d: {  	v27 =	vld [tilespmem:$0x1FFD0];
	[tilespmem:s13+$0xB570] =	vst v3;
	v49 =	vmul.f32 v8, v7;
	v6 =	vadd.f32 v35, v53;
	v11 =	vsub.f32 $1.500000000e+00, v11  }
0x17e: {  	v5 =	vsub.f32 v5, v24;
	v37 =	vld [tilespmem:$0x1FFC0];
	v9 =	vadd.f32 v12, v16;
	[tilespmem:s13+$0xB580] =	vst v2  }
0x17f: {  	v0 =	vsub.f32 v0, v24;
	v54 =	vld [tilespmem:$0x1FFE0];
	v1 =	vadd.f32 v49, v59;
	[tilespmem:s13+$0xB590] =	vst v6;
	v4 =	vmul.f32 v11, v4  }
0x180: {  	v50 =	vsub.f32 v51, v24;
	v19 =	vmul.f32 v56, v55;
	v56 =	vld [tilespmem:$0x1FFC0];
	[tilespmem:s13+$0xB4D0] =	vst v9;
	v9 =	vadd.f32 v17, v26  }
0x181: {  	v46 =	vsub.f32 v52, v24;
	v58 =	vld [tilespmem:$0x1FFD0];
	v12 =	vadd.f32 v14, v21;
	[tilespmem:s13+$0xB5B0] =	vst v1;
	v47 =	vmul.f32 v4, v41  }
0x182: {  	v61 =	vld [tilespmem:$0x1FFE0];
	v14 =	vadd.f32 v22, v27;
	[tilespmem:s13+$0xB500] =	vst v9;
	v9 =	vmul.f32 v40, v32;
	v51 =	vmul.f32 v4, v42  }
0x183: {  	v63 =	vld [tilespmem:$0x1FFF0];
	[tilespmem:s13+$0xB4E0] =	vst v12;
	v12 =	vadd.f32 v19, v37;
	v57 =	vmul.f32 v4, v43;
	v52 =	vmul.f32 v47, v46  }
0x184: {  	[tilespmem:s13+$0xB510] =	vst v14;
	v4 =	vmul.f32 v4, v48;
	v9 =	vadd.f32 v9, v54;
	v55 =	vmul.f32 v51, v50  }
0x185: {  	p1 =	sne.s32 s3, $0x7000;
	[tilespmem:s13+$0xB540] =	vst v12;
	v5 =	vmul.f32 v57, v5;
	v3 =	vadd.f32 v52, v56  }
.Ltmp0:
0x186: {  	v0 =	vmul.f32 v4, v0;
	[tilespmem:s13+$0xB5A0] =	vst v9;
	v60 =	vadd.f32 v55, v58;
	(pc) =	sbr.rel @p1 .LBB2_3-.Ltmp0, $4  }
0x187: {  	v62 =	vadd.f32 v5, v61;
	[tilespmem:s13+$0xB5C0] =	vst v3  }
0x188: {  	v0 =	vadd.f32 v0, v63;
	[tilespmem:s13+$0xB5D0] =	vst v60  }
0x189: {  	[tilespmem:s13+$0xB5E0] =	vst v62  }
0x18a: {  	s3 =	sadd.s32 $0x1000, s3;
	v36 =	vimm.s32 $0xF;
	[tilespmem:s13+$0xB5F0] =	vst v0  }
0x18b: {  	p1 =	seq.s32 s0, $0x18  }
0x18c: {  	s3 =	sshll.u32 @!p1 s0, $0x8  }
0x18d: {  	s15 =	simm.s32 @!p1 $0x80;
	s18 =	simm.s32 @!p1 $0x3200;
	s13 =	sadd.s32 @!p1 $0x100, s3  }
0x18e: {  	[tilespmem:s18], [sflag:$0x1] =	stream.indirect.gather @!p1 [hbm4b:s6+s15], $0x40, s13, s15, $0xb8;
	[tilespmem:$0xF280] =	vst v63  }
0x18f: {  	s13 =	sadd.s32 @!p1 $0x1A00, s3;
	s18 =	simm.s32 @!p1 $0x7200  }
0x190: {  	[tilespmem:s18], [sflag:$0x3] =	stream.indirect.gather @!p1 [hbm4b:s7+s15], $0x40, s13, s15, $0xb8;
	[tilespmem:$0xF280] =	vst v63  }
0x191: {  	s18 =	sadd.s32 s8, s1  }
0x192: {  	s13 =	sshrl.u32 s18, $0x3  }
0x193: {  	s13 =	sadd.s32 s4, s13  }
0x194: {  	[hbm4b:s13+s5] =	stream.linear.scatter [tilespmem:s25], [sflag:$0x5], $0x2000, $0x38;
	[tilespmem:$0xF280] =	vst v63  }
0x195: {  	_ =	swait.ge [sflag:s26], $0x2000  }
0x196: {  	[sflag:s26] =	ssyncset.done $0x0  }
0x197: {  	[sflag:s26] =	ssyncadd.s32 $0xFFFFE000  }
0x198: {  	_ =	swait.ge [sflag:s28], $0x2000  }
0x199: {  	[sflag:s28] =	ssyncset.done $0x0  }
0x19a: {  	s13 =	simm.s32 @!p0 $0x6;
	[sflag:s28] =	ssyncadd.s32 $0xFFFFE000  }
0x19b: {  	_ =	swait.ge @!p0 [sflag:s13], $0x2000  }
0x19c: {  	[sflag:s13] =	ssyncset.done @!p0 $0x0  }
0x19d: {  	[sflag:s13] =	ssyncadd.s32 @!p0 $0xFFFFE000;
	s13 =	simm.s32 $0x0  }
.LBB2_5:
0x19e: {  	s15 =	sshra.s32 s13, $0x2  }
0x19f: {  	v0 =	vld [tilespmem:s15+$0x5200]  }
0x1a0: {  	v1 =	vld [tilespmem:s15+$0x9200]  }
0x1a1: {  	v2 =	vld [tilespmem:s15+$0x5210]  }
0x1a2: {  	v3 =	vld [tilespmem:s15+$0x9210]  }
0x1a3: {  	v4 =	vld [tilespmem:s15+$0x5220]  }
0x1a4: {  	v5 =	vld [tilespmem:s15+$0x9220]  }
0x1a5: {  	v6 =	vld [tilespmem:s15+$0x5230]  }
0x1a6: {  	v7 =	vld [tilespmem:s15+$0x9230]  }
0x1a7: {  	v8 =	vld [tilespmem:s15+$0x5240]  }
0x1a8: {  	v20 =	vld [tilespmem:s15+$0x9240]  }
0x1a9: {  	v11 =	vld [tilespmem:s15+$0x5260]  }
0x1aa: {  	v12 =	vld [tilespmem:s15+$0x9260]  }
0x1ab: {  	v26 =	vld [tilespmem:s15+$0x5270]  }
0x1ac: {  	v13 =	vld [tilespmem:s15+$0x9270];
	v25 =	vadd.f32 v1, v0;
	v18 =	vadd.f32 v3, v2  }
0x1ad: {  	v21 =	vld [tilespmem:s15+$0x5250];
	v14 =	vadd.f32 v5, v4;
	v0 =	vadd.f32 v7, v6  }
0x1ae: {  	v22 =	vld [tilespmem:s15+$0x9250];
	v3 =	vadd.f32 v18, v25  }
0x1af: {  	v5 =	vadd.f32 v0, v14;
	v23 =	vmul.f32 v25, v25;
	v24 =	vmul.f32 v18, v18  }
0x1b0: {  	v16 =	vadd.f32 v12, v11;
	v9 =	vmul.f32 v14, v14;
	v10 =	vmul.f32 v0, v0  }
0x1b1: {  	v15 =	vadd.f32 v13, v26;
	v3 =	vadd.f32 v5, v3  }
0x1b2: {  	v6 =	vadd.f32 v24, v23;
	v27 =	vadd.f32 v10, v9  }
0x1b3: {  	v10 =	vadd.f32 v20, v8;
	v9 =	vadd.f32 v22, v21  }
0x1b4: {  	v28 =	vmul.f32 v16, v16;
	v29 =	vmul.f32 v15, v15  }
0x1b5: {  	v6 =	vadd.f32 v27, v6;
	(xrf2) =	vadd.scan.msk.f32 $0xffff, v3;
	v1 =	vmul.f32 v10, v10;
	v2 =	vmul.f32 v9, v9  }
0x1b6: {  	v31 =	vadd.f32 v15, v16;
	v30 =	vadd.f32 v9, v10  }
0x1b7: {  	v32 =	vadd.f32 v29, v28;
	(xrf2) =	vadd.scan.msk.f32 $0xffff, v6;
	v1 =	vadd.f32 v2, v1  }
0x1b8: {  	v33 =	vadd.f32 v31, v30  }
0x1b9: {  	v1 =	vadd.f32 v32, v1  }
0x1ba: {  	(xrf2) =	vadd.scan.msk.f32 $0xffff, v33  }
0x1bb: {  	v37 =	vld [tilespmem:s15+$0x5280];
	(xrf2) =	vadd.scan.msk.f32 $0xffff, v1  }
0x1bc: {  	v38 =	vld [tilespmem:s15+$0x9280]  }
0x1bd: {  	v39 =	vld [tilespmem:s15+$0x5290]  }
0x1be: {  	v45 =	vld [tilespmem:s15+$0x52A0]  }
0x1bf: {  	v47 =	vld [tilespmem:s15+$0x52B0];
	v34, _, _ =	vpop (xrf2)  }
0x1c0: {  	v19 =	vld [tilespmem:s15+$0x92B0];
	v2 =	vperm.xlane v34, v36  }
0x1c1: {  	v46 =	vld [tilespmem:s15+$0x92A0];
	v35, _, _ =	vpop (xrf2)  }
0x1c2: {  	v44 =	vld [tilespmem:s15+$0x9290];
	v1 =	vperm.xlane v35, v36;
	v2 =	vmul.f32 $1.562500000e-02, v2;
	_ =	sdelay $0x1  }
0x1c3: {  	v49, _, _ =	vpop (xrf2);
	v1 =	vmul.f32 $1.562500000e-02, v1;
	v40 =	vmul.f32 v2, v2  }
0x1c4: {  	v19 =	vadd.f32 v19, v47;
	v12 =	vperm.xlane v49, v36;
	v17, _, _ =	vpop (xrf2)  }
0x1c5: {  	v20 =	vadd.f32 v46, v45;
	v1 =	vsub.f32 v1, v40;
	v23 =	vperm.xlane v17, v36  }
0x1c6: {  	v51 =	vld [tilespmem:s15+$0x52D0];
	v13 =	vmul.f32 $1.562500000e-02, v12;
	v17 =	vadd.f32 v38, v37;
	v12 =	vadd.f32 v44, v39  }
0x1c7: {  	v53 =	vld [tilespmem:s15+$0x92D0];
	v11 =	vadd.f32 v19, v20;
	v29 =	vmul.f32 v20, v20;
	v30 =	vmul.f32 v19, v19  }
0x1c8: {  	v21 =	vld [tilespmem:s15+$0x52C0];
	v1 =	vadd.f32 $9.999999740e-06, v1;
	v57 =	vmul.f32 v17, v17;
	v27 =	vmul.f32 v12, v12  }
0x1c9: {  	v24 =	vld [tilespmem:s15+$0x92C0];
	v54 =	vmul.f32 $1.562500000e-02, v23;
	v55 =	vmul.f32 v13, v13;
	v56 =	vadd.f32 v12, v17  }
0x1ca: {  	v61 =	vadd.f32 v30, v29;
	v50 =	vshra.s32 v1, $0x1;
	v60 =	vadd.f32 v27, v57  }
0x1cb: {  	v59 =	vld [tilespmem:s15+$0x92F0];
	v1 =	vmul.f32 $5.000000000e-01, v1;
	v6 =	vsub.f32 v54, v55;
	v58 =	vadd.f32 v11, v56  }
0x1cc: {  	v31 =	vld [tilespmem:s15+$0x52F0];
	v25 =	vsub.f32 v25, v2;
	v22 =	vsub.s32 $0x5F3759DF, v50;
	v27 =	vadd.f32 v61, v60  }
0x1cd: {  	v26 =	vld [tilespmem:s15+$0x52E0];
	v18 =	vsub.f32 v18, v2;
	v52 =	vmul.f32 v22, v1;
	v6 =	vadd.f32 $9.999999740e-06, v6;
	(xrf2) =	vadd.scan.msk.f32 $0xffff, v58  }
0x1ce: {  	v28 =	vld [tilespmem:s15+$0x92E0];
	v23 =	vadd.f32 v53, v51;
	v11 =	vadd.f32 v24, v21;
	(xrf2) =	vadd.scan.msk.f32 $0xffff, v27  }
0x1cf: {  	v55 =	vld [tilespmem:s15+$0x5320];
	v4 =	vmul.f32 v22, v52;
	v62 =	vmul.f32 $5.000000000e-01, v6;
	v6 =	vshra.s32 v6, $0x1  }
0x1d0: {  	v32 =	vmul.f32 v23, v23;
	v57 =	vld [tilespmem:s15+$0x9320];
	v63 =	vmul.f32 v11, v11;
	v6 =	vsub.s32 $0x5F3759DF, v6  }
0x1d1: {  	v24 =	vadd.f32 v59, v31;
	v59 =	vld [tilespmem:s15+$0x5330];
	v4 =	vsub.f32 $1.500000000e+00, v4;
	v38 =	vmul.f32 v6, v62  }
0x1d2: {  	v0 =	vsub.f32 v0, v2;
	v5 =	vadd.f32 v32, v63;
	v32 =	vld [tilespmem:s15+$0x9330]  }
0x1d3: {  	v10 =	vsub.f32 v10, v13;
	v4 =	vmul.f32 v22, v4;
	v44 =	vmul.f32 v6, v38  }
0x1d4: {  	v34 =	vmul.f32 v24, v24;
	v35 =	vadd.f32 v23, v11;
	v22 =	vadd.f32 v28, v26  }
0x1d5: {  	v53 =	vld [tilespmem:s15+$0x9310];
	v60 =	vsub.f32 v14, v2;
	v1 =	vmul.f32 v4, v1;
	v45 =	vsub.f32 $1.500000000e+00, v44  }
0x1d6: {  	v52 =	vld [tilespmem:s15+$0x5310];
	v27 =	vadd.f32 v57, v55;
	v33 =	vmul.f32 v22, v22;
	v37 =	vadd.f32 v24, v22  }
0x1d7: {  	v26 =	vadd.f32 v32, v59;
	v1 =	vmul.f32 v1, v4;
	v46, _, _ =	vpop (xrf2);
	v6 =	vmul.f32 v6, v45  }
0x1d8: {  	v39 =	vadd.f32 v34, v33;
	v40 =	vadd.f32 v37, v35;
	v47 =	vperm.xlane v46, v36;
	v50, _, _ =	vpop (xrf2)  }
0x1d9: {  	v1 =	vsub.f32 $1.500000000e+00, v1;
	v3 =	vmul.f32 v6, v62;
	v7 =	vperm.xlane v50, v36  }
0x1da: {  	v46 =	vld [tilespmem:s15+$0x9340];
	v5 =	vadd.f32 v39, v5;
	(xrf2) =	vadd.scan.msk.f32 $0xffff, v40;
	v33 =	vmul.f32 $1.562500000e-02, v47;
	v50 =	vmul.f32 v26, v26  }
0x1db: {  	v28 =	vadd.f32 v53, v52;
	v40 =	vld [tilespmem:s15+$0x5340];
	v1 =	vmul.f32 v1, v4;
	v3 =	vmul.f32 v3, v6  }
0x1dc: {  	v49 =	vld [tilespmem:s15+$0x5300];
	v29 =	vadd.f32 v26, v27;
	(xrf2) =	vadd.scan.msk.f32 $0xffff, v5;
	v7 =	vmul.f32 $1.562500000e-02, v7;
	v54 =	vmul.f32 v33, v33  }
0x1dd: {  	v51 =	vld [tilespmem:s15+$0x9300];
	v17 =	vsub.f32 v17, v33;
	v12 =	vsub.f32 v12, v33;
	v56 =	vmul.f32 v1, v41  }
0x1de: {  	v58 =	vmul.f32 v1, v42;
	v3 =	vsub.f32 $1.500000000e+00, v3;
	v63 =	vmul.f32 v1, v43  }
0x1df: {  	v1 =	vmul.f32 v1, v48;
	v7 =	vsub.f32 v7, v54;
	v25 =	vmul.f32 v56, v25  }
0x1e0: {  	v31 =	vadd.f32 v46, v40;
	v61 =	vmul.f32 v58, v18;
	v3 =	vmul.f32 v3, v6;
	v58 =	vld [tilespmem:s15+$0x5370]  }
0x1e1: {  	v18 =	vmul.f32 v63, v60;
	v60 =	vld [tilespmem:s15+$0x9370];
	v0 =	vmul.f32 v1, v0;
	v7 =	vadd.f32 $9.999999740e-06, v7  }
0x1e2: {  	v55 =	vld [tilespmem:s15+$0x9360];
	v63 =	vsub.f32 v9, v13;
	[tilespmem:$0x1FC80] =	vst v25;
	v25 =	vadd.f32 v51, v49;
	v49 =	vmul.f32 v28, v28  }
0x1e3: {  	v52 =	vld [tilespmem:s15+$0x5360];
	v56 =	vmul.f32 v3, v41;
	v38 =	vshra.s32 v7, $0x1;
	v2 =	vmul.f32 $5.000000000e-01, v7  }
0x1e4: {  	v62, _, _ =	vpop (xrf2);
	v8 =	vadd.f32 v28, v25;
	v47 =	vmul.f32 v25, v25;
	v6 =	vsub.s32 $0x5F3759DF, v38  }
0x1e5: {  	[tilespmem:$0x1FC90] =	vst v61;
	v61 =	vmul.f32 v56, v10;
	v56 =	vsub.f32 v16, v13;
	v35 =	vperm.xlane v62, v36  }
0x1e6: {  	v38 =	vmul.f32 v6, v2;
	v32 =	vadd.f32 v60, v58;
	v37, _, _ =	vpop (xrf2);
	v51 =	vadd.f32 v29, v8  }
0x1e7: {  	v53 =	vadd.f32 v49, v47;
	v39 =	vperm.xlane v37, v36;
	v14 =	vmul.f32 $1.562500000e-02, v35  }
0x1e8: {  	v29 =	vadd.f32 v55, v52;
	v35 =	vmul.f32 v27, v27;
	v57 =	vmul.f32 v6, v38  }
0x1e9: {  	v34 =	vld [tilespmem:s15+$0x5350];
	v55 =	vimm.s32 $0xF;
	(xrf2) =	vadd.scan.msk.f32 $0xffff, v51;
	v44 =	vmul.f32 $1.562500000e-02, v39;
	v45 =	vmul.f32 v14, v14  }
0x1ea: {  	v58 =	vld [tilespmem:s15+$0x5390];
	v36 =	vmul.f32 v3, v42;
	v49 =	vmul.f32 v32, v32;
	v62 =	vsub.f32 $1.500000000e+00, v57  }
0x1eb: {  	[tilespmem:$0x1FCB0] =	vst v0;
	v37 =	vld [tilespmem:s15+$0x9350];
	v47 =	vmul.f32 v29, v29;
	v54 =	vadd.f32 v50, v35;
	v5 =	vsub.f32 v44, v45  }
0x1ec: {  	[tilespmem:$0x1FCC0] =	vst v61;
	v61 =	vld [tilespmem:s15+$0x9390];
	v7 =	vadd.f32 v32, v29;
	v1 =	vmul.f32 v36, v63;
	v0 =	vmul.f32 v6, v62  }
0x1ed: {  	v50 =	vmul.f32 v3, v43;
	v59 =	vadd.f32 v54, v53;
	v5 =	vadd.f32 $9.999999740e-06, v5  }
0x1ee: {  	v3 =	vmul.f32 v3, v48;
	v52 =	vadd.f32 v49, v47;
	v40 =	vmul.f32 v0, v2  }
0x1ef: {  	v45 =	vmul.f32 v31, v31;
	(xrf2) =	vadd.scan.msk.f32 $0xffff, v59;
	v35 =	vshra.s32 v5, $0x1;
	v5 =	vmul.f32 $5.000000000e-01, v5  }
0x1f0: {  	[tilespmem:$0x1FCD0] =	vst v1;
	v30 =	vadd.f32 v37, v34;
	v1 =	vmul.f32 v40, v0;
	v39 =	vsub.s32 $0x5F3759DF, v35  }
0x1f1: {  	v53 =	vimm.s32 $0xF;
	v34 =	vadd.f32 v61, v58;
	v9 =	vmul.f32 v39, v5  }
0x1f2: {  	v4 =	vadd.f32 v30, v31;
	v46 =	vmul.f32 v30, v30;
	v1 =	vsub.f32 $1.500000000e+00, v1  }
0x1f3: {  	v63 =	vld [tilespmem:s15+$0x53A0];
	v59 =	vsub.f32 v15, v13;
	v13 =	vmul.f32 v34, v34;
	v51, _, _ =	vpop (xrf2);
	v44 =	vmul.f32 v39, v9  }
0x1f4: {  	v49 =	vld [tilespmem:s15+$0x93B0];
	v4 =	vadd.f32 v7, v4;
	v7 =	vperm.xlane v51, v53;
	v0 =	vmul.f32 v1, v0  }
0x1f5: {  	v3 =	vmul.f32 v3, v59;
	v8 =	vadd.f32 v46, v45;
	v45 =	vld [tilespmem:s15+$0x53B0];
	v9 =	vmul.f32 v50, v56  }
0x1f6: {  	(xrf2) =	vadd.scan.msk.f32 $0xffff, v4;
	v4 =	vld [tilespmem:s15+$0x5380];
	v2 =	vsub.f32 $1.500000000e+00, v44;
	v38 =	vmul.f32 $1.562500000e-02, v7;
	v62 =	vmul.f32 v0, v41  }
0x1f7: {  	v8 =	vadd.f32 v52, v8;
	v7 =	vld [tilespmem:s15+$0x9380];
	v40 =	vmul.f32 v0, v42;
	v51 =	vmul.f32 v0, v43  }
0x1f8: {  	v50 =	vsub.f32 v20, v33;
	v44 =	vld [tilespmem:s15+$0x93A0];
	v53 =	vmul.f32 v0, v48;
	v2 =	vmul.f32 v39, v2  }
0x1f9: {  	v52 =	vsub.f32 v19, v33;
	v54, _, _ =	vpop (xrf2);
	v60 =	vmul.f32 v38, v38;
	v46 =	vmul.f32 v62, v17  }
0x1fa: {  	v11 =	vsub.f32 v11, v14;
	[tilespmem:$0x1FCE0] =	vst v9;
	v9 =	vmul.f32 v51, v50;
	v51 =	vld [tilespmem:s15+$0x53E0];
	v6 =	vperm.xlane v54, v55  }
0x1fb: {  	v33 =	vadd.f32 v49, v45;
	v47 =	vmul.f32 v40, v12;
	v19 =	vmul.f32 v53, v52;
	v53 =	vld [tilespmem:s15+$0x93E0]  }
0x1fc: {  	v37 =	vld [tilespmem:s15+$0x53C0];
	v27 =	vsub.f32 v27, v38;
	v57 =	vmul.f32 v2, v5;
	v6 =	vmul.f32 $1.562500000e-02, v6  }
0x1fd: {  	v45 =	vld [tilespmem:s15+$0x53D0];
	(xrf2) =	vadd.scan.msk.f32 $0xffff, v8;
	v39 =	vmul.f32 v33, v33;
	v36 =	vadd.f32 v7, v4;
	v35 =	vadd.f32 v44, v63  }
0x1fe: {  	v49 =	vld [tilespmem:s15+$0x93D0];
	v1 =	vmul.f32 v57, v2;
	v57 =	vimm.s32 $0xF;
	v6 =	vsub.f32 v6, v60  }
0x1ff: {  	v40 =	vld [tilespmem:s15+$0x93C0];
	v61 =	vadd.f32 v34, v36;
	v62 =	vadd.f32 v33, v35;
	v63 =	vmul.f32 v36, v36  }
0x200: {  	v56, _, _ =	vpop (xrf2);
	v44 =	vmul.f32 v35, v35;
	v12 =	vadd.f32 v53, v51;
	v1 =	vsub.f32 $1.500000000e+00, v1  }
0x201: {  	v0 =	vperm.xlane v56, v57;
	v57 =	vsub.f32 v22, v14;
	v6 =	vadd.f32 $9.999999740e-06, v6  }
0x202: {  	v60 =	vimm.s32 $0xF;
	v5 =	vadd.f32 v62, v61;
	v8 =	vadd.f32 v13, v63  }
0x203: {  	[tilespmem:$0x1FD10] =	vst v47;
	v51 =	vimm.s32 $0xF;
	v47 =	vadd.f32 v39, v44;
	v63 =	vsub.f32 v24, v14  }
0x204: {  	v13 =	vadd.f32 v40, v37;
	v37 =	vadd.f32 v49, v45;
	v49 =	vmul.f32 v12, v12  }
0x205: {  	v1 =	vmul.f32 v1, v2;
	v0 =	vmul.f32 $1.562500000e-02, v0;
	v54 =	vshra.s32 v6, $0x1  }
0x206: {  	[tilespmem:$0x1FCF0] =	vst v3;
	v6 =	vmul.f32 $5.000000000e-01, v6;
	v8 =	vadd.f32 v47, v8;
	v45 =	vmul.f32 v13, v13  }
0x207: {  	[tilespmem:$0x1FD00] =	vst v46;
	v55 =	vmul.f32 v1, v41;
	v21 =	vsub.s32 $0x5F3759DF, v54;
	v59, _, _ =	vpop (xrf2);
	v46 =	vmul.f32 v0, v0  }
0x208: {  	(xrf2) =	vadd.scan.msk.f32 $0xffff, v5;
	v54 =	vsub.f32 v23, v14;
	v58 =	vmul.f32 v21, v6;
	v3 =	vperm.xlane v59, v60  }
0x209: {  	v56 =	vld [tilespmem:s15+$0x53F0];
	v31 =	vsub.f32 v31, v0;
	v52 =	vmul.f32 v55, v11;
	v55 =	vmul.f32 v1, v42  }
0x20a: {  	v29 =	vsub.f32 v29, v0;
	v59 =	vld [tilespmem:s15+$0x93F0];
	v4 =	vmul.f32 v21, v58;
	v3 =	vmul.f32 $1.562500000e-02, v3  }
0x20b: {  	v42 =	vadd.f32 v37, v13;
	v58 =	vmul.f32 v1, v43;
	v1 =	vmul.f32 v1, v48  }
0x20c: {  	[tilespmem:$0x1FD30] =	vst v52;
	v60 =	vmul.f32 v55, v54;
	v52 =	vld [tilespmem:s15+$0x5400];
	v50 =	vsub.f32 $1.500000000e+00, v4;
	v3 =	vsub.f32 v3, v46  }
0x20d: {  	(xrf2) =	vadd.scan.msk.f32 $0xffff, v8;
	v55 =	vld [tilespmem:s15+$0x9400];
	v61 =	vmul.f32 v58, v57;
	v46 =	vmul.f32 v37, v37;
	v57 =	vimm.s32 $0xF  }
0x20e: {  	v58 =	vld [tilespmem:s15+$0x5410];
	v1 =	vmul.f32 v1, v63;
	v63 =	vsub.f32 v28, v38;
	v3 =	vadd.f32 $9.999999740e-06, v3  }
0x20f: {  	[tilespmem:$0x1FD40] =	vst v60;
	v40 =	vadd.f32 v59, v56;
	v56 =	vsub.f32 v25, v38;
	v60 =	vld [tilespmem:s15+$0x9410];
	v2 =	vmul.f32 v21, v50  }
0x210: {  	[tilespmem:$0x1FCA0] =	vst v18;
	v18 =	vld [tilespmem:s15+$0x5430];
	v38 =	vsub.f32 v26, v38;
	v62 =	vshra.s32 v3, $0x1;
	v3 =	vmul.f32 $5.000000000e-01, v3  }
0x211: {  	v16 =	vld [tilespmem:$0x1FF90];
	v8 =	vadd.f32 v46, v45;
	v6 =	vmul.f32 v2, v6;
	v11 =	vsub.s32 $0x5F3759DF, v62  }
0x212: {  	v15 =	vld [tilespmem:s15+$0x9420];
	v44 =	vadd.f32 v40, v12;
	v50 =	vmul.f32 v40, v40;
	v47, _, _ =	vpop (xrf2);
	v22 =	vmul.f32 v11, v3  }
0x213: {  	v59 =	vld [tilespmem:$0x1FF80];
	v46 =	vadd.f32 v55, v52;
	v4 =	vperm.xlane v47, v51;
	v6 =	vmul.f32 v6, v2  }
0x214: {  	v54 =	vadd.f32 v50, v49;
	v62 =	vld [tilespmem:s15+$0x5420];
	v45 =	vadd.f32 v60, v58;
	v41 =	vmul.f32 v11, v22  }
0x215: {  	v28 =	vld [tilespmem:s15+$0x9430];
	v14 =	vmul.f32 $1.562500000e-02, v4;
	v23 =	vsub.f32 $1.500000000e+00, v6;
	v6 =	vadd.f32 v44, v42  }
0x216: {  	[tilespmem:$0x1FD50] =	vst v61;
	v55 =	vmul.f32 v46, v46;
	v17 =	vmul.f32 v45, v45;
	v5 =	vsub.f32 $1.500000000e+00, v41  }
0x217: {  	v53, _, _ =	vpop (xrf2);
	v8 =	vadd.f32 v54, v8;
	v61 =	vmul.f32 v14, v14;
	v2 =	vmul.f32 v23, v2;
	(xrf2) =	vadd.scan.msk.f32 $0xffff, v6  }
0x218: {  	v52 =	vimm.s32 $0xF;
	v5 =	vmul.f32 v11, v5;
	v11 =	vperm.xlane v53, v57  }
0x219: {  	v44 =	vadd.f32 v15, v62;
	(xrf2) =	vadd.scan.msk.f32 $0xffff, v8;
	v6 =	vmul.f32 v2, v59;
	v8 =	vmul.f32 v2, v16  }
0x21a: {  	v47 =	vld [tilespmem:s15+$0x9460];
	v24 =	vmul.f32 v2, v43;
	v43 =	vadd.f32 v28, v18;
	v3 =	vmul.f32 v5, v3  }
0x21b: {  	[tilespmem:$0x1FD60] =	vst v1;
	v60 =	vimm.s32 $0xF;
	v11 =	vmul.f32 $1.562500000e-02, v11;
	v1 =	vmul.f32 v8, v63;
	v63 =	vld [tilespmem:s15+$0x5460]  }
0x21c: {  	v7 =	vld [tilespmem:s15+$0x5440];
	v2 =	vmul.f32 v2, v48;
	v53 =	vadd.f32 v45, v46;
	v54 =	vadd.f32 v43, v44  }
0x21d: {  	v23 =	vld [tilespmem:s15+$0x5470];
	v57 =	vmul.f32 v44, v44;
	v3 =	vmul.f32 v3, v5;
	v11 =	vsub.f32 v11, v61  }
0x21e: {  	v18 =	vld [tilespmem:$0x1FF80];
	v25 =	vmul.f32 v6, v56;
	v26 =	vmul.f32 v24, v27;
	v6 =	vadd.f32 v54, v53  }
0x21f: {  	v48 =	vmul.f32 v2, v38;
	v53 =	vld [tilespmem:s15+$0x9470];
	v3 =	vsub.f32 $1.500000000e+00, v3;
	v11 =	vadd.f32 $9.999999740e-06, v11  }
0x220: {  	v58 =	vmul.f32 v43, v43;
	v24 =	vsub.f32 v30, v0;
	v54 =	vld [tilespmem:$0x1FFA0];
	v47 =	vadd.f32 v47, v63  }
0x221: {  	v21 =	vld [tilespmem:s15+$0x9440];
	[tilespmem:$0x1FD70] =	vst v1;
	v1 =	vmul.f32 v3, v5;
	v49 =	vshra.s32 v11, $0x1;
	v3 =	vmul.f32 $5.000000000e-01, v11;
	v50, _, _ =	vpop (xrf2)  }
0x222: {  	v59 =	vld [tilespmem:s15+$0x5450];
	v62 =	vadd.f32 v58, v57;
	v2 =	vsub.s32 $0x5F3759DF, v49;
	v4 =	vperm.xlane v50, v52  }
0x223: {  	[tilespmem:$0x1FD80] =	vst v48;
	v61 =	vld [tilespmem:s15+$0x9450];
	v11 =	vadd.f32 v17, v55;
	v56, _, _ =	vpop (xrf2);
	v63 =	vmul.f32 v47, v47;
	v51 =	vmul.f32 v2, v3  }
0x224: {  	(xrf2) =	vadd.scan.msk.f32 $0xffff, v6;
	v48 =	vadd.f32 v53, v23;
	v38 =	vperm.xlane v56, v60;
	v20 =	vmul.f32 v1, v18  }
0x225: {  	v11 =	vadd.f32 v62, v11;
	v49 =	vmul.f32 v1, v54;
	v4 =	vmul.f32 $1.562500000e-02, v4  }
0x226: {  	v50 =	vimm.s32 $0xF;
	v5 =	vmul.f32 v2, v51;
	v38 =	vmul.f32 $1.562500000e-02, v38  }
0x227: {  	v51 =	vld [tilespmem:$0x1FF90];
	(xrf2) =	vadd.scan.msk.f32 $0xffff, v11;
	v57 =	vmul.f32 v49, v29;
	v49 =	vadd.f32 v21, v7;
	v22 =	vmul.f32 v4, v4  }
0x228: {  	v18 =	vmul.f32 v48, v48;
	v11 =	vadd.f32 v61, v59;
	v5 =	vsub.f32 $1.500000000e+00, v5  }
0x229: {  	v55 =	vmul.f32 v20, v31;
	v59 =	vsub.f32 v32, v0;
	v38 =	vsub.f32 v38, v22  }
0x22a: {  	v29 =	vadd.f32 v18, v63;
	v60 =	vmul.f32 v49, v49;
	v2 =	vmul.f32 v2, v5  }
0x22b: {  	v42 =	vld [tilespmem:$0x1FFB0];
	v61 =	vmul.f32 v11, v11;
	v23 =	vadd.f32 v11, v49;
	v58 =	vadd.f32 $9.999999740e-06, v38  }
0x22c: {  	v10 =	vld [tilespmem:s15+$0x54F0];
	[tilespmem:$0x1FD90] =	vst v55;
	v55 =	vimm.s32 $0xF;
	v52 =	vmul.f32 v1, v51;
	v3 =	vmul.f32 v2, v3  }
0x22d: {  	v31 =	vld [tilespmem:s15+$0x9490];
	v0 =	vadd.f32 v61, v60;
	v7 =	vmul.f32 $5.000000000e-01, v58;
	v62 =	vshra.s32 v58, $0x1  }
0x22e: {  	v20 =	vld [tilespmem:s15+$0x54B0];
	v28, _, _ =	vpop (xrf2);
	v56 =	vmul.f32 v52, v24;
	v3 =	vmul.f32 v3, v2;
	v8 =	vsub.s32 $0x5F3759DF, v62  }
0x22f: {  	v24 =	vadd.f32 v48, v47;
	v51 =	vperm.xlane v28, v50;
	v62 =	vld [tilespmem:$0x1FF80];
	v27 =	vmul.f32 v8, v7  }
0x230: {  	v5 =	vld [tilespmem:s15+$0x9480];
	v1 =	vmul.f32 v1, v42;
	v6 =	vadd.f32 v29, v0;
	v3 =	vsub.f32 $1.500000000e+00, v3  }
0x231: {  	[tilespmem:$0x1FDB0] =	vst v57;
	v52 =	vadd.f32 v24, v23;
	v0 =	vmul.f32 $1.562500000e-02, v51;
	v54, _, _ =	vpop (xrf2);
	v53 =	vmul.f32 v8, v27;
	v27 =	vld [tilespmem:$0x1FF90]  }
0x232: {  	v61 =	vsub.f32 v36, v14;
	[tilespmem:$0x1FDA0] =	vst v56;
	v56 =	vperm.xlane v54, v55;
	v54 =	vld [tilespmem:s15+$0x54D0];
	v57 =	vmul.f32 v3, v2  }
0x233: {  	v1 =	vmul.f32 v1, v59;
	(xrf2) =	vadd.scan.msk.f32 $0xffff, v52;
	v60 =	vmul.f32 v0, v0;
	v55 =	vld [tilespmem:s15+$0x94D0];
	v58 =	vsub.f32 $1.500000000e+00, v53  }
0x234: {  	(xrf2) =	vadd.scan.msk.f32 $0xffff, v6;
	v59 =	vmul.f32 $1.562500000e-02, v56;
	v53 =	vsub.f32 v37, v4;
	v37 =	vld [tilespmem:s15+$0x94E0];
	v63 =	vmul.f32 v57, v62  }
0x235: {  	v30 =	vsub.f32 v35, v14;
	v13 =	vsub.f32 v13, v4;
	v2 =	vmul.f32 v8, v58;
	v58 =	vld [tilespmem:$0x1FFB0]  }
0x236: {  	v12 =	vsub.f32 v12, v4;
	v3 =	vsub.f32 v59, v60;
	v6 =	vmul.f32 v63, v61;
	v61 =	vld [tilespmem:$0x1FFA0]  }
0x237: {  	v24 =	vsub.f32 v34, v14;
	v28 =	vmul.f32 v57, v27;
	v29 =	vmul.f32 v2, v7;
	v7 =	vld [tilespmem:s15+$0x5490]  }
0x238: {  	[tilespmem:$0x1FD20] =	vst v9;
	v14 =	vsub.f32 v33, v14;
	v8 =	vld [tilespmem:s15+$0x5480];
	v3 =	vadd.f32 $9.999999740e-06, v3  }
0x239: {  	v27 =	vimm.s32 $0xF;
	[tilespmem:$0x1FDD0] =	vst v6;
	v9 =	vmul.f32 v28, v24;
	v24 =	vld [tilespmem:s15+$0x94B0];
	v6 =	vmul.f32 v29, v2  }
0x23a: {  	[tilespmem:$0x1FDC0] =	vst v1;
	v60 =	vld [tilespmem:s15+$0x94A0];
	v59 =	vshra.s32 v3, $0x1;
	v3 =	vmul.f32 $5.000000000e-01, v3;
	v1 =	vmul.f32 v57, v58  }
0x23b: {  	v63 =	vld [tilespmem:s15+$0x54A0];
	v29 =	vimm.s32 $0xF;
	v62 =	vmul.f32 v57, v61;
	v6 =	vsub.f32 $1.500000000e+00, v6  }
0x23c: {  	v61 =	vsub.s32 $0x5F3759DF, v59;
	v1 =	vmul.f32 v1, v14;
	v7 =	vadd.f32 v31, v7;
	v31 =	vld [tilespmem:s15+$0x54E0]  }
0x23d: {  	v16 =	vadd.f32 v5, v8;
	v23, _, _ =	vpop (xrf2);
	v22 =	vmul.f32 v61, v3;
	v38 =	vmul.f32 v62, v30;
	v30 =	vld [tilespmem:$0x1FF80]  }
0x23e: {  	v28, _, _ =	vpop (xrf2);
	v2 =	vmul.f32 v6, v2;
	v6 =	vperm.xlane v23, v27;
	v21 =	vadd.f32 v24, v20;
	v24 =	vld [tilespmem:s15+$0x5500]  }
0x23f: {  	v45 =	vsub.f32 v45, v0;
	v14 =	vperm.xlane v28, v29;
	v20 =	vmul.f32 v16, v16;
	v28 =	vld [tilespmem:s15+$0x9500]  }
0x240: {  	v4 =	vsub.f32 v40, v4;
	v58 =	vld [tilespmem:s15+$0x94F0];
	[tilespmem:$0x1FDF0] =	vst v1;
	v1 =	vmul.f32 v61, v22;
	v57 =	vmul.f32 v7, v7  }
0x241: {  	[tilespmem:$0x1FDE0] =	vst v9;
	v62 =	vld [tilespmem:$0x1FF90];
	v9 =	vadd.f32 v7, v16;
	v6 =	vmul.f32 $1.562500000e-02, v6;
	v14 =	vmul.f32 $1.562500000e-02, v14  }
0x242: {  	v59 =	vmul.f32 v21, v21;
	v1 =	vsub.f32 $1.500000000e+00, v1;
	v27 =	vadd.f32 v57, v20  }
0x243: {  	v50 =	vld [tilespmem:s15+$0x54C0];
	v56 =	vmul.f32 v6, v6;
	v57 =	vadd.f32 v37, v31;
	v52 =	vmul.f32 v2, v30  }
0x244: {  	v51 =	vld [tilespmem:s15+$0x94C0];
	v11 =	vsub.f32 v11, v6;
	v1 =	vmul.f32 v61, v1;
	v42 =	vadd.f32 v28, v24  }
0x245: {  	v29 =	vld [tilespmem:s15+$0x5510];
	v14 =	vsub.f32 v14, v56;
	v36 =	vmul.f32 v52, v13;
	v13 =	vadd.f32 v60, v63  }
0x246: {  	v31 =	vld [tilespmem:s15+$0x9510];
	v63 =	vmul.f32 v2, v62;
	v60 =	vadd.f32 v55, v54;
	v55 =	vadd.f32 v58, v10  }
0x247: {  	v3 =	vmul.f32 v1, v3;
	v52 =	vsub.f32 v44, v0;
	v44 =	vsub.f32 v49, v6  }
0x248: {  	v10 =	vmul.f32 v57, v57;
	v14 =	vadd.f32 $9.999999740e-06, v14;
	v18 =	vadd.f32 v21, v13  }
0x249: {  	v56 =	vld [tilespmem:s15+$0x5520];
	v22 =	vmul.f32 v13, v13;
	v41 =	vmul.f32 v63, v53;
	v63 =	vadd.f32 v51, v50  }
0x24a: {  	v58 =	vld [tilespmem:s15+$0x9520];
	v5 =	vadd.f32 v55, v57;
	v54 =	vmul.f32 v60, v60;
	v61 =	vmul.f32 v55, v55  }
0x24b: {  	v62 =	vld [tilespmem:s15+$0x5530];
	v28 =	vadd.f32 v31, v29;
	v30 =	vshra.s32 v14, $0x1;
	v14 =	vmul.f32 $5.000000000e-01, v14  }
0x24c: {  	v23 =	vadd.f32 v18, v9;
	v40 =	vadd.f32 v59, v22;
	v51 =	vsub.s32 $0x5F3759DF, v30;
	v22 =	vld [tilespmem:$0x1FFA0]  }
0x24d: {  	[tilespmem:$0x1FE00] =	vst v36;
	v37 =	vadd.f32 v60, v63;
	v9 =	vmul.f32 v63, v63;
	v18 =	vld [tilespmem:s15+$0x9530];
	v15 =	vmul.f32 v51, v14  }
0x24e: {  	v20 =	vmul.f32 v3, v1;
	v59 =	vadd.f32 v61, v10;
	v36 =	vadd.f32 v40, v27;
	(xrf2) =	vadd.scan.msk.f32 $0xffff, v23;
	v23 =	vld [tilespmem:$0x1FFB0]  }
0x24f: {  	v31 =	vld [tilespmem:$0x1FF90];
	v17 =	vadd.f32 v5, v37;
	v54 =	vadd.f32 v54, v9;
	v35 =	vmul.f32 v51, v15  }
0x250: {  	v37 =	vsub.f32 v46, v0;
	v5 =	vmul.f32 v42, v42;
	v27 =	vld [tilespmem:$0x1FF80];
	(xrf2) =	vadd.scan.msk.f32 $0xffff, v36;
	v36 =	vsub.f32 $1.500000000e+00, v20  }
0x251: {  	v20 =	vmul.f32 v28, v28;
	v3 =	vmul.f32 v2, v22;
	v61 =	vsub.f32 $1.500000000e+00, v35  }
0x252: {  	v35 =	vadd.f32 v58, v56;
	v33 =	vadd.f32 v18, v62;
	v1 =	vmul.f32 v36, v1  }
0x253: {  	v22 =	vadd.f32 v28, v42;
	v24 =	vmul.f32 v2, v23;
	v39 =	vmul.f32 v3, v12  }
0x254: {  	v46 =	vld [tilespmem:s15+$0x5550];
	(xrf2) =	vadd.scan.msk.f32 $0xffff, v17;
	v17 =	vadd.f32 v20, v5;
	v23 =	vmul.f32 v35, v35;
	v34 =	vmul.f32 v51, v61  }
0x255: {  	v20 =	vld [tilespmem:$0x1FFB0];
	v3 =	vadd.f32 v59, v54;
	v29 =	vmul.f32 v1, v27;
	v32 =	vmul.f32 v1, v31  }
0x256: {  	v30 =	vadd.f32 v33, v35;
	v54 =	vld [tilespmem:$0x1FFA0];
	v53 =	vmul.f32 v24, v4;
	v24 =	vmul.f32 v33, v33  }
0x257: {  	v15 =	vsub.f32 v47, v6;
	v47 =	vld [tilespmem:s15+$0x5560];
	(xrf2) =	vadd.scan.msk.f32 $0xffff, v3;
	v14 =	vmul.f32 v34, v14;
	v58 =	vmul.f32 v29, v37  }
0x258: {  	v37 =	vadd.f32 v30, v22;
	v56 =	vmul.f32 v32, v45;
	v45 =	vld [tilespmem:s15+$0x9550];
	v50 =	vadd.f32 v24, v23  }
0x259: {  	v0 =	vsub.f32 v43, v0;
	v62 =	vimm.s32 $0xF;
	v51 =	vimm.s32 $0xF;
	v31 =	vld [tilespmem:s15+$0x9560];
	v36, _, _ =	vpop (xrf2)  }
0x25a: {  	v14 =	vmul.f32 v14, v34;
	(xrf2) =	vadd.scan.msk.f32 $0xffff, v37;
	v8 =	vperm.xlane v36, v51;
	v17 =	vadd.f32 v50, v17  }
0x25b: {  	v29 =	vimm.s32 $0xF;
	v59 =	vmul.f32 v1, v54;
	v1 =	vmul.f32 v1, v20;
	v61, _, _ =	vpop (xrf2)  }
0x25c: {  	v43 =	vld [tilespmem:s15+$0x9540];
	v23 =	vimm.s32 $0xF;
	v5 =	vperm.xlane v61, v62;
	v8 =	vmul.f32 $1.562500000e-02, v8;
	(xrf2) =	vadd.scan.msk.f32 $0xffff, v17  }
0x25d: {  	v32 =	vld [tilespmem:s15+$0x5570];
	v14 =	vsub.f32 $1.500000000e+00, v14;
	v59 =	vmul.f32 v59, v52;
	v50 =	vadd.f32 v45, v46  }
0x25e: {  	v17 =	vld [tilespmem:s15+$0x5540];
	v22, _, _ =	vpop (xrf2);
	v46 =	vadd.f32 v31, v47;
	v12 =	vmul.f32 $1.562500000e-02, v5;
	v18 =	vmul.f32 v8, v8  }
0x25f: {  	v37 =	vld [tilespmem:s15+$0x9570];
	v24 =	vperm.xlane v22, v23;
	v20 =	vsub.f32 v16, v8;
	v23 =	vsub.f32 v7, v8  }
0x260: {  	v5 =	vmul.f32 v14, v34;
	v54 =	vsub.f32 v13, v8;
	v12 =	vsub.f32 v12, v18  }
0x261: {  	v14 =	vmul.f32 v46, v46;
	v10 =	vmul.f32 $1.562500000e-02, v24;
	v18 =	vsub.f32 v48, v6;
	v27, _, _ =	vpop (xrf2)  }
0x262: {  	v9 =	vld [tilespmem:s15+$0x5590];
	v6 =	vimm.s32 $0xF;
	v30 =	vperm.xlane v27, v29;
	v12 =	vadd.f32 $9.999999740e-06, v12  }
0x263: {  	v51 =	vld [tilespmem:s15+$0x55A0];
	v36 =	vmul.f32 v10, v10;
	v27 =	vsub.f32 v21, v8;
	v49 =	vadd.f32 v43, v17  }
0x264: {  	v52 =	vld [tilespmem:s15+$0x5580];
	v43 =	vadd.f32 v37, v32;
	v4, _, _ =	vpop (xrf2);
	v3 =	vshra.s32 v12, $0x1;
	v12 =	vmul.f32 $5.000000000e-01, v12  }
0x265: {  	v62 =	vld [tilespmem:s15+$0x9580];
	v32 =	vmul.f32 v50, v50;
	v7 =	vperm.xlane v4, v6;
	v21 =	vsub.s32 $0x5F3759DF, v3  }
0x266: {  	v45 =	vld [tilespmem:s15+$0x9590];
	v17 =	vimm.s32 $0xF;
	v34 =	vmul.f32 $1.562500000e-02, v30;
	v16, _, _ =	vpop (xrf2);
	v24 =	vmul.f32 v21, v12  }
0x267: {  	v8 =	vld [tilespmem:s15+$0x95A0];
	v30 =	vadd.f32 v43, v46;
	v40 =	vmul.f32 $1.562500000e-02, v7;
	v22 =	vperm.xlane v16, v17  }
0x268: {  	v13 =	vsub.f32 v34, v36;
	v36 =	vld [tilespmem:$0x1FF80];
	v6 =	vmul.f32 v21, v24;
	v24 =	vadd.f32 v50, v49  }
0x269: {  	v34 =	vld [tilespmem:s15+$0x55B0];
	v29 =	vmul.f32 $1.562500000e-02, v22;
	v22 =	vmul.f32 v40, v40  }
0x26a: {  	v47 =	vadd.f32 v62, v52;
	v31 =	vmul.f32 v49, v49;
	v24 =	vadd.f32 v30, v24;
	v30 =	vld [tilespmem:$0x1FF90]  }
0x26b: {  	v48 =	vadd.f32 v45, v9;
	v16 =	vmul.f32 v43, v43;
	v22 =	vsub.f32 v29, v22;
	v29 =	vld [tilespmem:s15+$0x95B0]  }
0x26c: {  	v61 =	vmul.f32 v1, v0;
	v9 =	vld [tilespmem:s15+$0x95C0];
	v1 =	vadd.f32 v32, v31;
	v13 =	vadd.f32 $9.999999740e-06, v13  }
0x26d: {  	v32 =	vmul.f32 v47, v47;
	v7 =	vld [tilespmem:s15+$0x55C0];
	v0 =	vadd.f32 v16, v14;
	v37 =	vmul.f32 v5, v36  }
0x26e: {  	v4 =	vmul.f32 $5.000000000e-01, v13;
	v16 =	vshra.s32 v13, $0x1;
	v13 =	vld [tilespmem:$0x1FFD0];
	v6 =	vsub.f32 $1.500000000e+00, v6  }
0x26f: {  	v14 =	vld [tilespmem:$0x1FC90];
	v17 =	vadd.f32 v0, v1;
	v37 =	vmul.f32 v37, v44;
	v31 =	vmul.f32 v5, v30  }
0x270: {  	v0 =	vld [tilespmem:s15+$0x95D0];
	v44 =	vadd.f32 v8, v51;
	v45 =	vadd.f32 v29, v34;
	v34 =	vmul.f32 v48, v48  }
0x271: {  	v6 =	vmul.f32 v21, v6;
	v36 =	vmul.f32 v31, v11;
	v11 =	vsub.s32 $0x5F3759DF, v16;
	v16 =	vld [tilespmem:$0x1FFB0]  }
0x272: {  	v21 =	vmul.f32 v44, v44;
	v29 =	vmul.f32 v45, v45;
	v1 =	vadd.f32 v34, v32;
	v34 =	vld [tilespmem:$0x1FFA0]  }
0x273: {  	v52 =	vadd.f32 v48, v47;
	v51 =	vld [tilespmem:s15+$0x55D0];
	v30 =	vadd.f32 v45, v44;
	v32 =	vmul.f32 v11, v4  }
0x274: {  	v3 =	vmul.f32 v6, v12;
	v12 =	vld [tilespmem:$0x1FC80];
	v31 =	vadd.f32 v29, v21  }
0x275: {  	v62 =	vadd.f32 v30, v52;
	v29 =	vmul.f32 v11, v32;
	v30 =	vld [tilespmem:$0x1FFC0]  }
0x276: {  	v21 =	vadd.f32 v31, v1;
	v1 =	vmul.f32 v5, v16;
	v16 =	vld [tilespmem:$0x1FCA0]  }
0x277: {  	v8 =	vsub.f32 $1.500000000e+00, v29;
	v29 =	vld [tilespmem:$0x1FCB0];
	v52 =	vmul.f32 v5, v34  }
0x278: {  	v31 =	vld [tilespmem:$0x1FCC0]  }
0x279: {  	v34 =	vmul.f32 v52, v15;
	v52 =	vadd.f32 v9, v7;
	v9 =	vld [tilespmem:$0x1FFC0]  }
0x27a: {  	v15 =	vld [tilespmem:$0x1FFE0]  }
0x27b: {  	v3 =	vmul.f32 v3, v6;
	v5 =	vadd.f32 v14, v13;
	v13 =	vld [tilespmem:$0x1FF80]  }
0x27c: {  	v32 =	vmul.f32 v1, v18;
	v18 =	vld [tilespmem:$0x1FFF0]  }
0x27d: {  	v51 =	vadd.f32 v0, v51;
	v3 =	vsub.f32 $1.500000000e+00, v3;
	v0 =	vmul.f32 v11, v8;
	v11 =	vld [tilespmem:$0x1FFD0]  }
0x27e: {  	v2 =	vadd.f32 v12, v9;
	v12 =	vld [tilespmem:$0x1FCD0]  }
0x27f: {  	v3 =	vmul.f32 v3, v6;
	v6 =	vadd.f32 v16, v15;
	v16 =	vld [tilespmem:$0x1FFE0]  }
0x280: {  	v15 =	vadd.f32 v31, v30;
	v30 =	vld [tilespmem:$0x1FFF0]  }
0x281: {  	v31 =	vld [tilespmem:$0x1FCF0]  }
0x282: {  	v9 =	vadd.f32 v29, v18;
	v29 =	vld [tilespmem:$0x1FCE0];
	_ =	sdelay $0x1  }
0x283: {  	v14 =	vmul.f32 v3, v13  }
0x284: {  	v13 =	vld [tilespmem:$0x1FD00]  }
0x285: {  	v8 =	vadd.f32 v31, v30;
	v30 =	vmul.f32 v14, v20;
	v14 =	vld [tilespmem:$0x1FFD0]  }
0x286: {  	v18 =	vadd.f32 v12, v11;
	v11 =	vadd.f32 v29, v16;
	v16 =	vld [tilespmem:$0x1FD10]  }
0x287: {  	v12 =	vld [tilespmem:$0x1FFC0]  }
0x288: {  	v29 =	vld [tilespmem:$0x1FFE0]  }
0x289: {  	v31 =	vld [tilespmem:$0x1FD20];
	_ =	sdelay $0x1  }
0x28a: {  	v7 =	vadd.f32 v16, v14;
	v16 =	vld [tilespmem:$0x1FF90];
	_ =	sdelay $0x2  }
0x28b: {  	v20 =	vadd.f32 v13, v12;
	v12 =	vadd.f32 v31, v29;
	v29 =	vld [tilespmem:$0x1FFF0]  }
0x28c: {  	v31 =	vld [tilespmem:$0x1FFC0]  }
0x28d: {  	v1 =	vmul.f32 v3, v16;
	v16 =	vld [tilespmem:$0x1FD30]  }
0x28e: {  	[tilespmem:s15+$0xD210] =	vst v5;
	v5 =	vld [tilespmem:$0x1FFE0];
	v4 =	vmul.f32 v0, v4  }
0x28f: {  	[tilespmem:s15+$0xD220] =	vst v6;
	v6 =	vld [tilespmem:$0x1FD50]  }
0x290: {  	v4 =	vmul.f32 v4, v0;
	v13 =	vadd.f32 v19, v29;
	v19 =	vld [tilespmem:$0x1FFA0]  }
0x291: {  	v29 =	vmul.f32 v1, v23;
	v23 =	vld [tilespmem:$0x1FFD0]  }
0x292: {  	v4 =	vsub.f32 $1.500000000e+00, v4;
	v14 =	vadd.f32 v16, v31;
	v31 =	vld [tilespmem:$0x1FD40];
	_ =	sdelay $0x1  }
0x293: {  	[tilespmem:s15+$0xD230] =	vst v9;
	v9 =	vmul.f32 v4, v0;
	v4 =	vld [tilespmem:$0x1FFC0]  }
0x294: {  	[tilespmem:s15+$0xD200] =	vst v2;
	v2 =	vmul.f32 v3, v19;
	v16 =	vld [tilespmem:$0x1FFF0]  }
0x295: {  	v19 =	vld [tilespmem:$0x1FD60]  }
0x296: {  	v23 =	vadd.f32 v31, v23;
	v31 =	vmul.f32 v2, v54;
	v54 =	vadd.f32 v6, v5;
	v5 =	vld [tilespmem:$0x1FFD0]  }
0x297: {  	v6 =	vld [tilespmem:$0x1FD70];
	_ =	sdelay $0x2  }
0x298: {  	(xrf2) =	vadd.scan.msk.f32 $0xffff, v24;
	v24 =	vld [tilespmem:$0x1FFE0]  }
0x299: {  	v16 =	vadd.f32 v19, v16;
	v19 =	vadd.f32 v25, v4;
	v4 =	vld [tilespmem:$0x1FFF0]  }
0x29a: {  	v25 =	vadd.f32 v6, v5;
	v5 =	vld [tilespmem:$0x1FD80];
	_ =	sdelay $0x4  }
0x29b: {  	v24 =	vadd.f32 v26, v24;
	v26 =	vadd.f32 v5, v4;
	v5 =	vld [tilespmem:$0x1FF80];
	_ =	sdelay $0x3  }
0x29c: {  	(xrf2) =	vadd.scan.msk.f32 $0xffff, v17;
	v17 =	vld [tilespmem:$0x1FDA0]  }
0x29d: {  	v63 =	vsub.f32 v63, v10;
	v0 =	vld [tilespmem:$0x1FFD0];
	v5 =	vmul.f32 v9, v5  }
0x29e: {  	[tilespmem:s15+$0xD250] =	vst v18;
	v18 =	vld [tilespmem:$0x1FDB0]  }
0x29f: {  	v5 =	vmul.f32 v5, v63;
	v63 =	vld [tilespmem:$0x1FFE0];
	_ =	sdelay $0x3  }
0x2a0: {  	v17 =	vadd.f32 v17, v0;
	v0 =	vld [tilespmem:$0x1FFF0]  }
0x2a1: {  	v18 =	vadd.f32 v18, v63;
	v63 =	vld [tilespmem:$0x1FDC0]  }
0x2a2: {  	v6 =	vld [tilespmem:$0x1FFB0];
	_ =	sdelay $0x2  }
0x2a3: {  	[tilespmem:s15+$0xD260] =	vst v11;
	v11 =	vld [tilespmem:$0x1FDD0]  }
0x2a4: {  	v63 =	vadd.f32 v63, v0;
	v0 =	vld [tilespmem:$0x1FFC0]  }
0x2a5: {  	[tilespmem:s15+$0xD280] =	vst v20;
	v20 =	vld [tilespmem:$0x1FDE0];
	v3 =	vmul.f32 v3, v6  }
0x2a6: {  	v1 =	vld [tilespmem:$0x1FFD0]  }
0x2a7: {  	v27 =	vmul.f32 v3, v27;
	v3 =	vadd.f32 $9.999999740e-06, v22;
	_ =	sdelay $0x1  }
0x2a8: {  	v11 =	vadd.f32 v11, v0;
	v0 =	vshra.s32 v3, $0x1  }
0x2a9: {  	[tilespmem:s15+$0xD270] =	vst v8;
	v8 =	vsub.f32 v60, v10;
	v60 =	vsub.s32 $0x5F3759DF, v0;
	v0 =	vld [tilespmem:$0x1FF90]  }
0x2aa: {  	v20 =	vadd.f32 v20, v1;
	v1 =	vld [tilespmem:$0x1FFE0];
	_ =	sdelay $0x1  }
0x2ab: {  	(xrf2) =	vadd.scan.msk.f32 $0xffff, v62;
	v62 =	vld [tilespmem:$0x1FDF0]  }
0x2ac: {  	[tilespmem:s15+$0xD240] =	vst v15;
	v15 =	vld [tilespmem:$0x1FFC0];
	v3 =	vmul.f32 $5.000000000e-01, v3  }
0x2ad: {  	v4 =	vld [tilespmem:$0x1FD90];
	v0 =	vmul.f32 v9, v0  }
0x2ae: {  	v2 =	vld [tilespmem:s15+$0x95F0];
	v38 =	vadd.f32 v38, v1;
	v1 =	vmul.f32 v60, v3  }
0x2af: {  	v8 =	vmul.f32 v0, v8;
	v0 =	vld [tilespmem:$0x1FFF0]  }
0x2b0: {  	v22 =	vld [tilespmem:s15+$0x55F0];
	v1 =	vmul.f32 v60, v1  }
0x2b1: {  	v6 =	vld [tilespmem:s15+$0x55E0]  }
0x2b2: {  	v15 =	vadd.f32 v4, v15;
	v4 =	vld [tilespmem:s15+$0x95E0];
	v1 =	vsub.f32 $1.500000000e+00, v1  }
0x2b3: {  	[tilespmem:s15+$0xD2E0] =	vst v54;
	v54 =	vld [tilespmem:$0x1FFF0]  }
0x2b4: {  	v57 =	vsub.f32 v57, v10;
	[tilespmem:s15+$0xD290] =	vst v7;
	v1 =	vmul.f32 v60, v1;
	v62 =	vadd.f32 v62, v0  }
0x2b5: {  	[tilespmem:s15+$0xD2A0] =	vst v12;
	v60 =	vld [tilespmem:$0x1FFC0];
	v0 =	vadd.f32 v2, v22;
	v2 =	vsub.f32 v55, v10;
	v10, _, _ =	vpop (xrf2);
	v55 =	vimm.s32 $0xF  }
0x2b6: {  	[tilespmem:s15+$0xD2F0] =	vst v16;
	v10 =	vperm.xlane v10, v55;
	v55 =	vld [tilespmem:$0x1FE00]  }
0x2b7: {  	v7 =	vmul.f32 v51, v51;
	v6 =	vadd.f32 v4, v6;
	v4 =	vmul.f32 v52, v52;
	[tilespmem:s15+$0xD370] =	vst v63;
	v63 =	vld [tilespmem:$0x1FFC0]  }
0x2b8: {  	(xrf2) =	vadd.scan.msk.f32 $0xffff, v21;
	v16 =	vld [tilespmem:$0x1FFD0];
	[tilespmem:s15+$0xD300] =	vst v19;
	v19 =	vadd.f32 v53, v54;
	v3 =	vmul.f32 v1, v3  }
0x2b9: {  	[tilespmem:s15+$0xD2D0] =	vst v23;
	v23 =	vld [tilespmem:$0x1FFB0];
	v12 =	vmul.f32 v6, v6;
	v4 =	vadd.f32 v7, v4;
	v21 =	vmul.f32 v0, v0  }
0x2ba: {  	[tilespmem:s15+$0xD2C0] =	vst v14;
	v7 =	vadd.f32 v51, v52;
	v3 =	vmul.f32 v3, v1;
	v22 =	vld [tilespmem:$0x1FFE0];
	v14 =	vadd.f32 v0, v6  }
0x2bb: {  	[tilespmem:s15+$0xD2B0] =	vst v13;
	v13, _, _ =	vpop (xrf2);
	v12 =	vadd.f32 v21, v12;
	v21 =	vadd.f32 v55, v60;
	v60 =	vimm.s32 $0xF;
	v55 =	vld [tilespmem:$0x1FFA0]  }
0x2bc: {  	v53 =	vld [tilespmem:$0x1FFE0];
	[tilespmem:s15+$0xD380] =	vst v11;
	v11 =	vadd.f32 v37, v63;
	v10 =	vmul.f32 $1.562500000e-02, v10;
	v13 =	vperm.xlane v13, v60  }
0x2bd: {  	v3 =	vsub.f32 $1.500000000e+00, v3;
	v7 =	vadd.f32 v14, v7  }
0x2be: {  	[tilespmem:s15+$0xD310] =	vst v25;
	v25 =	vld [tilespmem:$0x1FFD0];
	v4 =	vadd.f32 v12, v4;
	v60 =	vmul.f32 v10, v10;
	v13 =	vmul.f32 $1.562500000e-02, v13  }
0x2bf: {  	v1 =	vmul.f32 v3, v1;
	v49 =	vsub.f32 v49, v10;
	(xrf2) =	vadd.scan.msk.f32 $0xffff, v7;
	v7 =	vadd.f32 v41, v16  }
0x2c0: {  	v16 =	vadd.f32 v39, v22;
	(xrf2) =	vadd.scan.msk.f32 $0xffff, v4;
	v14 =	vmul.f32 v9, v55;
	v12 =	vsub.f32 v13, v60;
	v55 =	vld [tilespmem:$0x1FFC0]  }
0x2c1: {  	v41 =	vld [tilespmem:$0x1FF80];
	v9 =	vmul.f32 v9, v23;
	v23 =	vadd.f32 v59, v53;
	v59 =	vsub.f32 v28, v40  }
0x2c2: {  	v39, _, _ =	vpop (xrf2);
	v28 =	vld [tilespmem:$0x1FFD0];
	v14 =	vmul.f32 v14, v57;
	v57 =	vimm.s32 $0xF;
	v60 =	vadd.f32 $9.999999740e-06, v12  }
0x2c3: {  	v2 =	vmul.f32 v9, v2;
	v12 =	vadd.f32 v56, v25;
	v13 =	vperm.xlane v39, v57  }
0x2c4: {  	v39 =	vimm.s32 $0xF;
	v57 =	vld [tilespmem:$0x1FFF0];
	v3 =	vmul.f32 $5.000000000e-01, v60;
	v9 =	vshra.s32 v60, $0x1  }
0x2c5: {  	[tilespmem:s15+$0xD350] =	vst v17;
	v22 =	vadd.f32 v58, v55;
	v58, _, _ =	vpop (xrf2);
	v13 =	vmul.f32 $1.562500000e-02, v13;
	v55 =	vsub.f32 v42, v40;
	v42 =	vld [tilespmem:$0x1FF90]  }
0x2c6: {  	[tilespmem:s15+$0xD3B0] =	vst v62;
	v62 =	vld [tilespmem:$0x1FFC0];
	v56 =	vmul.f32 v1, v41;
	v9 =	vsub.s32 $0x5F3759DF, v9;
	v4 =	vperm.xlane v58, v39  }
0x2c7: {  	[tilespmem:s15+$0xD390] =	vst v20;
	v20 =	vadd.f32 v36, v28;
	v58 =	vmul.f32 v9, v3;
	v54 =	vmul.f32 v13, v13  }
0x2c8: {  	[tilespmem:s15+$0xD340] =	vst v15;
	v36 =	vimm.s32 $0xF;
	v17 =	vmul.f32 v56, v55;
	v4 =	vmul.f32 $1.562500000e-02, v4  }
0x2c9: {  	[tilespmem:s15+$0xD360] =	vst v18;
	v56 =	vsub.f32 v33, v40;
	v18 =	vadd.f32 v61, v57;
	v61, _, _ =	vpop (xrf2);
	v15 =	vmul.f32 v9, v58;
	v58 =	vld [tilespmem:$0x1FFE0]  }
0x2ca: {  	[tilespmem:s15+$0xD320] =	vst v24;
	v63 =	vld [tilespmem:$0x1FFB0];
	v37 =	vperm.xlane v61, v36;
	v53, _, _ =	vpop (xrf2);
	v4 =	vsub.f32 v4, v54;
	v60 =	vmul.f32 v1, v42  }
0x2cb: {  	[tilespmem:s15+$0xD400] =	vst v22;
	v22 =	vadd.f32 v30, v62;
	v61 =	vld [tilespmem:$0x1FFA0];
	v15 =	vsub.f32 $1.500000000e+00, v15;
	v28 =	vperm.xlane v53, v36  }
0x2cc: {  	[tilespmem:s15+$0xD3A0] =	vst v38;
	v25 =	vmul.f32 $1.562500000e-02, v37;
	v37 =	vld [tilespmem:$0x1FFE0];
	v4 =	vadd.f32 $9.999999740e-06, v4;
	v24 =	vmul.f32 v60, v59  }
0x2cd: {  	[tilespmem:s15+$0xD3F0] =	vst v19;
	v54 =	vsub.f32 v35, v40;
	v9 =	vmul.f32 v9, v15;
	v28 =	vmul.f32 $1.562500000e-02, v28;
	v59 =	vld [tilespmem:$0x1FFF0]  }
0x2ce: {  	[tilespmem:s15+$0xD3E0] =	vst v16;
	v57 =	vmul.f32 v25, v25;
	v16 =	vadd.f32 v34, v58;
	v39 =	vshra.s32 v4, $0x1  }
0x2cf: {  	[tilespmem:s15+$0xD330] =	vst v26;
	v4 =	vmul.f32 $5.000000000e-01, v4;
	v3 =	vmul.f32 v9, v3;
	v26 =	vsub.s32 $0x5F3759DF, v39  }
0x2d0: {  	[tilespmem:s15+$0xD440] =	vst v11;
	v34 =	vld [tilespmem:$0x1FFD0];
	v60 =	vsub.f32 v28, v57;
	v28 =	vmul.f32 v1, v61;
	v1 =	vmul.f32 v1, v63  }
0x2d1: {  	[tilespmem:s15+$0xD3C0] =	vst v21;
	v21 =	vld [tilespmem:$0x1FFD0];
	v0 =	vsub.f32 v0, v25;
	v55 =	vmul.f32 v26, v4;
	v3 =	vmul.f32 v3, v9  }
0x2d2: {  	[tilespmem:s15+$0xD3D0] =	vst v7;
	v30 =	vld [tilespmem:$0x1FFF0];
	v11 =	vadd.f32 v31, v37;
	v32 =	vadd.f32 v32, v59;
	v33 =	vmul.f32 v28, v54  }
0x2d3: {  	[tilespmem:s15+$0xD420] =	vst v23;
	v39 =	vld [tilespmem:$0x1FFF0];
	v19 =	vadd.f32 $9.999999740e-06, v60;
	v1 =	vmul.f32 v1, v56;
	v56 =	vsub.f32 v46, v10  }
0x2d4: {  	[tilespmem:s15+$0xD410] =	vst v12;
	v61 =	vld [tilespmem:$0x1FFD0];
	v28 =	vsub.f32 v44, v13;
	v44 =	vsub.f32 v52, v25;
	v15 =	vmul.f32 v26, v55  }
0x2d5: {  	[tilespmem:s15+$0xD450] =	vst v20;
	v63 =	vld [tilespmem:$0x1FFF0];
	v7 =	vadd.f32 v29, v34;
	v35 =	vshra.s32 v19, $0x1;
	v19 =	vmul.f32 $5.000000000e-01, v19  }
0x2d6: {  	[tilespmem:s15+$0xD480] =	vst v22;
	v60 =	vld [tilespmem:$0x1FFC0];
	v3 =	vsub.f32 $1.500000000e+00, v3;
	v55 =	vsub.f32 v50, v10;
	v38 =	vsub.s32 $0x5F3759DF, v35  }
0x2d7: {  	[tilespmem:s15+$0xD430] =	vst v18;
	v57 =	vld [tilespmem:$0x1FFA0];
	v10 =	vsub.f32 v43, v10;
	v15 =	vsub.f32 $1.500000000e+00, v15;
	v40 =	vmul.f32 v38, v19  }
0x2d8: {  	v62 =	vld [tilespmem:$0x1FFE0];
	[tilespmem:s15+$0xD460] =	vst v16;
	v1 =	vadd.f32 v1, v30;
	v3 =	vmul.f32 v3, v9;
	v18 =	vadd.f32 v27, v39  }
0x2d9: {  	v23 =	vld [tilespmem:$0x1FFE0];
	[tilespmem:s15+$0xD4A0] =	vst v11;
	v8 =	vadd.f32 v8, v61;
	v15 =	vmul.f32 v26, v15;
	v20 =	vmul.f32 v38, v40  }
0x2da: {  	v43 =	vld [tilespmem:$0x1FFA0];
	[tilespmem:s15+$0xD470] =	vst v32;
	v2 =	vadd.f32 v2, v63;
	v53 =	vmul.f32 v3, v41;
	v54 =	vmul.f32 v3, v42  }
0x2db: {  	v5 =	vadd.f32 v5, v60;
	[tilespmem:s15+$0xD4B0] =	vst v18;
	v18 =	vld [tilespmem:$0x1FFB0];
	v4 =	vmul.f32 v15, v4;
	v20 =	vsub.f32 $1.500000000e+00, v20  }
0x2dc: {  	v34 =	vld [tilespmem:$0x1FFD0];
	[tilespmem:s15+$0xD490] =	vst v7;
	v27 =	vsub.f32 v48, v13;
	v22 =	vmul.f32 v3, v57;
	v58 =	vmul.f32 v54, v55  }
0x2dd: {  	v35 =	vld [tilespmem:$0x1FFE0];
	[tilespmem:s15+$0xD4C0] =	vst v5;
	v5 =	vadd.f32 v14, v62;
	v4 =	vmul.f32 v4, v15;
	v9 =	vmul.f32 v38, v20  }
0x2de: {  	v48 =	vld [tilespmem:$0x1FFB0];
	[tilespmem:s15+$0xD530] =	vst v1;
	v59 =	vmul.f32 v22, v56;
	v14 =	vadd.f32 v24, v21;
	v24 =	vsub.f32 v47, v13  }
0x2df: {  	[tilespmem:s15+$0xD4E0] =	vst v5;
	v5 =	vadd.f32 v33, v23;
	v33 =	vld [tilespmem:$0x1FFC0];
	v4 =	vsub.f32 $1.500000000e+00, v4;
	v22 =	vmul.f32 v9, v19  }
0x2e0: {  	[tilespmem:s15+$0xD4D0] =	vst v8;
	v13 =	vsub.f32 v45, v13;
	v47 =	vsub.f32 v51, v25;
	v3 =	vmul.f32 v3, v18;
	v20 =	vld [tilespmem:$0x1FFC0]  }
0x2e1: {  	[tilespmem:s15+$0xD4F0] =	vst v2;
	v55 =	vsub.f32 v6, v25;
	v38 =	vld [tilespmem:$0x1FFF0];
	v4 =	vmul.f32 v4, v15;
	v15 =	vmul.f32 v22, v9  }
0x2e2: {  	v39 =	vld [tilespmem:$0x1FFC0];
	v16 =	vmul.f32 v53, v49;
	[tilespmem:s15+$0xD510] =	vst v14;
	v7 =	vadd.f32 v58, v34;
	v1 =	vadd.f32 v59, v35  }
0x2e3: {  	v52 =	vld [tilespmem:$0x1FFD0];
	[tilespmem:s15+$0xD520] =	vst v5;
	v3 =	vmul.f32 v3, v10;
	v26 =	vmul.f32 v4, v41;
	v31 =	vsub.f32 $1.500000000e+00, v15  }
0x2e4: {  	v53 =	vld [tilespmem:$0x1FFE0];
	[tilespmem:s15+$0xD550] =	vst v7;
	v12 =	vadd.f32 v16, v33;
	v29 =	vmul.f32 v4, v42;
	v37 =	vmul.f32 v4, v43  }
0x2e5: {  	v57 =	vld [tilespmem:$0x1FFF0];
	[tilespmem:s15+$0xD560] =	vst v1;
	v8 =	vadd.f32 v17, v20;
	v2 =	vmul.f32 v26, v24;
	v9 =	vmul.f32 v31, v9  }
0x2e6: {  	v51 =	vld [tilespmem:$0x1FFC0];
	v3 =	vadd.f32 v3, v38;
	v4 =	vmul.f32 v4, v48;
	[tilespmem:s15+$0xD540] =	vst v12;
	v32 =	vmul.f32 v29, v27  }
0x2e7: {  	v59 =	vld [tilespmem:$0x1FFD0];
	[tilespmem:s15+$0xD500] =	vst v8;
	v40 =	vmul.f32 v37, v28;
	v2 =	vadd.f32 v2, v39;
	v45 =	vmul.f32 v9, v41  }
0x2e8: {  	v61 =	vld [tilespmem:$0x1FFE0];
	v46 =	vmul.f32 v4, v13;
	[tilespmem:s15+$0xD570] =	vst v3;
	v5 =	vadd.f32 v32, v52;
	v49 =	vmul.f32 v9, v42  }
0x2e9: {  	v63 =	vld [tilespmem:$0x1FFF0];
	v7 =	vadd.f32 v40, v53;
	v56 =	vmul.f32 v9, v43;
	[tilespmem:s15+$0xD580] =	vst v2;
	v50 =	vmul.f32 v45, v44  }
0x2ea: {  	v1 =	vadd.f32 v46, v57;
	v58 =	vmul.f32 v9, v48;
	[tilespmem:s15+$0xD590] =	vst v5;
	v54 =	vmul.f32 v49, v47  }
0x2eb: {  	p0 =	sne.s32 s13, $0x7000;
	[tilespmem:s15+$0xD5A0] =	vst v7;
	v4 =	vmul.f32 v56, v55;
	v3 =	vadd.f32 v50, v51  }
.Ltmp1:
0x2ec: {  	[tilespmem:s15+$0xD5B0] =	vst v1;
	v0 =	vmul.f32 v58, v0;
	v60 =	vadd.f32 v54, v59;
	(pc) =	sbr.rel @p0 .LBB2_5-.Ltmp1, $4  }
0x2ed: {  	v62 =	vadd.f32 v4, v61;
	[tilespmem:s15+$0xD5C0] =	vst v3  }
0x2ee: {  	v0 =	vadd.f32 v0, v63;
	[tilespmem:s15+$0xD5D0] =	vst v60  }
0x2ef: {  	[tilespmem:s15+$0xD5E0] =	vst v62  }
0x2f0: {  	s13 =	sadd.s32 $0x1000, s13;
	[tilespmem:s15+$0xD5F0] =	vst v0  }
0x2f1: {  	s13 =	sadd.s32 @!p1 $0x180, s3  }
0x2f2: {  	s15 =	simm.s32 @!p1 $0x80;
	s18 =	simm.s32 @!p1 $0x5200;
	s0 =	sadd.s32 $0x1, s0  }
0x2f3: {  	[tilespmem:s18], [sflag:$0x2] =	stream.indirect.gather @!p1 [hbm4b:s6+s15], $0x40, s13, s15, $0xb8;
	[tilespmem:$0xF280] =	vst v63  }
0x2f4: {  	p0 =	sne.s32 s0, $0x19  }
.Ltmp2:
0x2f5: {  	s1 =	sadd.s32 s1, s11;
	(pc) =	sbr.rel @p0 .LBB2_2-.Ltmp2, $4  }
0x2f6: {  	s3 =	sadd.s32 @!p1 $0x1A80, s3;
	s13 =	simm.s32 @!p1 $0x9200;
	s1 =	sshrl.u32 s1, $0x3  }
0x2f7: {  	[tilespmem:s13], [sflag:$0x4] =	stream.indirect.gather @!p1 [hbm4b:s7+s15], $0x40, s3, s15, $0xb8;
	[tilespmem:$0xF280] =	vst v63  }
0x2f8: {  	s1 =	sadd.s32 s4, s1  }
0x2f9: {  	[hbm4b:s1+s5] =	stream.linear.scatter [tilespmem:s29], [sflag:$0x6], $0x2000, $0x38;
	[tilespmem:$0xF280] =	vst v63  }
0x2fa: {  	s2 =	sadd.s32 $0x1, s2  }
0x2fb: {  	_ =	swait.ge [sflag:s30], $0x2000;
	p0 =	sne.s32 s2, s12  }
.Ltmp3:
0x2fc: {  	[sflag:s30] =	ssyncset.done $0x0;
	(pc) =	sbr.rel @p0 .LBB2_1-.Ltmp3, $4  }
0x2fd: {  	[sflag:s30] =	ssyncadd.s32 $0xFFFFE000  }
0x2fe: {  	_ =	swait.ge [sflag:s31], $0x2000  }
0x2ff: {  	[sflag:s31] =	ssyncset.done $0x0  }
0x300: {  	[sflag:s31] =	ssyncadd.s32 $0xFFFFE000  }
0x301: {  	_ =	sfence.sel $0x180000  }
0x302: {  	[bflag:$0x0] =	sbarrier.arrive $0xFFFF  }
0x303: {  	_ =	strace $0x90000047  }
0x304: {  	s0 =	stileid.u32;
	[bflag:$0x2] =	sbarrier.arrive $0xFFFF  }
0x305: {  	p0 =	sne.s32 s0, $0x0;
	s0 =	rddreg [dreg:$0x4]  }
0x306: {  	s0 =	sadd.s32 @!p0 $0x100000, s0  }
0x307: {  	[sflag:s0] =	ssyncadd.tile.s32 @!p0 $0x1;
	_ =	shalt  }
.Lfunc_end2:
_tile_overlayer_lowered:
.L_overlay_start_2:
0x308: {  	(tag) =	ssettag $0x2  }
0x309: {  	s0 =	rddreg [dreg:$0x0];
	s2 =	stileid.u32  }
0x30a: {  	s1 =	rddreg [dreg:$0x1];
	p0 =	sne.s32 s2, $0x0  }
0x30b: {  	s3 =	rddreg [dreg:$0x2];
	[bflag:$0x3] =	sbarrier.arrive $0xFFFF;
	s2 =	simm.s32 @!p0 $0x1C07  }
0x30c: {  	[timem:s3], [sflag:s2] =	dma.local @!p0 [hbm:s0], s1  }
0x30d: {  	s0 =	simm.s32 @!p0 $0x7  }
0x30e: {  	_ =	swait.ge @!p0 [sflag:s0], s1  }
0x30f: {  	s1 =	ssub.s32 @!p0 $0x0, s1;
	[sflag:s0] =	ssyncset.done @!p0 $0x0  }
0x310: {  	[sflag:s0] =	ssyncadd.s32 @!p0 s1  }
0x311: {  	[bflag:$0x3] =	sbarrier.arrive $0xFFFF  }
0x312: {  	_ =	shalt  }

// kernel: sparse-core-data-format-call.cloned.1.call-start
scs
called_computation_lowered:
.L_overlay_start_0:
0x0: {  	s2 =	sld [smem:$0x3FD9]  }
0x1: {  	s3 =	sld [smem:$0x3FFE];
	_ =	sdelay $0x1  }
0x2: {  	s1 =	srdreg.scid  }
0x3: {  	s0 =	sand.u32 $0x1, s1  }
0x4: {  	s18 =	sshll.u32 s0, $0xA;
	s2 =	sadd.s32 s3, s2  }
0x5: {  	s2 =	sadd.s32 s2, s18  }
0x6: {  	[smem:$0x3FC0] =	sst s2  }
0x7: {  	_ = 	snop  }
0x8: {  	s2 =	sld [smem:$0x3FD0];
	(tm) =	ssettm $0x1  }
0x9: {  	s19 =	sld [smem:$0x3FFB];
	_ =	sdelay $0x3  }
0xa: {  	_ =	strace s19  }
0xb: {  	s3 =	sld [smem:$0x3FFC];
	_ =	sdelay $0x3  }
0xc: {  	_ =	strace s3  }
0xd: {  	s3 =	sld [smem:$0x3FFD];
	_ =	sdelay $0x3  }
0xe: {  	_ =	strace s3  }
0xf: {  	_ =	strace $0x8FFFFFFF  }
0x10: {  	s20 =	sld [smem:$0x3FDB];
	_ =	sdelay $0x1  }
0x11: {  	s4 =	simm.s32 $_scs_section_size  }
0x12: {  	s5 =	simm.s32 $_size__tile_overlayer_lowered;
	s6 =	simm.s32 $_tile_overlayer_lowered  }
0x13: {  	s23 =	simm.s32 $0x1BFF;
	s22 =	sshll.u32 s6, $0x1;
	s3 =	sadd.s32 s4, s20  }
0x14: {  	s7 =	simm.s32 $0x0;
	s21 =	sshll.u32 s5, $0x1;
	s5 =	sadd.s32 s22, s3  }
0x15: {  	[timem:s7], [sflag:s23] =	dma.local [hbm:s5], s21  }
0x16: {  	_ =	swait.ge [sflag:s23], s21  }
0x17: {  	s4 =	ssub.s32 $0x0, s21;
	[sflag:s23] =	ssyncset.done $0x0  }
0x18: {  	[sflag:s23] =	ssyncadd.s32 s4;
	_ =	sdelay $0x1  }
0x19: {  	s24 =	simm.s32 $0x1B8B  }
0x1a: {  	_ =	swait.ge [sflag:s24], $0x1  }
0x1b: {  	[sflag:s24] =	ssyncset.done $0x0  }
0x1c: {  	s26 =	simm.s32 $0x1B8E;
	s25 =	sld [smem:$0x3FFE];
	[sflag:s24] =	ssyncadd.s32 $0xFFFFFFFF  }
0x1d: {  	s27 =	simm.s32 $execute0_lowered;
	[smem:$0x3FD2] =	sst s26  }
0x1e: {  	s5 =	sshll.u32 s27, $0x1;
	_ =	strace $0x80000049;
	[dreg:$0x1] =	wrdreg $0xFFFFFFFF  }
0x1f: {  	s28 =	simm.s32 $_size_execute0_lowered;
	s3 =	sadd.s32 s3, s5;
	[dreg:$0x0] =	wrdreg $0x0  }
0x20: {  	s5 =	sshll.u32 s28, $0x1;
	[dreg:$0x2] =	wrdreg s3  }
0x21: {  	[dreg:$0x3] =	wrdreg s5  }
0x22: {  	[dreg:$0x4] =	wrdreg $0xC0  }
0x23: {  	_ =	task [dreg:s7], $0x5FFFF  }
0x24: {  	[dreg:$0x1] =	wrdreg $0xFFFFFFFF  }
0x25: {  	[dreg:$0x0] =	wrdreg $0x60  }
0x26: {  	[dreg:$0x2] =	wrdreg s25  }
0x27: {  	[dreg:$0x3] =	wrdreg s2  }
0x28: {  	[dreg:$0x4] =	wrdreg $0x9  }
0x29: {  	_ =	task.clear_ibuf [dreg:s7], $0x5FFFF;
	_ =	strace $0x90000049  }
0x2a: {  	s29 =	simm.s32 $0x9;
	_ =	strace $0x8000004B  }
0x2b: {  	_ =	swait.ge [sflag:s29], $0x1  }
0x2c: {  	[sflag:s29] =	ssyncadd.s32 $0xFFFFFFFF  }
0x2d: {  	_ =	strace $0x9000004B  }
0x2e: {  	_ =	sfence  }
0x2f: {  	s30 =	sld [smem:$0x0];
	_ =	sdelay $0x2  }
0x30: {  	s31 =	sshll.u32 s1, $0xD;
	s1 =	sshrl.u32 s1, $0x2  }
0x31: {  	s3 =	sand.u32 $0x4000, s31;
	s1 =	sadd.s32 s1, s30  }
0x32: {  	s0 =	sor.u32 s3, s0;
	s1 =	sshll.u32 s1, $0x11  }
0x33: {  	s0 =	sor.u32 s1, s0  }
0x34: {  	s0 =	sadd.s32 $0x8F2B, s0  }
0x35: {  	[sflag:s0] =	ssyncadd.remote.s32 $0x1  }
0x36: {  	_ =	sfence.sel $0xFFFF  }
0x37: {  	[dreg:$0x0] =	wrdreg $0xFFFFFFFF;
	(pc) =	sbr.abs _section_cstart, $3  }
0x38: {  	[dreg:$0x1] =	wrdreg $0xFFFFFFFF  }
0x39: {  	_ =	task.clear_ibuf [dreg:s7], $0x2FFFF;
	_ =	strace $0x9FFFFFFF  }
0x3a: {  	(tm) =	ssettm $0x7FFFFFFF  }
0x3b: {  	_ =	shalt  }
tec
execute0_lowered:
.L_overlay_start_1:
0x0: {  	(tag) =	ssettag $0x1  }
0x1: {  	s0 =	srdreg.scid  }
0x2: {  	s1 =	sshll.u32 s0, $0x4  }
0x3: {  	s0 =	stileid.u32;
	s1 =	sand.u32 $0x10, s1  }
0x4: {  	s1 =	sor.u32 s0, s1  }
0x5: {  	s6 =	rddreg [dreg:$0x0];
	s4 =	simm.s32 $0x1;
	s2 =	sshll.u32 s1, $0x7  }
0x6: {  	s7 =	simm.s32 $0x2;
	s12 =	simm.s32 $0x0;
	s1 =	ssub.s32 $0x1000, s2  }
0x7: {  	s8 =	simm.s32 $0x8000;
	s13 =	simm.s32 $0x0;
	s3 =	sand.u32 $0xF80, s1  }
0x8: {  	s9 =	simm.s32 $0x0;
	s5 =	sshrl.u32 s1, $0xC;
	p0 =	sne.s32 s3, $0x0  }
.Ltmp0:
0x9: {  	s1 =	rddreg [dreg:$0x2];
	s4 =	simm.s32 @!p0 $0x0;
	(pc) =	sbr.rel .LBB1_1-.Ltmp0, $4  }
0xa: {  	s11 =	simm.s32 $0x0;
	s3 =	rddreg [dreg:$0x1];
	s5 =	sadd.s32 s4, s5  }
0xb: {  	_ =	strace $0x8000004A;
	s4 =	simm.s32 $0x1;
	s5 =	smul.u32 $0x32, s5  }
0xc: {  	s6 =	sadd.s32 $0x1200, s6;
	s10 =	smov.u32 s2;
	[sflag:s4] =	ssyncpa.u1 $0x0  }
0xd: {  	p0 =	por $0x0, $0x0;
	[sflag:s7] =	ssyncpa.u1 $0x0;
	s7 =	sor.u32 $0x1, s5  }
.LBB1_4:
0xe: {  	s16 =	sshll.u32 s13, $0x3;
	s17 =	sand.u32 $0x78, s13  }
0xf: {  	s30 =	sand.u32 $0x7E00, s13;
	s12 =	sshll.u32 s12, $0xF;
	s16 =	sand.u32 $0xC00, s16  }
0x10: {  	[tilespmem:s15+$0x810 ss:$0x81] =	vst.msk $0xffff, v2;
	s31 =	sand.u32 $0x7, s13;
	s16 =	sor.u32 s17, s16;
	s17 =	sadd.s32 s3, s30  }
0x11: {  	[tilespmem:s15+$0x1020 ss:$0x81] =	vst.msk $0xffff, v0;
	s13 =	sshll.u32 s31, $0x12;
	s12 =	sadd.s32 s12, s17;
	s16 =	sshrl.u32 s16, $0x3  }
0x12: {  	[tilespmem:s15+$0x0 ss:$0x81] =	vst.msk $0xffff, v1;
	s13 =	sor.u32 $0x400, s13;
	s12 =	sadd.s32 s16, s12  }
0x13: {  	[hbm4b:s12+s13] =	stream.strided.scatter [tilespmem:s14], [sflag:$0x2], $0x2000, s8, s13, $0x20;
	[tilespmem:$0x8080] =	vst v63  }
.LBB1_5:
0x14: {  	s14 =	sadd.s32 $0x1, s9  }
0x15: {  	s12 =	sadd.s32 $0x1000, s10;
	s16 =	smov.u32 s10;
	p2 =	sgt.s32 s14, $0x31  }
0x16: {  	s16 =	smov.u32 @p2 s12  }
0x17: {  	s14 =	simm.s32 @p2 $0x0;
	p2 =	sgt.s32 s16, $0xFFF  }
0x18: {  	s16 =	smov.u32 @p2 s2;
	p2 =	sne.s32 s11, s7  }
.Ltmp1:
0x19: {  	p1 =	slt.u32 s11, $0x2;
	(pc) =	sbr.rel @!p2 .LBB1_6-.Ltmp1, $4  }
0x1a: {  	s15 =	simm.s32 @!p1 $0x2  }
0x1b: {  	s13 =	smov.u32 s10;
	p0 =	por !p0, !p0;
	_ =	swait.ge @!p1 [sflag:s15], $0x2000  }
0x1c: {  	s12 =	smov.u32 s9;
	[sflag:s15] =	ssyncset.done @!p1 $0x0;
	s9 =	smov.u32 s14  }
0x1d: {  	s11 =	sadd.s32 $0x1, s11;
	[sflag:s15] =	ssyncadd.s32 @!p1 $0xFFFFE000;
	s10 =	smov.u32 s16  }
.LBB1_1:
0x1e: {  	p1 =	sge.u32 s11, s5  }
0x1f: {  	s14 =	sand.u32 @!p1 $0x1FFFFFF, s9  }
0x20: {  	s15 =	smulhi.u32 @!p1 $0x4924925, s14;
	_ =	sdelay $0x1  }
0x21: {  	s15 =	smul.u32 @!p1 $0x38, s15  }
0x22: {  	s16 =	sxor.u32 @!p1 $0xFFFFFFFF, s11;
	s17 =	smul.u32 @!p1 $0x380, s10  }
0x23: {  	s31 =	sadd.s32 $0xFFFFFFFF, s11;
	s16 =	sshll.u32 @!p1 s16, $0xD;
	s14 =	ssub.s32 @!p1 s14, s15  }
0x24: {  	s15 =	sand.u32 @!p1 $0x2000, s16;
	s16 =	sadd.s32 @!p1 s6, s17;
	s14 =	sshll.u32 @!p1 s14, $0x4  }
0x25: {  	s17 =	simm.s32 @!p1 $0x1C00;
	s14 =	sadd.s32 @!p1 s14, s16;
	s16 =	simm.s32 @!p1 $0x40  }
0x26: {  	[tilespmem:s15], [sflag:$0x1] =	stream.strided.gather @!p1 [hbm4b:s14+s16], $0x2000, s17, s16, $0x38;
	[tilespmem:$0x8080] =	vst v63  }
0x27: {  	p1 =	sge.u32 s31, s5  }
.Ltmp2:
0x28: {  	_ = 	snop;
	(pc) =	sbr.rel @p1 .LBB1_5-.Ltmp2, $1  }
0x29: {  	_ =	sdelay $0x3  }
0x2a: {  	s14 =	simm.s32 $0x1  }
0x2b: {  	_ =	swait.ge [sflag:s4], $0x2000;
	s14 =	simm.s32 @!p0 $0x0  }
0x2c: {  	[sflag:s4] =	ssyncset.done $0x0;
	s15 =	sshll.u32 s14, $0xD  }
0x2d: {  	[sflag:s4] =	ssyncadd.s32 $0xFFFFE000;
	s18 =	sor.u32 $0x20, s15  }
0x2e: {  	s14 =	smul.u32 $0x8100, s14;
	v3 =	vld [tilespmem:s18+$0x10]  }
0x2f: {  	s30 =	sand.u32 $0x1, s11;
	v2 =	vld [tilespmem:s18+$0xFFFFFFF0]  }
0x30: {  	s15 =	smul.u32 $0x8100, s30;
	s14 =	sshrl.u32 s14, $0x2;
	v0 =	vld [tilespmem:s18+$0x0]  }
0x31: {  	v1 =	vld [tilespmem:s18+$0xFFFFFFE0];
	s16 =	sor.u32 $0x4000, s14  }
0x32: {  	s31 =	sshrl.u32 s15, $0x2;
	s15 =	sadd.s32 $0x0, s16  }
0x33: {  	s17 =	simm.s32 $0x4;
	s18 =	sadd.s32 $0x40, s18;
	s14 =	sor.u32 $0x4000, s31;
	[tilespmem:s15+$0x1830 ss:$0x81] =	vst.msk $0xffff, v3  }
.LBB1_3:
0x34: {  	v3 =	vld [tilespmem:s18+$0x10];
	p1 =	sne.s32 s17, $0x1FC;
	[tilespmem:s15+$0x810 ss:$0x81] =	vst.msk $0xffff, v2;
	s19 =	smov.u32 s17;
	s17 =	sadd.s32 $0x4, s17  }
.Ltmp3:
0x35: {  	v2 =	vld [tilespmem:s18+$0xFFFFFFF0];
	[tilespmem:s15+$0x1020 ss:$0x81] =	vst.msk $0xffff, v0;
	(pc) =	sbr.rel @p1 .LBB1_3-.Ltmp3, $4  }
0x36: {  	v0 =	vld [tilespmem:s18+$0x0];
	[tilespmem:s15+$0x0 ss:$0x81] =	vst.msk $0xffff, v1  }
0x37: {  	s15 =	sshra.s32 s19, $0x2;
	v1 =	vld [tilespmem:s18+$0xFFFFFFE0]  }
0x38: {  	s15 =	sadd.s32 s15, s16  }
0x39: {  	s18 =	sadd.s32 $0x40, s18;
	[tilespmem:s15+$0x1830 ss:$0x81] =	vst.msk $0xffff, v3  }
.Ltmp4:
0x3a: {  	_ = 	snop;
	(pc) =	sbr.rel .LBB1_4-.Ltmp4, $1  }
0x3b: {  	_ =	sdelay $0x3  }
.LBB1_6:
0x3c: {  	_ =	sfence.sel $0x180000  }
0x3d: {  	s2 =	simm.s32 $0x1;
	[bflag:$0x0] =	sbarrier.arrive $0xFFFF  }
0x3e: {  	s31 =	simm.s32 $0x2;
	[sflag:s2] =	ssyncpa.u1 $0x1  }
0x3f: {  	[sflag:s31] =	ssyncpa.u1 $0x1  }
0x40: {  	p0 =	sne.s32 s0, $0x0;
	_ =	strace $0x9000004A  }
0x41: {  	s0 =	sadd.s32 @!p0 $0x100000, s1;
	[bflag:$0x2] =	sbarrier.arrive $0xFFFF  }
0x42: {  	[sflag:s0] =	ssyncadd.tile.s32 @!p0 $0x1;
	_ =	shalt  }
.Lfunc_end1:
_tile_overlayer_lowered:
.L_overlay_start_2:
0x43: {  	(tag) =	ssettag $0x2  }
0x44: {  	s0 =	rddreg [dreg:$0x0];
	s2 =	stileid.u32  }
0x45: {  	s1 =	rddreg [dreg:$0x1];
	p0 =	sne.s32 s2, $0x0  }
0x46: {  	s3 =	rddreg [dreg:$0x2];
	[bflag:$0x3] =	sbarrier.arrive $0xFFFF;
	s2 =	simm.s32 @!p0 $0x1C01  }
0x47: {  	[timem:s3], [sflag:s2] =	dma.local @!p0 [hbm:s0], s1  }
0x48: {  	s0 =	simm.s32 @!p0 $0x1  }
0x49: {  	_ =	swait.ge @!p0 [sflag:s0], s1  }
0x4a: {  	s1 =	ssub.s32 @!p0 $0x0, s1;
	[sflag:s0] =	ssyncset.done @!p0 $0x0  }
0x4b: {  	[sflag:s0] =	ssyncadd.s32 @!p0 s1  }
0x4c: {  	[bflag:$0x3] =	sbarrier.arrive $0xFFFF  }
0x4d: {  	_ =	shalt  }

</sc_bundles>
